<compile_context>
chip_gen: v7x
topology: tpu7x:2x2x1
jax: 0.10.2.dev20260603
libtpu: 0.0.44.dev20260713+nightly
codegen_flags: <defaults>
</compile_context>

<pallas_src>
import functools

import numpy as np

import jax
import jax.numpy as jnp
from jax import lax
from jax.experimental import pallas as pl
from jax.experimental.pallas import tpu as pltpu
from jax.experimental.pallas import tpu_sc as plsc

_C = 32
_K = 3
_PS = 4
_H = 32
_W = 32
_PN = _H // _PS
_NP = _PN * _PN
_PP = _PS * _PS
_PIX = _H * _W
_CU = _PP * _C
_BIG = 3.4e38

_NC = 2
_NS = 16
_NW = _NC * _NS
_GQ = 16
_NG = _NP // _GQ
_BB = 5


def _extraction_matrices():
    e = np.zeros((_PIX, _PP * _NP), dtype=np.float32)
    for psh in range(_PS):
        for psw in range(_PS):
            pp = psh * _PS + psw
            for hr in range(_PN):
                for wr in range(_PN):
                    q = hr * _PN + wr
                    pix = (_PS * hr + psh) * _W + _PS * wr + psw
                    e[pix, pp * _NP + q] = 1.0
    e2 = e.reshape(_PIX, _PP, _NP).transpose(1, 2, 0).copy()
    return e, e2


_E_NP, _E2_NP = _extraction_matrices()


def _leaky(v):
    return jnp.where(v >= 0, v, 0.1 * v)


def _extract(lf, e_ref):
    return lax.dot_general(lf, e_ref[...], (((1,), (0,)), ((), ())),
                           preferred_element_type=jnp.float32)


def _dist_kernel(lf_ref, e_ref, dt_ref):
    for bi in range(_BB):
        _dist_one(lf_ref, e_ref, dt_ref, bi)


def _dist_one(lf_ref, e_ref, dt_ref, bi):
    a = _extract(lf_ref[bi], e_ref)
    aa = a * a
    ones_r = jnp.ones((1, _C), dtype=jnp.float32)
    gp = [jnp.zeros((_NP, _NP), dtype=jnp.float32) for _ in range(4)]
    for pp in range(_PP):
        ap = a[:, pp * _NP:(pp + 1) * _NP]
        gp[pp % 4] = gp[pp % 4] + lax.dot_general(
            ap, ap, (((0,), (0,)), ((), ())),
            preferred_element_type=jnp.float32)
    g = (gp[0] + gp[1]) + (gp[2] + gp[3])
    s = lax.dot_general(ones_r, aa, (((1,), (0,)), ((), ())),
                        preferred_element_type=jnp.float32)
    nrow = jnp.zeros((1, _NP), dtype=jnp.float32)
    for pp in range(_PP):
        nrow = nrow + s[:, pp * _NP:(pp + 1) * _NP]
    ncol = jnp.transpose(nrow)
    d = ncol + nrow - 2.0 * g
    dtfull = jnp.concatenate(
        [d, jnp.broadcast_to(nrow, (8, _NP))], axis=0)
    for grp in range(_NG):
        dt_ref[bi, grp] = dtfull[:, grp * _GQ:(grp + 1) * _GQ]


def _sc_body(num_groups, dt_hbm, idx_hbm, dloc, ibuf, sem):
    wid = lax.axis_index("s") * _NC + lax.axis_index("c")
    zero_i = jnp.zeros((_GQ,), dtype=jnp.int32)
    big_f = jnp.full((_GQ,), _BIG, dtype=jnp.float32)
    for t in range((num_groups + _NW - 1) // _NW):
        gid = t * _NW + wid

        @pl.when(gid < num_groups)
        def _():
            b = gid // _NG
            grp = gid % _NG
            pltpu.sync_copy(dt_hbm.at[b, grp], dloc)

            def step(j, carry):
                m1, m2, m3, i1, i2, i3 = carry
                v = dloc[jnp.minimum(j, _NP)]
                jv = jnp.full((_GQ,), j, dtype=jnp.int32)
                c1 = v < m1
                c2 = v < m2
                c3 = v < m3
                m3n = jnp.where(c3, jnp.where(c2, m2, v), m3)
                i3n = jnp.where(c3, jnp.where(c2, i2, jv), i3)
                m2n = jnp.where(c2, jnp.where(c1, m1, v), m2)
                i2n = jnp.where(c2, jnp.where(c1, i1, jv), i2)
                m1n = jnp.where(c1, v, m1)
                i1n = jnp.where(c1, jv, i1)
                return m1n, m2n, m3n, i1n, i2n, i3n

            carry = lax.fori_loop(
                0, _NP, step,
                (big_f, big_f, big_f, zero_i, zero_i, zero_i))
            for _ in range(_K):
                carry = step(_NP, carry)
            _, _, _, i1, i2, i3 = carry
            ibuf[0] = i1
            ibuf[1] = i2
            ibuf[2] = i3
            pltpu.sync_copy(ibuf, idx_hbm.at[b, grp])


def _main_kernel(lf_ref, idx_ref, e_ref, w1_ref, w2_ref, o_ref):
    for bi in range(_BB):
        _main_one(lf_ref, idx_ref, e_ref, w1_ref, w2_ref, o_ref, bi)


def _main_one(lf_ref, idx_ref, e_ref, w1_ref, w2_ref, o_ref, bi):
    lf = lf_ref[bi]
    a = _extract(lf, e_ref)
    idx = idx_ref[bi]
    row_iota = lax.broadcasted_iota(jnp.int32, (_NP, _NP), 0)
    sel_t = []
    for k in range(_K):
        row = jnp.concatenate(
            [idx[g, k][None, :] for g in range(_NG)], axis=1)
        sel_t.append((row_iota == row).astype(jnp.float32))
    s_stack = jnp.concatenate(sel_t, axis=0)
    z_all = [lax.dot_general(a, w1_ref[k], (((0,), (1,)), ((), ())),
                             preferred_element_type=jnp.float32)
             for k in range(_K)]
    accs = []
    for pp in range(_PP):
        z_stack = jnp.concatenate(
            [z_all[k][pp * _NP:(pp + 1) * _NP] for k in range(_K)],
            axis=0)
        accs.append(lax.dot_general(s_stack, z_stack,
                                    (((0,), (0,)), ((), ())),
                                    preferred_element_type=jnp.float32))
    y_stack = _leaky(jnp.concatenate(accs, axis=0))
    yimg = lax.dot_general(y_stack, e_ref[...], (((0,), (1,)), ((), ())),
                           preferred_element_type=jnp.float32)
    z2 = jnp.concatenate([lf, yimg], axis=0)
    hi = lax.broadcasted_iota(jnp.int32, (2 * _C, _PIX), 1) // _W
    wi = lax.broadcasted_iota(jnp.int32, (2 * _C, _PIX), 1) % _W
    parts = [jnp.zeros((_C, _PIX), dtype=jnp.float32) for _ in range(3)]
    for dy in range(3):
        for dx in range(3):
            t = dy * 3 + dx
            sft = _W * (dy - 1) + (dx - 1)
            mask = None
            if dy == 0:
                mask = hi >= 1
            elif dy == 2:
                mask = hi < (_H - 1)
            if dx == 0:
                mw = wi >= 1
                mask = mw if mask is None else (mask & mw)
            elif dx == 2:
                mw = wi < (_W - 1)
                mask = mw if mask is None else (mask & mw)
            zs = z2 if sft == 0 else pltpu.roll(z2, (-sft) % _PIX, 1)
            if mask is not None:
                zs = jnp.where(mask, zs, 0.0)
            parts[t % 3] = parts[t % 3] + lax.dot_general(
                w2_ref[t], zs, (((1,), (0,)), ((), ())),
                preferred_element_type=jnp.float32)
    o_ref[bi] = _leaky(parts[0] + parts[1] + parts[2])


@jax.jit
def kernel(lf_fea, w_agg1, w_agg2):
    B = lf_fea.shape[0]
    lf2d = lf_fea.reshape(B, _C, _PIX)
    e = jnp.asarray(_E_NP)
    w1 = w_agg1.reshape(_C, _K, _C).transpose(1, 0, 2)
    w2 = w_agg2.transpose(2, 3, 0, 1).reshape(9, _C, 2 * _C)

    dt = pl.pallas_call(
        _dist_kernel,
        grid=(B // _BB,),
        in_specs=[
            pl.BlockSpec((_BB, _C, _PIX), lambda b: (b, 0, 0)),
            pl.BlockSpec((_PIX, _PIX), lambda b: (0, 0)),
        ],
        out_specs=pl.BlockSpec((_BB, _NG, _NP + 8, _GQ),
                               lambda b: (b, 0, 0, 0)),
        out_shape=jax.ShapeDtypeStruct((B, _NG, _NP + 8, _GQ),
                                       jnp.float32),
    )(lf2d, e)

    num_groups = B * _NG
    mesh = plsc.VectorSubcoreMesh(core_axis_name="c", subcore_axis_name="s")
    idx = pl.kernel(
        functools.partial(_sc_body, num_groups),
        out_type=jax.ShapeDtypeStruct((B, _NG, _K, _GQ), jnp.int32),
        mesh=mesh,
        scratch_types=[
            pltpu.VMEM((_NP + 8, _GQ), jnp.float32),
            pltpu.VMEM((_K, _GQ), jnp.int32),
            pltpu.SemaphoreType.DMA,
        ],
    )(dt)

    out = pl.pallas_call(
        _main_kernel,
        grid=(B // _BB,),
        in_specs=[
            pl.BlockSpec((_BB, _C, _PIX), lambda b: (b, 0, 0)),
            pl.BlockSpec((_BB, _NG, _K, _GQ), lambda b: (b, 0, 0, 0)),
            pl.BlockSpec((_PIX, _PIX), lambda b: (0, 0)),
            pl.BlockSpec((_K, _C, _C), lambda b: (0, 0, 0)),
            pl.BlockSpec((9, _C, 2 * _C), lambda b: (0, 0, 0)),
        ],
        out_specs=pl.BlockSpec((_BB, _C, _PIX), lambda b: (b, 0, 0)),
        out_shape=jax.ShapeDtypeStruct((B, _C, _PIX), jnp.float32),
    )(lf2d, idx, e, w1, w2)
    return out.reshape(B, _C, _H, _W)

# --- scband reference (transcript-rebuilt; emitter-appended) ---
"""Pipeline reference for scband-selective-matching-interview-20280835572216 (READ-ONLY COPY).

The authoritative reference and input builder live on the scoring server;
editing this copy changes nothing except your own understanding.
"""

import jax, jax.numpy as jnp
import numpy as np

AN2 = 25
C = 32
K_NBR = 3
PS = 4
RADIUS = 7
H = 32
W = 32


def _unfold(x, k, pad):
    N, Cc, Hh, Ww = x.shape
    xp = jnp.pad(x, ((0, 0), (0, 0), (pad, pad), (pad, pad)))
    rows = jnp.arange(k)[:, None] + jnp.arange(Hh)[None, :]
    cols = jnp.arange(k)[:, None] + jnp.arange(Ww)[None, :]
    p = xp[:, :, rows[:, :, None, None], cols[None, None, :, :]]
    p = p.transpose(0, 1, 2, 4, 3, 5).reshape(N, Cc * k * k, Hh * Ww)
    return p


def _leaky(x):
    return jnp.where(x >= 0, x, 0.1 * x)


def setup_inputs(seed: int = 0):
    key = jax.random.key(seed)
    k1, k2, k3 = jax.random.split(key, 3)
    lf_fea = jax.random.normal(k1, (AN2, C, H, W), dtype=jnp.float32)
    w_agg1 = jax.random.normal(k2, (C, C * K_NBR, 1, 1), dtype=jnp.float32) * 0.1
    w_agg2 = jax.random.normal(k3, (C, C * 2, 3, 3), dtype=jnp.float32) * 0.05
    return {"lf_fea": lf_fea, "w_agg1": w_agg1, "w_agg2": w_agg2}


def _forward(lf_fea, w_agg1, w_agg2):
    B, Cc, Hh, Ww = lf_fea.shape
    ps = PS
    rad = RADIUS
    kk = 2 * rad + 1
    pnh, pnw = Hh // ps, Ww // ps
    cu = Cc * ps * ps
    hrwr = pnh * pnw
    # rearrange '(N an2) c (pnh psh) (pnw psw) -> (N an2) (c psh psw) pnh pnw'
    x = lf_fea.reshape(B, Cc, pnh, ps, pnw, ps).transpose(0, 1, 3, 5, 2, 4).reshape(B, cu, pnh, pnw)
    # F.unfold(kernel=15, padding=7, stride=1)
    cand = _unfold(x, kk, rad)
    # 'N (cu k1 k2) hrwr -> (N hrwr) cu (k1 k2)'
    cand = cand.reshape(B, cu, kk * kk, hrwr).transpose(0, 3, 1, 2).reshape(B * hrwr, cu, kk * kk)
    # 'N CU N1 N2 -> (N N1 N2) CU 1' then permute(0,2,1)
    q = x.reshape(B, cu, hrwr).transpose(0, 2, 1).reshape(B * hrwr, 1, cu)
    dist = -2.0 * jnp.matmul(q, cand)
    dist = dist + (q ** 2).sum(axis=-1, keepdims=True)
    dist = dist + (cand ** 2).sum(axis=-2, keepdims=True)
    # topk smallest, sorted ascending
    _, idx = jax.lax.top_k(-dist, K_NBR)
    idx = jnp.broadcast_to(idx[:, None, :, :], (B * hrwr, cu, 1, K_NBR)).reshape(B * hrwr, cu, K_NBR)
    sel = jnp.take_along_axis(cand, idx, axis=2)
    # '(N hr wr) (cu psh psw) K -> N (K cu) (hr psh) (wr psw)'
    sel = sel.reshape(B, pnh, pnw, Cc, ps, ps, K_NBR).transpose(0, 6, 3, 1, 4, 2, 5).reshape(B, K_NBR * Cc, Hh, Ww)
    dn = ('NCHW', 'OIHW', 'NCHW')
    y = _leaky(jax.lax.conv_general_dilated(sel, w_agg1, (1, 1), 'VALID', dimension_numbers=dn))
    z = jnp.concatenate([lf_fea, y], axis=1)
    out = _leaky(jax.lax.conv_general_dilated(z, w_agg2, (1, 1), ((1, 1), (1, 1)), dimension_numbers=dn))
    return out


def reference(lf_fea, w_agg1, w_agg2):
    return _forward(lf_fea, w_agg1, w_agg2)

if __name__ == "__main__":
    import jax
    _d = setup_inputs()
    print(jax.jit(kernel)(*tuple(_d.values())))

</pallas_src>

<mosaic_0001>
#map = affine_map<(d0, d1) -> (0, 0, 0, 0)>
module attributes {stable_mosaic.version = 14 : i64} {
  func.func @_sc_body(%arg0: i32, %arg1: i32, %arg2: memref<25x4x72x16xf32, #tpu.memory_space<hbm>>, %arg3: memref<25x4x3x16xi32, #tpu.memory_space<hbm>>, %arg4: memref<72x16xf32, #tpu.memory_space<vmem>>, %arg5: memref<3x16xi32, #tpu.memory_space<vmem>>, %arg6: memref<!tpu.dma_semaphore, #tpu.memory_space<semaphore_mem>>) attributes {dimension_semantics = [#tpu.dimension_semantics<core_parallel>, #tpu.dimension_semantics<subcore_parallel>], iteration_bounds = array<i64: 2, 16>, scalar_prefetch = 0 : i64, scratch_operands = 3 : i64, tpu.core_type = #tpu.core_type<sc_vector_subcore>, window_params = [{transform_indices = #map}, {transform_indices = #map}]} {
    %mul3A = arith.constant 2 : i32
    %mul3A_0 = arith.muli %arg1, %mul3A : i32
    %add3A = arith.addi %mul3A_0, %arg0 : i32
    %broadcast_in_dim3A = arith.constant 0 : i32
    %broadcast_in_dim3A_1 = vector.broadcast %broadcast_in_dim3A : i32 to vector<16xi32>
    %broadcast_in_dim3A_2 = arith.constant 3.400000e+38 : f32
    %broadcast_in_dim3A_3 = vector.broadcast %broadcast_in_dim3A_2 : f32 to vector<16xf32>
    %add3A_4 = arith.constant 0 : i32
    %add3A_5 = arith.addi %add3A_4, %add3A : i32
    %lt3A = arith.constant 100 : i32
    %lt3A_6 = arith.cmpi slt, %add3A_5, %lt3A : i32
    %convert_element_type3A = arith.extui %lt3A_6 : i1 to i32
    %cond3A = arith.constant 0 : i32
    %cond3A_7 = arith.cmpi ne, %convert_element_type3A, %cond3A : i32
    scf.if %cond3A_7 {
      %jit3A = arith.constant 4 : i32
      %div3A = arith.divsi %add3A_5, %jit3A : i32
      %sign3A = arith.constant 0 : i32
      %sign3A_29 = arith.cmpi sgt, %add3A_5, %sign3A : i32
      %sign3A_30 = arith.extui %sign3A_29 : i1 to i32
      %sign3A_31 = arith.constant 0 : i32
      %sign3A_32 = arith.cmpi slt, %add3A_5, %sign3A_31 : i32
      %sign3A_33 = arith.extui %sign3A_32 : i1 to i32
      %sign3A_34 = arith.subi %sign3A_30, %sign3A_33 : i32
      %sign3A_35 = arith.constant 0 : i32
      %sign3A_36 = arith.cmpi sgt, %jit3A, %sign3A_35 : i32
      %sign3A_37 = arith.extui %sign3A_36 : i1 to i32
      %sign3A_38 = arith.constant 0 : i32
      %sign3A_39 = arith.cmpi slt, %jit3A, %sign3A_38 : i32
      %sign3A_40 = arith.extui %sign3A_39 : i1 to i32
      %sign3A_41 = arith.subi %sign3A_37, %sign3A_40 : i32
      %ne3A = arith.cmpi ne, %sign3A_34, %sign3A_41 : i32
      %rem3A = arith.remsi %add3A_5, %jit3A : i32
      %ne3A_42 = arith.constant 0 : i32
      %ne3A_43 = arith.cmpi ne, %rem3A, %ne3A_42 : i32
      %and3A = arith.andi %ne3A, %ne3A_43 : i1
      %sub3A = arith.constant 1 : i32
      %sub3A_44 = arith.subi %div3A, %sub3A : i32
      %select_n3A = arith.select %and3A, %sub3A_44, %div3A : i32
      %jit3A_45 = arith.constant 4 : i32
      %eq3A = arith.constant 0 : i32
      %eq3A_46 = arith.cmpi eq, %jit3A_45, %eq3A : i32
      %jit3A_47 = arith.constant 1 : i32
      %select_n3A_48 = arith.select %eq3A_46, %jit3A_47, %jit3A_45 : i32
      %rem3A_49 = arith.remsi %add3A_5, %select_n3A_48 : i32
      %ne3A_50 = arith.constant 0 : i32
      %ne3A_51 = arith.cmpi ne, %rem3A_49, %ne3A_50 : i32
      %lt3A_52 = arith.constant 0 : i32
      %lt3A_53 = arith.cmpi slt, %rem3A_49, %lt3A_52 : i32
      %lt3A_54 = arith.constant 0 : i32
      %lt3A_55 = arith.cmpi slt, %select_n3A_48, %lt3A_54 : i32
      %ne3A_56 = arith.xori %lt3A_53, %lt3A_55 : i1
      %and3A_57 = arith.andi %ne3A_56, %ne3A_51 : i1
      %add3A_58 = arith.addi %rem3A_49, %select_n3A_48 : i32
      %select_n3A_59 = arith.select %and3A_57, %add3A_58, %rem3A_49 : i32
      "tpu.region"() ({
        %run_scoped3A = tpu.sem_alloc : memref<!tpu.dma_semaphore, #tpu.memory_space<semaphore_mem>>
        %dma_start3A = arith.constant 0 : i32
        %dma_start3A_146 = arith.constant 0 : i32
        %dma_start3A_147 = tpu.memref_slice %arg2[%select_n3A, %select_n3A_59, %dma_start3A, %dma_start3A_146] : memref<25x4x72x16xf32, #tpu.memory_space<hbm>> -> memref<1x1x72x16xf32, #tpu.memory_space<hbm>>
        %dma_start3A_148 = tpu.memref_squeeze %dma_start3A_147 : memref<1x1x72x16xf32, #tpu.memory_space<hbm>> -> memref<72x16xf32, #tpu.memory_space<hbm>>
        %dma_start3A_149 = arith.constant 0 : i32
        %dma_start3A_150 = arith.constant 0 : i32
        %dma_start3A_151 = tpu.memref_slice %arg2[%select_n3A, %select_n3A_59, %dma_start3A_149, %dma_start3A_150] : memref<25x4x72x16xf32, #tpu.memory_space<hbm>> -> memref<1x1x72x16xf32, #tpu.memory_space<hbm>>
        %dma_start3A_152 = tpu.memref_squeeze %dma_start3A_151 : memref<1x1x72x16xf32, #tpu.memory_space<hbm>> -> memref<72x16xf32, #tpu.memory_space<hbm>>
        tpu.enqueue_dma source(%dma_start3A_152 : memref<72x16xf32, #tpu.memory_space<hbm>>) target(%arg4 : memref<72x16xf32, #tpu.memory_space<vmem>>) target_semaphore(%run_scoped3A : memref<!tpu.dma_semaphore, #tpu.memory_space<semaphore_mem>>)
        %dma_wait3A = arith.constant 0 : i32
        %dma_wait3A_153 = arith.constant 0 : i32
        %dma_wait3A_154 = tpu.memref_slice %arg2[%select_n3A, %select_n3A_59, %dma_wait3A, %dma_wait3A_153] : memref<25x4x72x16xf32, #tpu.memory_space<hbm>> -> memref<1x1x72x16xf32, #tpu.memory_space<hbm>>
        %dma_wait3A_155 = tpu.memref_squeeze %dma_wait3A_154 : memref<1x1x72x16xf32, #tpu.memory_space<hbm>> -> memref<72x16xf32, #tpu.memory_space<hbm>>
        %dma_wait3A_156 = arith.constant 0 : i32
        %dma_wait3A_157 = arith.constant 0 : i32
        %dma_wait3A_158 = tpu.memref_slice %arg2[%select_n3A, %select_n3A_59, %dma_wait3A_156, %dma_wait3A_157] : memref<25x4x72x16xf32, #tpu.memory_space<hbm>> -> memref<1x1x72x16xf32, #tpu.memory_space<hbm>>
        %dma_wait3A_159 = tpu.memref_squeeze %dma_wait3A_158 : memref<1x1x72x16xf32, #tpu.memory_space<hbm>> -> memref<72x16xf32, #tpu.memory_space<hbm>>
        tpu.wait_dma2 semaphore(%run_scoped3A : memref<!tpu.dma_semaphore, #tpu.memory_space<semaphore_mem>>) src(%dma_wait3A_159 : memref<72x16xf32, #tpu.memory_space<hbm>>) dst(%arg4 : memref<72x16xf32, #tpu.memory_space<vmem>>)
        tpu.yield
      }) : () -> ()
      %scan3A = arith.constant 0 : i32
      %scan3A_60 = arith.constant 64 : i32
      %scan3A_61 = arith.addi %scan3A, %scan3A_60 : i32
      %scan3A_62 = arith.constant 1 : i32
      %scan3A_63:6 = scf.for %scan3A_146 = %scan3A to %scan3A_61 step %scan3A_62 iter_args(%scan3A_147 = %broadcast_in_dim3A_3, %scan3A_148 = %broadcast_in_dim3A_3, %scan3A_149 = %broadcast_in_dim3A_3, %scan3A_150 = %broadcast_in_dim3A_1, %scan3A_151 = %broadcast_in_dim3A_1, %scan3A_152 = %broadcast_in_dim3A_1) -> (vector<16xf32>, vector<16xf32>, vector<16xf32>, vector<16xi32>, vector<16xi32>, vector<16xi32>)  : i32 {
        %min3A_153 = arith.constant 64 : i32
        %min3A_154 = arith.minsi %scan3A_146, %min3A_153 : i32
        %get3A_155 = arith.index_cast %min3A_154 : i32 to index
        %get3A_156 = arith.constant 0 : index
        %get3A_157 = tpu.vector_load %arg4[%get3A_155, %get3A_156] {strides = array<i32>} : memref<72x16xf32, #tpu.memory_space<vmem>>, vector<1x16xf32>,
        %get3A_158 = vector.shape_cast %get3A_157 : vector<1x16xf32> to vector<16xf32>
        %broadcast_in_dim3A_159 = vector.broadcast %scan3A_146 : i32 to vector<16xi32>
        %lt3A_160 = arith.cmpf olt, %get3A_158, %scan3A_147 : vector<16xf32>
        %lt3A_161 = arith.cmpf olt, %get3A_158, %scan3A_148 : vector<16xf32>
        %lt3A_162 = arith.cmpf olt, %get3A_158, %scan3A_149 : vector<16xf32>
        %select_n3A_163 = arith.select %lt3A_161, %scan3A_148, %get3A_158 : vector<16xi1>, vector<16xf32>
        %select_n3A_164 = arith.select %lt3A_162, %select_n3A_163, %scan3A_149 : vector<16xi1>, vector<16xf32>
        %select_n3A_165 = arith.select %lt3A_161, %scan3A_151, %broadcast_in_dim3A_159 : vector<16xi1>, vector<16xi32>
        %select_n3A_166 = arith.select %lt3A_162, %select_n3A_165, %scan3A_152 : vector<16xi1>, vector<16xi32>
        %select_n3A_167 = arith.select %lt3A_160, %scan3A_147, %get3A_158 : vector<16xi1>, vector<16xf32>
        %select_n3A_168 = arith.select %lt3A_161, %select_n3A_167, %scan3A_148 : vector<16xi1>, vector<16xf32>
        %select_n3A_169 = arith.select %lt3A_160, %scan3A_150, %broadcast_in_dim3A_159 : vector<16xi1>, vector<16xi32>
        %select_n3A_170 = arith.select %lt3A_161, %select_n3A_169, %scan3A_151 : vector<16xi1>, vector<16xi32>
        %select_n3A_171 = arith.select %lt3A_160, %get3A_158, %scan3A_147 : vector<16xi1>, vector<16xf32>
        %select_n3A_172 = arith.select %lt3A_160, %broadcast_in_dim3A_159, %scan3A_150 : vector<16xi1>, vector<16xi32>
        scf.yield %select_n3A_171, %select_n3A_168, %select_n3A_164, %select_n3A_172, %select_n3A_170, %select_n3A_166 : vector<16xf32>, vector<16xf32>, vector<16xf32>, vector<16xi32>, vector<16xi32>, vector<16xi32>
      }
      %scan3A_64 = arith.constant 64 : i32
      %min3A = arith.constant 64 : i32
      %min3A_65 = arith.constant 64 : i32
      %min3A_66 = arith.minsi %min3A, %min3A_65 : i32
      %get3A = arith.index_cast %min3A_66 : i32 to index
      %get3A_67 = arith.constant 0 : index
      %get3A_68 = tpu.vector_load %arg4[%get3A, %get3A_67] {strides = array<i32>} : memref<72x16xf32, #tpu.memory_space<vmem>>, vector<1x16xf32>,
      %get3A_69 = vector.shape_cast %get3A_68 : vector<1x16xf32> to vector<16xf32>
      %broadcast_in_dim3A_70 = arith.constant 64 : i32
      %broadcast_in_dim3A_71 = vector.broadcast %broadcast_in_dim3A_70 : i32 to vector<16xi32>
      %lt3A_72 = arith.cmpf olt, %get3A_69, %scan3A_63#0 : vector<16xf32>
      %lt3A_73 = arith.cmpf olt, %get3A_69, %scan3A_63#1 : vector<16xf32>
      %lt3A_74 = arith.cmpf olt, %get3A_69, %scan3A_63#2 : vector<16xf32>
      %select_n3A_75 = arith.select %lt3A_73, %scan3A_63#1, %get3A_69 : vector<16xi1>, vector<16xf32>
      %select_n3A_76 = arith.select %lt3A_74, %select_n3A_75, %scan3A_63#2 : vector<16xi1>, vector<16xf32>
      %select_n3A_77 = arith.select %lt3A_73, %scan3A_63#4, %broadcast_in_dim3A_71 : vector<16xi1>, vector<16xi32>
      %select_n3A_78 = arith.select %lt3A_74, %select_n3A_77, %scan3A_63#5 : vector<16xi1>, vector<16xi32>
      %select_n3A_79 = arith.select %lt3A_72, %scan3A_63#0, %get3A_69 : vector<16xi1>, vector<16xf32>
      %select_n3A_80 = arith.select %lt3A_73, %select_n3A_79, %scan3A_63#1 : vector<16xi1>, vector<16xf32>
      %select_n3A_81 = arith.select %lt3A_72, %scan3A_63#3, %broadcast_in_dim3A_71 : vector<16xi1>, vector<16xi32>
      %select_n3A_82 = arith.select %lt3A_73, %select_n3A_81, %scan3A_63#4 : vector<16xi1>, vector<16xi32>
      %select_n3A_83 = arith.select %lt3A_72, %get3A_69, %scan3A_63#0 : vector<16xi1>, vector<16xf32>
      %select_n3A_84 = arith.select %lt3A_72, %broadcast_in_dim3A_71, %scan3A_63#3 : vector<16xi1>, vector<16xi32>
      %min3A_85 = arith.constant 64 : i32
      %min3A_86 = arith.constant 64 : i32
      %min3A_87 = arith.minsi %min3A_85, %min3A_86 : i32
      %get3A_88 = arith.index_cast %min3A_87 : i32 to index
      %get3A_89 = arith.constant 0 : index
      %get3A_90 = tpu.vector_load %arg4[%get3A_88, %get3A_89] {strides = array<i32>} : memref<72x16xf32, #tpu.memory_space<vmem>>, vector<1x16xf32>,
      %get3A_91 = vector.shape_cast %get3A_90 : vector<1x16xf32> to vector<16xf32>
      %broadcast_in_dim3A_92 = arith.constant 64 : i32
      %broadcast_in_dim3A_93 = vector.broadcast %broadcast_in_dim3A_92 : i32 to vector<16xi32>
      %lt3A_94 = arith.cmpf olt, %get3A_91, %select_n3A_83 : vector<16xf32>
      %lt3A_95 = arith.cmpf olt, %get3A_91, %select_n3A_80 : vector<16xf32>
      %lt3A_96 = arith.cmpf olt, %get3A_91, %select_n3A_76 : vector<16xf32>
      %select_n3A_97 = arith.select %lt3A_95, %select_n3A_80, %get3A_91 : vector<16xi1>, vector<16xf32>
      %select_n3A_98 = arith.select %lt3A_96, %select_n3A_97, %select_n3A_76 : vector<16xi1>, vector<16xf32>
      %select_n3A_99 = arith.select %lt3A_95, %select_n3A_82, %broadcast_in_dim3A_93 : vector<16xi1>, vector<16xi32>
      %select_n3A_100 = arith.select %lt3A_96, %select_n3A_99, %select_n3A_78 : vector<16xi1>, vector<16xi32>
      %select_n3A_101 = arith.select %lt3A_94, %select_n3A_83, %get3A_91 : vector<16xi1>, vector<16xf32>
      %select_n3A_102 = arith.select %lt3A_95, %select_n3A_101, %select_n3A_80 : vector<16xi1>, vector<16xf32>
      %select_n3A_103 = arith.select %lt3A_94, %select_n3A_84, %broadcast_in_dim3A_93 : vector<16xi1>, vector<16xi32>
      %select_n3A_104 = arith.select %lt3A_95, %select_n3A_103, %select_n3A_82 : vector<16xi1>, vector<16xi32>
      %select_n3A_105 = arith.select %lt3A_94, %get3A_91, %select_n3A_83 : vector<16xi1>, vector<16xf32>
      %select_n3A_106 = arith.select %lt3A_94, %broadcast_in_dim3A_93, %select_n3A_84 : vector<16xi1>, vector<16xi32>
      %min3A_107 = arith.constant 64 : i32
      %min3A_108 = arith.constant 64 : i32
      %min3A_109 = arith.minsi %min3A_107, %min3A_108 : i32
      %get3A_110 = arith.index_cast %min3A_109 : i32 to index
      %get3A_111 = arith.constant 0 : index
      %get3A_112 = tpu.vector_load %arg4[%get3A_110, %get3A_111] {strides = array<i32>} : memref<72x16xf32, #tpu.memory_space<vmem>>, vector<1x16xf32>,
      %get3A_113 = vector.shape_cast %get3A_112 : vector<1x16xf32> to vector<16xf32>
      %broadcast_in_dim3A_114 = arith.constant 64 : i32
      %broadcast_in_dim3A_115 = vector.broadcast %broadcast_in_dim3A_114 : i32 to vector<16xi32>
      %lt3A_116 = arith.cmpf olt, %get3A_113, %select_n3A_105 : vector<16xf32>
      %lt3A_117 = arith.cmpf olt, %get3A_113, %select_n3A_102 : vector<16xf32>
      %lt3A_118 = arith.cmpf olt, %get3A_113, %select_n3A_98 : vector<16xf32>
      %select_n3A_119 = arith.select %lt3A_117, %select_n3A_102, %get3A_113 : vector<16xi1>, vector<16xf32>
      %select_n3A_120 = arith.select %lt3A_118, %select_n3A_119, %select_n3A_98 : vector<16xi1>, vector<16xf32>
      %select_n3A_121 = arith.select %lt3A_117, %select_n3A_104, %broadcast_in_dim3A_115 : vector<16xi1>, vector<16xi32>
      %select_n3A_122 = arith.select %lt3A_118, %select_n3A_121, %select_n3A_100 : vector<16xi1>, vector<16xi32>
      %select_n3A_123 = arith.select %lt3A_116, %select_n3A_105, %get3A_113 : vector<16xi1>, vector<16xf32>
      %select_n3A_124 = arith.select %lt3A_117, %select_n3A_123, %select_n3A_102 : vector<16xi1>, vector<16xf32>
      %select_n3A_125 = arith.select %lt3A_116, %select_n3A_106, %broadcast_in_dim3A_115 : vector<16xi1>, vector<16xi32>
      %select_n3A_126 = arith.select %lt3A_117, %select_n3A_125, %select_n3A_104 : vector<16xi1>, vector<16xi32>
      %select_n3A_127 = arith.select %lt3A_116, %get3A_113, %select_n3A_105 : vector<16xi1>, vector<16xf32>
      %select_n3A_128 = arith.select %lt3A_116, %broadcast_in_dim3A_115, %select_n3A_106 : vector<16xi1>, vector<16xi32>
      %swap3A = arith.constant 0 : i32
      %swap3A_129 = arith.index_cast %swap3A : i32 to index
      %swap3A_130 = arith.constant 0 : index
      %swap3A_131 = tpu.vector_load %arg5[%swap3A_129, %swap3A_130] {strides = array<i32>} : memref<3x16xi32, #tpu.memory_space<vmem>>, vector<1x16xi32>,
      %swap3A_132 = vector.shape_cast %swap3A_131 : vector<1x16xi32> to vector<16xi32>
      %swap3A_133 = vector.shape_cast %select_n3A_128 : vector<16xi32> to vector<1x16xi32>
      tpu.vector_store %arg5[%swap3A_129, %swap3A_130], %swap3A_133 {strides = array<i32>} : memref<3x16xi32, #tpu.memory_space<vmem>>, vector<1x16xi32>,
      %swap3A_134 = arith.constant 1 : i32
      %swap3A_135 = arith.index_cast %swap3A_134 : i32 to index
      %swap3A_136 = arith.constant 0 : index
      %swap3A_137 = tpu.vector_load %arg5[%swap3A_135, %swap3A_136] {strides = array<i32>} : memref<3x16xi32, #tpu.memory_space<vmem>>, vector<1x16xi32>,
      %swap3A_138 = vector.shape_cast %swap3A_137 : vector<1x16xi32> to vector<16xi32>
      %swap3A_139 = vector.shape_cast %select_n3A_126 : vector<16xi32> to vector<1x16xi32>
      tpu.vector_store %arg5[%swap3A_135, %swap3A_136], %swap3A_139 {strides = array<i32>} : memref<3x16xi32, #tpu.memory_space<vmem>>, vector<1x16xi32>,
      %swap3A_140 = arith.constant 2 : i32
      %swap3A_141 = arith.index_cast %swap3A_140 : i32 to index
      %swap3A_142 = arith.constant 0 : index
      %swap3A_143 = tpu.vector_load %arg5[%swap3A_141, %swap3A_142] {strides = array<i32>} : memref<3x16xi32, #tpu.memory_space<vmem>>, vector<1x16xi32>,
      %swap3A_144 = vector.shape_cast %swap3A_143 : vector<1x16xi32> to vector<16xi32>
      %swap3A_145 = vector.shape_cast %select_n3A_122 : vector<16xi32> to vector<1x16xi32>
      tpu.vector_store %arg5[%swap3A_141, %swap3A_142], %swap3A_145 {strides = array<i32>} : memref<3x16xi32, #tpu.memory_space<vmem>>, vector<1x16xi32>,
      "tpu.region"() ({
        %run_scoped3A = tpu.sem_alloc : memref<!tpu.dma_semaphore, #tpu.memory_space<semaphore_mem>>
        %dma_start3A = arith.constant 0 : i32
        %dma_start3A_146 = arith.constant 0 : i32
        %dma_start3A_147 = tpu.memref_slice %arg3[%select_n3A, %select_n3A_59, %dma_start3A, %dma_start3A_146] : memref<25x4x3x16xi32, #tpu.memory_space<hbm>> -> memref<1x1x3x16xi32, #tpu.memory_space<hbm>>
        %dma_start3A_148 = tpu.memref_squeeze %dma_start3A_147 : memref<1x1x3x16xi32, #tpu.memory_space<hbm>> -> memref<3x16xi32, #tpu.memory_space<hbm>>
        %dma_start3A_149 = arith.constant 0 : i32
        %dma_start3A_150 = arith.constant 0 : i32
        %dma_start3A_151 = tpu.memref_slice %arg3[%select_n3A, %select_n3A_59, %dma_start3A_149, %dma_start3A_150] : memref<25x4x3x16xi32, #tpu.memory_space<hbm>> -> memref<1x1x3x16xi32, #tpu.memory_space<hbm>>
        %dma_start3A_152 = tpu.memref_squeeze %dma_start3A_151 : memref<1x1x3x16xi32, #tpu.memory_space<hbm>> -> memref<3x16xi32, #tpu.memory_space<hbm>>
        tpu.enqueue_dma source(%arg5 : memref<3x16xi32, #tpu.memory_space<vmem>>) target(%dma_start3A_152 : memref<3x16xi32, #tpu.memory_space<hbm>>) target_semaphore(%run_scoped3A : memref<!tpu.dma_semaphore, #tpu.memory_space<semaphore_mem>>)
        %dma_wait3A = arith.constant 0 : i32
        %dma_wait3A_153 = arith.constant 0 : i32
        %dma_wait3A_154 = tpu.memref_slice %arg3[%select_n3A, %select_n3A_59, %dma_wait3A, %dma_wait3A_153] : memref<25x4x3x16xi32, #tpu.memory_space<hbm>> -> memref<1x1x3x16xi32, #tpu.memory_space<hbm>>
        %dma_wait3A_155 = tpu.memref_squeeze %dma_wait3A_154 : memref<1x1x3x16xi32, #tpu.memory_space<hbm>> -> memref<3x16xi32, #tpu.memory_space<hbm>>
        %dma_wait3A_156 = arith.constant 0 : i32
        %dma_wait3A_157 = arith.constant 0 : i32
        %dma_wait3A_158 = tpu.memref_slice %arg3[%select_n3A, %select_n3A_59, %dma_wait3A_156, %dma_wait3A_157] : memref<25x4x3x16xi32, #tpu.memory_space<hbm>> -> memref<1x1x3x16xi32, #tpu.memory_space<hbm>>
        %dma_wait3A_159 = tpu.memref_squeeze %dma_wait3A_158 : memref<1x1x3x16xi32, #tpu.memory_space<hbm>> -> memref<3x16xi32, #tpu.memory_space<hbm>>
        tpu.wait_dma2 semaphore(%run_scoped3A : memref<!tpu.dma_semaphore, #tpu.memory_space<semaphore_mem>>) src(%arg5 : memref<3x16xi32, #tpu.memory_space<vmem>>) dst(%dma_wait3A_159 : memref<3x16xi32, #tpu.memory_space<hbm>>)
        tpu.yield
      }) : () -> ()
    } else {
    }
    %add3A_8 = arith.constant 32 : i32
    %add3A_9 = arith.addi %add3A_8, %add3A : i32
    %lt3A_10 = arith.constant 100 : i32
    %lt3A_11 = arith.cmpi slt, %add3A_9, %lt3A_10 : i32
    %convert_element_type3A_12 = arith.extui %lt3A_11 : i1 to i32
    %cond3A_13 = arith.constant 0 : i32
    %cond3A_14 = arith.cmpi ne, %convert_element_type3A_12, %cond3A_13 : i32
    scf.if %cond3A_14 {
      %jit3A = arith.constant 4 : i32
      %div3A = arith.divsi %add3A_9, %jit3A : i32
      %sign3A = arith.constant 0 : i32
      %sign3A_29 = arith.cmpi sgt, %add3A_9, %sign3A : i32
      %sign3A_30 = arith.extui %sign3A_29 : i1 to i32
      %sign3A_31 = arith.constant 0 : i32
      %sign3A_32 = arith.cmpi slt, %add3A_9, %sign3A_31 : i32
      %sign3A_33 = arith.extui %sign3A_32 : i1 to i32
      %sign3A_34 = arith.subi %sign3A_30, %sign3A_33 : i32
      %sign3A_35 = arith.constant 0 : i32
      %sign3A_36 = arith.cmpi sgt, %jit3A, %sign3A_35 : i32
      %sign3A_37 = arith.extui %sign3A_36 : i1 to i32
      %sign3A_38 = arith.constant 0 : i32
      %sign3A_39 = arith.cmpi slt, %jit3A, %sign3A_38 : i32
      %sign3A_40 = arith.extui %sign3A_39 : i1 to i32
      %sign3A_41 = arith.subi %sign3A_37, %sign3A_40 : i32
      %ne3A = arith.cmpi ne, %sign3A_34, %sign3A_41 : i32
      %rem3A = arith.remsi %add3A_9, %jit3A : i32
      %ne3A_42 = arith.constant 0 : i32
      %ne3A_43 = arith.cmpi ne, %rem3A, %ne3A_42 : i32
      %and3A = arith.andi %ne3A, %ne3A_43 : i1
      %sub3A = arith.constant 1 : i32
      %sub3A_44 = arith.subi %div3A, %sub3A : i32
      %select_n3A = arith.select %and3A, %sub3A_44, %div3A : i32
      %jit3A_45 = arith.constant 4 : i32
      %eq3A = arith.constant 0 : i32
      %eq3A_46 = arith.cmpi eq, %jit3A_45, %eq3A : i32
      %jit3A_47 = arith.constant 1 : i32
      %select_n3A_48 = arith.select %eq3A_46, %jit3A_47, %jit3A_45 : i32
      %rem3A_49 = arith.remsi %add3A_9, %select_n3A_48 : i32
      %ne3A_50 = arith.constant 0 : i32
      %ne3A_51 = arith.cmpi ne, %rem3A_49, %ne3A_50 : i32
      %lt3A_52 = arith.constant 0 : i32
      %lt3A_53 = arith.cmpi slt, %rem3A_49, %lt3A_52 : i32
      %lt3A_54 = arith.constant 0 : i32
      %lt3A_55 = arith.cmpi slt, %select_n3A_48, %lt3A_54 : i32
      %ne3A_56 = arith.xori %lt3A_53, %lt3A_55 : i1
      %and3A_57 = arith.andi %ne3A_56, %ne3A_51 : i1
      %add3A_58 = arith.addi %rem3A_49, %select_n3A_48 : i32
      %select_n3A_59 = arith.select %and3A_57, %add3A_58, %rem3A_49 : i32
      "tpu.region"() ({
        %run_scoped3A = tpu.sem_alloc : memref<!tpu.dma_semaphore, #tpu.memory_space<semaphore_mem>>
        %dma_start3A = arith.constant 0 : i32
        %dma_start3A_146 = arith.constant 0 : i32
        %dma_start3A_147 = tpu.memref_slice %arg2[%select_n3A, %select_n3A_59, %dma_start3A, %dma_start3A_146] : memref<25x4x72x16xf32, #tpu.memory_space<hbm>> -> memref<1x1x72x16xf32, #tpu.memory_space<hbm>>
        %dma_start3A_148 = tpu.memref_squeeze %dma_start3A_147 : memref<1x1x72x16xf32, #tpu.memory_space<hbm>> -> memref<72x16xf32, #tpu.memory_space<hbm>>
        %dma_start3A_149 = arith.constant 0 : i32
        %dma_start3A_150 = arith.constant 0 : i32
        %dma_start3A_151 = tpu.memref_slice %arg2[%select_n3A, %select_n3A_59, %dma_start3A_149, %dma_start3A_150] : memref<25x4x72x16xf32, #tpu.memory_space<hbm>> -> memref<1x1x72x16xf32, #tpu.memory_space<hbm>>
        %dma_start3A_152 = tpu.memref_squeeze %dma_start3A_151 : memref<1x1x72x16xf32, #tpu.memory_space<hbm>> -> memref<72x16xf32, #tpu.memory_space<hbm>>
        tpu.enqueue_dma source(%dma_start3A_152 : memref<72x16xf32, #tpu.memory_space<hbm>>) target(%arg4 : memref<72x16xf32, #tpu.memory_space<vmem>>) target_semaphore(%run_scoped3A : memref<!tpu.dma_semaphore, #tpu.memory_space<semaphore_mem>>)
        %dma_wait3A = arith.constant 0 : i32
        %dma_wait3A_153 = arith.constant 0 : i32
        %dma_wait3A_154 = tpu.memref_slice %arg2[%select_n3A, %select_n3A_59, %dma_wait3A, %dma_wait3A_153] : memref<25x4x72x16xf32, #tpu.memory_space<hbm>> -> memref<1x1x72x16xf32, #tpu.memory_space<hbm>>
        %dma_wait3A_155 = tpu.memref_squeeze %dma_wait3A_154 : memref<1x1x72x16xf32, #tpu.memory_space<hbm>> -> memref<72x16xf32, #tpu.memory_space<hbm>>
        %dma_wait3A_156 = arith.constant 0 : i32
        %dma_wait3A_157 = arith.constant 0 : i32
        %dma_wait3A_158 = tpu.memref_slice %arg2[%select_n3A, %select_n3A_59, %dma_wait3A_156, %dma_wait3A_157] : memref<25x4x72x16xf32, #tpu.memory_space<hbm>> -> memref<1x1x72x16xf32, #tpu.memory_space<hbm>>
        %dma_wait3A_159 = tpu.memref_squeeze %dma_wait3A_158 : memref<1x1x72x16xf32, #tpu.memory_space<hbm>> -> memref<72x16xf32, #tpu.memory_space<hbm>>
        tpu.wait_dma2 semaphore(%run_scoped3A : memref<!tpu.dma_semaphore, #tpu.memory_space<semaphore_mem>>) src(%dma_wait3A_159 : memref<72x16xf32, #tpu.memory_space<hbm>>) dst(%arg4 : memref<72x16xf32, #tpu.memory_space<vmem>>)
        tpu.yield
      }) : () -> ()
      %scan3A = arith.constant 0 : i32
      %scan3A_60 = arith.constant 64 : i32
      %scan3A_61 = arith.addi %scan3A, %scan3A_60 : i32
      %scan3A_62 = arith.constant 1 : i32
      %scan3A_63:6 = scf.for %scan3A_146 = %scan3A to %scan3A_61 step %scan3A_62 iter_args(%scan3A_147 = %broadcast_in_dim3A_3, %scan3A_148 = %broadcast_in_dim3A_3, %scan3A_149 = %broadcast_in_dim3A_3, %scan3A_150 = %broadcast_in_dim3A_1, %scan3A_151 = %broadcast_in_dim3A_1, %scan3A_152 = %broadcast_in_dim3A_1) -> (vector<16xf32>, vector<16xf32>, vector<16xf32>, vector<16xi32>, vector<16xi32>, vector<16xi32>)  : i32 {
        %min3A_153 = arith.constant 64 : i32
        %min3A_154 = arith.minsi %scan3A_146, %min3A_153 : i32
        %get3A_155 = arith.index_cast %min3A_154 : i32 to index
        %get3A_156 = arith.constant 0 : index
        %get3A_157 = tpu.vector_load %arg4[%get3A_155, %get3A_156] {strides = array<i32>} : memref<72x16xf32, #tpu.memory_space<vmem>>, vector<1x16xf32>,
        %get3A_158 = vector.shape_cast %get3A_157 : vector<1x16xf32> to vector<16xf32>
        %broadcast_in_dim3A_159 = vector.broadcast %scan3A_146 : i32 to vector<16xi32>
        %lt3A_160 = arith.cmpf olt, %get3A_158, %scan3A_147 : vector<16xf32>
        %lt3A_161 = arith.cmpf olt, %get3A_158, %scan3A_148 : vector<16xf32>
        %lt3A_162 = arith.cmpf olt, %get3A_158, %scan3A_149 : vector<16xf32>
        %select_n3A_163 = arith.select %lt3A_161, %scan3A_148, %get3A_158 : vector<16xi1>, vector<16xf32>
        %select_n3A_164 = arith.select %lt3A_162, %select_n3A_163, %scan3A_149 : vector<16xi1>, vector<16xf32>
        %select_n3A_165 = arith.select %lt3A_161, %scan3A_151, %broadcast_in_dim3A_159 : vector<16xi1>, vector<16xi32>
        %select_n3A_166 = arith.select %lt3A_162, %select_n3A_165, %scan3A_152 : vector<16xi1>, vector<16xi32>
        %select_n3A_167 = arith.select %lt3A_160, %scan3A_147, %get3A_158 : vector<16xi1>, vector<16xf32>
        %select_n3A_168 = arith.select %lt3A_161, %select_n3A_167, %scan3A_148 : vector<16xi1>, vector<16xf32>
        %select_n3A_169 = arith.select %lt3A_160, %scan3A_150, %broadcast_in_dim3A_159 : vector<16xi1>, vector<16xi32>
        %select_n3A_170 = arith.select %lt3A_161, %select_n3A_169, %scan3A_151 : vector<16xi1>, vector<16xi32>
        %select_n3A_171 = arith.select %lt3A_160, %get3A_158, %scan3A_147 : vector<16xi1>, vector<16xf32>
        %select_n3A_172 = arith.select %lt3A_160, %broadcast_in_dim3A_159, %scan3A_150 : vector<16xi1>, vector<16xi32>
        scf.yield %select_n3A_171, %select_n3A_168, %select_n3A_164, %select_n3A_172, %select_n3A_170, %select_n3A_166 : vector<16xf32>, vector<16xf32>, vector<16xf32>, vector<16xi32>, vector<16xi32>, vector<16xi32>
      }
      %scan3A_64 = arith.constant 64 : i32
      %min3A = arith.constant 64 : i32
      %min3A_65 = arith.constant 64 : i32
      %min3A_66 = arith.minsi %min3A, %min3A_65 : i32
      %get3A = arith.index_cast %min3A_66 : i32 to index
      %get3A_67 = arith.constant 0 : index
      %get3A_68 = tpu.vector_load %arg4[%get3A, %get3A_67] {strides = array<i32>} : memref<72x16xf32, #tpu.memory_space<vmem>>, vector<1x16xf32>,
      %get3A_69 = vector.shape_cast %get3A_68 : vector<1x16xf32> to vector<16xf32>
      %broadcast_in_dim3A_70 = arith.constant 64 : i32
      %broadcast_in_dim3A_71 = vector.broadcast %broadcast_in_dim3A_70 : i32 to vector<16xi32>
      %lt3A_72 = arith.cmpf olt, %get3A_69, %scan3A_63#0 : vector<16xf32>
      %lt3A_73 = arith.cmpf olt, %get3A_69, %scan3A_63#1 : vector<16xf32>
      %lt3A_74 = arith.cmpf olt, %get3A_69, %scan3A_63#2 : vector<16xf32>
      %select_n3A_75 = arith.select %lt3A_73, %scan3A_63#1, %get3A_69 : vector<16xi1>, vector<16xf32>
      %select_n3A_76 = arith.select %lt3A_74, %select_n3A_75, %scan3A_63#2 : vector<16xi1>, vector<16xf32>
      %select_n3A_77 = arith.select %lt3A_73, %scan3A_63#4, %broadcast_in_dim3A_71 : vector<16xi1>, vector<16xi32>
      %select_n3A_78 = arith.select %lt3A_74, %select_n3A_77, %scan3A_63#5 : vector<16xi1>, vector<16xi32>
      %select_n3A_79 = arith.select %lt3A_72, %scan3A_63#0, %get3A_69 : vector<16xi1>, vector<16xf32>
      %select_n3A_80 = arith.select %lt3A_73, %select_n3A_79, %scan3A_63#1 : vector<16xi1>, vector<16xf32>
      %select_n3A_81 = arith.select %lt3A_72, %scan3A_63#3, %broadcast_in_dim3A_71 : vector<16xi1>, vector<16xi32>
      %select_n3A_82 = arith.select %lt3A_73, %select_n3A_81, %scan3A_63#4 : vector<16xi1>, vector<16xi32>
      %select_n3A_83 = arith.select %lt3A_72, %get3A_69, %scan3A_63#0 : vector<16xi1>, vector<16xf32>
      %select_n3A_84 = arith.select %lt3A_72, %broadcast_in_dim3A_71, %scan3A_63#3 : vector<16xi1>, vector<16xi32>
      %min3A_85 = arith.constant 64 : i32
      %min3A_86 = arith.constant 64 : i32
      %min3A_87 = arith.minsi %min3A_85, %min3A_86 : i32
      %get3A_88 = arith.index_cast %min3A_87 : i32 to index
      %get3A_89 = arith.constant 0 : index
      %get3A_90 = tpu.vector_load %arg4[%get3A_88, %get3A_89] {strides = array<i32>} : memref<72x16xf32, #tpu.memory_space<vmem>>, vector<1x16xf32>,
      %get3A_91 = vector.shape_cast %get3A_90 : vector<1x16xf32> to vector<16xf32>
      %broadcast_in_dim3A_92 = arith.constant 64 : i32
      %broadcast_in_dim3A_93 = vector.broadcast %broadcast_in_dim3A_92 : i32 to vector<16xi32>
      %lt3A_94 = arith.cmpf olt, %get3A_91, %select_n3A_83 : vector<16xf32>
      %lt3A_95 = arith.cmpf olt, %get3A_91, %select_n3A_80 : vector<16xf32>
      %lt3A_96 = arith.cmpf olt, %get3A_91, %select_n3A_76 : vector<16xf32>
      %select_n3A_97 = arith.select %lt3A_95, %select_n3A_80, %get3A_91 : vector<16xi1>, vector<16xf32>
      %select_n3A_98 = arith.select %lt3A_96, %select_n3A_97, %select_n3A_76 : vector<16xi1>, vector<16xf32>
      %select_n3A_99 = arith.select %lt3A_95, %select_n3A_82, %broadcast_in_dim3A_93 : vector<16xi1>, vector<16xi32>
      %select_n3A_100 = arith.select %lt3A_96, %select_n3A_99, %select_n3A_78 : vector<16xi1>, vector<16xi32>
      %select_n3A_101 = arith.select %lt3A_94, %select_n3A_83, %get3A_91 : vector<16xi1>, vector<16xf32>
      %select_n3A_102 = arith.select %lt3A_95, %select_n3A_101, %select_n3A_80 : vector<16xi1>, vector<16xf32>
      %select_n3A_103 = arith.select %lt3A_94, %select_n3A_84, %broadcast_in_dim3A_93 : vector<16xi1>, vector<16xi32>
      %select_n3A_104 = arith.select %lt3A_95, %select_n3A_103, %select_n3A_82 : vector<16xi1>, vector<16xi32>
      %select_n3A_105 = arith.select %lt3A_94, %get3A_91, %select_n3A_83 : vector<16xi1>, vector<16xf32>
      %select_n3A_106 = arith.select %lt3A_94, %broadcast_in_dim3A_93, %select_n3A_84 : vector<16xi1>, vector<16xi32>
      %min3A_107 = arith.constant 64 : i32
      %min3A_108 = arith.constant 64 : i32
      %min3A_109 = arith.minsi %min3A_107, %min3A_108 : i32
      %get3A_110 = arith.index_cast %min3A_109 : i32 to index
      %get3A_111 = arith.constant 0 : index
      %get3A_112 = tpu.vector_load %arg4[%get3A_110, %get3A_111] {strides = array<i32>} : memref<72x16xf32, #tpu.memory_space<vmem>>, vector<1x16xf32>,
      %get3A_113 = vector.shape_cast %get3A_112 : vector<1x16xf32> to vector<16xf32>
      %broadcast_in_dim3A_114 = arith.constant 64 : i32
      %broadcast_in_dim3A_115 = vector.broadcast %broadcast_in_dim3A_114 : i32 to vector<16xi32>
      %lt3A_116 = arith.cmpf olt, %get3A_113, %select_n3A_105 : vector<16xf32>
      %lt3A_117 = arith.cmpf olt, %get3A_113, %select_n3A_102 : vector<16xf32>
      %lt3A_118 = arith.cmpf olt, %get3A_113, %select_n3A_98 : vector<16xf32>
      %select_n3A_119 = arith.select %lt3A_117, %select_n3A_102, %get3A_113 : vector<16xi1>, vector<16xf32>
      %select_n3A_120 = arith.select %lt3A_118, %select_n3A_119, %select_n3A_98 : vector<16xi1>, vector<16xf32>
      %select_n3A_121 = arith.select %lt3A_117, %select_n3A_104, %broadcast_in_dim3A_115 : vector<16xi1>, vector<16xi32>
      %select_n3A_122 = arith.select %lt3A_118, %select_n3A_121, %select_n3A_100 : vector<16xi1>, vector<16xi32>
      %select_n3A_123 = arith.select %lt3A_116, %select_n3A_105, %get3A_113 : vector<16xi1>, vector<16xf32>
      %select_n3A_124 = arith.select %lt3A_117, %select_n3A_123, %select_n3A_102 : vector<16xi1>, vector<16xf32>
      %select_n3A_125 = arith.select %lt3A_116, %select_n3A_106, %broadcast_in_dim3A_115 : vector<16xi1>, vector<16xi32>
      %select_n3A_126 = arith.select %lt3A_117, %select_n3A_125, %select_n3A_104 : vector<16xi1>, vector<16xi32>
      %select_n3A_127 = arith.select %lt3A_116, %get3A_113, %select_n3A_105 : vector<16xi1>, vector<16xf32>
      %select_n3A_128 = arith.select %lt3A_116, %broadcast_in_dim3A_115, %select_n3A_106 : vector<16xi1>, vector<16xi32>
      %swap3A = arith.constant 0 : i32
      %swap3A_129 = arith.index_cast %swap3A : i32 to index
      %swap3A_130 = arith.constant 0 : index
      %swap3A_131 = tpu.vector_load %arg5[%swap3A_129, %swap3A_130] {strides = array<i32>} : memref<3x16xi32, #tpu.memory_space<vmem>>, vector<1x16xi32>,
      %swap3A_132 = vector.shape_cast %swap3A_131 : vector<1x16xi32> to vector<16xi32>
      %swap3A_133 = vector.shape_cast %select_n3A_128 : vector<16xi32> to vector<1x16xi32>
      tpu.vector_store %arg5[%swap3A_129, %swap3A_130], %swap3A_133 {strides = array<i32>} : memref<3x16xi32, #tpu.memory_space<vmem>>, vector<1x16xi32>,
      %swap3A_134 = arith.constant 1 : i32
      %swap3A_135 = arith.index_cast %swap3A_134 : i32 to index
      %swap3A_136 = arith.constant 0 : index
      %swap3A_137 = tpu.vector_load %arg5[%swap3A_135, %swap3A_136] {strides = array<i32>} : memref<3x16xi32, #tpu.memory_space<vmem>>, vector<1x16xi32>,
      %swap3A_138 = vector.shape_cast %swap3A_137 : vector<1x16xi32> to vector<16xi32>
      %swap3A_139 = vector.shape_cast %select_n3A_126 : vector<16xi32> to vector<1x16xi32>
      tpu.vector_store %arg5[%swap3A_135, %swap3A_136], %swap3A_139 {strides = array<i32>} : memref<3x16xi32, #tpu.memory_space<vmem>>, vector<1x16xi32>,
      %swap3A_140 = arith.constant 2 : i32
      %swap3A_141 = arith.index_cast %swap3A_140 : i32 to index
      %swap3A_142 = arith.constant 0 : index
      %swap3A_143 = tpu.vector_load %arg5[%swap3A_141, %swap3A_142] {strides = array<i32>} : memref<3x16xi32, #tpu.memory_space<vmem>>, vector<1x16xi32>,
      %swap3A_144 = vector.shape_cast %swap3A_143 : vector<1x16xi32> to vector<16xi32>
      %swap3A_145 = vector.shape_cast %select_n3A_122 : vector<16xi32> to vector<1x16xi32>
      tpu.vector_store %arg5[%swap3A_141, %swap3A_142], %swap3A_145 {strides = array<i32>} : memref<3x16xi32, #tpu.memory_space<vmem>>, vector<1x16xi32>,
      "tpu.region"() ({
        %run_scoped3A = tpu.sem_alloc : memref<!tpu.dma_semaphore, #tpu.memory_space<semaphore_mem>>
        %dma_start3A = arith.constant 0 : i32
        %dma_start3A_146 = arith.constant 0 : i32
        %dma_start3A_147 = tpu.memref_slice %arg3[%select_n3A, %select_n3A_59, %dma_start3A, %dma_start3A_146] : memref<25x4x3x16xi32, #tpu.memory_space<hbm>> -> memref<1x1x3x16xi32, #tpu.memory_space<hbm>>
        %dma_start3A_148 = tpu.memref_squeeze %dma_start3A_147 : memref<1x1x3x16xi32, #tpu.memory_space<hbm>> -> memref<3x16xi32, #tpu.memory_space<hbm>>
        %dma_start3A_149 = arith.constant 0 : i32
        %dma_start3A_150 = arith.constant 0 : i32
        %dma_start3A_151 = tpu.memref_slice %arg3[%select_n3A, %select_n3A_59, %dma_start3A_149, %dma_start3A_150] : memref<25x4x3x16xi32, #tpu.memory_space<hbm>> -> memref<1x1x3x16xi32, #tpu.memory_space<hbm>>
        %dma_start3A_152 = tpu.memref_squeeze %dma_start3A_151 : memref<1x1x3x16xi32, #tpu.memory_space<hbm>> -> memref<3x16xi32, #tpu.memory_space<hbm>>
        tpu.enqueue_dma source(%arg5 : memref<3x16xi32, #tpu.memory_space<vmem>>) target(%dma_start3A_152 : memref<3x16xi32, #tpu.memory_space<hbm>>) target_semaphore(%run_scoped3A : memref<!tpu.dma_semaphore, #tpu.memory_space<semaphore_mem>>)
        %dma_wait3A = arith.constant 0 : i32
        %dma_wait3A_153 = arith.constant 0 : i32
        %dma_wait3A_154 = tpu.memref_slice %arg3[%select_n3A, %select_n3A_59, %dma_wait3A, %dma_wait3A_153] : memref<25x4x3x16xi32, #tpu.memory_space<hbm>> -> memref<1x1x3x16xi32, #tpu.memory_space<hbm>>
        %dma_wait3A_155 = tpu.memref_squeeze %dma_wait3A_154 : memref<1x1x3x16xi32, #tpu.memory_space<hbm>> -> memref<3x16xi32, #tpu.memory_space<hbm>>
        %dma_wait3A_156 = arith.constant 0 : i32
        %dma_wait3A_157 = arith.constant 0 : i32
        %dma_wait3A_158 = tpu.memref_slice %arg3[%select_n3A, %select_n3A_59, %dma_wait3A_156, %dma_wait3A_157] : memref<25x4x3x16xi32, #tpu.memory_space<hbm>> -> memref<1x1x3x16xi32, #tpu.memory_space<hbm>>
        %dma_wait3A_159 = tpu.memref_squeeze %dma_wait3A_158 : memref<1x1x3x16xi32, #tpu.memory_space<hbm>> -> memref<3x16xi32, #tpu.memory_space<hbm>>
        tpu.wait_dma2 semaphore(%run_scoped3A : memref<!tpu.dma_semaphore, #tpu.memory_space<semaphore_mem>>) src(%arg5 : memref<3x16xi32, #tpu.memory_space<vmem>>) dst(%dma_wait3A_159 : memref<3x16xi32, #tpu.memory_space<hbm>>)
        tpu.yield
      }) : () -> ()
    } else {
    }
    %add3A_15 = arith.constant 64 : i32
    %add3A_16 = arith.addi %add3A_15, %add3A : i32
    %lt3A_17 = arith.constant 100 : i32
    %lt3A_18 = arith.cmpi slt, %add3A_16, %lt3A_17 : i32
    %convert_element_type3A_19 = arith.extui %lt3A_18 : i1 to i32
    %cond3A_20 = arith.constant 0 : i32
    %cond3A_21 = arith.cmpi ne, %convert_element_type3A_19, %cond3A_20 : i32
    scf.if %cond3A_21 {
      %jit3A = arith.constant 4 : i32
      %div3A = arith.divsi %add3A_16, %jit3A : i32
      %sign3A = arith.constant 0 : i32
      %sign3A_29 = arith.cmpi sgt, %add3A_16, %sign3A : i32
      %sign3A_30 = arith.extui %sign3A_29 : i1 to i32
      %sign3A_31 = arith.constant 0 : i32
      %sign3A_32 = arith.cmpi slt, %add3A_16, %sign3A_31 : i32
      %sign3A_33 = arith.extui %sign3A_32 : i1 to i32
      %sign3A_34 = arith.subi %sign3A_30, %sign3A_33 : i32
      %sign3A_35 = arith.constant 0 : i32
      %sign3A_36 = arith.cmpi sgt, %jit3A, %sign3A_35 : i32
      %sign3A_37 = arith.extui %sign3A_36 : i1 to i32
      %sign3A_38 = arith.constant 0 : i32
      %sign3A_39 = arith.cmpi slt, %jit3A, %sign3A_38 : i32
      %sign3A_40 = arith.extui %sign3A_39 : i1 to i32
      %sign3A_41 = arith.subi %sign3A_37, %sign3A_40 : i32
      %ne3A = arith.cmpi ne, %sign3A_34, %sign3A_41 : i32
      %rem3A = arith.remsi %add3A_16, %jit3A : i32
      %ne3A_42 = arith.constant 0 : i32
      %ne3A_43 = arith.cmpi ne, %rem3A, %ne3A_42 : i32
      %and3A = arith.andi %ne3A, %ne3A_43 : i1
      %sub3A = arith.constant 1 : i32
      %sub3A_44 = arith.subi %div3A, %sub3A : i32
      %select_n3A = arith.select %and3A, %sub3A_44, %div3A : i32
      %jit3A_45 = arith.constant 4 : i32
      %eq3A = arith.constant 0 : i32
      %eq3A_46 = arith.cmpi eq, %jit3A_45, %eq3A : i32
      %jit3A_47 = arith.constant 1 : i32
      %select_n3A_48 = arith.select %eq3A_46, %jit3A_47, %jit3A_45 : i32
      %rem3A_49 = arith.remsi %add3A_16, %select_n3A_48 : i32
      %ne3A_50 = arith.constant 0 : i32
      %ne3A_51 = arith.cmpi ne, %rem3A_49, %ne3A_50 : i32
      %lt3A_52 = arith.constant 0 : i32
      %lt3A_53 = arith.cmpi slt, %rem3A_49, %lt3A_52 : i32
      %lt3A_54 = arith.constant 0 : i32
      %lt3A_55 = arith.cmpi slt, %select_n3A_48, %lt3A_54 : i32
      %ne3A_56 = arith.xori %lt3A_53, %lt3A_55 : i1
      %and3A_57 = arith.andi %ne3A_56, %ne3A_51 : i1
      %add3A_58 = arith.addi %rem3A_49, %select_n3A_48 : i32
      %select_n3A_59 = arith.select %and3A_57, %add3A_58, %rem3A_49 : i32
      "tpu.region"() ({
        %run_scoped3A = tpu.sem_alloc : memref<!tpu.dma_semaphore, #tpu.memory_space<semaphore_mem>>
        %dma_start3A = arith.constant 0 : i32
        %dma_start3A_146 = arith.constant 0 : i32
        %dma_start3A_147 = tpu.memref_slice %arg2[%select_n3A, %select_n3A_59, %dma_start3A, %dma_start3A_146] : memref<25x4x72x16xf32, #tpu.memory_space<hbm>> -> memref<1x1x72x16xf32, #tpu.memory_space<hbm>>
        %dma_start3A_148 = tpu.memref_squeeze %dma_start3A_147 : memref<1x1x72x16xf32, #tpu.memory_space<hbm>> -> memref<72x16xf32, #tpu.memory_space<hbm>>
        %dma_start3A_149 = arith.constant 0 : i32
        %dma_start3A_150 = arith.constant 0 : i32
        %dma_start3A_151 = tpu.memref_slice %arg2[%select_n3A, %select_n3A_59, %dma_start3A_149, %dma_start3A_150] : memref<25x4x72x16xf32, #tpu.memory_space<hbm>> -> memref<1x1x72x16xf32, #tpu.memory_space<hbm>>
        %dma_start3A_152 = tpu.memref_squeeze %dma_start3A_151 : memref<1x1x72x16xf32, #tpu.memory_space<hbm>> -> memref<72x16xf32, #tpu.memory_space<hbm>>
        tpu.enqueue_dma source(%dma_start3A_152 : memref<72x16xf32, #tpu.memory_space<hbm>>) target(%arg4 : memref<72x16xf32, #tpu.memory_space<vmem>>) target_semaphore(%run_scoped3A : memref<!tpu.dma_semaphore, #tpu.memory_space<semaphore_mem>>)
        %dma_wait3A = arith.constant 0 : i32
        %dma_wait3A_153 = arith.constant 0 : i32
        %dma_wait3A_154 = tpu.memref_slice %arg2[%select_n3A, %select_n3A_59, %dma_wait3A, %dma_wait3A_153] : memref<25x4x72x16xf32, #tpu.memory_space<hbm>> -> memref<1x1x72x16xf32, #tpu.memory_space<hbm>>
        %dma_wait3A_155 = tpu.memref_squeeze %dma_wait3A_154 : memref<1x1x72x16xf32, #tpu.memory_space<hbm>> -> memref<72x16xf32, #tpu.memory_space<hbm>>
        %dma_wait3A_156 = arith.constant 0 : i32
        %dma_wait3A_157 = arith.constant 0 : i32
        %dma_wait3A_158 = tpu.memref_slice %arg2[%select_n3A, %select_n3A_59, %dma_wait3A_156, %dma_wait3A_157] : memref<25x4x72x16xf32, #tpu.memory_space<hbm>> -> memref<1x1x72x16xf32, #tpu.memory_space<hbm>>
        %dma_wait3A_159 = tpu.memref_squeeze %dma_wait3A_158 : memref<1x1x72x16xf32, #tpu.memory_space<hbm>> -> memref<72x16xf32, #tpu.memory_space<hbm>>
        tpu.wait_dma2 semaphore(%run_scoped3A : memref<!tpu.dma_semaphore, #tpu.memory_space<semaphore_mem>>) src(%dma_wait3A_159 : memref<72x16xf32, #tpu.memory_space<hbm>>) dst(%arg4 : memref<72x16xf32, #tpu.memory_space<vmem>>)
        tpu.yield
      }) : () -> ()
      %scan3A = arith.constant 0 : i32
      %scan3A_60 = arith.constant 64 : i32
      %scan3A_61 = arith.addi %scan3A, %scan3A_60 : i32
      %scan3A_62 = arith.constant 1 : i32
      %scan3A_63:6 = scf.for %scan3A_146 = %scan3A to %scan3A_61 step %scan3A_62 iter_args(%scan3A_147 = %broadcast_in_dim3A_3, %scan3A_148 = %broadcast_in_dim3A_3, %scan3A_149 = %broadcast_in_dim3A_3, %scan3A_150 = %broadcast_in_dim3A_1, %scan3A_151 = %broadcast_in_dim3A_1, %scan3A_152 = %broadcast_in_dim3A_1) -> (vector<16xf32>, vector<16xf32>, vector<16xf32>, vector<16xi32>, vector<16xi32>, vector<16xi32>)  : i32 {
        %min3A_153 = arith.constant 64 : i32
        %min3A_154 = arith.minsi %scan3A_146, %min3A_153 : i32
        %get3A_155 = arith.index_cast %min3A_154 : i32 to index
        %get3A_156 = arith.constant 0 : index
        %get3A_157 = tpu.vector_load %arg4[%get3A_155, %get3A_156] {strides = array<i32>} : memref<72x16xf32, #tpu.memory_space<vmem>>, vector<1x16xf32>,
        %get3A_158 = vector.shape_cast %get3A_157 : vector<1x16xf32> to vector<16xf32>
        %broadcast_in_dim3A_159 = vector.broadcast %scan3A_146 : i32 to vector<16xi32>
        %lt3A_160 = arith.cmpf olt, %get3A_158, %scan3A_147 : vector<16xf32>
        %lt3A_161 = arith.cmpf olt, %get3A_158, %scan3A_148 : vector<16xf32>
        %lt3A_162 = arith.cmpf olt, %get3A_158, %scan3A_149 : vector<16xf32>
        %select_n3A_163 = arith.select %lt3A_161, %scan3A_148, %get3A_158 : vector<16xi1>, vector<16xf32>
        %select_n3A_164 = arith.select %lt3A_162, %select_n3A_163, %scan3A_149 : vector<16xi1>, vector<16xf32>
        %select_n3A_165 = arith.select %lt3A_161, %scan3A_151, %broadcast_in_dim3A_159 : vector<16xi1>, vector<16xi32>
        %select_n3A_166 = arith.select %lt3A_162, %select_n3A_165, %scan3A_152 : vector<16xi1>, vector<16xi32>
        %select_n3A_167 = arith.select %lt3A_160, %scan3A_147, %get3A_158 : vector<16xi1>, vector<16xf32>
        %select_n3A_168 = arith.select %lt3A_161, %select_n3A_167, %scan3A_148 : vector<16xi1>, vector<16xf32>
        %select_n3A_169 = arith.select %lt3A_160, %scan3A_150, %broadcast_in_dim3A_159 : vector<16xi1>, vector<16xi32>
        %select_n3A_170 = arith.select %lt3A_161, %select_n3A_169, %scan3A_151 : vector<16xi1>, vector<16xi32>
        %select_n3A_171 = arith.select %lt3A_160, %get3A_158, %scan3A_147 : vector<16xi1>, vector<16xf32>
        %select_n3A_172 = arith.select %lt3A_160, %broadcast_in_dim3A_159, %scan3A_150 : vector<16xi1>, vector<16xi32>
        scf.yield %select_n3A_171, %select_n3A_168, %select_n3A_164, %select_n3A_172, %select_n3A_170, %select_n3A_166 : vector<16xf32>, vector<16xf32>, vector<16xf32>, vector<16xi32>, vector<16xi32>, vector<16xi32>
      }
      %scan3A_64 = arith.constant 64 : i32
      %min3A = arith.constant 64 : i32
      %min3A_65 = arith.constant 64 : i32
      %min3A_66 = arith.minsi %min3A, %min3A_65 : i32
      %get3A = arith.index_cast %min3A_66 : i32 to index
      %get3A_67 = arith.constant 0 : index
      %get3A_68 = tpu.vector_load %arg4[%get3A, %get3A_67] {strides = array<i32>} : memref<72x16xf32, #tpu.memory_space<vmem>>, vector<1x16xf32>,
      %get3A_69 = vector.shape_cast %get3A_68 : vector<1x16xf32> to vector<16xf32>
      %broadcast_in_dim3A_70 = arith.constant 64 : i32
      %broadcast_in_dim3A_71 = vector.broadcast %broadcast_in_dim3A_70 : i32 to vector<16xi32>
      %lt3A_72 = arith.cmpf olt, %get3A_69, %scan3A_63#0 : vector<16xf32>
      %lt3A_73 = arith.cmpf olt, %get3A_69, %scan3A_63#1 : vector<16xf32>
      %lt3A_74 = arith.cmpf olt, %get3A_69, %scan3A_63#2 : vector<16xf32>
      %select_n3A_75 = arith.select %lt3A_73, %scan3A_63#1, %get3A_69 : vector<16xi1>, vector<16xf32>
      %select_n3A_76 = arith.select %lt3A_74, %select_n3A_75, %scan3A_63#2 : vector<16xi1>, vector<16xf32>
      %select_n3A_77 = arith.select %lt3A_73, %scan3A_63#4, %broadcast_in_dim3A_71 : vector<16xi1>, vector<16xi32>
      %select_n3A_78 = arith.select %lt3A_74, %select_n3A_77, %scan3A_63#5 : vector<16xi1>, vector<16xi32>
      %select_n3A_79 = arith.select %lt3A_72, %scan3A_63#0, %get3A_69 : vector<16xi1>, vector<16xf32>
      %select_n3A_80 = arith.select %lt3A_73, %select_n3A_79, %scan3A_63#1 : vector<16xi1>, vector<16xf32>
      %select_n3A_81 = arith.select %lt3A_72, %scan3A_63#3, %broadcast_in_dim3A_71 : vector<16xi1>, vector<16xi32>
      %select_n3A_82 = arith.select %lt3A_73, %select_n3A_81, %scan3A_63#4 : vector<16xi1>, vector<16xi32>
      %select_n3A_83 = arith.select %lt3A_72, %get3A_69, %scan3A_63#0 : vector<16xi1>, vector<16xf32>
      %select_n3A_84 = arith.select %lt3A_72, %broadcast_in_dim3A_71, %scan3A_63#3 : vector<16xi1>, vector<16xi32>
      %min3A_85 = arith.constant 64 : i32
      %min3A_86 = arith.constant 64 : i32
      %min3A_87 = arith.minsi %min3A_85, %min3A_86 : i32
      %get3A_88 = arith.index_cast %min3A_87 : i32 to index
      %get3A_89 = arith.constant 0 : index
      %get3A_90 = tpu.vector_load %arg4[%get3A_88, %get3A_89] {strides = array<i32>} : memref<72x16xf32, #tpu.memory_space<vmem>>, vector<1x16xf32>,
      %get3A_91 = vector.shape_cast %get3A_90 : vector<1x16xf32> to vector<16xf32>
      %broadcast_in_dim3A_92 = arith.constant 64 : i32
      %broadcast_in_dim3A_93 = vector.broadcast %broadcast_in_dim3A_92 : i32 to vector<16xi32>
      %lt3A_94 = arith.cmpf olt, %get3A_91, %select_n3A_83 : vector<16xf32>
      %lt3A_95 = arith.cmpf olt, %get3A_91, %select_n3A_80 : vector<16xf32>
      %lt3A_96 = arith.cmpf olt, %get3A_91, %select_n3A_76 : vector<16xf32>
      %select_n3A_97 = arith.select %lt3A_95, %select_n3A_80, %get3A_91 : vector<16xi1>, vector<16xf32>
      %select_n3A_98 = arith.select %lt3A_96, %select_n3A_97, %select_n3A_76 : vector<16xi1>, vector<16xf32>
      %select_n3A_99 = arith.select %lt3A_95, %select_n3A_82, %broadcast_in_dim3A_93 : vector<16xi1>, vector<16xi32>
      %select_n3A_100 = arith.select %lt3A_96, %select_n3A_99, %select_n3A_78 : vector<16xi1>, vector<16xi32>
      %select_n3A_101 = arith.select %lt3A_94, %select_n3A_83, %get3A_91 : vector<16xi1>, vector<16xf32>
      %select_n3A_102 = arith.select %lt3A_95, %select_n3A_101, %select_n3A_80 : vector<16xi1>, vector<16xf32>
      %select_n3A_103 = arith.select %lt3A_94, %select_n3A_84, %broadcast_in_dim3A_93 : vector<16xi1>, vector<16xi32>
      %select_n3A_104 = arith.select %lt3A_95, %select_n3A_103, %select_n3A_82 : vector<16xi1>, vector<16xi32>
      %select_n3A_105 = arith.select %lt3A_94, %get3A_91, %select_n3A_83 : vector<16xi1>, vector<16xf32>
      %select_n3A_106 = arith.select %lt3A_94, %broadcast_in_dim3A_93, %select_n3A_84 : vector<16xi1>, vector<16xi32>
      %min3A_107 = arith.constant 64 : i32
      %min3A_108 = arith.constant 64 : i32
      %min3A_109 = arith.minsi %min3A_107, %min3A_108 : i32
      %get3A_110 = arith.index_cast %min3A_109 : i32 to index
      %get3A_111 = arith.constant 0 : index
      %get3A_112 = tpu.vector_load %arg4[%get3A_110, %get3A_111] {strides = array<i32>} : memref<72x16xf32, #tpu.memory_space<vmem>>, vector<1x16xf32>,
      %get3A_113 = vector.shape_cast %get3A_112 : vector<1x16xf32> to vector<16xf32>
      %broadcast_in_dim3A_114 = arith.constant 64 : i32
      %broadcast_in_dim3A_115 = vector.broadcast %broadcast_in_dim3A_114 : i32 to vector<16xi32>
      %lt3A_116 = arith.cmpf olt, %get3A_113, %select_n3A_105 : vector<16xf32>
      %lt3A_117 = arith.cmpf olt, %get3A_113, %select_n3A_102 : vector<16xf32>
      %lt3A_118 = arith.cmpf olt, %get3A_113, %select_n3A_98 : vector<16xf32>
      %select_n3A_119 = arith.select %lt3A_117, %select_n3A_102, %get3A_113 : vector<16xi1>, vector<16xf32>
      %select_n3A_120 = arith.select %lt3A_118, %select_n3A_119, %select_n3A_98 : vector<16xi1>, vector<16xf32>
      %select_n3A_121 = arith.select %lt3A_117, %select_n3A_104, %broadcast_in_dim3A_115 : vector<16xi1>, vector<16xi32>
      %select_n3A_122 = arith.select %lt3A_118, %select_n3A_121, %select_n3A_100 : vector<16xi1>, vector<16xi32>
      %select_n3A_123 = arith.select %lt3A_116, %select_n3A_105, %get3A_113 : vector<16xi1>, vector<16xf32>
      %select_n3A_124 = arith.select %lt3A_117, %select_n3A_123, %select_n3A_102 : vector<16xi1>, vector<16xf32>
      %select_n3A_125 = arith.select %lt3A_116, %select_n3A_106, %broadcast_in_dim3A_115 : vector<16xi1>, vector<16xi32>
      %select_n3A_126 = arith.select %lt3A_117, %select_n3A_125, %select_n3A_104 : vector<16xi1>, vector<16xi32>
      %select_n3A_127 = arith.select %lt3A_116, %get3A_113, %select_n3A_105 : vector<16xi1>, vector<16xf32>
      %select_n3A_128 = arith.select %lt3A_116, %broadcast_in_dim3A_115, %select_n3A_106 : vector<16xi1>, vector<16xi32>
      %swap3A = arith.constant 0 : i32
      %swap3A_129 = arith.index_cast %swap3A : i32 to index
      %swap3A_130 = arith.constant 0 : index
      %swap3A_131 = tpu.vector_load %arg5[%swap3A_129, %swap3A_130] {strides = array<i32>} : memref<3x16xi32, #tpu.memory_space<vmem>>, vector<1x16xi32>,
      %swap3A_132 = vector.shape_cast %swap3A_131 : vector<1x16xi32> to vector<16xi32>
      %swap3A_133 = vector.shape_cast %select_n3A_128 : vector<16xi32> to vector<1x16xi32>
      tpu.vector_store %arg5[%swap3A_129, %swap3A_130], %swap3A_133 {strides = array<i32>} : memref<3x16xi32, #tpu.memory_space<vmem>>, vector<1x16xi32>,
      %swap3A_134 = arith.constant 1 : i32
      %swap3A_135 = arith.index_cast %swap3A_134 : i32 to index
      %swap3A_136 = arith.constant 0 : index
      %swap3A_137 = tpu.vector_load %arg5[%swap3A_135, %swap3A_136] {strides = array<i32>} : memref<3x16xi32, #tpu.memory_space<vmem>>, vector<1x16xi32>,
      %swap3A_138 = vector.shape_cast %swap3A_137 : vector<1x16xi32> to vector<16xi32>
      %swap3A_139 = vector.shape_cast %select_n3A_126 : vector<16xi32> to vector<1x16xi32>
      tpu.vector_store %arg5[%swap3A_135, %swap3A_136], %swap3A_139 {strides = array<i32>} : memref<3x16xi32, #tpu.memory_space<vmem>>, vector<1x16xi32>,
      %swap3A_140 = arith.constant 2 : i32
      %swap3A_141 = arith.index_cast %swap3A_140 : i32 to index
      %swap3A_142 = arith.constant 0 : index
      %swap3A_143 = tpu.vector_load %arg5[%swap3A_141, %swap3A_142] {strides = array<i32>} : memref<3x16xi32, #tpu.memory_space<vmem>>, vector<1x16xi32>,
      %swap3A_144 = vector.shape_cast %swap3A_143 : vector<1x16xi32> to vector<16xi32>
      %swap3A_145 = vector.shape_cast %select_n3A_122 : vector<16xi32> to vector<1x16xi32>
      tpu.vector_store %arg5[%swap3A_141, %swap3A_142], %swap3A_145 {strides = array<i32>} : memref<3x16xi32, #tpu.memory_space<vmem>>, vector<1x16xi32>,
      "tpu.region"() ({
        %run_scoped3A = tpu.sem_alloc : memref<!tpu.dma_semaphore, #tpu.memory_space<semaphore_mem>>
        %dma_start3A = arith.constant 0 : i32
        %dma_start3A_146 = arith.constant 0 : i32
        %dma_start3A_147 = tpu.memref_slice %arg3[%select_n3A, %select_n3A_59, %dma_start3A, %dma_start3A_146] : memref<25x4x3x16xi32, #tpu.memory_space<hbm>> -> memref<1x1x3x16xi32, #tpu.memory_space<hbm>>
        %dma_start3A_148 = tpu.memref_squeeze %dma_start3A_147 : memref<1x1x3x16xi32, #tpu.memory_space<hbm>> -> memref<3x16xi32, #tpu.memory_space<hbm>>
        %dma_start3A_149 = arith.constant 0 : i32
        %dma_start3A_150 = arith.constant 0 : i32
        %dma_start3A_151 = tpu.memref_slice %arg3[%select_n3A, %select_n3A_59, %dma_start3A_149, %dma_start3A_150] : memref<25x4x3x16xi32, #tpu.memory_space<hbm>> -> memref<1x1x3x16xi32, #tpu.memory_space<hbm>>
        %dma_start3A_152 = tpu.memref_squeeze %dma_start3A_151 : memref<1x1x3x16xi32, #tpu.memory_space<hbm>> -> memref<3x16xi32, #tpu.memory_space<hbm>>
        tpu.enqueue_dma source(%arg5 : memref<3x16xi32, #tpu.memory_space<vmem>>) target(%dma_start3A_152 : memref<3x16xi32, #tpu.memory_space<hbm>>) target_semaphore(%run_scoped3A : memref<!tpu.dma_semaphore, #tpu.memory_space<semaphore_mem>>)
        %dma_wait3A = arith.constant 0 : i32
        %dma_wait3A_153 = arith.constant 0 : i32
        %dma_wait3A_154 = tpu.memref_slice %arg3[%select_n3A, %select_n3A_59, %dma_wait3A, %dma_wait3A_153] : memref<25x4x3x16xi32, #tpu.memory_space<hbm>> -> memref<1x1x3x16xi32, #tpu.memory_space<hbm>>
        %dma_wait3A_155 = tpu.memref_squeeze %dma_wait3A_154 : memref<1x1x3x16xi32, #tpu.memory_space<hbm>> -> memref<3x16xi32, #tpu.memory_space<hbm>>
        %dma_wait3A_156 = arith.constant 0 : i32
        %dma_wait3A_157 = arith.constant 0 : i32
        %dma_wait3A_158 = tpu.memref_slice %arg3[%select_n3A, %select_n3A_59, %dma_wait3A_156, %dma_wait3A_157] : memref<25x4x3x16xi32, #tpu.memory_space<hbm>> -> memref<1x1x3x16xi32, #tpu.memory_space<hbm>>
        %dma_wait3A_159 = tpu.memref_squeeze %dma_wait3A_158 : memref<1x1x3x16xi32, #tpu.memory_space<hbm>> -> memref<3x16xi32, #tpu.memory_space<hbm>>
        tpu.wait_dma2 semaphore(%run_scoped3A : memref<!tpu.dma_semaphore, #tpu.memory_space<semaphore_mem>>) src(%arg5 : memref<3x16xi32, #tpu.memory_space<vmem>>) dst(%dma_wait3A_159 : memref<3x16xi32, #tpu.memory_space<hbm>>)
        tpu.yield
      }) : () -> ()
    } else {
    }
    %add3A_22 = arith.constant 96 : i32
    %add3A_23 = arith.addi %add3A_22, %add3A : i32
    %lt3A_24 = arith.constant 100 : i32
    %lt3A_25 = arith.cmpi slt, %add3A_23, %lt3A_24 : i32
    %convert_element_type3A_26 = arith.extui %lt3A_25 : i1 to i32
    %cond3A_27 = arith.constant 0 : i32
    %cond3A_28 = arith.cmpi ne, %convert_element_type3A_26, %cond3A_27 : i32
    scf.if %cond3A_28 {
      %jit3A = arith.constant 4 : i32
      %div3A = arith.divsi %add3A_23, %jit3A : i32
      %sign3A = arith.constant 0 : i32
      %sign3A_29 = arith.cmpi sgt, %add3A_23, %sign3A : i32
      %sign3A_30 = arith.extui %sign3A_29 : i1 to i32
      %sign3A_31 = arith.constant 0 : i32
      %sign3A_32 = arith.cmpi slt, %add3A_23, %sign3A_31 : i32
      %sign3A_33 = arith.extui %sign3A_32 : i1 to i32
      %sign3A_34 = arith.subi %sign3A_30, %sign3A_33 : i32
      %sign3A_35 = arith.constant 0 : i32
      %sign3A_36 = arith.cmpi sgt, %jit3A, %sign3A_35 : i32
      %sign3A_37 = arith.extui %sign3A_36 : i1 to i32
      %sign3A_38 = arith.constant 0 : i32
      %sign3A_39 = arith.cmpi slt, %jit3A, %sign3A_38 : i32
      %sign3A_40 = arith.extui %sign3A_39 : i1 to i32
      %sign3A_41 = arith.subi %sign3A_37, %sign3A_40 : i32
      %ne3A = arith.cmpi ne, %sign3A_34, %sign3A_41 : i32
      %rem3A = arith.remsi %add3A_23, %jit3A : i32
      %ne3A_42 = arith.constant 0 : i32
      %ne3A_43 = arith.cmpi ne, %rem3A, %ne3A_42 : i32
      %and3A = arith.andi %ne3A, %ne3A_43 : i1
      %sub3A = arith.constant 1 : i32
      %sub3A_44 = arith.subi %div3A, %sub3A : i32
      %select_n3A = arith.select %and3A, %sub3A_44, %div3A : i32
      %jit3A_45 = arith.constant 4 : i32
      %eq3A = arith.constant 0 : i32
      %eq3A_46 = arith.cmpi eq, %jit3A_45, %eq3A : i32
      %jit3A_47 = arith.constant 1 : i32
      %select_n3A_48 = arith.select %eq3A_46, %jit3A_47, %jit3A_45 : i32
      %rem3A_49 = arith.remsi %add3A_23, %select_n3A_48 : i32
      %ne3A_50 = arith.constant 0 : i32
      %ne3A_51 = arith.cmpi ne, %rem3A_49, %ne3A_50 : i32
      %lt3A_52 = arith.constant 0 : i32
      %lt3A_53 = arith.cmpi slt, %rem3A_49, %lt3A_52 : i32
      %lt3A_54 = arith.constant 0 : i32
      %lt3A_55 = arith.cmpi slt, %select_n3A_48, %lt3A_54 : i32
      %ne3A_56 = arith.xori %lt3A_53, %lt3A_55 : i1
      %and3A_57 = arith.andi %ne3A_56, %ne3A_51 : i1
      %add3A_58 = arith.addi %rem3A_49, %select_n3A_48 : i32
      %select_n3A_59 = arith.select %and3A_57, %add3A_58, %rem3A_49 : i32
      "tpu.region"() ({
        %run_scoped3A = tpu.sem_alloc : memref<!tpu.dma_semaphore, #tpu.memory_space<semaphore_mem>>
        %dma_start3A = arith.constant 0 : i32
        %dma_start3A_146 = arith.constant 0 : i32
        %dma_start3A_147 = tpu.memref_slice %arg2[%select_n3A, %select_n3A_59, %dma_start3A, %dma_start3A_146] : memref<25x4x72x16xf32, #tpu.memory_space<hbm>> -> memref<1x1x72x16xf32, #tpu.memory_space<hbm>>
        %dma_start3A_148 = tpu.memref_squeeze %dma_start3A_147 : memref<1x1x72x16xf32, #tpu.memory_space<hbm>> -> memref<72x16xf32, #tpu.memory_space<hbm>>
        %dma_start3A_149 = arith.constant 0 : i32
        %dma_start3A_150 = arith.constant 0 : i32
        %dma_start3A_151 = tpu.memref_slice %arg2[%select_n3A, %select_n3A_59, %dma_start3A_149, %dma_start3A_150] : memref<25x4x72x16xf32, #tpu.memory_space<hbm>> -> memref<1x1x72x16xf32, #tpu.memory_space<hbm>>
        %dma_start3A_152 = tpu.memref_squeeze %dma_start3A_151 : memref<1x1x72x16xf32, #tpu.memory_space<hbm>> -> memref<72x16xf32, #tpu.memory_space<hbm>>
        tpu.enqueue_dma source(%dma_start3A_152 : memref<72x16xf32, #tpu.memory_space<hbm>>) target(%arg4 : memref<72x16xf32, #tpu.memory_space<vmem>>) target_semaphore(%run_scoped3A : memref<!tpu.dma_semaphore, #tpu.memory_space<semaphore_mem>>)
        %dma_wait3A = arith.constant 0 : i32
        %dma_wait3A_153 = arith.constant 0 : i32
        %dma_wait3A_154 = tpu.memref_slice %arg2[%select_n3A, %select_n3A_59, %dma_wait3A, %dma_wait3A_153] : memref<25x4x72x16xf32, #tpu.memory_space<hbm>> -> memref<1x1x72x16xf32, #tpu.memory_space<hbm>>
        %dma_wait3A_155 = tpu.memref_squeeze %dma_wait3A_154 : memref<1x1x72x16xf32, #tpu.memory_space<hbm>> -> memref<72x16xf32, #tpu.memory_space<hbm>>
        %dma_wait3A_156 = arith.constant 0 : i32
        %dma_wait3A_157 = arith.constant 0 : i32
        %dma_wait3A_158 = tpu.memref_slice %arg2[%select_n3A, %select_n3A_59, %dma_wait3A_156, %dma_wait3A_157] : memref<25x4x72x16xf32, #tpu.memory_space<hbm>> -> memref<1x1x72x16xf32, #tpu.memory_space<hbm>>
        %dma_wait3A_159 = tpu.memref_squeeze %dma_wait3A_158 : memref<1x1x72x16xf32, #tpu.memory_space<hbm>> -> memref<72x16xf32, #tpu.memory_space<hbm>>
        tpu.wait_dma2 semaphore(%run_scoped3A : memref<!tpu.dma_semaphore, #tpu.memory_space<semaphore_mem>>) src(%dma_wait3A_159 : memref<72x16xf32, #tpu.memory_space<hbm>>) dst(%arg4 : memref<72x16xf32, #tpu.memory_space<vmem>>)
        tpu.yield
      }) : () -> ()
      %scan3A = arith.constant 0 : i32
      %scan3A_60 = arith.constant 64 : i32
      %scan3A_61 = arith.addi %scan3A, %scan3A_60 : i32
      %scan3A_62 = arith.constant 1 : i32
      %scan3A_63:6 = scf.for %scan3A_146 = %scan3A to %scan3A_61 step %scan3A_62 iter_args(%scan3A_147 = %broadcast_in_dim3A_3, %scan3A_148 = %broadcast_in_dim3A_3, %scan3A_149 = %broadcast_in_dim3A_3, %scan3A_150 = %broadcast_in_dim3A_1, %scan3A_151 = %broadcast_in_dim3A_1, %scan3A_152 = %broadcast_in_dim3A_1) -> (vector<16xf32>, vector<16xf32>, vector<16xf32>, vector<16xi32>, vector<16xi32>, vector<16xi32>)  : i32 {
        %min3A_153 = arith.constant 64 : i32
        %min3A_154 = arith.minsi %scan3A_146, %min3A_153 : i32
        %get3A_155 = arith.index_cast %min3A_154 : i32 to index
        %get3A_156 = arith.constant 0 : index
        %get3A_157 = tpu.vector_load %arg4[%get3A_155, %get3A_156] {strides = array<i32>} : memref<72x16xf32, #tpu.memory_space<vmem>>, vector<1x16xf32>,
        %get3A_158 = vector.shape_cast %get3A_157 : vector<1x16xf32> to vector<16xf32>
        %broadcast_in_dim3A_159 = vector.broadcast %scan3A_146 : i32 to vector<16xi32>
        %lt3A_160 = arith.cmpf olt, %get3A_158, %scan3A_147 : vector<16xf32>
        %lt3A_161 = arith.cmpf olt, %get3A_158, %scan3A_148 : vector<16xf32>
        %lt3A_162 = arith.cmpf olt, %get3A_158, %scan3A_149 : vector<16xf32>
        %select_n3A_163 = arith.select %lt3A_161, %scan3A_148, %get3A_158 : vector<16xi1>, vector<16xf32>
        %select_n3A_164 = arith.select %lt3A_162, %select_n3A_163, %scan3A_149 : vector<16xi1>, vector<16xf32>
        %select_n3A_165 = arith.select %lt3A_161, %scan3A_151, %broadcast_in_dim3A_159 : vector<16xi1>, vector<16xi32>
        %select_n3A_166 = arith.select %lt3A_162, %select_n3A_165, %scan3A_152 : vector<16xi1>, vector<16xi32>
        %select_n3A_167 = arith.select %lt3A_160, %scan3A_147, %get3A_158 : vector<16xi1>, vector<16xf32>
        %select_n3A_168 = arith.select %lt3A_161, %select_n3A_167, %scan3A_148 : vector<16xi1>, vector<16xf32>
        %select_n3A_169 = arith.select %lt3A_160, %scan3A_150, %broadcast_in_dim3A_159 : vector<16xi1>, vector<16xi32>
        %select_n3A_170 = arith.select %lt3A_161, %select_n3A_169, %scan3A_151 : vector<16xi1>, vector<16xi32>
        %select_n3A_171 = arith.select %lt3A_160, %get3A_158, %scan3A_147 : vector<16xi1>, vector<16xf32>
        %select_n3A_172 = arith.select %lt3A_160, %broadcast_in_dim3A_159, %scan3A_150 : vector<16xi1>, vector<16xi32>
        scf.yield %select_n3A_171, %select_n3A_168, %select_n3A_164, %select_n3A_172, %select_n3A_170, %select_n3A_166 : vector<16xf32>, vector<16xf32>, vector<16xf32>, vector<16xi32>, vector<16xi32>, vector<16xi32>
      }
      %scan3A_64 = arith.constant 64 : i32
      %min3A = arith.constant 64 : i32
      %min3A_65 = arith.constant 64 : i32
      %min3A_66 = arith.minsi %min3A, %min3A_65 : i32
      %get3A = arith.index_cast %min3A_66 : i32 to index
      %get3A_67 = arith.constant 0 : index
      %get3A_68 = tpu.vector_load %arg4[%get3A, %get3A_67] {strides = array<i32>} : memref<72x16xf32, #tpu.memory_space<vmem>>, vector<1x16xf32>,
      %get3A_69 = vector.shape_cast %get3A_68 : vector<1x16xf32> to vector<16xf32>
      %broadcast_in_dim3A_70 = arith.constant 64 : i32
      %broadcast_in_dim3A_71 = vector.broadcast %broadcast_in_dim3A_70 : i32 to vector<16xi32>
      %lt3A_72 = arith.cmpf olt, %get3A_69, %scan3A_63#0 : vector<16xf32>
      %lt3A_73 = arith.cmpf olt, %get3A_69, %scan3A_63#1 : vector<16xf32>
      %lt3A_74 = arith.cmpf olt, %get3A_69, %scan3A_63#2 : vector<16xf32>
      %select_n3A_75 = arith.select %lt3A_73, %scan3A_63#1, %get3A_69 : vector<16xi1>, vector<16xf32>
      %select_n3A_76 = arith.select %lt3A_74, %select_n3A_75, %scan3A_63#2 : vector<16xi1>, vector<16xf32>
      %select_n3A_77 = arith.select %lt3A_73, %scan3A_63#4, %broadcast_in_dim3A_71 : vector<16xi1>, vector<16xi32>
      %select_n3A_78 = arith.select %lt3A_74, %select_n3A_77, %scan3A_63#5 : vector<16xi1>, vector<16xi32>
      %select_n3A_79 = arith.select %lt3A_72, %scan3A_63#0, %get3A_69 : vector<16xi1>, vector<16xf32>
      %select_n3A_80 = arith.select %lt3A_73, %select_n3A_79, %scan3A_63#1 : vector<16xi1>, vector<16xf32>
      %select_n3A_81 = arith.select %lt3A_72, %scan3A_63#3, %broadcast_in_dim3A_71 : vector<16xi1>, vector<16xi32>
      %select_n3A_82 = arith.select %lt3A_73, %select_n3A_81, %scan3A_63#4 : vector<16xi1>, vector<16xi32>
      %select_n3A_83 = arith.select %lt3A_72, %get3A_69, %scan3A_63#0 : vector<16xi1>, vector<16xf32>
      %select_n3A_84 = arith.select %lt3A_72, %broadcast_in_dim3A_71, %scan3A_63#3 : vector<16xi1>, vector<16xi32>
      %min3A_85 = arith.constant 64 : i32
      %min3A_86 = arith.constant 64 : i32
      %min3A_87 = arith.minsi %min3A_85, %min3A_86 : i32
      %get3A_88 = arith.index_cast %min3A_87 : i32 to index
      %get3A_89 = arith.constant 0 : index
      %get3A_90 = tpu.vector_load %arg4[%get3A_88, %get3A_89] {strides = array<i32>} : memref<72x16xf32, #tpu.memory_space<vmem>>, vector<1x16xf32>,
      %get3A_91 = vector.shape_cast %get3A_90 : vector<1x16xf32> to vector<16xf32>
      %broadcast_in_dim3A_92 = arith.constant 64 : i32
      %broadcast_in_dim3A_93 = vector.broadcast %broadcast_in_dim3A_92 : i32 to vector<16xi32>
      %lt3A_94 = arith.cmpf olt, %get3A_91, %select_n3A_83 : vector<16xf32>
      %lt3A_95 = arith.cmpf olt, %get3A_91, %select_n3A_80 : vector<16xf32>
      %lt3A_96 = arith.cmpf olt, %get3A_91, %select_n3A_76 : vector<16xf32>
      %select_n3A_97 = arith.select %lt3A_95, %select_n3A_80, %get3A_91 : vector<16xi1>, vector<16xf32>
      %select_n3A_98 = arith.select %lt3A_96, %select_n3A_97, %select_n3A_76 : vector<16xi1>, vector<16xf32>
      %select_n3A_99 = arith.select %lt3A_95, %select_n3A_82, %broadcast_in_dim3A_93 : vector<16xi1>, vector<16xi32>
      %select_n3A_100 = arith.select %lt3A_96, %select_n3A_99, %select_n3A_78 : vector<16xi1>, vector<16xi32>
      %select_n3A_101 = arith.select %lt3A_94, %select_n3A_83, %get3A_91 : vector<16xi1>, vector<16xf32>
      %select_n3A_102 = arith.select %lt3A_95, %select_n3A_101, %select_n3A_80 : vector<16xi1>, vector<16xf32>
      %select_n3A_103 = arith.select %lt3A_94, %select_n3A_84, %broadcast_in_dim3A_93 : vector<16xi1>, vector<16xi32>
      %select_n3A_104 = arith.select %lt3A_95, %select_n3A_103, %select_n3A_82 : vector<16xi1>, vector<16xi32>
      %select_n3A_105 = arith.select %lt3A_94, %get3A_91, %select_n3A_83 : vector<16xi1>, vector<16xf32>
      %select_n3A_106 = arith.select %lt3A_94, %broadcast_in_dim3A_93, %select_n3A_84 : vector<16xi1>, vector<16xi32>
      %min3A_107 = arith.constant 64 : i32
      %min3A_108 = arith.constant 64 : i32
      %min3A_109 = arith.minsi %min3A_107, %min3A_108 : i32
      %get3A_110 = arith.index_cast %min3A_109 : i32 to index
      %get3A_111 = arith.constant 0 : index
      %get3A_112 = tpu.vector_load %arg4[%get3A_110, %get3A_111] {strides = array<i32>} : memref<72x16xf32, #tpu.memory_space<vmem>>, vector<1x16xf32>,
      %get3A_113 = vector.shape_cast %get3A_112 : vector<1x16xf32> to vector<16xf32>
      %broadcast_in_dim3A_114 = arith.constant 64 : i32
      %broadcast_in_dim3A_115 = vector.broadcast %broadcast_in_dim3A_114 : i32 to vector<16xi32>
      %lt3A_116 = arith.cmpf olt, %get3A_113, %select_n3A_105 : vector<16xf32>
      %lt3A_117 = arith.cmpf olt, %get3A_113, %select_n3A_102 : vector<16xf32>
      %lt3A_118 = arith.cmpf olt, %get3A_113, %select_n3A_98 : vector<16xf32>
      %select_n3A_119 = arith.select %lt3A_117, %select_n3A_102, %get3A_113 : vector<16xi1>, vector<16xf32>
      %select_n3A_120 = arith.select %lt3A_118, %select_n3A_119, %select_n3A_98 : vector<16xi1>, vector<16xf32>
      %select_n3A_121 = arith.select %lt3A_117, %select_n3A_104, %broadcast_in_dim3A_115 : vector<16xi1>, vector<16xi32>
      %select_n3A_122 = arith.select %lt3A_118, %select_n3A_121, %select_n3A_100 : vector<16xi1>, vector<16xi32>
      %select_n3A_123 = arith.select %lt3A_116, %select_n3A_105, %get3A_113 : vector<16xi1>, vector<16xf32>
      %select_n3A_124 = arith.select %lt3A_117, %select_n3A_123, %select_n3A_102 : vector<16xi1>, vector<16xf32>
      %select_n3A_125 = arith.select %lt3A_116, %select_n3A_106, %broadcast_in_dim3A_115 : vector<16xi1>, vector<16xi32>
      %select_n3A_126 = arith.select %lt3A_117, %select_n3A_125, %select_n3A_104 : vector<16xi1>, vector<16xi32>
      %select_n3A_127 = arith.select %lt3A_116, %get3A_113, %select_n3A_105 : vector<16xi1>, vector<16xf32>
      %select_n3A_128 = arith.select %lt3A_116, %broadcast_in_dim3A_115, %select_n3A_106 : vector<16xi1>, vector<16xi32>
      %swap3A = arith.constant 0 : i32
      %swap3A_129 = arith.index_cast %swap3A : i32 to index
      %swap3A_130 = arith.constant 0 : index
      %swap3A_131 = tpu.vector_load %arg5[%swap3A_129, %swap3A_130] {strides = array<i32>} : memref<3x16xi32, #tpu.memory_space<vmem>>, vector<1x16xi32>,
      %swap3A_132 = vector.shape_cast %swap3A_131 : vector<1x16xi32> to vector<16xi32>
      %swap3A_133 = vector.shape_cast %select_n3A_128 : vector<16xi32> to vector<1x16xi32>
      tpu.vector_store %arg5[%swap3A_129, %swap3A_130], %swap3A_133 {strides = array<i32>} : memref<3x16xi32, #tpu.memory_space<vmem>>, vector<1x16xi32>,
      %swap3A_134 = arith.constant 1 : i32
      %swap3A_135 = arith.index_cast %swap3A_134 : i32 to index
      %swap3A_136 = arith.constant 0 : index
      %swap3A_137 = tpu.vector_load %arg5[%swap3A_135, %swap3A_136] {strides = array<i32>} : memref<3x16xi32, #tpu.memory_space<vmem>>, vector<1x16xi32>,
      %swap3A_138 = vector.shape_cast %swap3A_137 : vector<1x16xi32> to vector<16xi32>
      %swap3A_139 = vector.shape_cast %select_n3A_126 : vector<16xi32> to vector<1x16xi32>
      tpu.vector_store %arg5[%swap3A_135, %swap3A_136], %swap3A_139 {strides = array<i32>} : memref<3x16xi32, #tpu.memory_space<vmem>>, vector<1x16xi32>,
      %swap3A_140 = arith.constant 2 : i32
      %swap3A_141 = arith.index_cast %swap3A_140 : i32 to index
      %swap3A_142 = arith.constant 0 : index
      %swap3A_143 = tpu.vector_load %arg5[%swap3A_141, %swap3A_142] {strides = array<i32>} : memref<3x16xi32, #tpu.memory_space<vmem>>, vector<1x16xi32>,
      %swap3A_144 = vector.shape_cast %swap3A_143 : vector<1x16xi32> to vector<16xi32>
      %swap3A_145 = vector.shape_cast %select_n3A_122 : vector<16xi32> to vector<1x16xi32>
      tpu.vector_store %arg5[%swap3A_141, %swap3A_142], %swap3A_145 {strides = array<i32>} : memref<3x16xi32, #tpu.memory_space<vmem>>, vector<1x16xi32>,
      "tpu.region"() ({
        %run_scoped3A = tpu.sem_alloc : memref<!tpu.dma_semaphore, #tpu.memory_space<semaphore_mem>>
        %dma_start3A = arith.constant 0 : i32
        %dma_start3A_146 = arith.constant 0 : i32
        %dma_start3A_147 = tpu.memref_slice %arg3[%select_n3A, %select_n3A_59, %dma_start3A, %dma_start3A_146] : memref<25x4x3x16xi32, #tpu.memory_space<hbm>> -> memref<1x1x3x16xi32, #tpu.memory_space<hbm>>
        %dma_start3A_148 = tpu.memref_squeeze %dma_start3A_147 : memref<1x1x3x16xi32, #tpu.memory_space<hbm>> -> memref<3x16xi32, #tpu.memory_space<hbm>>
        %dma_start3A_149 = arith.constant 0 : i32
        %dma_start3A_150 = arith.constant 0 : i32
        %dma_start3A_151 = tpu.memref_slice %arg3[%select_n3A, %select_n3A_59, %dma_start3A_149, %dma_start3A_150] : memref<25x4x3x16xi32, #tpu.memory_space<hbm>> -> memref<1x1x3x16xi32, #tpu.memory_space<hbm>>
        %dma_start3A_152 = tpu.memref_squeeze %dma_start3A_151 : memref<1x1x3x16xi32, #tpu.memory_space<hbm>> -> memref<3x16xi32, #tpu.memory_space<hbm>>
        tpu.enqueue_dma source(%arg5 : memref<3x16xi32, #tpu.memory_space<vmem>>) target(%dma_start3A_152 : memref<3x16xi32, #tpu.memory_space<hbm>>) target_semaphore(%run_scoped3A : memref<!tpu.dma_semaphore, #tpu.memory_space<semaphore_mem>>)
        %dma_wait3A = arith.constant 0 : i32
        %dma_wait3A_153 = arith.constant 0 : i32
        %dma_wait3A_154 = tpu.memref_slice %arg3[%select_n3A, %select_n3A_59, %dma_wait3A, %dma_wait3A_153] : memref<25x4x3x16xi32, #tpu.memory_space<hbm>> -> memref<1x1x3x16xi32, #tpu.memory_space<hbm>>
        %dma_wait3A_155 = tpu.memref_squeeze %dma_wait3A_154 : memref<1x1x3x16xi32, #tpu.memory_space<hbm>> -> memref<3x16xi32, #tpu.memory_space<hbm>>
        %dma_wait3A_156 = arith.constant 0 : i32
        %dma_wait3A_157 = arith.constant 0 : i32
        %dma_wait3A_158 = tpu.memref_slice %arg3[%select_n3A, %select_n3A_59, %dma_wait3A_156, %dma_wait3A_157] : memref<25x4x3x16xi32, #tpu.memory_space<hbm>> -> memref<1x1x3x16xi32, #tpu.memory_space<hbm>>
        %dma_wait3A_159 = tpu.memref_squeeze %dma_wait3A_158 : memref<1x1x3x16xi32, #tpu.memory_space<hbm>> -> memref<3x16xi32, #tpu.memory_space<hbm>>
        tpu.wait_dma2 semaphore(%run_scoped3A : memref<!tpu.dma_semaphore, #tpu.memory_space<semaphore_mem>>) src(%arg5 : memref<3x16xi32, #tpu.memory_space<vmem>>) dst(%dma_wait3A_159 : memref<3x16xi32, #tpu.memory_space<hbm>>)
        tpu.yield
      }) : () -> ()
    } else {
    }
    return
  }
}

module attributes {stable_mosaic.version = 14 : i64} {
  func.func @_dist_kernel(%arg0: i32, %arg1: memref<5x32x1024xf32, #tpu.memory_space<vmem>>, %arg2: memref<1024x1024xf32, #tpu.memory_space<vmem>>, %arg3: memref<5x4x72x16xf32, #tpu.memory_space<vmem>>) attributes {dimension_semantics = [#tpu.dimension_semantics<arbitrary>], iteration_bounds = array<i64: 5>, scalar_prefetch = 0 : i64, scratch_operands = 0 : i64, tpu.core_type = #tpu.core_type<tc>, window_params = [{transform_indices = @transform_0, window_bounds = array<i64: 5, 32, 1024>}, {pipeline_mode = #tpu.pipeline_mode<synchronous>, transform_indices = @transform_1, window_bounds = array<i64: 1024, 1024>}, {transform_indices = @transform_2, window_bounds = array<i64: 5, 4, 72, 16>}]} {
    %get3A = arith.constant 0 : index
    %get3A_0 = arith.constant 0 : index
    %get3A_1 = arith.constant 0 : index
    %get3A_2 = vector.load %arg1[%get3A, %get3A_0, %get3A_1] : memref<5x32x1024xf32, #tpu.memory_space<vmem>>, vector<1x32x1024xf32>
    %get3A_3 = vector.shape_cast %get3A_2 : vector<1x32x1024xf32> to vector<32x1024xf32>
    %get3A_4 = arith.constant 0 : index
    %get3A_5 = arith.constant 0 : index
    %get3A_6 = vector.load %arg2[%get3A_4, %get3A_5] : memref<1024x1024xf32, #tpu.memory_space<vmem>>, vector<1024x1024xf32>
    %dot_general3A = arith.constant dense<0.000000e+00> : vector<32x1024xf32>
    %dot_general3A_7 = tpu.matmul %get3A_3, %get3A_6, %dot_general3A {dimension_numbers = #tpu.dot_dimension_numbers<[1], [0], [0], [1], [0, 0, 1, 1], [], []>, transpose_lhs_hint = false} : vector<32x1024xf32>, vector<1024x1024xf32>, vector<32x1024xf32> -> vector<32x1024xf32>
    %mul3A = arith.mulf %dot_general3A_7, %dot_general3A_7 : vector<32x1024xf32>
    %broadcast_in_dim3A = arith.constant 1.000000e+00 : f32
    %broadcast_in_dim3A_8 = vector.broadcast %broadcast_in_dim3A : f32 to vector<1x32xf32>
    %broadcast_in_dim3A_9 = arith.constant 0.000000e+00 : f32
    %broadcast_in_dim3A_10 = vector.broadcast %broadcast_in_dim3A_9 : f32 to vector<64x64xf32>
    %broadcast_in_dim3A_11 = arith.constant 0.000000e+00 : f32
    %broadcast_in_dim3A_12 = vector.broadcast %broadcast_in_dim3A_11 : f32 to vector<64x64xf32>
    %broadcast_in_dim3A_13 = arith.constant 0.000000e+00 : f32
    %broadcast_in_dim3A_14 = vector.broadcast %broadcast_in_dim3A_13 : f32 to vector<64x64xf32>
    %broadcast_in_dim3A_15 = arith.constant 0.000000e+00 : f32
    %broadcast_in_dim3A_16 = vector.broadcast %broadcast_in_dim3A_15 : f32 to vector<64x64xf32>
    %slice3A = vector.extract_strided_slice %dot_general3A_7 {offsets = [0, 0], sizes = [32, 64], strides = [1, 1]} : vector<32x1024xf32> to vector<32x64xf32>
    %dot_general3A_17 = arith.constant dense<0.000000e+00> : vector<64x64xf32>
    %dot_general3A_18 = tpu.matmul %slice3A, %slice3A, %dot_general3A_17 {dimension_numbers = #tpu.dot_dimension_numbers<[0], [0], [1], [1], [0, 1, 1, 1], [], []>, transpose_lhs_hint = false} : vector<32x64xf32>, vector<32x64xf32>, vector<64x64xf32> -> vector<64x64xf32>
    %add3A = arith.addf %broadcast_in_dim3A_10, %dot_general3A_18 : vector<64x64xf32>
    %slice3A_19 = vector.extract_strided_slice %dot_general3A_7 {offsets = [0, 64], sizes = [32, 64], strides = [1, 1]} : vector<32x1024xf32> to vector<32x64xf32>
    %dot_general3A_20 = arith.constant dense<0.000000e+00> : vector<64x64xf32>
    %dot_general3A_21 = tpu.matmul %slice3A_19, %slice3A_19, %dot_general3A_20 {dimension_numbers = #tpu.dot_dimension_numbers<[0], [0], [1], [1], [0, 1, 1, 1], [], []>, transpose_lhs_hint = false} : vector<32x64xf32>, vector<32x64xf32>, vector<64x64xf32> -> vector<64x64xf32>
    %add3A_22 = arith.addf %broadcast_in_dim3A_12, %dot_general3A_21 : vector<64x64xf32>
    %slice3A_23 = vector.extract_strided_slice %dot_general3A_7 {offsets = [0, 128], sizes = [32, 64], strides = [1, 1]} : vector<32x1024xf32> to vector<32x64xf32>
    %dot_general3A_24 = arith.constant dense<0.000000e+00> : vector<64x64xf32>
    %dot_general3A_25 = tpu.matmul %slice3A_23, %slice3A_23, %dot_general3A_24 {dimension_numbers = #tpu.dot_dimension_numbers<[0], [0], [1], [1], [0, 1, 1, 1], [], []>, transpose_lhs_hint = false} : vector<32x64xf32>, vector<32x64xf32>, vector<64x64xf32> -> vector<64x64xf32>
    %add3A_26 = arith.addf %broadcast_in_dim3A_14, %dot_general3A_25 : vector<64x64xf32>
    %slice3A_27 = vector.extract_strided_slice %dot_general3A_7 {offsets = [0, 192], sizes = [32, 64], strides = [1, 1]} : vector<32x1024xf32> to vector<32x64xf32>
    %dot_general3A_28 = arith.constant dense<0.000000e+00> : vector<64x64xf32>
    %dot_general3A_29 = tpu.matmul %slice3A_27, %slice3A_27, %dot_general3A_28 {dimension_numbers = #tpu.dot_dimension_numbers<[0], [0], [1], [1], [0, 1, 1, 1], [], []>, transpose_lhs_hint = false} : vector<32x64xf32>, vector<32x64xf32>, vector<64x64xf32> -> vector<64x64xf32>
    %add3A_30 = arith.addf %broadcast_in_dim3A_16, %dot_general3A_29 : vector<64x64xf32>
    %slice3A_31 = vector.extract_strided_slice %dot_general3A_7 {offsets = [0, 256], sizes = [32, 64], strides = [1, 1]} : vector<32x1024xf32> to vector<32x64xf32>
    %dot_general3A_32 = arith.constant dense<0.000000e+00> : vector<64x64xf32>
    %dot_general3A_33 = tpu.matmul %slice3A_31, %slice3A_31, %dot_general3A_32 {dimension_numbers = #tpu.dot_dimension_numbers<[0], [0], [1], [1], [0, 1, 1, 1], [], []>, transpose_lhs_hint = false} : vector<32x64xf32>, vector<32x64xf32>, vector<64x64xf32> -> vector<64x64xf32>
    %add3A_34 = arith.addf %add3A, %dot_general3A_33 : vector<64x64xf32>
    %slice3A_35 = vector.extract_strided_slice %dot_general3A_7 {offsets = [0, 320], sizes = [32, 64], strides = [1, 1]} : vector<32x1024xf32> to vector<32x64xf32>
    %dot_general3A_36 = arith.constant dense<0.000000e+00> : vector<64x64xf32>
    %dot_general3A_37 = tpu.matmul %slice3A_35, %slice3A_35, %dot_general3A_36 {dimension_numbers = #tpu.dot_dimension_numbers<[0], [0], [1], [1], [0, 1, 1, 1], [], []>, transpose_lhs_hint = false} : vector<32x64xf32>, vector<32x64xf32>, vector<64x64xf32> -> vector<64x64xf32>
    %add3A_38 = arith.addf %add3A_22, %dot_general3A_37 : vector<64x64xf32>
    %slice3A_39 = vector.extract_strided_slice %dot_general3A_7 {offsets = [0, 384], sizes = [32, 64], strides = [1, 1]} : vector<32x1024xf32> to vector<32x64xf32>
    %dot_general3A_40 = arith.constant dense<0.000000e+00> : vector<64x64xf32>
    %dot_general3A_41 = tpu.matmul %slice3A_39, %slice3A_39, %dot_general3A_40 {dimension_numbers = #tpu.dot_dimension_numbers<[0], [0], [1], [1], [0, 1, 1, 1], [], []>, transpose_lhs_hint = false} : vector<32x64xf32>, vector<32x64xf32>, vector<64x64xf32> -> vector<64x64xf32>
    %add3A_42 = arith.addf %add3A_26, %dot_general3A_41 : vector<64x64xf32>
    %slice3A_43 = vector.extract_strided_slice %dot_general3A_7 {offsets = [0, 448], sizes = [32, 64], strides = [1, 1]} : vector<32x1024xf32> to vector<32x64xf32>
    %dot_general3A_44 = arith.constant dense<0.000000e+00> : vector<64x64xf32>
    %dot_general3A_45 = tpu.matmul %slice3A_43, %slice3A_43, %dot_general3A_44 {dimension_numbers = #tpu.dot_dimension_numbers<[0], [0], [1], [1], [0, 1, 1, 1], [], []>, transpose_lhs_hint = false} : vector<32x64xf32>, vector<32x64xf32>, vector<64x64xf32> -> vector<64x64xf32>
    %add3A_46 = arith.addf %add3A_30, %dot_general3A_45 : vector<64x64xf32>
    %slice3A_47 = vector.extract_strided_slice %dot_general3A_7 {offsets = [0, 512], sizes = [32, 64], strides = [1, 1]} : vector<32x1024xf32> to vector<32x64xf32>
    %dot_general3A_48 = arith.constant dense<0.000000e+00> : vector<64x64xf32>
    %dot_general3A_49 = tpu.matmul %slice3A_47, %slice3A_47, %dot_general3A_48 {dimension_numbers = #tpu.dot_dimension_numbers<[0], [0], [1], [1], [0, 1, 1, 1], [], []>, transpose_lhs_hint = false} : vector<32x64xf32>, vector<32x64xf32>, vector<64x64xf32> -> vector<64x64xf32>
    %add3A_50 = arith.addf %add3A_34, %dot_general3A_49 : vector<64x64xf32>
    %slice3A_51 = vector.extract_strided_slice %dot_general3A_7 {offsets = [0, 576], sizes = [32, 64], strides = [1, 1]} : vector<32x1024xf32> to vector<32x64xf32>
    %dot_general3A_52 = arith.constant dense<0.000000e+00> : vector<64x64xf32>
    %dot_general3A_53 = tpu.matmul %slice3A_51, %slice3A_51, %dot_general3A_52 {dimension_numbers = #tpu.dot_dimension_numbers<[0], [0], [1], [1], [0, 1, 1, 1], [], []>, transpose_lhs_hint = false} : vector<32x64xf32>, vector<32x64xf32>, vector<64x64xf32> -> vector<64x64xf32>
    %add3A_54 = arith.addf %add3A_38, %dot_general3A_53 : vector<64x64xf32>
    %slice3A_55 = vector.extract_strided_slice %dot_general3A_7 {offsets = [0, 640], sizes = [32, 64], strides = [1, 1]} : vector<32x1024xf32> to vector<32x64xf32>
    %dot_general3A_56 = arith.constant dense<0.000000e+00> : vector<64x64xf32>
    %dot_general3A_57 = tpu.matmul %slice3A_55, %slice3A_55, %dot_general3A_56 {dimension_numbers = #tpu.dot_dimension_numbers<[0], [0], [1], [1], [0, 1, 1, 1], [], []>, transpose_lhs_hint = false} : vector<32x64xf32>, vector<32x64xf32>, vector<64x64xf32> -> vector<64x64xf32>
    %add3A_58 = arith.addf %add3A_42, %dot_general3A_57 : vector<64x64xf32>
    %slice3A_59 = vector.extract_strided_slice %dot_general3A_7 {offsets = [0, 704], sizes = [32, 64], strides = [1, 1]} : vector<32x1024xf32> to vector<32x64xf32>
    %dot_general3A_60 = arith.constant dense<0.000000e+00> : vector<64x64xf32>
    %dot_general3A_61 = tpu.matmul %slice3A_59, %slice3A_59, %dot_general3A_60 {dimension_numbers = #tpu.dot_dimension_numbers<[0], [0], [1], [1], [0, 1, 1, 1], [], []>, transpose_lhs_hint = false} : vector<32x64xf32>, vector<32x64xf32>, vector<64x64xf32> -> vector<64x64xf32>
    %add3A_62 = arith.addf %add3A_46, %dot_general3A_61 : vector<64x64xf32>
    %slice3A_63 = vector.extract_strided_slice %dot_general3A_7 {offsets = [0, 768], sizes = [32, 64], strides = [1, 1]} : vector<32x1024xf32> to vector<32x64xf32>
    %dot_general3A_64 = arith.constant dense<0.000000e+00> : vector<64x64xf32>
    %dot_general3A_65 = tpu.matmul %slice3A_63, %slice3A_63, %dot_general3A_64 {dimension_numbers = #tpu.dot_dimension_numbers<[0], [0], [1], [1], [0, 1, 1, 1], [], []>, transpose_lhs_hint = false} : vector<32x64xf32>, vector<32x64xf32>, vector<64x64xf32> -> vector<64x64xf32>
    %add3A_66 = arith.addf %add3A_50, %dot_general3A_65 : vector<64x64xf32>
    %slice3A_67 = vector.extract_strided_slice %dot_general3A_7 {offsets = [0, 832], sizes = [32, 64], strides = [1, 1]} : vector<32x1024xf32> to vector<32x64xf32>
    %dot_general3A_68 = arith.constant dense<0.000000e+00> : vector<64x64xf32>
    %dot_general3A_69 = tpu.matmul %slice3A_67, %slice3A_67, %dot_general3A_68 {dimension_numbers = #tpu.dot_dimension_numbers<[0], [0], [1], [1], [0, 1, 1, 1], [], []>, transpose_lhs_hint = false} : vector<32x64xf32>, vector<32x64xf32>, vector<64x64xf32> -> vector<64x64xf32>
    %add3A_70 = arith.addf %add3A_54, %dot_general3A_69 : vector<64x64xf32>
    %slice3A_71 = vector.extract_strided_slice %dot_general3A_7 {offsets = [0, 896], sizes = [32, 64], strides = [1, 1]} : vector<32x1024xf32> to vector<32x64xf32>
    %dot_general3A_72 = arith.constant dense<0.000000e+00> : vector<64x64xf32>
    %dot_general3A_73 = tpu.matmul %slice3A_71, %slice3A_71, %dot_general3A_72 {dimension_numbers = #tpu.dot_dimension_numbers<[0], [0], [1], [1], [0, 1, 1, 1], [], []>, transpose_lhs_hint = false} : vector<32x64xf32>, vector<32x64xf32>, vector<64x64xf32> -> vector<64x64xf32>
    %add3A_74 = arith.addf %add3A_58, %dot_general3A_73 : vector<64x64xf32>
    %slice3A_75 = vector.extract_strided_slice %dot_general3A_7 {offsets = [0, 960], sizes = [32, 64], strides = [1, 1]} : vector<32x1024xf32> to vector<32x64xf32>
    %dot_general3A_76 = arith.constant dense<0.000000e+00> : vector<64x64xf32>
    %dot_general3A_77 = tpu.matmul %slice3A_75, %slice3A_75, %dot_general3A_76 {dimension_numbers = #tpu.dot_dimension_numbers<[0], [0], [1], [1], [0, 1, 1, 1], [], []>, transpose_lhs_hint = false} : vector<32x64xf32>, vector<32x64xf32>, vector<64x64xf32> -> vector<64x64xf32>
    %add3A_78 = arith.addf %add3A_62, %dot_general3A_77 : vector<64x64xf32>
    %add3A_79 = arith.addf %add3A_66, %add3A_70 : vector<64x64xf32>
    %add3A_80 = arith.addf %add3A_74, %add3A_78 : vector<64x64xf32>
    %add3A_81 = arith.addf %add3A_79, %add3A_80 : vector<64x64xf32>
    %dot_general3A_82 = arith.constant dense<0.000000e+00> : vector<1x1024xf32>
    %dot_general3A_83 = tpu.matmul %broadcast_in_dim3A_8, %mul3A, %dot_general3A_82 {dimension_numbers = #tpu.dot_dimension_numbers<[1], [0], [0], [1], [0, 0, 1, 1], [], []>, transpose_lhs_hint = false} : vector<1x32xf32>, vector<32x1024xf32>, vector<1x1024xf32> -> vector<1x1024xf32>
    %broadcast_in_dim3A_84 = arith.constant 0.000000e+00 : f32
    %broadcast_in_dim3A_85 = vector.broadcast %broadcast_in_dim3A_84 : f32 to vector<1x64xf32>
    %slice3A_86 = vector.extract_strided_slice %dot_general3A_83 {offsets = [0, 0], sizes = [1, 64], strides = [1, 1]} : vector<1x1024xf32> to vector<1x64xf32>
    %add3A_87 = arith.addf %broadcast_in_dim3A_85, %slice3A_86 : vector<1x64xf32>
    %slice3A_88 = vector.extract_strided_slice %dot_general3A_83 {offsets = [0, 64], sizes = [1, 64], strides = [1, 1]} : vector<1x1024xf32> to vector<1x64xf32>
    %add3A_89 = arith.addf %add3A_87, %slice3A_88 : vector<1x64xf32>
    %slice3A_90 = vector.extract_strided_slice %dot_general3A_83 {offsets = [0, 128], sizes = [1, 64], strides = [1, 1]} : vector<1x1024xf32> to vector<1x64xf32>
    %add3A_91 = arith.addf %add3A_89, %slice3A_90 : vector<1x64xf32>
    %slice3A_92 = vector.extract_strided_slice %dot_general3A_83 {offsets = [0, 192], sizes = [1, 64], strides = [1, 1]} : vector<1x1024xf32> to vector<1x64xf32>
    %add3A_93 = arith.addf %add3A_91, %slice3A_92 : vector<1x64xf32>
    %slice3A_94 = vector.extract_strided_slice %dot_general3A_83 {offsets = [0, 256], sizes = [1, 64], strides = [1, 1]} : vector<1x1024xf32> to vector<1x64xf32>
    %add3A_95 = arith.addf %add3A_93, %slice3A_94 : vector<1x64xf32>
    %slice3A_96 = vector.extract_strided_slice %dot_general3A_83 {offsets = [0, 320], sizes = [1, 64], strides = [1, 1]} : vector<1x1024xf32> to vector<1x64xf32>
    %add3A_97 = arith.addf %add3A_95, %slice3A_96 : vector<1x64xf32>
    %slice3A_98 = vector.extract_strided_slice %dot_general3A_83 {offsets = [0, 384], sizes = [1, 64], strides = [1, 1]} : vector<1x1024xf32> to vector<1x64xf32>
    %add3A_99 = arith.addf %add3A_97, %slice3A_98 : vector<1x64xf32>
    %slice3A_100 = vector.extract_strided_slice %dot_general3A_83 {offsets = [0, 448], sizes = [1, 64], strides = [1, 1]} : vector<1x1024xf32> to vector<1x64xf32>
    %add3A_101 = arith.addf %add3A_99, %slice3A_100 : vector<1x64xf32>
    %slice3A_102 = vector.extract_strided_slice %dot_general3A_83 {offsets = [0, 512], sizes = [1, 64], strides = [1, 1]} : vector<1x1024xf32> to vector<1x64xf32>
    %add3A_103 = arith.addf %add3A_101, %slice3A_102 : vector<1x64xf32>
    %slice3A_104 = vector.extract_strided_slice %dot_general3A_83 {offsets = [0, 576], sizes = [1, 64], strides = [1, 1]} : vector<1x1024xf32> to vector<1x64xf32>
    %add3A_105 = arith.addf %add3A_103, %slice3A_104 : vector<1x64xf32>
    %slice3A_106 = vector.extract_strided_slice %dot_general3A_83 {offsets = [0, 640], sizes = [1, 64], strides = [1, 1]} : vector<1x1024xf32> to vector<1x64xf32>
    %add3A_107 = arith.addf %add3A_105, %slice3A_106 : vector<1x64xf32>
    %slice3A_108 = vector.extract_strided_slice %dot_general3A_83 {offsets = [0, 704], sizes = [1, 64], strides = [1, 1]} : vector<1x1024xf32> to vector<1x64xf32>
    %add3A_109 = arith.addf %add3A_107, %slice3A_108 : vector<1x64xf32>
    %slice3A_110 = vector.extract_strided_slice %dot_general3A_83 {offsets = [0, 768], sizes = [1, 64], strides = [1, 1]} : vector<1x1024xf32> to vector<1x64xf32>
    %add3A_111 = arith.addf %add3A_109, %slice3A_110 : vector<1x64xf32>
    %slice3A_112 = vector.extract_strided_slice %dot_general3A_83 {offsets = [0, 832], sizes = [1, 64], strides = [1, 1]} : vector<1x1024xf32> to vector<1x64xf32>
    %add3A_113 = arith.addf %add3A_111, %slice3A_112 : vector<1x64xf32>
    %slice3A_114 = vector.extract_strided_slice %dot_general3A_83 {offsets = [0, 896], sizes = [1, 64], strides = [1, 1]} : vector<1x1024xf32> to vector<1x64xf32>
    %add3A_115 = arith.addf %add3A_113, %slice3A_114 : vector<1x64xf32>
    %slice3A_116 = vector.extract_strided_slice %dot_general3A_83 {offsets = [0, 960], sizes = [1, 64], strides = [1, 1]} : vector<1x1024xf32> to vector<1x64xf32>
    %add3A_117 = arith.addf %add3A_115, %slice3A_116 : vector<1x64xf32>
    %transpose3A = tpu.transpose %add3A_117, [1, 0] : vector<1x64xf32> -> vector<64x1xf32>
    %add3A_118 = vector.broadcast %transpose3A : vector<64x1xf32> to vector<64x64xf32>
    %add3A_119 = vector.broadcast %add3A_117 : vector<1x64xf32> to vector<64x64xf32>
    %add3A_120 = arith.addf %add3A_118, %add3A_119 : vector<64x64xf32>
    %mul3A_121 = arith.constant 2.000000e+00 : f32
    %mul3A_122 = vector.broadcast %mul3A_121 : f32 to vector<64x64xf32>
    %mul3A_123 = arith.mulf %mul3A_122, %add3A_81 : vector<64x64xf32>
    %sub3A = arith.subf %add3A_120, %mul3A_123 : vector<64x64xf32>
    %broadcast_in_dim3A_124 = vector.shape_cast %add3A_117 : vector<1x64xf32> to vector<1x64xf32>
    %broadcast_in_dim3A_125 = vector.broadcast %broadcast_in_dim3A_124 : vector<1x64xf32> to vector<8x64xf32>
    %concatenate3A = tpu.concatenate %sub3A, %broadcast_in_dim3A_125 in 0 : vector<64x64xf32>, vector<8x64xf32> -> vector<72x64xf32>
    %slice3A_126 = vector.extract_strided_slice %concatenate3A {offsets = [0, 0], sizes = [72, 16], strides = [1, 1]} : vector<72x64xf32> to vector<72x16xf32>
    %swap3A = arith.constant 0 : index
    %swap3A_127 = arith.constant 0 : index
    %swap3A_128 = arith.constant 0 : index
    %swap3A_129 = arith.constant 0 : index
    %swap3A_130 = vector.load %arg3[%swap3A, %swap3A_127, %swap3A_128, %swap3A_129] : memref<5x4x72x16xf32, #tpu.memory_space<vmem>>, vector<1x1x72x16xf32>
    %swap3A_131 = vector.shape_cast %swap3A_130 : vector<1x1x72x16xf32> to vector<72x16xf32>
    %swap3A_132 = vector.shape_cast %slice3A_126 : vector<72x16xf32> to vector<1x1x72x16xf32>
    tpu.vector_store %arg3[%swap3A, %swap3A_127, %swap3A_128, %swap3A_129], %swap3A_132 {strides = array<i32>} : memref<5x4x72x16xf32, #tpu.memory_space<vmem>>, vector<1x1x72x16xf32>,
    %slice3A_133 = vector.extract_strided_slice %concatenate3A {offsets = [0, 16], sizes = [72, 16], strides = [1, 1]} : vector<72x64xf32> to vector<72x16xf32>
    %swap3A_134 = arith.constant 0 : index
    %swap3A_135 = arith.constant 1 : index
    %swap3A_136 = arith.constant 0 : index
    %swap3A_137 = arith.constant 0 : index
    %swap3A_138 = vector.load %arg3[%swap3A_134, %swap3A_135, %swap3A_136, %swap3A_137] : memref<5x4x72x16xf32, #tpu.memory_space<vmem>>, vector<1x1x72x16xf32>
    %swap3A_139 = vector.shape_cast %swap3A_138 : vector<1x1x72x16xf32> to vector<72x16xf32>
    %swap3A_140 = vector.shape_cast %slice3A_133 : vector<72x16xf32> to vector<1x1x72x16xf32>
    tpu.vector_store %arg3[%swap3A_134, %swap3A_135, %swap3A_136, %swap3A_137], %swap3A_140 {strides = array<i32>} : memref<5x4x72x16xf32, #tpu.memory_space<vmem>>, vector<1x1x72x16xf32>,
    %slice3A_141 = vector.extract_strided_slice %concatenate3A {offsets = [0, 32], sizes = [72, 16], strides = [1, 1]} : vector<72x64xf32> to vector<72x16xf32>
    %swap3A_142 = arith.constant 0 : index
    %swap3A_143 = arith.constant 2 : index
    %swap3A_144 = arith.constant 0 : index
    %swap3A_145 = arith.constant 0 : index
    %swap3A_146 = vector.load %arg3[%swap3A_142, %swap3A_143, %swap3A_144, %swap3A_145] : memref<5x4x72x16xf32, #tpu.memory_space<vmem>>, vector<1x1x72x16xf32>
    %swap3A_147 = vector.shape_cast %swap3A_146 : vector<1x1x72x16xf32> to vector<72x16xf32>
    %swap3A_148 = vector.shape_cast %slice3A_141 : vector<72x16xf32> to vector<1x1x72x16xf32>
    tpu.vector_store %arg3[%swap3A_142, %swap3A_143, %swap3A_144, %swap3A_145], %swap3A_148 {strides = array<i32>} : memref<5x4x72x16xf32, #tpu.memory_space<vmem>>, vector<1x1x72x16xf32>,
    %slice3A_149 = vector.extract_strided_slice %concatenate3A {offsets = [0, 48], sizes = [72, 16], strides = [1, 1]} : vector<72x64xf32> to vector<72x16xf32>
    %swap3A_150 = arith.constant 0 : index
    %swap3A_151 = arith.constant 3 : index
    %swap3A_152 = arith.constant 0 : index
    %swap3A_153 = arith.constant 0 : index
    %swap3A_154 = vector.load %arg3[%swap3A_150, %swap3A_151, %swap3A_152, %swap3A_153] : memref<5x4x72x16xf32, #tpu.memory_space<vmem>>, vector<1x1x72x16xf32>
    %swap3A_155 = vector.shape_cast %swap3A_154 : vector<1x1x72x16xf32> to vector<72x16xf32>
    %swap3A_156 = vector.shape_cast %slice3A_149 : vector<72x16xf32> to vector<1x1x72x16xf32>
    tpu.vector_store %arg3[%swap3A_150, %swap3A_151, %swap3A_152, %swap3A_153], %swap3A_156 {strides = array<i32>} : memref<5x4x72x16xf32, #tpu.memory_space<vmem>>, vector<1x1x72x16xf32>,
    %get3A_157 = arith.constant 1 : index
    %get3A_158 = arith.constant 0 : index
    %get3A_159 = arith.constant 0 : index
    %get3A_160 = vector.load %arg1[%get3A_157, %get3A_158, %get3A_159] : memref<5x32x1024xf32, #tpu.memory_space<vmem>>, vector<1x32x1024xf32>
    %get3A_161 = vector.shape_cast %get3A_160 : vector<1x32x1024xf32> to vector<32x1024xf32>
    %get3A_162 = arith.constant 0 : index
    %get3A_163 = arith.constant 0 : index
    %get3A_164 = vector.load %arg2[%get3A_162, %get3A_163] : memref<1024x1024xf32, #tpu.memory_space<vmem>>, vector<1024x1024xf32>
    %dot_general3A_165 = arith.constant dense<0.000000e+00> : vector<32x1024xf32>
    %dot_general3A_166 = tpu.matmul %get3A_161, %get3A_164, %dot_general3A_165 {dimension_numbers = #tpu.dot_dimension_numbers<[1], [0], [0], [1], [0, 0, 1, 1], [], []>, transpose_lhs_hint = false} : vector<32x1024xf32>, vector<1024x1024xf32>, vector<32x1024xf32> -> vector<32x1024xf32>
    %mul3A_167 = arith.mulf %dot_general3A_166, %dot_general3A_166 : vector<32x1024xf32>
    %broadcast_in_dim3A_168 = arith.constant 1.000000e+00 : f32
    %broadcast_in_dim3A_169 = vector.broadcast %broadcast_in_dim3A_168 : f32 to vector<1x32xf32>
    %broadcast_in_dim3A_170 = arith.constant 0.000000e+00 : f32
    %broadcast_in_dim3A_171 = vector.broadcast %broadcast_in_dim3A_170 : f32 to vector<64x64xf32>
    %broadcast_in_dim3A_172 = arith.constant 0.000000e+00 : f32
    %broadcast_in_dim3A_173 = vector.broadcast %broadcast_in_dim3A_172 : f32 to vector<64x64xf32>
    %broadcast_in_dim3A_174 = arith.constant 0.000000e+00 : f32
    %broadcast_in_dim3A_175 = vector.broadcast %broadcast_in_dim3A_174 : f32 to vector<64x64xf32>
    %broadcast_in_dim3A_176 = arith.constant 0.000000e+00 : f32
    %broadcast_in_dim3A_177 = vector.broadcast %broadcast_in_dim3A_176 : f32 to vector<64x64xf32>
    %slice3A_178 = vector.extract_strided_slice %dot_general3A_166 {offsets = [0, 0], sizes = [32, 64], strides = [1, 1]} : vector<32x1024xf32> to vector<32x64xf32>
    %dot_general3A_179 = arith.constant dense<0.000000e+00> : vector<64x64xf32>
    %dot_general3A_180 = tpu.matmul %slice3A_178, %slice3A_178, %dot_general3A_179 {dimension_numbers = #tpu.dot_dimension_numbers<[0], [0], [1], [1], [0, 1, 1, 1], [], []>, transpose_lhs_hint = false} : vector<32x64xf32>, vector<32x64xf32>, vector<64x64xf32> -> vector<64x64xf32>
    %add3A_181 = arith.addf %broadcast_in_dim3A_171, %dot_general3A_180 : vector<64x64xf32>
    %slice3A_182 = vector.extract_strided_slice %dot_general3A_166 {offsets = [0, 64], sizes = [32, 64], strides = [1, 1]} : vector<32x1024xf32> to vector<32x64xf32>
    %dot_general3A_183 = arith.constant dense<0.000000e+00> : vector<64x64xf32>
    %dot_general3A_184 = tpu.matmul %slice3A_182, %slice3A_182, %dot_general3A_183 {dimension_numbers = #tpu.dot_dimension_numbers<[0], [0], [1], [1], [0, 1, 1, 1], [], []>, transpose_lhs_hint = false} : vector<32x64xf32>, vector<32x64xf32>, vector<64x64xf32> -> vector<64x64xf32>
    %add3A_185 = arith.addf %broadcast_in_dim3A_173, %dot_general3A_184 : vector<64x64xf32>
    %slice3A_186 = vector.extract_strided_slice %dot_general3A_166 {offsets = [0, 128], sizes = [32, 64], strides = [1, 1]} : vector<32x1024xf32> to vector<32x64xf32>
    %dot_general3A_187 = arith.constant dense<0.000000e+00> : vector<64x64xf32>
    %dot_general3A_188 = tpu.matmul %slice3A_186, %slice3A_186, %dot_general3A_187 {dimension_numbers = #tpu.dot_dimension_numbers<[0], [0], [1], [1], [0, 1, 1, 1], [], []>, transpose_lhs_hint = false} : vector<32x64xf32>, vector<32x64xf32>, vector<64x64xf32> -> vector<64x64xf32>
    %add3A_189 = arith.addf %broadcast_in_dim3A_175, %dot_general3A_188 : vector<64x64xf32>
    %slice3A_190 = vector.extract_strided_slice %dot_general3A_166 {offsets = [0, 192], sizes = [32, 64], strides = [1, 1]} : vector<32x1024xf32> to vector<32x64xf32>
    %dot_general3A_191 = arith.constant dense<0.000000e+00> : vector<64x64xf32>
    %dot_general3A_192 = tpu.matmul %slice3A_190, %slice3A_190, %dot_general3A_191 {dimension_numbers = #tpu.dot_dimension_numbers<[0], [0], [1], [1], [0, 1, 1, 1], [], []>, transpose_lhs_hint = false} : vector<32x64xf32>, vector<32x64xf32>, vector<64x64xf32> -> vector<64x64xf32>
    %add3A_193 = arith.addf %broadcast_in_dim3A_177, %dot_general3A_192 : vector<64x64xf32>
    %slice3A_194 = vector.extract_strided_slice %dot_general3A_166 {offsets = [0, 256], sizes = [32, 64], strides = [1, 1]} : vector<32x1024xf32> to vector<32x64xf32>
    %dot_general3A_195 = arith.constant dense<0.000000e+00> : vector<64x64xf32>
    %dot_general3A_196 = tpu.matmul %slice3A_194, %slice3A_194, %dot_general3A_195 {dimension_numbers = #tpu.dot_dimension_numbers<[0], [0], [1], [1], [0, 1, 1, 1], [], []>, transpose_lhs_hint = false} : vector<32x64xf32>, vector<32x64xf32>, vector<64x64xf32> -> vector<64x64xf32>
    %add3A_197 = arith.addf %add3A_181, %dot_general3A_196 : vector<64x64xf32>
    %slice3A_198 = vector.extract_strided_slice %dot_general3A_166 {offsets = [0, 320], sizes = [32, 64], strides = [1, 1]} : vector<32x1024xf32> to vector<32x64xf32>
    %dot_general3A_199 = arith.constant dense<0.000000e+00> : vector<64x64xf32>
    %dot_general3A_200 = tpu.matmul %slice3A_198, %slice3A_198, %dot_general3A_199 {dimension_numbers = #tpu.dot_dimension_numbers<[0], [0], [1], [1], [0, 1, 1, 1], [], []>, transpose_lhs_hint = false} : vector<32x64xf32>, vector<32x64xf32>, vector<64x64xf32> -> vector<64x64xf32>
    %add3A_201 = arith.addf %add3A_185, %dot_general3A_200 : vector<64x64xf32>
    %slice3A_202 = vector.extract_strided_slice %dot_general3A_166 {offsets = [0, 384], sizes = [32, 64], strides = [1, 1]} : vector<32x1024xf32> to vector<32x64xf32>
    %dot_general3A_203 = arith.constant dense<0.000000e+00> : vector<64x64xf32>
    %dot_general3A_204 = tpu.matmul %slice3A_202, %slice3A_202, %dot_general3A_203 {dimension_numbers = #tpu.dot_dimension_numbers<[0], [0], [1], [1], [0, 1, 1, 1], [], []>, transpose_lhs_hint = false} : vector<32x64xf32>, vector<32x64xf32>, vector<64x64xf32> -> vector<64x64xf32>
    %add3A_205 = arith.addf %add3A_189, %dot_general3A_204 : vector<64x64xf32>
    %slice3A_206 = vector.extract_strided_slice %dot_general3A_166 {offsets = [0, 448], sizes = [32, 64], strides = [1, 1]} : vector<32x1024xf32> to vector<32x64xf32>
    %dot_general3A_207 = arith.constant dense<0.000000e+00> : vector<64x64xf32>
    %dot_general3A_208 = tpu.matmul %slice3A_206, %slice3A_206, %dot_general3A_207 {dimension_numbers = #tpu.dot_dimension_numbers<[0], [0], [1], [1], [0, 1, 1, 1], [], []>, transpose_lhs_hint = false} : vector<32x64xf32>, vector<32x64xf32>, vector<64x64xf32> -> vector<64x64xf32>
    %add3A_209 = arith.addf %add3A_193, %dot_general3A_208 : vector<64x64xf32>
    %slice3A_210 = vector.extract_strided_slice %dot_general3A_166 {offsets = [0, 512], sizes = [32, 64], strides = [1, 1]} : vector<32x1024xf32> to vector<32x64xf32>
    %dot_general3A_211 = arith.constant dense<0.000000e+00> : vector<64x64xf32>
    %dot_general3A_212 = tpu.matmul %slice3A_210, %slice3A_210, %dot_general3A_211 {dimension_numbers = #tpu.dot_dimension_numbers<[0], [0], [1], [1], [0, 1, 1, 1], [], []>, transpose_lhs_hint = false} : vector<32x64xf32>, vector<32x64xf32>, vector<64x64xf32> -> vector<64x64xf32>
    %add3A_213 = arith.addf %add3A_197, %dot_general3A_212 : vector<64x64xf32>
    %slice3A_214 = vector.extract_strided_slice %dot_general3A_166 {offsets = [0, 576], sizes = [32, 64], strides = [1, 1]} : vector<32x1024xf32> to vector<32x64xf32>
    %dot_general3A_215 = arith.constant dense<0.000000e+00> : vector<64x64xf32>
    %dot_general3A_216 = tpu.matmul %slice3A_214, %slice3A_214, %dot_general3A_215 {dimension_numbers = #tpu.dot_dimension_numbers<[0], [0], [1], [1], [0, 1, 1, 1], [], []>, transpose_lhs_hint = false} : vector<32x64xf32>, vector<32x64xf32>, vector<64x64xf32> -> vector<64x64xf32>
    %add3A_217 = arith.addf %add3A_201, %dot_general3A_216 : vector<64x64xf32>
    %slice3A_218 = vector.extract_strided_slice %dot_general3A_166 {offsets = [0, 640], sizes = [32, 64], strides = [1, 1]} : vector<32x1024xf32> to vector<32x64xf32>
    %dot_general3A_219 = arith.constant dense<0.000000e+00> : vector<64x64xf32>
    %dot_general3A_220 = tpu.matmul %slice3A_218, %slice3A_218, %dot_general3A_219 {dimension_numbers = #tpu.dot_dimension_numbers<[0], [0], [1], [1], [0, 1, 1, 1], [], []>, transpose_lhs_hint = false} : vector<32x64xf32>, vector<32x64xf32>, vector<64x64xf32> -> vector<64x64xf32>
    %add3A_221 = arith.addf %add3A_205, %dot_general3A_220 : vector<64x64xf32>
    %slice3A_222 = vector.extract_strided_slice %dot_general3A_166 {offsets = [0, 704], sizes = [32, 64], strides = [1, 1]} : vector<32x1024xf32> to vector<32x64xf32>
    %dot_general3A_223 = arith.constant dense<0.000000e+00> : vector<64x64xf32>
    %dot_general3A_224 = tpu.matmul %slice3A_222, %slice3A_222, %dot_general3A_223 {dimension_numbers = #tpu.dot_dimension_numbers<[0], [0], [1], [1], [0, 1, 1, 1], [], []>, transpose_lhs_hint = false} : vector<32x64xf32>, vector<32x64xf32>, vector<64x64xf32> -> vector<64x64xf32>
    %add3A_225 = arith.addf %add3A_209, %dot_general3A_224 : vector<64x64xf32>
    %slice3A_226 = vector.extract_strided_slice %dot_general3A_166 {offsets = [0, 768], sizes = [32, 64], strides = [1, 1]} : vector<32x1024xf32> to vector<32x64xf32>
    %dot_general3A_227 = arith.constant dense<0.000000e+00> : vector<64x64xf32>
    %dot_general3A_228 = tpu.matmul %slice3A_226, %slice3A_226, %dot_general3A_227 {dimension_numbers = #tpu.dot_dimension_numbers<[0], [0], [1], [1], [0, 1, 1, 1], [], []>, transpose_lhs_hint = false} : vector<32x64xf32>, vector<32x64xf32>, vector<64x64xf32> -> vector<64x64xf32>
    %add3A_229 = arith.addf %add3A_213, %dot_general3A_228 : vector<64x64xf32>
    %slice3A_230 = vector.extract_strided_slice %dot_general3A_166 {offsets = [0, 832], sizes = [32, 64], strides = [1, 1]} : vector<32x1024xf32> to vector<32x64xf32>
    %dot_general3A_231 = arith.constant dense<0.000000e+00> : vector<64x64xf32>
    %dot_general3A_232 = tpu.matmul %slice3A_230, %slice3A_230, %dot_general3A_231 {dimension_numbers = #tpu.dot_dimension_numbers<[0], [0], [1], [1], [0, 1, 1, 1], [], []>, transpose_lhs_hint = false} : vector<32x64xf32>, vector<32x64xf32>, vector<64x64xf32> -> vector<64x64xf32>
    %add3A_233 = arith.addf %add3A_217, %dot_general3A_232 : vector<64x64xf32>
    %slice3A_234 = vector.extract_strided_slice %dot_general3A_166 {offsets = [0, 896], sizes = [32, 64], strides = [1, 1]} : vector<32x1024xf32> to vector<32x64xf32>
    %dot_general3A_235 = arith.constant dense<0.000000e+00> : vector<64x64xf32>
    %dot_general3A_236 = tpu.matmul %slice3A_234, %slice3A_234, %dot_general3A_235 {dimension_numbers = #tpu.dot_dimension_numbers<[0], [0], [1], [1], [0, 1, 1, 1], [], []>, transpose_lhs_hint = false} : vector<32x64xf32>, vector<32x64xf32>, vector<64x64xf32> -> vector<64x64xf32>
    %add3A_237 = arith.addf %add3A_221, %dot_general3A_236 : vector<64x64xf32>
    %slice3A_238 = vector.extract_strided_slice %dot_general3A_166 {offsets = [0, 960], sizes = [32, 64], strides = [1, 1]} : vector<32x1024xf32> to vector<32x64xf32>
    %dot_general3A_239 = arith.constant dense<0.000000e+00> : vector<64x64xf32>
    %dot_general3A_240 = tpu.matmul %slice3A_238, %slice3A_238, %dot_general3A_239 {dimension_numbers = #tpu.dot_dimension_numbers<[0], [0], [1], [1], [0, 1, 1, 1], [], []>, transpose_lhs_hint = false} : vector<32x64xf32>, vector<32x64xf32>, vector<64x64xf32> -> vector<64x64xf32>
    %add3A_241 = arith.addf %add3A_225, %dot_general3A_240 : vector<64x64xf32>
    %add3A_242 = arith.addf %add3A_229, %add3A_233 : vector<64x64xf32>
    %add3A_243 = arith.addf %add3A_237, %add3A_241 : vector<64x64xf32>
    %add3A_244 = arith.addf %add3A_242, %add3A_243 : vector<64x64xf32>
    %dot_general3A_245 = arith.constant dense<0.000000e+00> : vector<1x1024xf32>
    %dot_general3A_246 = tpu.matmul %broadcast_in_dim3A_169, %mul3A_167, %dot_general3A_245 {dimension_numbers = #tpu.dot_dimension_numbers<[1], [0], [0], [1], [0, 0, 1, 1], [], []>, transpose_lhs_hint = false} : vector<1x32xf32>, vector<32x1024xf32>, vector<1x1024xf32> -> vector<1x1024xf32>
    %broadcast_in_dim3A_247 = arith.constant 0.000000e+00 : f32
    %broadcast_in_dim3A_248 = vector.broadcast %broadcast_in_dim3A_247 : f32 to vector<1x64xf32>
    %slice3A_249 = vector.extract_strided_slice %dot_general3A_246 {offsets = [0, 0], sizes = [1, 64], strides = [1, 1]} : vector<1x1024xf32> to vector<1x64xf32>
    %add3A_250 = arith.addf %broadcast_in_dim3A_248, %slice3A_249 : vector<1x64xf32>
    %slice3A_251 = vector.extract_strided_slice %dot_general3A_246 {offsets = [0, 64], sizes = [1, 64], strides = [1, 1]} : vector<1x1024xf32> to vector<1x64xf32>
    %add3A_252 = arith.addf %add3A_250, %slice3A_251 : vector<1x64xf32>
    %slice3A_253 = vector.extract_strided_slice %dot_general3A_246 {offsets = [0, 128], sizes = [1, 64], strides = [1, 1]} : vector<1x1024xf32> to vector<1x64xf32>
    %add3A_254 = arith.addf %add3A_252, %slice3A_253 : vector<1x64xf32>
    %slice3A_255 = vector.extract_strided_slice %dot_general3A_246 {offsets = [0, 192], sizes = [1, 64], strides = [1, 1]} : vector<1x1024xf32> to vector<1x64xf32>
    %add3A_256 = arith.addf %add3A_254, %slice3A_255 : vector<1x64xf32>
    %slice3A_257 = vector.extract_strided_slice %dot_general3A_246 {offsets = [0, 256], sizes = [1, 64], strides = [1, 1]} : vector<1x1024xf32> to vector<1x64xf32>
    %add3A_258 = arith.addf %add3A_256, %slice3A_257 : vector<1x64xf32>
    %slice3A_259 = vector.extract_strided_slice %dot_general3A_246 {offsets = [0, 320], sizes = [1, 64], strides = [1, 1]} : vector<1x1024xf32> to vector<1x64xf32>
    %add3A_260 = arith.addf %add3A_258, %slice3A_259 : vector<1x64xf32>
    %slice3A_261 = vector.extract_strided_slice %dot_general3A_246 {offsets = [0, 384], sizes = [1, 64], strides = [1, 1]} : vector<1x1024xf32> to vector<1x64xf32>
    %add3A_262 = arith.addf %add3A_260, %slice3A_261 : vector<1x64xf32>
    %slice3A_263 = vector.extract_strided_slice %dot_general3A_246 {offsets = [0, 448], sizes = [1, 64], strides = [1, 1]} : vector<1x1024xf32> to vector<1x64xf32>
    %add3A_264 = arith.addf %add3A_262, %slice3A_263 : vector<1x64xf32>
    %slice3A_265 = vector.extract_strided_slice %dot_general3A_246 {offsets = [0, 512], sizes = [1, 64], strides = [1, 1]} : vector<1x1024xf32> to vector<1x64xf32>
    %add3A_266 = arith.addf %add3A_264, %slice3A_265 : vector<1x64xf32>
    %slice3A_267 = vector.extract_strided_slice %dot_general3A_246 {offsets = [0, 576], sizes = [1, 64], strides = [1, 1]} : vector<1x1024xf32> to vector<1x64xf32>
    %add3A_268 = arith.addf %add3A_266, %slice3A_267 : vector<1x64xf32>
    %slice3A_269 = vector.extract_strided_slice %dot_general3A_246 {offsets = [0, 640], sizes = [1, 64], strides = [1, 1]} : vector<1x1024xf32> to vector<1x64xf32>
    %add3A_270 = arith.addf %add3A_268, %slice3A_269 : vector<1x64xf32>
    %slice3A_271 = vector.extract_strided_slice %dot_general3A_246 {offsets = [0, 704], sizes = [1, 64], strides = [1, 1]} : vector<1x1024xf32> to vector<1x64xf32>
    %add3A_272 = arith.addf %add3A_270, %slice3A_271 : vector<1x64xf32>
    %slice3A_273 = vector.extract_strided_slice %dot_general3A_246 {offsets = [0, 768], sizes = [1, 64], strides = [1, 1]} : vector<1x1024xf32> to vector<1x64xf32>
    %add3A_274 = arith.addf %add3A_272, %slice3A_273 : vector<1x64xf32>
    %slice3A_275 = vector.extract_strided_slice %dot_general3A_246 {offsets = [0, 832], sizes = [1, 64], strides = [1, 1]} : vector<1x1024xf32> to vector<1x64xf32>
    %add3A_276 = arith.addf %add3A_274, %slice3A_275 : vector<1x64xf32>
    %slice3A_277 = vector.extract_strided_slice %dot_general3A_246 {offsets = [0, 896], sizes = [1, 64], strides = [1, 1]} : vector<1x1024xf32> to vector<1x64xf32>
    %add3A_278 = arith.addf %add3A_276, %slice3A_277 : vector<1x64xf32>
    %slice3A_279 = vector.extract_strided_slice %dot_general3A_246 {offsets = [0, 960], sizes = [1, 64], strides = [1, 1]} : vector<1x1024xf32> to vector<1x64xf32>
    %add3A_280 = arith.addf %add3A_278, %slice3A_279 : vector<1x64xf32>
    %transpose3A_281 = tpu.transpose %add3A_280, [1, 0] : vector<1x64xf32> -> vector<64x1xf32>
    %add3A_282 = vector.broadcast %transpose3A_281 : vector<64x1xf32> to vector<64x64xf32>
    %add3A_283 = vector.broadcast %add3A_280 : vector<1x64xf32> to vector<64x64xf32>
    %add3A_284 = arith.addf %add3A_282, %add3A_283 : vector<64x64xf32>
    %mul3A_285 = arith.constant 2.000000e+00 : f32
    %mul3A_286 = vector.broadcast %mul3A_285 : f32 to vector<64x64xf32>
    %mul3A_287 = arith.mulf %mul3A_286, %add3A_244 : vector<64x64xf32>
    %sub3A_288 = arith.subf %add3A_284, %mul3A_287 : vector<64x64xf32>
    %broadcast_in_dim3A_289 = vector.shape_cast %add3A_280 : vector<1x64xf32> to vector<1x64xf32>
    %broadcast_in_dim3A_290 = vector.broadcast %broadcast_in_dim3A_289 : vector<1x64xf32> to vector<8x64xf32>
    %concatenate3A_291 = tpu.concatenate %sub3A_288, %broadcast_in_dim3A_290 in 0 : vector<64x64xf32>, vector<8x64xf32> -> vector<72x64xf32>
    %slice3A_292 = vector.extract_strided_slice %concatenate3A_291 {offsets = [0, 0], sizes = [72, 16], strides = [1, 1]} : vector<72x64xf32> to vector<72x16xf32>
    %swap3A_293 = arith.constant 1 : index
    %swap3A_294 = arith.constant 0 : index
    %swap3A_295 = arith.constant 0 : index
    %swap3A_296 = arith.constant 0 : index
    %swap3A_297 = vector.load %arg3[%swap3A_293, %swap3A_294, %swap3A_295, %swap3A_296] : memref<5x4x72x16xf32, #tpu.memory_space<vmem>>, vector<1x1x72x16xf32>
    %swap3A_298 = vector.shape_cast %swap3A_297 : vector<1x1x72x16xf32> to vector<72x16xf32>
    %swap3A_299 = vector.shape_cast %slice3A_292 : vector<72x16xf32> to vector<1x1x72x16xf32>
    tpu.vector_store %arg3[%swap3A_293, %swap3A_294, %swap3A_295, %swap3A_296], %swap3A_299 {strides = array<i32>} : memref<5x4x72x16xf32, #tpu.memory_space<vmem>>, vector<1x1x72x16xf32>,
    %slice3A_300 = vector.extract_strided_slice %concatenate3A_291 {offsets = [0, 16], sizes = [72, 16], strides = [1, 1]} : vector<72x64xf32> to vector<72x16xf32>
    %swap3A_301 = arith.constant 1 : index
    %swap3A_302 = arith.constant 1 : index
    %swap3A_303 = arith.constant 0 : index
    %swap3A_304 = arith.constant 0 : index
    %swap3A_305 = vector.load %arg3[%swap3A_301, %swap3A_302, %swap3A_303, %swap3A_304] : memref<5x4x72x16xf32, #tpu.memory_space<vmem>>, vector<1x1x72x16xf32>
    %swap3A_306 = vector.shape_cast %swap3A_305 : vector<1x1x72x16xf32> to vector<72x16xf32>
    %swap3A_307 = vector.shape_cast %slice3A_300 : vector<72x16xf32> to vector<1x1x72x16xf32>
    tpu.vector_store %arg3[%swap3A_301, %swap3A_302, %swap3A_303, %swap3A_304], %swap3A_307 {strides = array<i32>} : memref<5x4x72x16xf32, #tpu.memory_space<vmem>>, vector<1x1x72x16xf32>,
    %slice3A_308 = vector.extract_strided_slice %concatenate3A_291 {offsets = [0, 32], sizes = [72, 16], strides = [1, 1]} : vector<72x64xf32> to vector<72x16xf32>
    %swap3A_309 = arith.constant 1 : index
    %swap3A_310 = arith.constant 2 : index
    %swap3A_311 = arith.constant 0 : index
    %swap3A_312 = arith.constant 0 : index
    %swap3A_313 = vector.load %arg3[%swap3A_309, %swap3A_310, %swap3A_311, %swap3A_312] : memref<5x4x72x16xf32, #tpu.memory_space<vmem>>, vector<1x1x72x16xf32>
    %swap3A_314 = vector.shape_cast %swap3A_313 : vector<1x1x72x16xf32> to vector<72x16xf32>
    %swap3A_315 = vector.shape_cast %slice3A_308 : vector<72x16xf32> to vector<1x1x72x16xf32>
    tpu.vector_store %arg3[%swap3A_309, %swap3A_310, %swap3A_311, %swap3A_312], %swap3A_315 {strides = array<i32>} : memref<5x4x72x16xf32, #tpu.memory_space<vmem>>, vector<1x1x72x16xf32>,
    %slice3A_316 = vector.extract_strided_slice %concatenate3A_291 {offsets = [0, 48], sizes = [72, 16], strides = [1, 1]} : vector<72x64xf32> to vector<72x16xf32>
    %swap3A_317 = arith.constant 1 : index
    %swap3A_318 = arith.constant 3 : index
    %swap3A_319 = arith.constant 0 : index
    %swap3A_320 = arith.constant 0 : index
    %swap3A_321 = vector.load %arg3[%swap3A_317, %swap3A_318, %swap3A_319, %swap3A_320] : memref<5x4x72x16xf32, #tpu.memory_space<vmem>>, vector<1x1x72x16xf32>
    %swap3A_322 = vector.shape_cast %swap3A_321 : vector<1x1x72x16xf32> to vector<72x16xf32>
    %swap3A_323 = vector.shape_cast %slice3A_316 : vector<72x16xf32> to vector<1x1x72x16xf32>
    tpu.vector_store %arg3[%swap3A_317, %swap3A_318, %swap3A_319, %swap3A_320], %swap3A_323 {strides = array<i32>} : memref<5x4x72x16xf32, #tpu.memory_space<vmem>>, vector<1x1x72x16xf32>,
    %get3A_324 = arith.constant 2 : index
    %get3A_325 = arith.constant 0 : index
    %get3A_326 = arith.constant 0 : index
    %get3A_327 = vector.load %arg1[%get3A_324, %get3A_325, %get3A_326] : memref<5x32x1024xf32, #tpu.memory_space<vmem>>, vector<1x32x1024xf32>
    %get3A_328 = vector.shape_cast %get3A_327 : vector<1x32x1024xf32> to vector<32x1024xf32>
    %get3A_329 = arith.constant 0 : index
    %get3A_330 = arith.constant 0 : index
    %get3A_331 = vector.load %arg2[%get3A_329, %get3A_330] : memref<1024x1024xf32, #tpu.memory_space<vmem>>, vector<1024x1024xf32>
    %dot_general3A_332 = arith.constant dense<0.000000e+00> : vector<32x1024xf32>
    %dot_general3A_333 = tpu.matmul %get3A_328, %get3A_331, %dot_general3A_332 {dimension_numbers = #tpu.dot_dimension_numbers<[1], [0], [0], [1], [0, 0, 1, 1], [], []>, transpose_lhs_hint = false} : vector<32x1024xf32>, vector<1024x1024xf32>, vector<32x1024xf32> -> vector<32x1024xf32>
    %mul3A_334 = arith.mulf %dot_general3A_333, %dot_general3A_333 : vector<32x1024xf32>
    %broadcast_in_dim3A_335 = arith.constant 1.000000e+00 : f32
    %broadcast_in_dim3A_336 = vector.broadcast %broadcast_in_dim3A_335 : f32 to vector<1x32xf32>
    %broadcast_in_dim3A_337 = arith.constant 0.000000e+00 : f32
    %broadcast_in_dim3A_338 = vector.broadcast %broadcast_in_dim3A_337 : f32 to vector<64x64xf32>
    %broadcast_in_dim3A_339 = arith.constant 0.000000e+00 : f32
    %broadcast_in_dim3A_340 = vector.broadcast %broadcast_in_dim3A_339 : f32 to vector<64x64xf32>
    %broadcast_in_dim3A_341 = arith.constant 0.000000e+00 : f32
    %broadcast_in_dim3A_342 = vector.broadcast %broadcast_in_dim3A_341 : f32 to vector<64x64xf32>
    %broadcast_in_dim3A_343 = arith.constant 0.000000e+00 : f32
    %broadcast_in_dim3A_344 = vector.broadcast %broadcast_in_dim3A_343 : f32 to vector<64x64xf32>
    %slice3A_345 = vector.extract_strided_slice %dot_general3A_333 {offsets = [0, 0], sizes = [32, 64], strides = [1, 1]} : vector<32x1024xf32> to vector<32x64xf32>
    %dot_general3A_346 = arith.constant dense<0.000000e+00> : vector<64x64xf32>
    %dot_general3A_347 = tpu.matmul %slice3A_345, %slice3A_345, %dot_general3A_346 {dimension_numbers = #tpu.dot_dimension_numbers<[0], [0], [1], [1], [0, 1, 1, 1], [], []>, transpose_lhs_hint = false} : vector<32x64xf32>, vector<32x64xf32>, vector<64x64xf32> -> vector<64x64xf32>
    %add3A_348 = arith.addf %broadcast_in_dim3A_338, %dot_general3A_347 : vector<64x64xf32>
    %slice3A_349 = vector.extract_strided_slice %dot_general3A_333 {offsets = [0, 64], sizes = [32, 64], strides = [1, 1]} : vector<32x1024xf32> to vector<32x64xf32>
    %dot_general3A_350 = arith.constant dense<0.000000e+00> : vector<64x64xf32>
    %dot_general3A_351 = tpu.matmul %slice3A_349, %slice3A_349, %dot_general3A_350 {dimension_numbers = #tpu.dot_dimension_numbers<[0], [0], [1], [1], [0, 1, 1, 1], [], []>, transpose_lhs_hint = false} : vector<32x64xf32>, vector<32x64xf32>, vector<64x64xf32> -> vector<64x64xf32>
    %add3A_352 = arith.addf %broadcast_in_dim3A_340, %dot_general3A_351 : vector<64x64xf32>
    %slice3A_353 = vector.extract_strided_slice %dot_general3A_333 {offsets = [0, 128], sizes = [32, 64], strides = [1, 1]} : vector<32x1024xf32> to vector<32x64xf32>
    %dot_general3A_354 = arith.constant dense<0.000000e+00> : vector<64x64xf32>
    %dot_general3A_355 = tpu.matmul %slice3A_353, %slice3A_353, %dot_general3A_354 {dimension_numbers = #tpu.dot_dimension_numbers<[0], [0], [1], [1], [0, 1, 1, 1], [], []>, transpose_lhs_hint = false} : vector<32x64xf32>, vector<32x64xf32>, vector<64x64xf32> -> vector<64x64xf32>
    %add3A_356 = arith.addf %broadcast_in_dim3A_342, %dot_general3A_355 : vector<64x64xf32>
    %slice3A_357 = vector.extract_strided_slice %dot_general3A_333 {offsets = [0, 192], sizes = [32, 64], strides = [1, 1]} : vector<32x1024xf32> to vector<32x64xf32>
    %dot_general3A_358 = arith.constant dense<0.000000e+00> : vector<64x64xf32>
    %dot_general3A_359 = tpu.matmul %slice3A_357, %slice3A_357, %dot_general3A_358 {dimension_numbers = #tpu.dot_dimension_numbers<[0], [0], [1], [1], [0, 1, 1, 1], [], []>, transpose_lhs_hint = false} : vector<32x64xf32>, vector<32x64xf32>, vector<64x64xf32> -> vector<64x64xf32>
    %add3A_360 = arith.addf %broadcast_in_dim3A_344, %dot_general3A_359 : vector<64x64xf32>
    %slice3A_361 = vector.extract_strided_slice %dot_general3A_333 {offsets = [0, 256], sizes = [32, 64], strides = [1, 1]} : vector<32x1024xf32> to vector<32x64xf32>
    %dot_general3A_362 = arith.constant dense<0.000000e+00> : vector<64x64xf32>
    %dot_general3A_363 = tpu.matmul %slice3A_361, %slice3A_361, %dot_general3A_362 {dimension_numbers = #tpu.dot_dimension_numbers<[0], [0], [1], [1], [0, 1, 1, 1], [], []>, transpose_lhs_hint = false} : vector<32x64xf32>, vector<32x64xf32>, vector<64x64xf32> -> vector<64x64xf32>
    %add3A_364 = arith.addf %add3A_348, %dot_general3A_363 : vector<64x64xf32>
    %slice3A_365 = vector.extract_strided_slice %dot_general3A_333 {offsets = [0, 320], sizes = [32, 64], strides = [1, 1]} : vector<32x1024xf32> to vector<32x64xf32>
    %dot_general3A_366 = arith.constant dense<0.000000e+00> : vector<64x64xf32>
    %dot_general3A_367 = tpu.matmul %slice3A_365, %slice3A_365, %dot_general3A_366 {dimension_numbers = #tpu.dot_dimension_numbers<[0], [0], [1], [1], [0, 1, 1, 1], [], []>, transpose_lhs_hint = false} : vector<32x64xf32>, vector<32x64xf32>, vector<64x64xf32> -> vector<64x64xf32>
    %add3A_368 = arith.addf %add3A_352, %dot_general3A_367 : vector<64x64xf32>
    %slice3A_369 = vector.extract_strided_slice %dot_general3A_333 {offsets = [0, 384], sizes = [32, 64], strides = [1, 1]} : vector<32x1024xf32> to vector<32x64xf32>
    %dot_general3A_370 = arith.constant dense<0.000000e+00> : vector<64x64xf32>
    %dot_general3A_371 = tpu.matmul %slice3A_369, %slice3A_369, %dot_general3A_370 {dimension_numbers = #tpu.dot_dimension_numbers<[0], [0], [1], [1], [0, 1, 1, 1], [], []>, transpose_lhs_hint = false} : vector<32x64xf32>, vector<32x64xf32>, vector<64x64xf32> -> vector<64x64xf32>
    %add3A_372 = arith.addf %add3A_356, %dot_general3A_371 : vector<64x64xf32>
    %slice3A_373 = vector.extract_strided_slice %dot_general3A_333 {offsets = [0, 448], sizes = [32, 64], strides = [1, 1]} : vector<32x1024xf32> to vector<32x64xf32>
    %dot_general3A_374 = arith.constant dense<0.000000e+00> : vector<64x64xf32>
    %dot_general3A_375 = tpu.matmul %slice3A_373, %slice3A_373, %dot_general3A_374 {dimension_numbers = #tpu.dot_dimension_numbers<[0], [0], [1], [1], [0, 1, 1, 1], [], []>, transpose_lhs_hint = false} : vector<32x64xf32>, vector<32x64xf32>, vector<64x64xf32> -> vector<64x64xf32>
    %add3A_376 = arith.addf %add3A_360, %dot_general3A_375 : vector<64x64xf32>
    %slice3A_377 = vector.extract_strided_slice %dot_general3A_333 {offsets = [0, 512], sizes = [32, 64], strides = [1, 1]} : vector<32x1024xf32> to vector<32x64xf32>
    %dot_general3A_378 = arith.constant dense<0.000000e+00> : vector<64x64xf32>
    %dot_general3A_379 = tpu.matmul %slice3A_377, %slice3A_377, %dot_general3A_378 {dimension_numbers = #tpu.dot_dimension_numbers<[0], [0], [1], [1], [0, 1, 1, 1], [], []>, transpose_lhs_hint = false} : vector<32x64xf32>, vector<32x64xf32>, vector<64x64xf32> -> vector<64x64xf32>
    %add3A_380 = arith.addf %add3A_364, %dot_general3A_379 : vector<64x64xf32>
    %slice3A_381 = vector.extract_strided_slice %dot_general3A_333 {offsets = [0, 576], sizes = [32, 64], strides = [1, 1]} : vector<32x1024xf32> to vector<32x64xf32>
    %dot_general3A_382 = arith.constant dense<0.000000e+00> : vector<64x64xf32>
    %dot_general3A_383 = tpu.matmul %slice3A_381, %slice3A_381, %dot_general3A_382 {dimension_numbers = #tpu.dot_dimension_numbers<[0], [0], [1], [1], [0, 1, 1, 1], [], []>, transpose_lhs_hint = false} : vector<32x64xf32>, vector<32x64xf32>, vector<64x64xf32> -> vector<64x64xf32>
    %add3A_384 = arith.addf %add3A_368, %dot_general3A_383 : vector<64x64xf32>
    %slice3A_385 = vector.extract_strided_slice %dot_general3A_333 {offsets = [0, 640], sizes = [32, 64], strides = [1, 1]} : vector<32x1024xf32> to vector<32x64xf32>
    %dot_general3A_386 = arith.constant dense<0.000000e+00> : vector<64x64xf32>
    %dot_general3A_387 = tpu.matmul %slice3A_385, %slice3A_385, %dot_general3A_386 {dimension_numbers = #tpu.dot_dimension_numbers<[0], [0], [1], [1], [0, 1, 1, 1], [], []>, transpose_lhs_hint = false} : vector<32x64xf32>, vector<32x64xf32>, vector<64x64xf32> -> vector<64x64xf32>
    %add3A_388 = arith.addf %add3A_372, %dot_general3A_387 : vector<64x64xf32>
    %slice3A_389 = vector.extract_strided_slice %dot_general3A_333 {offsets = [0, 704], sizes = [32, 64], strides = [1, 1]} : vector<32x1024xf32> to vector<32x64xf32>
    %dot_general3A_390 = arith.constant dense<0.000000e+00> : vector<64x64xf32>
    %dot_general3A_391 = tpu.matmul %slice3A_389, %slice3A_389, %dot_general3A_390 {dimension_numbers = #tpu.dot_dimension_numbers<[0], [0], [1], [1], [0, 1, 1, 1], [], []>, transpose_lhs_hint = false} : vector<32x64xf32>, vector<32x64xf32>, vector<64x64xf32> -> vector<64x64xf32>
    %add3A_392 = arith.addf %add3A_376, %dot_general3A_391 : vector<64x64xf32>
    %slice3A_393 = vector.extract_strided_slice %dot_general3A_333 {offsets = [0, 768], sizes = [32, 64], strides = [1, 1]} : vector<32x1024xf32> to vector<32x64xf32>
    %dot_general3A_394 = arith.constant dense<0.000000e+00> : vector<64x64xf32>
    %dot_general3A_395 = tpu.matmul %slice3A_393, %slice3A_393, %dot_general3A_394 {dimension_numbers = #tpu.dot_dimension_numbers<[0], [0], [1], [1], [0, 1, 1, 1], [], []>, transpose_lhs_hint = false} : vector<32x64xf32>, vector<32x64xf32>, vector<64x64xf32> -> vector<64x64xf32>
    %add3A_396 = arith.addf %add3A_380, %dot_general3A_395 : vector<64x64xf32>
    %slice3A_397 = vector.extract_strided_slice %dot_general3A_333 {offsets = [0, 832], sizes = [32, 64], strides = [1, 1]} : vector<32x1024xf32> to vector<32x64xf32>
    %dot_general3A_398 = arith.constant dense<0.000000e+00> : vector<64x64xf32>
    %dot_general3A_399 = tpu.matmul %slice3A_397, %slice3A_397, %dot_general3A_398 {dimension_numbers = #tpu.dot_dimension_numbers<[0], [0], [1], [1], [0, 1, 1, 1], [], []>, transpose_lhs_hint = false} : vector<32x64xf32>, vector<32x64xf32>, vector<64x64xf32> -> vector<64x64xf32>
    %add3A_400 = arith.addf %add3A_384, %dot_general3A_399 : vector<64x64xf32>
    %slice3A_401 = vector.extract_strided_slice %dot_general3A_333 {offsets = [0, 896], sizes = [32, 64], strides = [1, 1]} : vector<32x1024xf32> to vector<32x64xf32>
    %dot_general3A_402 = arith.constant dense<0.000000e+00> : vector<64x64xf32>
    %dot_general3A_403 = tpu.matmul %slice3A_401, %slice3A_401, %dot_general3A_402 {dimension_numbers = #tpu.dot_dimension_numbers<[0], [0], [1], [1], [0, 1, 1, 1], [], []>, transpose_lhs_hint = false} : vector<32x64xf32>, vector<32x64xf32>, vector<64x64xf32> -> vector<64x64xf32>
    %add3A_404 = arith.addf %add3A_388, %dot_general3A_403 : vector<64x64xf32>
    %slice3A_405 = vector.extract_strided_slice %dot_general3A_333 {offsets = [0, 960], sizes = [32, 64], strides = [1, 1]} : vector<32x1024xf32> to vector<32x64xf32>
    %dot_general3A_406 = arith.constant dense<0.000000e+00> : vector<64x64xf32>
    %dot_general3A_407 = tpu.matmul %slice3A_405, %slice3A_405, %dot_general3A_406 {dimension_numbers = #tpu.dot_dimension_numbers<[0], [0], [1], [1], [0, 1, 1, 1], [], []>, transpose_lhs_hint = false} : vector<32x64xf32>, vector<32x64xf32>, vector<64x64xf32> -> vector<64x64xf32>
    %add3A_408 = arith.addf %add3A_392, %dot_general3A_407 : vector<64x64xf32>
    %add3A_409 = arith.addf %add3A_396, %add3A_400 : vector<64x64xf32>
    %add3A_410 = arith.addf %add3A_404, %add3A_408 : vector<64x64xf32>
    %add3A_411 = arith.addf %add3A_409, %add3A_410 : vector<64x64xf32>
    %dot_general3A_412 = arith.constant dense<0.000000e+00> : vector<1x1024xf32>
    %dot_general3A_413 = tpu.matmul %broadcast_in_dim3A_336, %mul3A_334, %dot_general3A_412 {dimension_numbers = #tpu.dot_dimension_numbers<[1], [0], [0], [1], [0, 0, 1, 1], [], []>, transpose_lhs_hint = false} : vector<1x32xf32>, vector<32x1024xf32>, vector<1x1024xf32> -> vector<1x1024xf32>
    %broadcast_in_dim3A_414 = arith.constant 0.000000e+00 : f32
    %broadcast_in_dim3A_415 = vector.broadcast %broadcast_in_dim3A_414 : f32 to vector<1x64xf32>
    %slice3A_416 = vector.extract_strided_slice %dot_general3A_413 {offsets = [0, 0], sizes = [1, 64], strides = [1, 1]} : vector<1x1024xf32> to vector<1x64xf32>
    %add3A_417 = arith.addf %broadcast_in_dim3A_415, %slice3A_416 : vector<1x64xf32>
    %slice3A_418 = vector.extract_strided_slice %dot_general3A_413 {offsets = [0, 64], sizes = [1, 64], strides = [1, 1]} : vector<1x1024xf32> to vector<1x64xf32>
    %add3A_419 = arith.addf %add3A_417, %slice3A_418 : vector<1x64xf32>
    %slice3A_420 = vector.extract_strided_slice %dot_general3A_413 {offsets = [0, 128], sizes = [1, 64], strides = [1, 1]} : vector<1x1024xf32> to vector<1x64xf32>
    %add3A_421 = arith.addf %add3A_419, %slice3A_420 : vector<1x64xf32>
    %slice3A_422 = vector.extract_strided_slice %dot_general3A_413 {offsets = [0, 192], sizes = [1, 64], strides = [1, 1]} : vector<1x1024xf32> to vector<1x64xf32>
    %add3A_423 = arith.addf %add3A_421, %slice3A_422 : vector<1x64xf32>
    %slice3A_424 = vector.extract_strided_slice %dot_general3A_413 {offsets = [0, 256], sizes = [1, 64], strides = [1, 1]} : vector<1x1024xf32> to vector<1x64xf32>
    %add3A_425 = arith.addf %add3A_423, %slice3A_424 : vector<1x64xf32>
    %slice3A_426 = vector.extract_strided_slice %dot_general3A_413 {offsets = [0, 320], sizes = [1, 64], strides = [1, 1]} : vector<1x1024xf32> to vector<1x64xf32>
    %add3A_427 = arith.addf %add3A_425, %slice3A_426 : vector<1x64xf32>
    %slice3A_428 = vector.extract_strided_slice %dot_general3A_413 {offsets = [0, 384], sizes = [1, 64], strides = [1, 1]} : vector<1x1024xf32> to vector<1x64xf32>
    %add3A_429 = arith.addf %add3A_427, %slice3A_428 : vector<1x64xf32>
    %slice3A_430 = vector.extract_strided_slice %dot_general3A_413 {offsets = [0, 448], sizes = [1, 64], strides = [1, 1]} : vector<1x1024xf32> to vector<1x64xf32>
    %add3A_431 = arith.addf %add3A_429, %slice3A_430 : vector<1x64xf32>
    %slice3A_432 = vector.extract_strided_slice %dot_general3A_413 {offsets = [0, 512], sizes = [1, 64], strides = [1, 1]} : vector<1x1024xf32> to vector<1x64xf32>
    %add3A_433 = arith.addf %add3A_431, %slice3A_432 : vector<1x64xf32>
    %slice3A_434 = vector.extract_strided_slice %dot_general3A_413 {offsets = [0, 576], sizes = [1, 64], strides = [1, 1]} : vector<1x1024xf32> to vector<1x64xf32>
    %add3A_435 = arith.addf %add3A_433, %slice3A_434 : vector<1x64xf32>
    %slice3A_436 = vector.extract_strided_slice %dot_general3A_413 {offsets = [0, 640], sizes = [1, 64], strides = [1, 1]} : vector<1x1024xf32> to vector<1x64xf32>
    %add3A_437 = arith.addf %add3A_435, %slice3A_436 : vector<1x64xf32>
    %slice3A_438 = vector.extract_strided_slice %dot_general3A_413 {offsets = [0, 704], sizes = [1, 64], strides = [1, 1]} : vector<1x1024xf32> to vector<1x64xf32>
    %add3A_439 = arith.addf %add3A_437, %slice3A_438 : vector<1x64xf32>
    %slice3A_440 = vector.extract_strided_slice %dot_general3A_413 {offsets = [0, 768], sizes = [1, 64], strides = [1, 1]} : vector<1x1024xf32> to vector<1x64xf32>
    %add3A_441 = arith.addf %add3A_439, %slice3A_440 : vector<1x64xf32>
    %slice3A_442 = vector.extract_strided_slice %dot_general3A_413 {offsets = [0, 832], sizes = [1, 64], strides = [1, 1]} : vector<1x1024xf32> to vector<1x64xf32>
    %add3A_443 = arith.addf %add3A_441, %slice3A_442 : vector<1x64xf32>
    %slice3A_444 = vector.extract_strided_slice %dot_general3A_413 {offsets = [0, 896], sizes = [1, 64], strides = [1, 1]} : vector<1x1024xf32> to vector<1x64xf32>
    %add3A_445 = arith.addf %add3A_443, %slice3A_444 : vector<1x64xf32>
    %slice3A_446 = vector.extract_strided_slice %dot_general3A_413 {offsets = [0, 960], sizes = [1, 64], strides = [1, 1]} : vector<1x1024xf32> to vector<1x64xf32>
    %add3A_447 = arith.addf %add3A_445, %slice3A_446 : vector<1x64xf32>
    %transpose3A_448 = tpu.transpose %add3A_447, [1, 0] : vector<1x64xf32> -> vector<64x1xf32>
    %add3A_449 = vector.broadcast %transpose3A_448 : vector<64x1xf32> to vector<64x64xf32>
    %add3A_450 = vector.broadcast %add3A_447 : vector<1x64xf32> to vector<64x64xf32>
    %add3A_451 = arith.addf %add3A_449, %add3A_450 : vector<64x64xf32>
    %mul3A_452 = arith.constant 2.000000e+00 : f32
    %mul3A_453 = vector.broadcast %mul3A_452 : f32 to vector<64x64xf32>
    %mul3A_454 = arith.mulf %mul3A_453, %add3A_411 : vector<64x64xf32>
    %sub3A_455 = arith.subf %add3A_451, %mul3A_454 : vector<64x64xf32>
    %broadcast_in_dim3A_456 = vector.shape_cast %add3A_447 : vector<1x64xf32> to vector<1x64xf32>
    %broadcast_in_dim3A_457 = vector.broadcast %broadcast_in_dim3A_456 : vector<1x64xf32> to vector<8x64xf32>
    %concatenate3A_458 = tpu.concatenate %sub3A_455, %broadcast_in_dim3A_457 in 0 : vector<64x64xf32>, vector<8x64xf32> -> vector<72x64xf32>
    %slice3A_459 = vector.extract_strided_slice %concatenate3A_458 {offsets = [0, 0], sizes = [72, 16], strides = [1, 1]} : vector<72x64xf32> to vector<72x16xf32>
    %swap3A_460 = arith.constant 2 : index
    %swap3A_461 = arith.constant 0 : index
    %swap3A_462 = arith.constant 0 : index
    %swap3A_463 = arith.constant 0 : index
    %swap3A_464 = vector.load %arg3[%swap3A_460, %swap3A_461, %swap3A_462, %swap3A_463] : memref<5x4x72x16xf32, #tpu.memory_space<vmem>>, vector<1x1x72x16xf32>
    %swap3A_465 = vector.shape_cast %swap3A_464 : vector<1x1x72x16xf32> to vector<72x16xf32>
    %swap3A_466 = vector.shape_cast %slice3A_459 : vector<72x16xf32> to vector<1x1x72x16xf32>
    tpu.vector_store %arg3[%swap3A_460, %swap3A_461, %swap3A_462, %swap3A_463], %swap3A_466 {strides = array<i32>} : memref<5x4x72x16xf32, #tpu.memory_space<vmem>>, vector<1x1x72x16xf32>,
    %slice3A_467 = vector.extract_strided_slice %concatenate3A_458 {offsets = [0, 16], sizes = [72, 16], strides = [1, 1]} : vector<72x64xf32> to vector<72x16xf32>
    %swap3A_468 = arith.constant 2 : index
    %swap3A_469 = arith.constant 1 : index
    %swap3A_470 = arith.constant 0 : index
    %swap3A_471 = arith.constant 0 : index
    %swap3A_472 = vector.load %arg3[%swap3A_468, %swap3A_469, %swap3A_470, %swap3A_471] : memref<5x4x72x16xf32, #tpu.memory_space<vmem>>, vector<1x1x72x16xf32>
    %swap3A_473 = vector.shape_cast %swap3A_472 : vector<1x1x72x16xf32> to vector<72x16xf32>
    %swap3A_474 = vector.shape_cast %slice3A_467 : vector<72x16xf32> to vector<1x1x72x16xf32>
    tpu.vector_store %arg3[%swap3A_468, %swap3A_469, %swap3A_470, %swap3A_471], %swap3A_474 {strides = array<i32>} : memref<5x4x72x16xf32, #tpu.memory_space<vmem>>, vector<1x1x72x16xf32>,
    %slice3A_475 = vector.extract_strided_slice %concatenate3A_458 {offsets = [0, 32], sizes = [72, 16], strides = [1, 1]} : vector<72x64xf32> to vector<72x16xf32>
    %swap3A_476 = arith.constant 2 : index
    %swap3A_477 = arith.constant 2 : index
    %swap3A_478 = arith.constant 0 : index
    %swap3A_479 = arith.constant 0 : index
    %swap3A_480 = vector.load %arg3[%swap3A_476, %swap3A_477, %swap3A_478, %swap3A_479] : memref<5x4x72x16xf32, #tpu.memory_space<vmem>>, vector<1x1x72x16xf32>
    %swap3A_481 = vector.shape_cast %swap3A_480 : vector<1x1x72x16xf32> to vector<72x16xf32>
    %swap3A_482 = vector.shape_cast %slice3A_475 : vector<72x16xf32> to vector<1x1x72x16xf32>
    tpu.vector_store %arg3[%swap3A_476, %swap3A_477, %swap3A_478, %swap3A_479], %swap3A_482 {strides = array<i32>} : memref<5x4x72x16xf32, #tpu.memory_space<vmem>>, vector<1x1x72x16xf32>,
    %slice3A_483 = vector.extract_strided_slice %concatenate3A_458 {offsets = [0, 48], sizes = [72, 16], strides = [1, 1]} : vector<72x64xf32> to vector<72x16xf32>
    %swap3A_484 = arith.constant 2 : index
    %swap3A_485 = arith.constant 3 : index
    %swap3A_486 = arith.constant 0 : index
    %swap3A_487 = arith.constant 0 : index
    %swap3A_488 = vector.load %arg3[%swap3A_484, %swap3A_485, %swap3A_486, %swap3A_487] : memref<5x4x72x16xf32, #tpu.memory_space<vmem>>, vector<1x1x72x16xf32>
    %swap3A_489 = vector.shape_cast %swap3A_488 : vector<1x1x72x16xf32> to vector<72x16xf32>
    %swap3A_490 = vector.shape_cast %slice3A_483 : vector<72x16xf32> to vector<1x1x72x16xf32>
    tpu.vector_store %arg3[%swap3A_484, %swap3A_485, %swap3A_486, %swap3A_487], %swap3A_490 {strides = array<i32>} : memref<5x4x72x16xf32, #tpu.memory_space<vmem>>, vector<1x1x72x16xf32>,
    %get3A_491 = arith.constant 3 : index
    %get3A_492 = arith.constant 0 : index
    %get3A_493 = arith.constant 0 : index
    %get3A_494 = vector.load %arg1[%get3A_491, %get3A_492, %get3A_493] : memref<5x32x1024xf32, #tpu.memory_space<vmem>>, vector<1x32x1024xf32>
    %get3A_495 = vector.shape_cast %get3A_494 : vector<1x32x1024xf32> to vector<32x1024xf32>
    %get3A_496 = arith.constant 0 : index
    %get3A_497 = arith.constant 0 : index
    %get3A_498 = vector.load %arg2[%get3A_496, %get3A_497] : memref<1024x1024xf32, #tpu.memory_space<vmem>>, vector<1024x1024xf32>
    %dot_general3A_499 = arith.constant dense<0.000000e+00> : vector<32x1024xf32>
    %dot_general3A_500 = tpu.matmul %get3A_495, %get3A_498, %dot_general3A_499 {dimension_numbers = #tpu.dot_dimension_numbers<[1], [0], [0], [1], [0, 0, 1, 1], [], []>, transpose_lhs_hint = false} : vector<32x1024xf32>, vector<1024x1024xf32>, vector<32x1024xf32> -> vector<32x1024xf32>
    %mul3A_501 = arith.mulf %dot_general3A_500, %dot_general3A_500 : vector<32x1024xf32>
    %broadcast_in_dim3A_502 = arith.constant 1.000000e+00 : f32
    %broadcast_in_dim3A_503 = vector.broadcast %broadcast_in_dim3A_502 : f32 to vector<1x32xf32>
    %broadcast_in_dim3A_504 = arith.constant 0.000000e+00 : f32
    %broadcast_in_dim3A_505 = vector.broadcast %broadcast_in_dim3A_504 : f32 to vector<64x64xf32>
    %broadcast_in_dim3A_506 = arith.constant 0.000000e+00 : f32
    %broadcast_in_dim3A_507 = vector.broadcast %broadcast_in_dim3A_506 : f32 to vector<64x64xf32>
    %broadcast_in_dim3A_508 = arith.constant 0.000000e+00 : f32
    %broadcast_in_dim3A_509 = vector.broadcast %broadcast_in_dim3A_508 : f32 to vector<64x64xf32>
    %broadcast_in_dim3A_510 = arith.constant 0.000000e+00 : f32
    %broadcast_in_dim3A_511 = vector.broadcast %broadcast_in_dim3A_510 : f32 to vector<64x64xf32>
    %slice3A_512 = vector.extract_strided_slice %dot_general3A_500 {offsets = [0, 0], sizes = [32, 64], strides = [1, 1]} : vector<32x1024xf32> to vector<32x64xf32>
    %dot_general3A_513 = arith.constant dense<0.000000e+00> : vector<64x64xf32>
    %dot_general3A_514 = tpu.matmul %slice3A_512, %slice3A_512, %dot_general3A_513 {dimension_numbers = #tpu.dot_dimension_numbers<[0], [0], [1], [1], [0, 1, 1, 1], [], []>, transpose_lhs_hint = false} : vector<32x64xf32>, vector<32x64xf32>, vector<64x64xf32> -> vector<64x64xf32>
    %add3A_515 = arith.addf %broadcast_in_dim3A_505, %dot_general3A_514 : vector<64x64xf32>
    %slice3A_516 = vector.extract_strided_slice %dot_general3A_500 {offsets = [0, 64], sizes = [32, 64], strides = [1, 1]} : vector<32x1024xf32> to vector<32x64xf32>
    %dot_general3A_517 = arith.constant dense<0.000000e+00> : vector<64x64xf32>
    %dot_general3A_518 = tpu.matmul %slice3A_516, %slice3A_516, %dot_general3A_517 {dimension_numbers = #tpu.dot_dimension_numbers<[0], [0], [1], [1], [0, 1, 1, 1], [], []>, transpose_lhs_hint = false} : vector<32x64xf32>, vector<32x64xf32>, vector<64x64xf32> -> vector<64x64xf32>
    %add3A_519 = arith.addf %broadcast_in_dim3A_507, %dot_general3A_518 : vector<64x64xf32>
    %slice3A_520 = vector.extract_strided_slice %dot_general3A_500 {offsets = [0, 128], sizes = [32, 64], strides = [1, 1]} : vector<32x1024xf32> to vector<32x64xf32>
    %dot_general3A_521 = arith.constant dense<0.000000e+00> : vector<64x64xf32>
    %dot_general3A_522 = tpu.matmul %slice3A_520, %slice3A_520, %dot_general3A_521 {dimension_numbers = #tpu.dot_dimension_numbers<[0], [0], [1], [1], [0, 1, 1, 1], [], []>, transpose_lhs_hint = false} : vector<32x64xf32>, vector<32x64xf32>, vector<64x64xf32> -> vector<64x64xf32>
    %add3A_523 = arith.addf %broadcast_in_dim3A_509, %dot_general3A_522 : vector<64x64xf32>
    %slice3A_524 = vector.extract_strided_slice %dot_general3A_500 {offsets = [0, 192], sizes = [32, 64], strides = [1, 1]} : vector<32x1024xf32> to vector<32x64xf32>
    %dot_general3A_525 = arith.constant dense<0.000000e+00> : vector<64x64xf32>
    %dot_general3A_526 = tpu.matmul %slice3A_524, %slice3A_524, %dot_general3A_525 {dimension_numbers = #tpu.dot_dimension_numbers<[0], [0], [1], [1], [0, 1, 1, 1], [], []>, transpose_lhs_hint = false} : vector<32x64xf32>, vector<32x64xf32>, vector<64x64xf32> -> vector<64x64xf32>
    %add3A_527 = arith.addf %broadcast_in_dim3A_511, %dot_general3A_526 : vector<64x64xf32>
    %slice3A_528 = vector.extract_strided_slice %dot_general3A_500 {offsets = [0, 256], sizes = [32, 64], strides = [1, 1]} : vector<32x1024xf32> to vector<32x64xf32>
    %dot_general3A_529 = arith.constant dense<0.000000e+00> : vector<64x64xf32>
    %dot_general3A_530 = tpu.matmul %slice3A_528, %slice3A_528, %dot_general3A_529 {dimension_numbers = #tpu.dot_dimension_numbers<[0], [0], [1], [1], [0, 1, 1, 1], [], []>, transpose_lhs_hint = false} : vector<32x64xf32>, vector<32x64xf32>, vector<64x64xf32> -> vector<64x64xf32>
    %add3A_531 = arith.addf %add3A_515, %dot_general3A_530 : vector<64x64xf32>
    %slice3A_532 = vector.extract_strided_slice %dot_general3A_500 {offsets = [0, 320], sizes = [32, 64], strides = [1, 1]} : vector<32x1024xf32> to vector<32x64xf32>
    %dot_general3A_533 = arith.constant dense<0.000000e+00> : vector<64x64xf32>
    %dot_general3A_534 = tpu.matmul %slice3A_532, %slice3A_532, %dot_general3A_533 {dimension_numbers = #tpu.dot_dimension_numbers<[0], [0], [1], [1], [0, 1, 1, 1], [], []>, transpose_lhs_hint = false} : vector<32x64xf32>, vector<32x64xf32>, vector<64x64xf32> -> vector<64x64xf32>
    %add3A_535 = arith.addf %add3A_519, %dot_general3A_534 : vector<64x64xf32>
    %slice3A_536 = vector.extract_strided_slice %dot_general3A_500 {offsets = [0, 384], sizes = [32, 64], strides = [1, 1]} : vector<32x1024xf32> to vector<32x64xf32>
    %dot_general3A_537 = arith.constant dense<0.000000e+00> : vector<64x64xf32>
    %dot_general3A_538 = tpu.matmul %slice3A_536, %slice3A_536, %dot_general3A_537 {dimension_numbers = #tpu.dot_dimension_numbers<[0], [0], [1], [1], [0, 1, 1, 1], [], []>, transpose_lhs_hint = false} : vector<32x64xf32>, vector<32x64xf32>, vector<64x64xf32> -> vector<64x64xf32>
    %add3A_539 = arith.addf %add3A_523, %dot_general3A_538 : vector<64x64xf32>
    %slice3A_540 = vector.extract_strided_slice %dot_general3A_500 {offsets = [0, 448], sizes = [32, 64], strides = [1, 1]} : vector<32x1024xf32> to vector<32x64xf32>
    %dot_general3A_541 = arith.constant dense<0.000000e+00> : vector<64x64xf32>
    %dot_general3A_542 = tpu.matmul %slice3A_540, %slice3A_540, %dot_general3A_541 {dimension_numbers = #tpu.dot_dimension_numbers<[0], [0], [1], [1], [0, 1, 1, 1], [], []>, transpose_lhs_hint = false} : vector<32x64xf32>, vector<32x64xf32>, vector<64x64xf32> -> vector<64x64xf32>
    %add3A_543 = arith.addf %add3A_527, %dot_general3A_542 : vector<64x64xf32>
    %slice3A_544 = vector.extract_strided_slice %dot_general3A_500 {offsets = [0, 512], sizes = [32, 64], strides = [1, 1]} : vector<32x1024xf32> to vector<32x64xf32>
    %dot_general3A_545 = arith.constant dense<0.000000e+00> : vector<64x64xf32>
    %dot_general3A_546 = tpu.matmul %slice3A_544, %slice3A_544, %dot_general3A_545 {dimension_numbers = #tpu.dot_dimension_numbers<[0], [0], [1], [1], [0, 1, 1, 1], [], []>, transpose_lhs_hint = false} : vector<32x64xf32>, vector<32x64xf32>, vector<64x64xf32> -> vector<64x64xf32>
    %add3A_547 = arith.addf %add3A_531, %dot_general3A_546 : vector<64x64xf32>
    %slice3A_548 = vector.extract_strided_slice %dot_general3A_500 {offsets = [0, 576], sizes = [32, 64], strides = [1, 1]} : vector<32x1024xf32> to vector<32x64xf32>
    %dot_general3A_549 = arith.constant dense<0.000000e+00> : vector<64x64xf32>
    %dot_general3A_550 = tpu.matmul %slice3A_548, %slice3A_548, %dot_general3A_549 {dimension_numbers = #tpu.dot_dimension_numbers<[0], [0], [1], [1], [0, 1, 1, 1], [], []>, transpose_lhs_hint = false} : vector<32x64xf32>, vector<32x64xf32>, vector<64x64xf32> -> vector<64x64xf32>
    %add3A_551 = arith.addf %add3A_535, %dot_general3A_550 : vector<64x64xf32>
    %slice3A_552 = vector.extract_strided_slice %dot_general3A_500 {offsets = [0, 640], sizes = [32, 64], strides = [1, 1]} : vector<32x1024xf32> to vector<32x64xf32>
    %dot_general3A_553 = arith.constant dense<0.000000e+00> : vector<64x64xf32>
    %dot_general3A_554 = tpu.matmul %slice3A_552, %slice3A_552, %dot_general3A_553 {dimension_numbers = #tpu.dot_dimension_numbers<[0], [0], [1], [1], [0, 1, 1, 1], [], []>, transpose_lhs_hint = false} : vector<32x64xf32>, vector<32x64xf32>, vector<64x64xf32> -> vector<64x64xf32>
    %add3A_555 = arith.addf %add3A_539, %dot_general3A_554 : vector<64x64xf32>
    %slice3A_556 = vector.extract_strided_slice %dot_general3A_500 {offsets = [0, 704], sizes = [32, 64], strides = [1, 1]} : vector<32x1024xf32> to vector<32x64xf32>
    %dot_general3A_557 = arith.constant dense<0.000000e+00> : vector<64x64xf32>
    %dot_general3A_558 = tpu.matmul %slice3A_556, %slice3A_556, %dot_general3A_557 {dimension_numbers = #tpu.dot_dimension_numbers<[0], [0], [1], [1], [0, 1, 1, 1], [], []>, transpose_lhs_hint = false} : vector<32x64xf32>, vector<32x64xf32>, vector<64x64xf32> -> vector<64x64xf32>
    %add3A_559 = arith.addf %add3A_543, %dot_general3A_558 : vector<64x64xf32>
    %slice3A_560 = vector.extract_strided_slice %dot_general3A_500 {offsets = [0, 768], sizes = [32, 64], strides = [1, 1]} : vector<32x1024xf32> to vector<32x64xf32>
    %dot_general3A_561 = arith.constant dense<0.000000e+00> : vector<64x64xf32>
    %dot_general3A_562 = tpu.matmul %slice3A_560, %slice3A_560, %dot_general3A_561 {dimension_numbers = #tpu.dot_dimension_numbers<[0], [0], [1], [1], [0, 1, 1, 1], [], []>, transpose_lhs_hint = false} : vector<32x64xf32>, vector<32x64xf32>, vector<64x64xf32> -> vector<64x64xf32>
    %add3A_563 = arith.addf %add3A_547, %dot_general3A_562 : vector<64x64xf32>
    %slice3A_564 = vector.extract_strided_slice %dot_general3A_500 {offsets = [0, 832], sizes = [32, 64], strides = [1, 1]} : vector<32x1024xf32> to vector<32x64xf32>
    %dot_general3A_565 = arith.constant dense<0.000000e+00> : vector<64x64xf32>
    %dot_general3A_566 = tpu.matmul %slice3A_564, %slice3A_564, %dot_general3A_565 {dimension_numbers = #tpu.dot_dimension_numbers<[0], [0], [1], [1], [0, 1, 1, 1], [], []>, transpose_lhs_hint = false} : vector<32x64xf32>, vector<32x64xf32>, vector<64x64xf32> -> vector<64x64xf32>
    %add3A_567 = arith.addf %add3A_551, %dot_general3A_566 : vector<64x64xf32>
    %slice3A_568 = vector.extract_strided_slice %dot_general3A_500 {offsets = [0, 896], sizes = [32, 64], strides = [1, 1]} : vector<32x1024xf32> to vector<32x64xf32>
    %dot_general3A_569 = arith.constant dense<0.000000e+00> : vector<64x64xf32>
    %dot_general3A_570 = tpu.matmul %slice3A_568, %slice3A_568, %dot_general3A_569 {dimension_numbers = #tpu.dot_dimension_numbers<[0], [0], [1], [1], [0, 1, 1, 1], [], []>, transpose_lhs_hint = false} : vector<32x64xf32>, vector<32x64xf32>, vector<64x64xf32> -> vector<64x64xf32>
    %add3A_571 = arith.addf %add3A_555, %dot_general3A_570 : vector<64x64xf32>
    %slice3A_572 = vector.extract_strided_slice %dot_general3A_500 {offsets = [0, 960], sizes = [32, 64], strides = [1, 1]} : vector<32x1024xf32> to vector<32x64xf32>
    %dot_general3A_573 = arith.constant dense<0.000000e+00> : vector<64x64xf32>
    %dot_general3A_574 = tpu.matmul %slice3A_572, %slice3A_572, %dot_general3A_573 {dimension_numbers = #tpu.dot_dimension_numbers<[0], [0], [1], [1], [0, 1, 1, 1], [], []>, transpose_lhs_hint = false} : vector<32x64xf32>, vector<32x64xf32>, vector<64x64xf32> -> vector<64x64xf32>
    %add3A_575 = arith.addf %add3A_559, %dot_general3A_574 : vector<64x64xf32>
    %add3A_576 = arith.addf %add3A_563, %add3A_567 : vector<64x64xf32>
    %add3A_577 = arith.addf %add3A_571, %add3A_575 : vector<64x64xf32>
    %add3A_578 = arith.addf %add3A_576, %add3A_577 : vector<64x64xf32>
    %dot_general3A_579 = arith.constant dense<0.000000e+00> : vector<1x1024xf32>
    %dot_general3A_580 = tpu.matmul %broadcast_in_dim3A_503, %mul3A_501, %dot_general3A_579 {dimension_numbers = #tpu.dot_dimension_numbers<[1], [0], [0], [1], [0, 0, 1, 1], [], []>, transpose_lhs_hint = false} : vector<1x32xf32>, vector<32x1024xf32>, vector<1x1024xf32> -> vector<1x1024xf32>
    %broadcast_in_dim3A_581 = arith.constant 0.000000e+00 : f32
    %broadcast_in_dim3A_582 = vector.broadcast %broadcast_in_dim3A_581 : f32 to vector<1x64xf32>
    %slice3A_583 = vector.extract_strided_slice %dot_general3A_580 {offsets = [0, 0], sizes = [1, 64], strides = [1, 1]} : vector<1x1024xf32> to vector<1x64xf32>
    %add3A_584 = arith.addf %broadcast_in_dim3A_582, %slice3A_583 : vector<1x64xf32>
    %slice3A_585 = vector.extract_strided_slice %dot_general3A_580 {offsets = [0, 64], sizes = [1, 64], strides = [1, 1]} : vector<1x1024xf32> to vector<1x64xf32>
    %add3A_586 = arith.addf %add3A_584, %slice3A_585 : vector<1x64xf32>
    %slice3A_587 = vector.extract_strided_slice %dot_general3A_580 {offsets = [0, 128], sizes = [1, 64], strides = [1, 1]} : vector<1x1024xf32> to vector<1x64xf32>
    %add3A_588 = arith.addf %add3A_586, %slice3A_587 : vector<1x64xf32>
    %slice3A_589 = vector.extract_strided_slice %dot_general3A_580 {offsets = [0, 192], sizes = [1, 64], strides = [1, 1]} : vector<1x1024xf32> to vector<1x64xf32>
    %add3A_590 = arith.addf %add3A_588, %slice3A_589 : vector<1x64xf32>
    %slice3A_591 = vector.extract_strided_slice %dot_general3A_580 {offsets = [0, 256], sizes = [1, 64], strides = [1, 1]} : vector<1x1024xf32> to vector<1x64xf32>
    %add3A_592 = arith.addf %add3A_590, %slice3A_591 : vector<1x64xf32>
    %slice3A_593 = vector.extract_strided_slice %dot_general3A_580 {offsets = [0, 320], sizes = [1, 64], strides = [1, 1]} : vector<1x1024xf32> to vector<1x64xf32>
    %add3A_594 = arith.addf %add3A_592, %slice3A_593 : vector<1x64xf32>
    %slice3A_595 = vector.extract_strided_slice %dot_general3A_580 {offsets = [0, 384], sizes = [1, 64], strides = [1, 1]} : vector<1x1024xf32> to vector<1x64xf32>
    %add3A_596 = arith.addf %add3A_594, %slice3A_595 : vector<1x64xf32>
    %slice3A_597 = vector.extract_strided_slice %dot_general3A_580 {offsets = [0, 448], sizes = [1, 64], strides = [1, 1]} : vector<1x1024xf32> to vector<1x64xf32>
    %add3A_598 = arith.addf %add3A_596, %slice3A_597 : vector<1x64xf32>
    %slice3A_599 = vector.extract_strided_slice %dot_general3A_580 {offsets = [0, 512], sizes = [1, 64], strides = [1, 1]} : vector<1x1024xf32> to vector<1x64xf32>
    %add3A_600 = arith.addf %add3A_598, %slice3A_599 : vector<1x64xf32>
    %slice3A_601 = vector.extract_strided_slice %dot_general3A_580 {offsets = [0, 576], sizes = [1, 64], strides = [1, 1]} : vector<1x1024xf32> to vector<1x64xf32>
    %add3A_602 = arith.addf %add3A_600, %slice3A_601 : vector<1x64xf32>
    %slice3A_603 = vector.extract_strided_slice %dot_general3A_580 {offsets = [0, 640], sizes = [1, 64], strides = [1, 1]} : vector<1x1024xf32> to vector<1x64xf32>
    %add3A_604 = arith.addf %add3A_602, %slice3A_603 : vector<1x64xf32>
    %slice3A_605 = vector.extract_strided_slice %dot_general3A_580 {offsets = [0, 704], sizes = [1, 64], strides = [1, 1]} : vector<1x1024xf32> to vector<1x64xf32>
    %add3A_606 = arith.addf %add3A_604, %slice3A_605 : vector<1x64xf32>
    %slice3A_607 = vector.extract_strided_slice %dot_general3A_580 {offsets = [0, 768], sizes = [1, 64], strides = [1, 1]} : vector<1x1024xf32> to vector<1x64xf32>
    %add3A_608 = arith.addf %add3A_606, %slice3A_607 : vector<1x64xf32>
    %slice3A_609 = vector.extract_strided_slice %dot_general3A_580 {offsets = [0, 832], sizes = [1, 64], strides = [1, 1]} : vector<1x1024xf32> to vector<1x64xf32>
    %add3A_610 = arith.addf %add3A_608, %slice3A_609 : vector<1x64xf32>
    %slice3A_611 = vector.extract_strided_slice %dot_general3A_580 {offsets = [0, 896], sizes = [1, 64], strides = [1, 1]} : vector<1x1024xf32> to vector<1x64xf32>
    %add3A_612 = arith.addf %add3A_610, %slice3A_611 : vector<1x64xf32>
    %slice3A_613 = vector.extract_strided_slice %dot_general3A_580 {offsets = [0, 960], sizes = [1, 64], strides = [1, 1]} : vector<1x1024xf32> to vector<1x64xf32>
    %add3A_614 = arith.addf %add3A_612, %slice3A_613 : vector<1x64xf32>
    %transpose3A_615 = tpu.transpose %add3A_614, [1, 0] : vector<1x64xf32> -> vector<64x1xf32>
    %add3A_616 = vector.broadcast %transpose3A_615 : vector<64x1xf32> to vector<64x64xf32>
    %add3A_617 = vector.broadcast %add3A_614 : vector<1x64xf32> to vector<64x64xf32>
    %add3A_618 = arith.addf %add3A_616, %add3A_617 : vector<64x64xf32>
    %mul3A_619 = arith.constant 2.000000e+00 : f32
    %mul3A_620 = vector.broadcast %mul3A_619 : f32 to vector<64x64xf32>
    %mul3A_621 = arith.mulf %mul3A_620, %add3A_578 : vector<64x64xf32>
    %sub3A_622 = arith.subf %add3A_618, %mul3A_621 : vector<64x64xf32>
    %broadcast_in_dim3A_623 = vector.shape_cast %add3A_614 : vector<1x64xf32> to vector<1x64xf32>
    %broadcast_in_dim3A_624 = vector.broadcast %broadcast_in_dim3A_623 : vector<1x64xf32> to vector<8x64xf32>
    %concatenate3A_625 = tpu.concatenate %sub3A_622, %broadcast_in_dim3A_624 in 0 : vector<64x64xf32>, vector<8x64xf32> -> vector<72x64xf32>
    %slice3A_626 = vector.extract_strided_slice %concatenate3A_625 {offsets = [0, 0], sizes = [72, 16], strides = [1, 1]} : vector<72x64xf32> to vector<72x16xf32>
    %swap3A_627 = arith.constant 3 : index
    %swap3A_628 = arith.constant 0 : index
    %swap3A_629 = arith.constant 0 : index
    %swap3A_630 = arith.constant 0 : index
    %swap3A_631 = vector.load %arg3[%swap3A_627, %swap3A_628, %swap3A_629, %swap3A_630] : memref<5x4x72x16xf32, #tpu.memory_space<vmem>>, vector<1x1x72x16xf32>
    %swap3A_632 = vector.shape_cast %swap3A_631 : vector<1x1x72x16xf32> to vector<72x16xf32>
    %swap3A_633 = vector.shape_cast %slice3A_626 : vector<72x16xf32> to vector<1x1x72x16xf32>
    tpu.vector_store %arg3[%swap3A_627, %swap3A_628, %swap3A_629, %swap3A_630], %swap3A_633 {strides = array<i32>} : memref<5x4x72x16xf32, #tpu.memory_space<vmem>>, vector<1x1x72x16xf32>,
    %slice3A_634 = vector.extract_strided_slice %concatenate3A_625 {offsets = [0, 16], sizes = [72, 16], strides = [1, 1]} : vector<72x64xf32> to vector<72x16xf32>
    %swap3A_635 = arith.constant 3 : index
    %swap3A_636 = arith.constant 1 : index
    %swap3A_637 = arith.constant 0 : index
    %swap3A_638 = arith.constant 0 : index
    %swap3A_639 = vector.load %arg3[%swap3A_635, %swap3A_636, %swap3A_637, %swap3A_638] : memref<5x4x72x16xf32, #tpu.memory_space<vmem>>, vector<1x1x72x16xf32>
    %swap3A_640 = vector.shape_cast %swap3A_639 : vector<1x1x72x16xf32> to vector<72x16xf32>
    %swap3A_641 = vector.shape_cast %slice3A_634 : vector<72x16xf32> to vector<1x1x72x16xf32>
    tpu.vector_store %arg3[%swap3A_635, %swap3A_636, %swap3A_637, %swap3A_638], %swap3A_641 {strides = array<i32>} : memref<5x4x72x16xf32, #tpu.memory_space<vmem>>, vector<1x1x72x16xf32>,
    %slice3A_642 = vector.extract_strided_slice %concatenate3A_625 {offsets = [0, 32], sizes = [72, 16], strides = [1, 1]} : vector<72x64xf32> to vector<72x16xf32>
    %swap3A_643 = arith.constant 3 : index
    %swap3A_644 = arith.constant 2 : index
    %swap3A_645 = arith.constant 0 : index
    %swap3A_646 = arith.constant 0 : index
    %swap3A_647 = vector.load %arg3[%swap3A_643, %swap3A_644, %swap3A_645, %swap3A_646] : memref<5x4x72x16xf32, #tpu.memory_space<vmem>>, vector<1x1x72x16xf32>
    %swap3A_648 = vector.shape_cast %swap3A_647 : vector<1x1x72x16xf32> to vector<72x16xf32>
    %swap3A_649 = vector.shape_cast %slice3A_642 : vector<72x16xf32> to vector<1x1x72x16xf32>
    tpu.vector_store %arg3[%swap3A_643, %swap3A_644, %swap3A_645, %swap3A_646], %swap3A_649 {strides = array<i32>} : memref<5x4x72x16xf32, #tpu.memory_space<vmem>>, vector<1x1x72x16xf32>,
    %slice3A_650 = vector.extract_strided_slice %concatenate3A_625 {offsets = [0, 48], sizes = [72, 16], strides = [1, 1]} : vector<72x64xf32> to vector<72x16xf32>
    %swap3A_651 = arith.constant 3 : index
    %swap3A_652 = arith.constant 3 : index
    %swap3A_653 = arith.constant 0 : index
    %swap3A_654 = arith.constant 0 : index
    %swap3A_655 = vector.load %arg3[%swap3A_651, %swap3A_652, %swap3A_653, %swap3A_654] : memref<5x4x72x16xf32, #tpu.memory_space<vmem>>, vector<1x1x72x16xf32>
    %swap3A_656 = vector.shape_cast %swap3A_655 : vector<1x1x72x16xf32> to vector<72x16xf32>
    %swap3A_657 = vector.shape_cast %slice3A_650 : vector<72x16xf32> to vector<1x1x72x16xf32>
    tpu.vector_store %arg3[%swap3A_651, %swap3A_652, %swap3A_653, %swap3A_654], %swap3A_657 {strides = array<i32>} : memref<5x4x72x16xf32, #tpu.memory_space<vmem>>, vector<1x1x72x16xf32>,
    %get3A_658 = arith.constant 4 : index
    %get3A_659 = arith.constant 0 : index
    %get3A_660 = arith.constant 0 : index
    %get3A_661 = vector.load %arg1[%get3A_658, %get3A_659, %get3A_660] : memref<5x32x1024xf32, #tpu.memory_space<vmem>>, vector<1x32x1024xf32>
    %get3A_662 = vector.shape_cast %get3A_661 : vector<1x32x1024xf32> to vector<32x1024xf32>
    %get3A_663 = arith.constant 0 : index
    %get3A_664 = arith.constant 0 : index
    %get3A_665 = vector.load %arg2[%get3A_663, %get3A_664] : memref<1024x1024xf32, #tpu.memory_space<vmem>>, vector<1024x1024xf32>
    %dot_general3A_666 = arith.constant dense<0.000000e+00> : vector<32x1024xf32>
    %dot_general3A_667 = tpu.matmul %get3A_662, %get3A_665, %dot_general3A_666 {dimension_numbers = #tpu.dot_dimension_numbers<[1], [0], [0], [1], [0, 0, 1, 1], [], []>, transpose_lhs_hint = false} : vector<32x1024xf32>, vector<1024x1024xf32>, vector<32x1024xf32> -> vector<32x1024xf32>
    %mul3A_668 = arith.mulf %dot_general3A_667, %dot_general3A_667 : vector<32x1024xf32>
    %broadcast_in_dim3A_669 = arith.constant 1.000000e+00 : f32
    %broadcast_in_dim3A_670 = vector.broadcast %broadcast_in_dim3A_669 : f32 to vector<1x32xf32>
    %broadcast_in_dim3A_671 = arith.constant 0.000000e+00 : f32
    %broadcast_in_dim3A_672 = vector.broadcast %broadcast_in_dim3A_671 : f32 to vector<64x64xf32>
    %broadcast_in_dim3A_673 = arith.constant 0.000000e+00 : f32
    %broadcast_in_dim3A_674 = vector.broadcast %broadcast_in_dim3A_673 : f32 to vector<64x64xf32>
    %broadcast_in_dim3A_675 = arith.constant 0.000000e+00 : f32
    %broadcast_in_dim3A_676 = vector.broadcast %broadcast_in_dim3A_675 : f32 to vector<64x64xf32>
    %broadcast_in_dim3A_677 = arith.constant 0.000000e+00 : f32
    %broadcast_in_dim3A_678 = vector.broadcast %broadcast_in_dim3A_677 : f32 to vector<64x64xf32>
    %slice3A_679 = vector.extract_strided_slice %dot_general3A_667 {offsets = [0, 0], sizes = [32, 64], strides = [1, 1]} : vector<32x1024xf32> to vector<32x64xf32>
    %dot_general3A_680 = arith.constant dense<0.000000e+00> : vector<64x64xf32>
    %dot_general3A_681 = tpu.matmul %slice3A_679, %slice3A_679, %dot_general3A_680 {dimension_numbers = #tpu.dot_dimension_numbers<[0], [0], [1], [1], [0, 1, 1, 1], [], []>, transpose_lhs_hint = false} : vector<32x64xf32>, vector<32x64xf32>, vector<64x64xf32> -> vector<64x64xf32>
    %add3A_682 = arith.addf %broadcast_in_dim3A_672, %dot_general3A_681 : vector<64x64xf32>
    %slice3A_683 = vector.extract_strided_slice %dot_general3A_667 {offsets = [0, 64], sizes = [32, 64], strides = [1, 1]} : vector<32x1024xf32> to vector<32x64xf32>
    %dot_general3A_684 = arith.constant dense<0.000000e+00> : vector<64x64xf32>
    %dot_general3A_685 = tpu.matmul %slice3A_683, %slice3A_683, %dot_general3A_684 {dimension_numbers = #tpu.dot_dimension_numbers<[0], [0], [1], [1], [0, 1, 1, 1], [], []>, transpose_lhs_hint = false} : vector<32x64xf32>, vector<32x64xf32>, vector<64x64xf32> -> vector<64x64xf32>
    %add3A_686 = arith.addf %broadcast_in_dim3A_674, %dot_general3A_685 : vector<64x64xf32>
    %slice3A_687 = vector.extract_strided_slice %dot_general3A_667 {offsets = [0, 128], sizes = [32, 64], strides = [1, 1]} : vector<32x1024xf32> to vector<32x64xf32>
    %dot_general3A_688 = arith.constant dense<0.000000e+00> : vector<64x64xf32>
    %dot_general3A_689 = tpu.matmul %slice3A_687, %slice3A_687, %dot_general3A_688 {dimension_numbers = #tpu.dot_dimension_numbers<[0], [0], [1], [1], [0, 1, 1, 1], [], []>, transpose_lhs_hint = false} : vector<32x64xf32>, vector<32x64xf32>, vector<64x64xf32> -> vector<64x64xf32>
    %add3A_690 = arith.addf %broadcast_in_dim3A_676, %dot_general3A_689 : vector<64x64xf32>
    %slice3A_691 = vector.extract_strided_slice %dot_general3A_667 {offsets = [0, 192], sizes = [32, 64], strides = [1, 1]} : vector<32x1024xf32> to vector<32x64xf32>
    %dot_general3A_692 = arith.constant dense<0.000000e+00> : vector<64x64xf32>
    %dot_general3A_693 = tpu.matmul %slice3A_691, %slice3A_691, %dot_general3A_692 {dimension_numbers = #tpu.dot_dimension_numbers<[0], [0], [1], [1], [0, 1, 1, 1], [], []>, transpose_lhs_hint = false} : vector<32x64xf32>, vector<32x64xf32>, vector<64x64xf32> -> vector<64x64xf32>
    %add3A_694 = arith.addf %broadcast_in_dim3A_678, %dot_general3A_693 : vector<64x64xf32>
    %slice3A_695 = vector.extract_strided_slice %dot_general3A_667 {offsets = [0, 256], sizes = [32, 64], strides = [1, 1]} : vector<32x1024xf32> to vector<32x64xf32>
    %dot_general3A_696 = arith.constant dense<0.000000e+00> : vector<64x64xf32>
    %dot_general3A_697 = tpu.matmul %slice3A_695, %slice3A_695, %dot_general3A_696 {dimension_numbers = #tpu.dot_dimension_numbers<[0], [0], [1], [1], [0, 1, 1, 1], [], []>, transpose_lhs_hint = false} : vector<32x64xf32>, vector<32x64xf32>, vector<64x64xf32> -> vector<64x64xf32>
    %add3A_698 = arith.addf %add3A_682, %dot_general3A_697 : vector<64x64xf32>
    %slice3A_699 = vector.extract_strided_slice %dot_general3A_667 {offsets = [0, 320], sizes = [32, 64], strides = [1, 1]} : vector<32x1024xf32> to vector<32x64xf32>
    %dot_general3A_700 = arith.constant dense<0.000000e+00> : vector<64x64xf32>
    %dot_general3A_701 = tpu.matmul %slice3A_699, %slice3A_699, %dot_general3A_700 {dimension_numbers = #tpu.dot_dimension_numbers<[0], [0], [1], [1], [0, 1, 1, 1], [], []>, transpose_lhs_hint = false} : vector<32x64xf32>, vector<32x64xf32>, vector<64x64xf32> -> vector<64x64xf32>
    %add3A_702 = arith.addf %add3A_686, %dot_general3A_701 : vector<64x64xf32>
    %slice3A_703 = vector.extract_strided_slice %dot_general3A_667 {offsets = [0, 384], sizes = [32, 64], strides = [1, 1]} : vector<32x1024xf32> to vector<32x64xf32>
    %dot_general3A_704 = arith.constant dense<0.000000e+00> : vector<64x64xf32>
    %dot_general3A_705 = tpu.matmul %slice3A_703, %slice3A_703, %dot_general3A_704 {dimension_numbers = #tpu.dot_dimension_numbers<[0], [0], [1], [1], [0, 1, 1, 1], [], []>, transpose_lhs_hint = false} : vector<32x64xf32>, vector<32x64xf32>, vector<64x64xf32> -> vector<64x64xf32>
    %add3A_706 = arith.addf %add3A_690, %dot_general3A_705 : vector<64x64xf32>
    %slice3A_707 = vector.extract_strided_slice %dot_general3A_667 {offsets = [0, 448], sizes = [32, 64], strides = [1, 1]} : vector<32x1024xf32> to vector<32x64xf32>
    %dot_general3A_708 = arith.constant dense<0.000000e+00> : vector<64x64xf32>
    %dot_general3A_709 = tpu.matmul %slice3A_707, %slice3A_707, %dot_general3A_708 {dimension_numbers = #tpu.dot_dimension_numbers<[0], [0], [1], [1], [0, 1, 1, 1], [], []>, transpose_lhs_hint = false} : vector<32x64xf32>, vector<32x64xf32>, vector<64x64xf32> -> vector<64x64xf32>
    %add3A_710 = arith.addf %add3A_694, %dot_general3A_709 : vector<64x64xf32>
    %slice3A_711 = vector.extract_strided_slice %dot_general3A_667 {offsets = [0, 512], sizes = [32, 64], strides = [1, 1]} : vector<32x1024xf32> to vector<32x64xf32>
    %dot_general3A_712 = arith.constant dense<0.000000e+00> : vector<64x64xf32>
    %dot_general3A_713 = tpu.matmul %slice3A_711, %slice3A_711, %dot_general3A_712 {dimension_numbers = #tpu.dot_dimension_numbers<[0], [0], [1], [1], [0, 1, 1, 1], [], []>, transpose_lhs_hint = false} : vector<32x64xf32>, vector<32x64xf32>, vector<64x64xf32> -> vector<64x64xf32>
    %add3A_714 = arith.addf %add3A_698, %dot_general3A_713 : vector<64x64xf32>
    %slice3A_715 = vector.extract_strided_slice %dot_general3A_667 {offsets = [0, 576], sizes = [32, 64], strides = [1, 1]} : vector<32x1024xf32> to vector<32x64xf32>
    %dot_general3A_716 = arith.constant dense<0.000000e+00> : vector<64x64xf32>
    %dot_general3A_717 = tpu.matmul %slice3A_715, %slice3A_715, %dot_general3A_716 {dimension_numbers = #tpu.dot_dimension_numbers<[0], [0], [1], [1], [0, 1, 1, 1], [], []>, transpose_lhs_hint = false} : vector<32x64xf32>, vector<32x64xf32>, vector<64x64xf32> -> vector<64x64xf32>
    %add3A_718 = arith.addf %add3A_702, %dot_general3A_717 : vector<64x64xf32>
    %slice3A_719 = vector.extract_strided_slice %dot_general3A_667 {offsets = [0, 640], sizes = [32, 64], strides = [1, 1]} : vector<32x1024xf32> to vector<32x64xf32>
    %dot_general3A_720 = arith.constant dense<0.000000e+00> : vector<64x64xf32>
    %dot_general3A_721 = tpu.matmul %slice3A_719, %slice3A_719, %dot_general3A_720 {dimension_numbers = #tpu.dot_dimension_numbers<[0], [0], [1], [1], [0, 1, 1, 1], [], []>, transpose_lhs_hint = false} : vector<32x64xf32>, vector<32x64xf32>, vector<64x64xf32> -> vector<64x64xf32>
    %add3A_722 = arith.addf %add3A_706, %dot_general3A_721 : vector<64x64xf32>
    %slice3A_723 = vector.extract_strided_slice %dot_general3A_667 {offsets = [0, 704], sizes = [32, 64], strides = [1, 1]} : vector<32x1024xf32> to vector<32x64xf32>
    %dot_general3A_724 = arith.constant dense<0.000000e+00> : vector<64x64xf32>
    %dot_general3A_725 = tpu.matmul %slice3A_723, %slice3A_723, %dot_general3A_724 {dimension_numbers = #tpu.dot_dimension_numbers<[0], [0], [1], [1], [0, 1, 1, 1], [], []>, transpose_lhs_hint = false} : vector<32x64xf32>, vector<32x64xf32>, vector<64x64xf32> -> vector<64x64xf32>
    %add3A_726 = arith.addf %add3A_710, %dot_general3A_725 : vector<64x64xf32>
    %slice3A_727 = vector.extract_strided_slice %dot_general3A_667 {offsets = [0, 768], sizes = [32, 64], strides = [1, 1]} : vector<32x1024xf32> to vector<32x64xf32>
    %dot_general3A_728 = arith.constant dense<0.000000e+00> : vector<64x64xf32>
    %dot_general3A_729 = tpu.matmul %slice3A_727, %slice3A_727, %dot_general3A_728 {dimension_numbers = #tpu.dot_dimension_numbers<[0], [0], [1], [1], [0, 1, 1, 1], [], []>, transpose_lhs_hint = false} : vector<32x64xf32>, vector<32x64xf32>, vector<64x64xf32> -> vector<64x64xf32>
    %add3A_730 = arith.addf %add3A_714, %dot_general3A_729 : vector<64x64xf32>
    %slice3A_731 = vector.extract_strided_slice %dot_general3A_667 {offsets = [0, 832], sizes = [32, 64], strides = [1, 1]} : vector<32x1024xf32> to vector<32x64xf32>
    %dot_general3A_732 = arith.constant dense<0.000000e+00> : vector<64x64xf32>
    %dot_general3A_733 = tpu.matmul %slice3A_731, %slice3A_731, %dot_general3A_732 {dimension_numbers = #tpu.dot_dimension_numbers<[0], [0], [1], [1], [0, 1, 1, 1], [], []>, transpose_lhs_hint = false} : vector<32x64xf32>, vector<32x64xf32>, vector<64x64xf32> -> vector<64x64xf32>
    %add3A_734 = arith.addf %add3A_718, %dot_general3A_733 : vector<64x64xf32>
    %slice3A_735 = vector.extract_strided_slice %dot_general3A_667 {offsets = [0, 896], sizes = [32, 64], strides = [1, 1]} : vector<32x1024xf32> to vector<32x64xf32>
    %dot_general3A_736 = arith.constant dense<0.000000e+00> : vector<64x64xf32>
    %dot_general3A_737 = tpu.matmul %slice3A_735, %slice3A_735, %dot_general3A_736 {dimension_numbers = #tpu.dot_dimension_numbers<[0], [0], [1], [1], [0, 1, 1, 1], [], []>, transpose_lhs_hint = false} : vector<32x64xf32>, vector<32x64xf32>, vector<64x64xf32> -> vector<64x64xf32>
    %add3A_738 = arith.addf %add3A_722, %dot_general3A_737 : vector<64x64xf32>
    %slice3A_739 = vector.extract_strided_slice %dot_general3A_667 {offsets = [0, 960], sizes = [32, 64], strides = [1, 1]} : vector<32x1024xf32> to vector<32x64xf32>
    %dot_general3A_740 = arith.constant dense<0.000000e+00> : vector<64x64xf32>
    %dot_general3A_741 = tpu.matmul %slice3A_739, %slice3A_739, %dot_general3A_740 {dimension_numbers = #tpu.dot_dimension_numbers<[0], [0], [1], [1], [0, 1, 1, 1], [], []>, transpose_lhs_hint = false} : vector<32x64xf32>, vector<32x64xf32>, vector<64x64xf32> -> vector<64x64xf32>
    %add3A_742 = arith.addf %add3A_726, %dot_general3A_741 : vector<64x64xf32>
    %add3A_743 = arith.addf %add3A_730, %add3A_734 : vector<64x64xf32>
    %add3A_744 = arith.addf %add3A_738, %add3A_742 : vector<64x64xf32>
    %add3A_745 = arith.addf %add3A_743, %add3A_744 : vector<64x64xf32>
    %dot_general3A_746 = arith.constant dense<0.000000e+00> : vector<1x1024xf32>
    %dot_general3A_747 = tpu.matmul %broadcast_in_dim3A_670, %mul3A_668, %dot_general3A_746 {dimension_numbers = #tpu.dot_dimension_numbers<[1], [0], [0], [1], [0, 0, 1, 1], [], []>, transpose_lhs_hint = false} : vector<1x32xf32>, vector<32x1024xf32>, vector<1x1024xf32> -> vector<1x1024xf32>
    %broadcast_in_dim3A_748 = arith.constant 0.000000e+00 : f32
    %broadcast_in_dim3A_749 = vector.broadcast %broadcast_in_dim3A_748 : f32 to vector<1x64xf32>
    %slice3A_750 = vector.extract_strided_slice %dot_general3A_747 {offsets = [0, 0], sizes = [1, 64], strides = [1, 1]} : vector<1x1024xf32> to vector<1x64xf32>
    %add3A_751 = arith.addf %broadcast_in_dim3A_749, %slice3A_750 : vector<1x64xf32>
    %slice3A_752 = vector.extract_strided_slice %dot_general3A_747 {offsets = [0, 64], sizes = [1, 64], strides = [1, 1]} : vector<1x1024xf32> to vector<1x64xf32>
    %add3A_753 = arith.addf %add3A_751, %slice3A_752 : vector<1x64xf32>
    %slice3A_754 = vector.extract_strided_slice %dot_general3A_747 {offsets = [0, 128], sizes = [1, 64], strides = [1, 1]} : vector<1x1024xf32> to vector<1x64xf32>
    %add3A_755 = arith.addf %add3A_753, %slice3A_754 : vector<1x64xf32>
    %slice3A_756 = vector.extract_strided_slice %dot_general3A_747 {offsets = [0, 192], sizes = [1, 64], strides = [1, 1]} : vector<1x1024xf32> to vector<1x64xf32>
    %add3A_757 = arith.addf %add3A_755, %slice3A_756 : vector<1x64xf32>
    %slice3A_758 = vector.extract_strided_slice %dot_general3A_747 {offsets = [0, 256], sizes = [1, 64], strides = [1, 1]} : vector<1x1024xf32> to vector<1x64xf32>
    %add3A_759 = arith.addf %add3A_757, %slice3A_758 : vector<1x64xf32>
    %slice3A_760 = vector.extract_strided_slice %dot_general3A_747 {offsets = [0, 320], sizes = [1, 64], strides = [1, 1]} : vector<1x1024xf32> to vector<1x64xf32>
    %add3A_761 = arith.addf %add3A_759, %slice3A_760 : vector<1x64xf32>
    %slice3A_762 = vector.extract_strided_slice %dot_general3A_747 {offsets = [0, 384], sizes = [1, 64], strides = [1, 1]} : vector<1x1024xf32> to vector<1x64xf32>
    %add3A_763 = arith.addf %add3A_761, %slice3A_762 : vector<1x64xf32>
    %slice3A_764 = vector.extract_strided_slice %dot_general3A_747 {offsets = [0, 448], sizes = [1, 64], strides = [1, 1]} : vector<1x1024xf32> to vector<1x64xf32>
    %add3A_765 = arith.addf %add3A_763, %slice3A_764 : vector<1x64xf32>
    %slice3A_766 = vector.extract_strided_slice %dot_general3A_747 {offsets = [0, 512], sizes = [1, 64], strides = [1, 1]} : vector<1x1024xf32> to vector<1x64xf32>
    %add3A_767 = arith.addf %add3A_765, %slice3A_766 : vector<1x64xf32>
    %slice3A_768 = vector.extract_strided_slice %dot_general3A_747 {offsets = [0, 576], sizes = [1, 64], strides = [1, 1]} : vector<1x1024xf32> to vector<1x64xf32>
    %add3A_769 = arith.addf %add3A_767, %slice3A_768 : vector<1x64xf32>
    %slice3A_770 = vector.extract_strided_slice %dot_general3A_747 {offsets = [0, 640], sizes = [1, 64], strides = [1, 1]} : vector<1x1024xf32> to vector<1x64xf32>
    %add3A_771 = arith.addf %add3A_769, %slice3A_770 : vector<1x64xf32>
    %slice3A_772 = vector.extract_strided_slice %dot_general3A_747 {offsets = [0, 704], sizes = [1, 64], strides = [1, 1]} : vector<1x1024xf32> to vector<1x64xf32>
    %add3A_773 = arith.addf %add3A_771, %slice3A_772 : vector<1x64xf32>
    %slice3A_774 = vector.extract_strided_slice %dot_general3A_747 {offsets = [0, 768], sizes = [1, 64], strides = [1, 1]} : vector<1x1024xf32> to vector<1x64xf32>
    %add3A_775 = arith.addf %add3A_773, %slice3A_774 : vector<1x64xf32>
    %slice3A_776 = vector.extract_strided_slice %dot_general3A_747 {offsets = [0, 832], sizes = [1, 64], strides = [1, 1]} : vector<1x1024xf32> to vector<1x64xf32>
    %add3A_777 = arith.addf %add3A_775, %slice3A_776 : vector<1x64xf32>
    %slice3A_778 = vector.extract_strided_slice %dot_general3A_747 {offsets = [0, 896], sizes = [1, 64], strides = [1, 1]} : vector<1x1024xf32> to vector<1x64xf32>
    %add3A_779 = arith.addf %add3A_777, %slice3A_778 : vector<1x64xf32>
    %slice3A_780 = vector.extract_strided_slice %dot_general3A_747 {offsets = [0, 960], sizes = [1, 64], strides = [1, 1]} : vector<1x1024xf32> to vector<1x64xf32>
    %add3A_781 = arith.addf %add3A_779, %slice3A_780 : vector<1x64xf32>
    %transpose3A_782 = tpu.transpose %add3A_781, [1, 0] : vector<1x64xf32> -> vector<64x1xf32>
    %add3A_783 = vector.broadcast %transpose3A_782 : vector<64x1xf32> to vector<64x64xf32>
    %add3A_784 = vector.broadcast %add3A_781 : vector<1x64xf32> to vector<64x64xf32>
    %add3A_785 = arith.addf %add3A_783, %add3A_784 : vector<64x64xf32>
    %mul3A_786 = arith.constant 2.000000e+00 : f32
    %mul3A_787 = vector.broadcast %mul3A_786 : f32 to vector<64x64xf32>
    %mul3A_788 = arith.mulf %mul3A_787, %add3A_745 : vector<64x64xf32>
    %sub3A_789 = arith.subf %add3A_785, %mul3A_788 : vector<64x64xf32>
    %broadcast_in_dim3A_790 = vector.shape_cast %add3A_781 : vector<1x64xf32> to vector<1x64xf32>
    %broadcast_in_dim3A_791 = vector.broadcast %broadcast_in_dim3A_790 : vector<1x64xf32> to vector<8x64xf32>
    %concatenate3A_792 = tpu.concatenate %sub3A_789, %broadcast_in_dim3A_791 in 0 : vector<64x64xf32>, vector<8x64xf32> -> vector<72x64xf32>
    %slice3A_793 = vector.extract_strided_slice %concatenate3A_792 {offsets = [0, 0], sizes = [72, 16], strides = [1, 1]} : vector<72x64xf32> to vector<72x16xf32>
    %swap3A_794 = arith.constant 4 : index
    %swap3A_795 = arith.constant 0 : index
    %swap3A_796 = arith.constant 0 : index
    %swap3A_797 = arith.constant 0 : index
    %swap3A_798 = vector.load %arg3[%swap3A_794, %swap3A_795, %swap3A_796, %swap3A_797] : memref<5x4x72x16xf32, #tpu.memory_space<vmem>>, vector<1x1x72x16xf32>
    %swap3A_799 = vector.shape_cast %swap3A_798 : vector<1x1x72x16xf32> to vector<72x16xf32>
    %swap3A_800 = vector.shape_cast %slice3A_793 : vector<72x16xf32> to vector<1x1x72x16xf32>
    tpu.vector_store %arg3[%swap3A_794, %swap3A_795, %swap3A_796, %swap3A_797], %swap3A_800 {strides = array<i32>} : memref<5x4x72x16xf32, #tpu.memory_space<vmem>>, vector<1x1x72x16xf32>,
    %slice3A_801 = vector.extract_strided_slice %concatenate3A_792 {offsets = [0, 16], sizes = [72, 16], strides = [1, 1]} : vector<72x64xf32> to vector<72x16xf32>
    %swap3A_802 = arith.constant 4 : index
    %swap3A_803 = arith.constant 1 : index
    %swap3A_804 = arith.constant 0 : index
    %swap3A_805 = arith.constant 0 : index
    %swap3A_806 = vector.load %arg3[%swap3A_802, %swap3A_803, %swap3A_804, %swap3A_805] : memref<5x4x72x16xf32, #tpu.memory_space<vmem>>, vector<1x1x72x16xf32>
    %swap3A_807 = vector.shape_cast %swap3A_806 : vector<1x1x72x16xf32> to vector<72x16xf32>
    %swap3A_808 = vector.shape_cast %slice3A_801 : vector<72x16xf32> to vector<1x1x72x16xf32>
    tpu.vector_store %arg3[%swap3A_802, %swap3A_803, %swap3A_804, %swap3A_805], %swap3A_808 {strides = array<i32>} : memref<5x4x72x16xf32, #tpu.memory_space<vmem>>, vector<1x1x72x16xf32>,
    %slice3A_809 = vector.extract_strided_slice %concatenate3A_792 {offsets = [0, 32], sizes = [72, 16], strides = [1, 1]} : vector<72x64xf32> to vector<72x16xf32>
    %swap3A_810 = arith.constant 4 : index
    %swap3A_811 = arith.constant 2 : index
    %swap3A_812 = arith.constant 0 : index
    %swap3A_813 = arith.constant 0 : index
    %swap3A_814 = vector.load %arg3[%swap3A_810, %swap3A_811, %swap3A_812, %swap3A_813] : memref<5x4x72x16xf32, #tpu.memory_space<vmem>>, vector<1x1x72x16xf32>
    %swap3A_815 = vector.shape_cast %swap3A_814 : vector<1x1x72x16xf32> to vector<72x16xf32>
    %swap3A_816 = vector.shape_cast %slice3A_809 : vector<72x16xf32> to vector<1x1x72x16xf32>
    tpu.vector_store %arg3[%swap3A_810, %swap3A_811, %swap3A_812, %swap3A_813], %swap3A_816 {strides = array<i32>} : memref<5x4x72x16xf32, #tpu.memory_space<vmem>>, vector<1x1x72x16xf32>,
    %slice3A_817 = vector.extract_strided_slice %concatenate3A_792 {offsets = [0, 48], sizes = [72, 16], strides = [1, 1]} : vector<72x64xf32> to vector<72x16xf32>
    %swap3A_818 = arith.constant 4 : index
    %swap3A_819 = arith.constant 3 : index
    %swap3A_820 = arith.constant 0 : index
    %swap3A_821 = arith.constant 0 : index
    %swap3A_822 = vector.load %arg3[%swap3A_818, %swap3A_819, %swap3A_820, %swap3A_821] : memref<5x4x72x16xf32, #tpu.memory_space<vmem>>, vector<1x1x72x16xf32>
    %swap3A_823 = vector.shape_cast %swap3A_822 : vector<1x1x72x16xf32> to vector<72x16xf32>
    %swap3A_824 = vector.shape_cast %slice3A_817 : vector<72x16xf32> to vector<1x1x72x16xf32>
    tpu.vector_store %arg3[%swap3A_818, %swap3A_819, %swap3A_820, %swap3A_821], %swap3A_824 {strides = array<i32>} : memref<5x4x72x16xf32, #tpu.memory_space<vmem>>, vector<1x1x72x16xf32>,
    return
  }
  func.func @transform_0(%arg0: i32) -> (i32, i32, i32) {
    %c0_i32 = arith.constant 0 : i32
    %c0_i32_0 = arith.constant 0 : i32
    %c0_i32_1 = arith.constant 0 : i32
    return %arg0, %c0_i32, %c0_i32_0 : i32, i32, i32
  }
  func.func @transform_1(%arg0: i32) -> (i32, i32) {
    %c0_i32 = arith.constant 0 : i32
    %c0_i32_0 = arith.constant 0 : i32
    %c0_i32_1 = arith.constant 0 : i32
    return %c0_i32, %c0_i32_0 : i32, i32
  }
  func.func @transform_2(%arg0: i32) -> (i32, i32, i32, i32) {
    %c0_i32 = arith.constant 0 : i32
    %c0_i32_0 = arith.constant 0 : i32
    %c0_i32_1 = arith.constant 0 : i32
    %c0_i32_2 = arith.constant 0 : i32
    return %arg0, %c0_i32, %c0_i32_0, %c0_i32_1 : i32, i32, i32, i32
  }
}

module attributes {stable_mosaic.version = 14 : i64} {
  func.func @_main_kernel(%arg0: i32, %arg1: memref<5x32x1024xf32, #tpu.memory_space<vmem>>, %arg2: memref<5x4x3x16xi32, #tpu.memory_space<vmem>>, %arg3: memref<1024x1024xf32, #tpu.memory_space<vmem>>, %arg4: memref<3x32x32xf32, #tpu.memory_space<vmem>>, %arg5: memref<9x32x64xf32, #tpu.memory_space<vmem>>, %arg6: memref<5x32x1024xf32, #tpu.memory_space<vmem>>) attributes {dimension_semantics = [#tpu.dimension_semantics<arbitrary>], iteration_bounds = array<i64: 5>, scalar_prefetch = 0 : i64, scratch_operands = 0 : i64, tpu.core_type = #tpu.core_type<tc>, window_params = [{transform_indices = @transform_0, window_bounds = array<i64: 5, 32, 1024>}, {transform_indices = @transform_1, window_bounds = array<i64: 5, 4, 3, 16>}, {pipeline_mode = #tpu.pipeline_mode<synchronous>, transform_indices = @transform_2, window_bounds = array<i64: 1024, 1024>}, {pipeline_mode = #tpu.pipeline_mode<synchronous>, transform_indices = @transform_3, window_bounds = array<i64: 3, 32, 32>}, {pipeline_mode = #tpu.pipeline_mode<synchronous>, transform_indices = @transform_4, window_bounds = array<i64: 9, 32, 64>}, {transform_indices = @transform_5, window_bounds = array<i64: 5, 32, 1024>}]} {
    %get3A = arith.constant 0 : index
    %get3A_0 = arith.constant 0 : index
    %get3A_1 = arith.constant 0 : index
    %get3A_2 = vector.load %arg1[%get3A, %get3A_0, %get3A_1] : memref<5x32x1024xf32, #tpu.memory_space<vmem>>, vector<1x32x1024xf32>
    %get3A_3 = vector.shape_cast %get3A_2 : vector<1x32x1024xf32> to vector<32x1024xf32>
    %get3A_4 = arith.constant 0 : index
    %get3A_5 = arith.constant 0 : index
    %get3A_6 = vector.load %arg3[%get3A_4, %get3A_5] : memref<1024x1024xf32, #tpu.memory_space<vmem>>, vector<1024x1024xf32>
    %dot_general3A = arith.constant dense<0.000000e+00> : vector<32x1024xf32>
    %dot_general3A_7 = tpu.matmul %get3A_3, %get3A_6, %dot_general3A {dimension_numbers = #tpu.dot_dimension_numbers<[1], [0], [0], [1], [0, 0, 1, 1], [], []>, transpose_lhs_hint = false} : vector<32x1024xf32>, vector<1024x1024xf32>, vector<32x1024xf32> -> vector<32x1024xf32>
    %get3A_8 = arith.constant 0 : index
    %get3A_9 = arith.constant 0 : index
    %get3A_10 = arith.constant 0 : index
    %get3A_11 = arith.constant 0 : index
    %get3A_12 = vector.load %arg2[%get3A_8, %get3A_9, %get3A_10, %get3A_11] : memref<5x4x3x16xi32, #tpu.memory_space<vmem>>, vector<1x4x3x16xi32>
    %get3A_13 = vector.shape_cast %get3A_12 : vector<1x4x3x16xi32> to vector<4x3x16xi32>
    %iota3A = tpu.iota {dimensions = array<i32: 0>} : vector<64x64xi32>
    %slice3A = vector.extract_strided_slice %get3A_13 {offsets = [0, 0, 0], sizes = [1, 1, 16], strides = [1, 1, 1]} : vector<4x3x16xi32> to vector<1x1x16xi32>
    %squeeze3A = vector.shape_cast %slice3A : vector<1x1x16xi32> to vector<16xi32>
    %broadcast_in_dim3A = vector.shape_cast %squeeze3A : vector<16xi32> to vector<1x16xi32>
    %slice3A_14 = vector.extract_strided_slice %get3A_13 {offsets = [1, 0, 0], sizes = [1, 1, 16], strides = [1, 1, 1]} : vector<4x3x16xi32> to vector<1x1x16xi32>
    %squeeze3A_15 = vector.shape_cast %slice3A_14 : vector<1x1x16xi32> to vector<16xi32>
    %broadcast_in_dim3A_16 = vector.shape_cast %squeeze3A_15 : vector<16xi32> to vector<1x16xi32>
    %slice3A_17 = vector.extract_strided_slice %get3A_13 {offsets = [2, 0, 0], sizes = [1, 1, 16], strides = [1, 1, 1]} : vector<4x3x16xi32> to vector<1x1x16xi32>
    %squeeze3A_18 = vector.shape_cast %slice3A_17 : vector<1x1x16xi32> to vector<16xi32>
    %broadcast_in_dim3A_19 = vector.shape_cast %squeeze3A_18 : vector<16xi32> to vector<1x16xi32>
    %slice3A_20 = vector.extract_strided_slice %get3A_13 {offsets = [3, 0, 0], sizes = [1, 1, 16], strides = [1, 1, 1]} : vector<4x3x16xi32> to vector<1x1x16xi32>
    %squeeze3A_21 = vector.shape_cast %slice3A_20 : vector<1x1x16xi32> to vector<16xi32>
    %broadcast_in_dim3A_22 = vector.shape_cast %squeeze3A_21 : vector<16xi32> to vector<1x16xi32>
    %concatenate3A = tpu.concatenate %broadcast_in_dim3A, %broadcast_in_dim3A_16, %broadcast_in_dim3A_19, %broadcast_in_dim3A_22 in 1 : vector<1x16xi32>, vector<1x16xi32>, vector<1x16xi32>, vector<1x16xi32> -> vector<1x64xi32>
    %eq3A = vector.broadcast %concatenate3A : vector<1x64xi32> to vector<64x64xi32>
    %eq3A_23 = arith.cmpi eq, %iota3A, %eq3A : vector<64x64xi32>
    %convert_element_type3A = arith.extui %eq3A_23 : vector<64x64xi1> to vector<64x64xi32>
    %convert_element_type3A_24 = arith.sitofp %convert_element_type3A : vector<64x64xi32> to vector<64x64xf32>
    %slice3A_25 = vector.extract_strided_slice %get3A_13 {offsets = [0, 1, 0], sizes = [1, 1, 16], strides = [1, 1, 1]} : vector<4x3x16xi32> to vector<1x1x16xi32>
    %squeeze3A_26 = vector.shape_cast %slice3A_25 : vector<1x1x16xi32> to vector<16xi32>
    %broadcast_in_dim3A_27 = vector.shape_cast %squeeze3A_26 : vector<16xi32> to vector<1x16xi32>
    %slice3A_28 = vector.extract_strided_slice %get3A_13 {offsets = [1, 1, 0], sizes = [1, 1, 16], strides = [1, 1, 1]} : vector<4x3x16xi32> to vector<1x1x16xi32>
    %squeeze3A_29 = vector.shape_cast %slice3A_28 : vector<1x1x16xi32> to vector<16xi32>
    %broadcast_in_dim3A_30 = vector.shape_cast %squeeze3A_29 : vector<16xi32> to vector<1x16xi32>
    %slice3A_31 = vector.extract_strided_slice %get3A_13 {offsets = [2, 1, 0], sizes = [1, 1, 16], strides = [1, 1, 1]} : vector<4x3x16xi32> to vector<1x1x16xi32>
    %squeeze3A_32 = vector.shape_cast %slice3A_31 : vector<1x1x16xi32> to vector<16xi32>
    %broadcast_in_dim3A_33 = vector.shape_cast %squeeze3A_32 : vector<16xi32> to vector<1x16xi32>
    %slice3A_34 = vector.extract_strided_slice %get3A_13 {offsets = [3, 1, 0], sizes = [1, 1, 16], strides = [1, 1, 1]} : vector<4x3x16xi32> to vector<1x1x16xi32>
    %squeeze3A_35 = vector.shape_cast %slice3A_34 : vector<1x1x16xi32> to vector<16xi32>
    %broadcast_in_dim3A_36 = vector.shape_cast %squeeze3A_35 : vector<16xi32> to vector<1x16xi32>
    %concatenate3A_37 = tpu.concatenate %broadcast_in_dim3A_27, %broadcast_in_dim3A_30, %broadcast_in_dim3A_33, %broadcast_in_dim3A_36 in 1 : vector<1x16xi32>, vector<1x16xi32>, vector<1x16xi32>, vector<1x16xi32> -> vector<1x64xi32>
    %eq3A_38 = vector.broadcast %concatenate3A_37 : vector<1x64xi32> to vector<64x64xi32>
    %eq3A_39 = arith.cmpi eq, %iota3A, %eq3A_38 : vector<64x64xi32>
    %convert_element_type3A_40 = arith.extui %eq3A_39 : vector<64x64xi1> to vector<64x64xi32>
    %convert_element_type3A_41 = arith.sitofp %convert_element_type3A_40 : vector<64x64xi32> to vector<64x64xf32>
    %slice3A_42 = vector.extract_strided_slice %get3A_13 {offsets = [0, 2, 0], sizes = [1, 1, 16], strides = [1, 1, 1]} : vector<4x3x16xi32> to vector<1x1x16xi32>
    %squeeze3A_43 = vector.shape_cast %slice3A_42 : vector<1x1x16xi32> to vector<16xi32>
    %broadcast_in_dim3A_44 = vector.shape_cast %squeeze3A_43 : vector<16xi32> to vector<1x16xi32>
    %slice3A_45 = vector.extract_strided_slice %get3A_13 {offsets = [1, 2, 0], sizes = [1, 1, 16], strides = [1, 1, 1]} : vector<4x3x16xi32> to vector<1x1x16xi32>
    %squeeze3A_46 = vector.shape_cast %slice3A_45 : vector<1x1x16xi32> to vector<16xi32>
    %broadcast_in_dim3A_47 = vector.shape_cast %squeeze3A_46 : vector<16xi32> to vector<1x16xi32>
    %slice3A_48 = vector.extract_strided_slice %get3A_13 {offsets = [2, 2, 0], sizes = [1, 1, 16], strides = [1, 1, 1]} : vector<4x3x16xi32> to vector<1x1x16xi32>
    %squeeze3A_49 = vector.shape_cast %slice3A_48 : vector<1x1x16xi32> to vector<16xi32>
    %broadcast_in_dim3A_50 = vector.shape_cast %squeeze3A_49 : vector<16xi32> to vector<1x16xi32>
    %slice3A_51 = vector.extract_strided_slice %get3A_13 {offsets = [3, 2, 0], sizes = [1, 1, 16], strides = [1, 1, 1]} : vector<4x3x16xi32> to vector<1x1x16xi32>
    %squeeze3A_52 = vector.shape_cast %slice3A_51 : vector<1x1x16xi32> to vector<16xi32>
    %broadcast_in_dim3A_53 = vector.shape_cast %squeeze3A_52 : vector<16xi32> to vector<1x16xi32>
    %concatenate3A_54 = tpu.concatenate %broadcast_in_dim3A_44, %broadcast_in_dim3A_47, %broadcast_in_dim3A_50, %broadcast_in_dim3A_53 in 1 : vector<1x16xi32>, vector<1x16xi32>, vector<1x16xi32>, vector<1x16xi32> -> vector<1x64xi32>
    %eq3A_55 = vector.broadcast %concatenate3A_54 : vector<1x64xi32> to vector<64x64xi32>
    %eq3A_56 = arith.cmpi eq, %iota3A, %eq3A_55 : vector<64x64xi32>
    %convert_element_type3A_57 = arith.extui %eq3A_56 : vector<64x64xi1> to vector<64x64xi32>
    %convert_element_type3A_58 = arith.sitofp %convert_element_type3A_57 : vector<64x64xi32> to vector<64x64xf32>
    %concatenate3A_59 = tpu.concatenate %convert_element_type3A_24, %convert_element_type3A_41, %convert_element_type3A_58 in 0 : vector<64x64xf32>, vector<64x64xf32>, vector<64x64xf32> -> vector<192x64xf32>
    %get3A_60 = arith.constant 0 : index
    %get3A_61 = arith.constant 0 : index
    %get3A_62 = arith.constant 0 : index
    %get3A_63 = vector.load %arg4[%get3A_60, %get3A_61, %get3A_62] : memref<3x32x32xf32, #tpu.memory_space<vmem>>, vector<1x32x32xf32>
    %get3A_64 = vector.shape_cast %get3A_63 : vector<1x32x32xf32> to vector<32x32xf32>
    %dot_general3A_65 = arith.constant dense<0.000000e+00> : vector<1024x32xf32>
    %dot_general3A_66 = tpu.matmul %dot_general3A_7, %get3A_64, %dot_general3A_65 {dimension_numbers = #tpu.dot_dimension_numbers<[0], [1], [1], [0], [0, 1, 1, 0], [], []>, transpose_lhs_hint = false} : vector<32x1024xf32>, vector<32x32xf32>, vector<1024x32xf32> -> vector<1024x32xf32>
    %get3A_67 = arith.constant 1 : index
    %get3A_68 = arith.constant 0 : index
    %get3A_69 = arith.constant 0 : index
    %get3A_70 = vector.load %arg4[%get3A_67, %get3A_68, %get3A_69] : memref<3x32x32xf32, #tpu.memory_space<vmem>>, vector<1x32x32xf32>
    %get3A_71 = vector.shape_cast %get3A_70 : vector<1x32x32xf32> to vector<32x32xf32>
    %dot_general3A_72 = arith.constant dense<0.000000e+00> : vector<1024x32xf32>
    %dot_general3A_73 = tpu.matmul %dot_general3A_7, %get3A_71, %dot_general3A_72 {dimension_numbers = #tpu.dot_dimension_numbers<[0], [1], [1], [0], [0, 1, 1, 0], [], []>, transpose_lhs_hint = false} : vector<32x1024xf32>, vector<32x32xf32>, vector<1024x32xf32> -> vector<1024x32xf32>
    %get3A_74 = arith.constant 2 : index
    %get3A_75 = arith.constant 0 : index
    %get3A_76 = arith.constant 0 : index
    %get3A_77 = vector.load %arg4[%get3A_74, %get3A_75, %get3A_76] : memref<3x32x32xf32, #tpu.memory_space<vmem>>, vector<1x32x32xf32>
    %get3A_78 = vector.shape_cast %get3A_77 : vector<1x32x32xf32> to vector<32x32xf32>
    %dot_general3A_79 = arith.constant dense<0.000000e+00> : vector<1024x32xf32>
    %dot_general3A_80 = tpu.matmul %dot_general3A_7, %get3A_78, %dot_general3A_79 {dimension_numbers = #tpu.dot_dimension_numbers<[0], [1], [1], [0], [0, 1, 1, 0], [], []>, transpose_lhs_hint = false} : vector<32x1024xf32>, vector<32x32xf32>, vector<1024x32xf32> -> vector<1024x32xf32>
    %slice3A_81 = vector.extract_strided_slice %dot_general3A_66 {offsets = [0, 0], sizes = [64, 32], strides = [1, 1]} : vector<1024x32xf32> to vector<64x32xf32>
    %slice3A_82 = vector.extract_strided_slice %dot_general3A_73 {offsets = [0, 0], sizes = [64, 32], strides = [1, 1]} : vector<1024x32xf32> to vector<64x32xf32>
    %slice3A_83 = vector.extract_strided_slice %dot_general3A_80 {offsets = [0, 0], sizes = [64, 32], strides = [1, 1]} : vector<1024x32xf32> to vector<64x32xf32>
    %concatenate3A_84 = tpu.concatenate %slice3A_81, %slice3A_82, %slice3A_83 in 0 : vector<64x32xf32>, vector<64x32xf32>, vector<64x32xf32> -> vector<192x32xf32>
    %dot_general3A_85 = arith.constant dense<0.000000e+00> : vector<64x32xf32>
    %dot_general3A_86 = tpu.matmul %concatenate3A_59, %concatenate3A_84, %dot_general3A_85 {dimension_numbers = #tpu.dot_dimension_numbers<[0], [0], [1], [1], [0, 1, 1, 1], [], []>, transpose_lhs_hint = false} : vector<192x64xf32>, vector<192x32xf32>, vector<64x32xf32> -> vector<64x32xf32>
    %slice3A_87 = vector.extract_strided_slice %dot_general3A_66 {offsets = [64, 0], sizes = [64, 32], strides = [1, 1]} : vector<1024x32xf32> to vector<64x32xf32>
    %slice3A_88 = vector.extract_strided_slice %dot_general3A_73 {offsets = [64, 0], sizes = [64, 32], strides = [1, 1]} : vector<1024x32xf32> to vector<64x32xf32>
    %slice3A_89 = vector.extract_strided_slice %dot_general3A_80 {offsets = [64, 0], sizes = [64, 32], strides = [1, 1]} : vector<1024x32xf32> to vector<64x32xf32>
    %concatenate3A_90 = tpu.concatenate %slice3A_87, %slice3A_88, %slice3A_89 in 0 : vector<64x32xf32>, vector<64x32xf32>, vector<64x32xf32> -> vector<192x32xf32>
    %dot_general3A_91 = arith.constant dense<0.000000e+00> : vector<64x32xf32>
    %dot_general3A_92 = tpu.matmul %concatenate3A_59, %concatenate3A_90, %dot_general3A_91 {dimension_numbers = #tpu.dot_dimension_numbers<[0], [0], [1], [1], [0, 1, 1, 1], [], []>, transpose_lhs_hint = false} : vector<192x64xf32>, vector<192x32xf32>, vector<64x32xf32> -> vector<64x32xf32>
    %slice3A_93 = vector.extract_strided_slice %dot_general3A_66 {offsets = [128, 0], sizes = [64, 32], strides = [1, 1]} : vector<1024x32xf32> to vector<64x32xf32>
    %slice3A_94 = vector.extract_strided_slice %dot_general3A_73 {offsets = [128, 0], sizes = [64, 32], strides = [1, 1]} : vector<1024x32xf32> to vector<64x32xf32>
    %slice3A_95 = vector.extract_strided_slice %dot_general3A_80 {offsets = [128, 0], sizes = [64, 32], strides = [1, 1]} : vector<1024x32xf32> to vector<64x32xf32>
    %concatenate3A_96 = tpu.concatenate %slice3A_93, %slice3A_94, %slice3A_95 in 0 : vector<64x32xf32>, vector<64x32xf32>, vector<64x32xf32> -> vector<192x32xf32>
    %dot_general3A_97 = arith.constant dense<0.000000e+00> : vector<64x32xf32>
    %dot_general3A_98 = tpu.matmul %concatenate3A_59, %concatenate3A_96, %dot_general3A_97 {dimension_numbers = #tpu.dot_dimension_numbers<[0], [0], [1], [1], [0, 1, 1, 1], [], []>, transpose_lhs_hint = false} : vector<192x64xf32>, vector<192x32xf32>, vector<64x32xf32> -> vector<64x32xf32>
    %slice3A_99 = vector.extract_strided_slice %dot_general3A_66 {offsets = [192, 0], sizes = [64, 32], strides = [1, 1]} : vector<1024x32xf32> to vector<64x32xf32>
    %slice3A_100 = vector.extract_strided_slice %dot_general3A_73 {offsets = [192, 0], sizes = [64, 32], strides = [1, 1]} : vector<1024x32xf32> to vector<64x32xf32>
    %slice3A_101 = vector.extract_strided_slice %dot_general3A_80 {offsets = [192, 0], sizes = [64, 32], strides = [1, 1]} : vector<1024x32xf32> to vector<64x32xf32>
    %concatenate3A_102 = tpu.concatenate %slice3A_99, %slice3A_100, %slice3A_101 in 0 : vector<64x32xf32>, vector<64x32xf32>, vector<64x32xf32> -> vector<192x32xf32>
    %dot_general3A_103 = arith.constant dense<0.000000e+00> : vector<64x32xf32>
    %dot_general3A_104 = tpu.matmul %concatenate3A_59, %concatenate3A_102, %dot_general3A_103 {dimension_numbers = #tpu.dot_dimension_numbers<[0], [0], [1], [1], [0, 1, 1, 1], [], []>, transpose_lhs_hint = false} : vector<192x64xf32>, vector<192x32xf32>, vector<64x32xf32> -> vector<64x32xf32>
    %slice3A_105 = vector.extract_strided_slice %dot_general3A_66 {offsets = [256, 0], sizes = [64, 32], strides = [1, 1]} : vector<1024x32xf32> to vector<64x32xf32>
    %slice3A_106 = vector.extract_strided_slice %dot_general3A_73 {offsets = [256, 0], sizes = [64, 32], strides = [1, 1]} : vector<1024x32xf32> to vector<64x32xf32>
    %slice3A_107 = vector.extract_strided_slice %dot_general3A_80 {offsets = [256, 0], sizes = [64, 32], strides = [1, 1]} : vector<1024x32xf32> to vector<64x32xf32>
    %concatenate3A_108 = tpu.concatenate %slice3A_105, %slice3A_106, %slice3A_107 in 0 : vector<64x32xf32>, vector<64x32xf32>, vector<64x32xf32> -> vector<192x32xf32>
    %dot_general3A_109 = arith.constant dense<0.000000e+00> : vector<64x32xf32>
    %dot_general3A_110 = tpu.matmul %concatenate3A_59, %concatenate3A_108, %dot_general3A_109 {dimension_numbers = #tpu.dot_dimension_numbers<[0], [0], [1], [1], [0, 1, 1, 1], [], []>, transpose_lhs_hint = false} : vector<192x64xf32>, vector<192x32xf32>, vector<64x32xf32> -> vector<64x32xf32>
    %slice3A_111 = vector.extract_strided_slice %dot_general3A_66 {offsets = [320, 0], sizes = [64, 32], strides = [1, 1]} : vector<1024x32xf32> to vector<64x32xf32>
    %slice3A_112 = vector.extract_strided_slice %dot_general3A_73 {offsets = [320, 0], sizes = [64, 32], strides = [1, 1]} : vector<1024x32xf32> to vector<64x32xf32>
    %slice3A_113 = vector.extract_strided_slice %dot_general3A_80 {offsets = [320, 0], sizes = [64, 32], strides = [1, 1]} : vector<1024x32xf32> to vector<64x32xf32>
    %concatenate3A_114 = tpu.concatenate %slice3A_111, %slice3A_112, %slice3A_113 in 0 : vector<64x32xf32>, vector<64x32xf32>, vector<64x32xf32> -> vector<192x32xf32>
    %dot_general3A_115 = arith.constant dense<0.000000e+00> : vector<64x32xf32>
    %dot_general3A_116 = tpu.matmul %concatenate3A_59, %concatenate3A_114, %dot_general3A_115 {dimension_numbers = #tpu.dot_dimension_numbers<[0], [0], [1], [1], [0, 1, 1, 1], [], []>, transpose_lhs_hint = false} : vector<192x64xf32>, vector<192x32xf32>, vector<64x32xf32> -> vector<64x32xf32>
    %slice3A_117 = vector.extract_strided_slice %dot_general3A_66 {offsets = [384, 0], sizes = [64, 32], strides = [1, 1]} : vector<1024x32xf32> to vector<64x32xf32>
    %slice3A_118 = vector.extract_strided_slice %dot_general3A_73 {offsets = [384, 0], sizes = [64, 32], strides = [1, 1]} : vector<1024x32xf32> to vector<64x32xf32>
    %slice3A_119 = vector.extract_strided_slice %dot_general3A_80 {offsets = [384, 0], sizes = [64, 32], strides = [1, 1]} : vector<1024x32xf32> to vector<64x32xf32>
    %concatenate3A_120 = tpu.concatenate %slice3A_117, %slice3A_118, %slice3A_119 in 0 : vector<64x32xf32>, vector<64x32xf32>, vector<64x32xf32> -> vector<192x32xf32>
    %dot_general3A_121 = arith.constant dense<0.000000e+00> : vector<64x32xf32>
    %dot_general3A_122 = tpu.matmul %concatenate3A_59, %concatenate3A_120, %dot_general3A_121 {dimension_numbers = #tpu.dot_dimension_numbers<[0], [0], [1], [1], [0, 1, 1, 1], [], []>, transpose_lhs_hint = false} : vector<192x64xf32>, vector<192x32xf32>, vector<64x32xf32> -> vector<64x32xf32>
    %slice3A_123 = vector.extract_strided_slice %dot_general3A_66 {offsets = [448, 0], sizes = [64, 32], strides = [1, 1]} : vector<1024x32xf32> to vector<64x32xf32>
    %slice3A_124 = vector.extract_strided_slice %dot_general3A_73 {offsets = [448, 0], sizes = [64, 32], strides = [1, 1]} : vector<1024x32xf32> to vector<64x32xf32>
    %slice3A_125 = vector.extract_strided_slice %dot_general3A_80 {offsets = [448, 0], sizes = [64, 32], strides = [1, 1]} : vector<1024x32xf32> to vector<64x32xf32>
    %concatenate3A_126 = tpu.concatenate %slice3A_123, %slice3A_124, %slice3A_125 in 0 : vector<64x32xf32>, vector<64x32xf32>, vector<64x32xf32> -> vector<192x32xf32>
    %dot_general3A_127 = arith.constant dense<0.000000e+00> : vector<64x32xf32>
    %dot_general3A_128 = tpu.matmul %concatenate3A_59, %concatenate3A_126, %dot_general3A_127 {dimension_numbers = #tpu.dot_dimension_numbers<[0], [0], [1], [1], [0, 1, 1, 1], [], []>, transpose_lhs_hint = false} : vector<192x64xf32>, vector<192x32xf32>, vector<64x32xf32> -> vector<64x32xf32>
    %slice3A_129 = vector.extract_strided_slice %dot_general3A_66 {offsets = [512, 0], sizes = [64, 32], strides = [1, 1]} : vector<1024x32xf32> to vector<64x32xf32>
    %slice3A_130 = vector.extract_strided_slice %dot_general3A_73 {offsets = [512, 0], sizes = [64, 32], strides = [1, 1]} : vector<1024x32xf32> to vector<64x32xf32>
    %slice3A_131 = vector.extract_strided_slice %dot_general3A_80 {offsets = [512, 0], sizes = [64, 32], strides = [1, 1]} : vector<1024x32xf32> to vector<64x32xf32>
    %concatenate3A_132 = tpu.concatenate %slice3A_129, %slice3A_130, %slice3A_131 in 0 : vector<64x32xf32>, vector<64x32xf32>, vector<64x32xf32> -> vector<192x32xf32>
    %dot_general3A_133 = arith.constant dense<0.000000e+00> : vector<64x32xf32>
    %dot_general3A_134 = tpu.matmul %concatenate3A_59, %concatenate3A_132, %dot_general3A_133 {dimension_numbers = #tpu.dot_dimension_numbers<[0], [0], [1], [1], [0, 1, 1, 1], [], []>, transpose_lhs_hint = false} : vector<192x64xf32>, vector<192x32xf32>, vector<64x32xf32> -> vector<64x32xf32>
    %slice3A_135 = vector.extract_strided_slice %dot_general3A_66 {offsets = [576, 0], sizes = [64, 32], strides = [1, 1]} : vector<1024x32xf32> to vector<64x32xf32>
    %slice3A_136 = vector.extract_strided_slice %dot_general3A_73 {offsets = [576, 0], sizes = [64, 32], strides = [1, 1]} : vector<1024x32xf32> to vector<64x32xf32>
    %slice3A_137 = vector.extract_strided_slice %dot_general3A_80 {offsets = [576, 0], sizes = [64, 32], strides = [1, 1]} : vector<1024x32xf32> to vector<64x32xf32>
    %concatenate3A_138 = tpu.concatenate %slice3A_135, %slice3A_136, %slice3A_137 in 0 : vector<64x32xf32>, vector<64x32xf32>, vector<64x32xf32> -> vector<192x32xf32>
    %dot_general3A_139 = arith.constant dense<0.000000e+00> : vector<64x32xf32>
    %dot_general3A_140 = tpu.matmul %concatenate3A_59, %concatenate3A_138, %dot_general3A_139 {dimension_numbers = #tpu.dot_dimension_numbers<[0], [0], [1], [1], [0, 1, 1, 1], [], []>, transpose_lhs_hint = false} : vector<192x64xf32>, vector<192x32xf32>, vector<64x32xf32> -> vector<64x32xf32>
    %slice3A_141 = vector.extract_strided_slice %dot_general3A_66 {offsets = [640, 0], sizes = [64, 32], strides = [1, 1]} : vector<1024x32xf32> to vector<64x32xf32>
    %slice3A_142 = vector.extract_strided_slice %dot_general3A_73 {offsets = [640, 0], sizes = [64, 32], strides = [1, 1]} : vector<1024x32xf32> to vector<64x32xf32>
    %slice3A_143 = vector.extract_strided_slice %dot_general3A_80 {offsets = [640, 0], sizes = [64, 32], strides = [1, 1]} : vector<1024x32xf32> to vector<64x32xf32>
    %concatenate3A_144 = tpu.concatenate %slice3A_141, %slice3A_142, %slice3A_143 in 0 : vector<64x32xf32>, vector<64x32xf32>, vector<64x32xf32> -> vector<192x32xf32>
    %dot_general3A_145 = arith.constant dense<0.000000e+00> : vector<64x32xf32>
    %dot_general3A_146 = tpu.matmul %concatenate3A_59, %concatenate3A_144, %dot_general3A_145 {dimension_numbers = #tpu.dot_dimension_numbers<[0], [0], [1], [1], [0, 1, 1, 1], [], []>, transpose_lhs_hint = false} : vector<192x64xf32>, vector<192x32xf32>, vector<64x32xf32> -> vector<64x32xf32>
    %slice3A_147 = vector.extract_strided_slice %dot_general3A_66 {offsets = [704, 0], sizes = [64, 32], strides = [1, 1]} : vector<1024x32xf32> to vector<64x32xf32>
    %slice3A_148 = vector.extract_strided_slice %dot_general3A_73 {offsets = [704, 0], sizes = [64, 32], strides = [1, 1]} : vector<1024x32xf32> to vector<64x32xf32>
    %slice3A_149 = vector.extract_strided_slice %dot_general3A_80 {offsets = [704, 0], sizes = [64, 32], strides = [1, 1]} : vector<1024x32xf32> to vector<64x32xf32>
    %concatenate3A_150 = tpu.concatenate %slice3A_147, %slice3A_148, %slice3A_149 in 0 : vector<64x32xf32>, vector<64x32xf32>, vector<64x32xf32> -> vector<192x32xf32>
    %dot_general3A_151 = arith.constant dense<0.000000e+00> : vector<64x32xf32>
    %dot_general3A_152 = tpu.matmul %concatenate3A_59, %concatenate3A_150, %dot_general3A_151 {dimension_numbers = #tpu.dot_dimension_numbers<[0], [0], [1], [1], [0, 1, 1, 1], [], []>, transpose_lhs_hint = false} : vector<192x64xf32>, vector<192x32xf32>, vector<64x32xf32> -> vector<64x32xf32>
    %slice3A_153 = vector.extract_strided_slice %dot_general3A_66 {offsets = [768, 0], sizes = [64, 32], strides = [1, 1]} : vector<1024x32xf32> to vector<64x32xf32>
    %slice3A_154 = vector.extract_strided_slice %dot_general3A_73 {offsets = [768, 0], sizes = [64, 32], strides = [1, 1]} : vector<1024x32xf32> to vector<64x32xf32>
    %slice3A_155 = vector.extract_strided_slice %dot_general3A_80 {offsets = [768, 0], sizes = [64, 32], strides = [1, 1]} : vector<1024x32xf32> to vector<64x32xf32>
    %concatenate3A_156 = tpu.concatenate %slice3A_153, %slice3A_154, %slice3A_155 in 0 : vector<64x32xf32>, vector<64x32xf32>, vector<64x32xf32> -> vector<192x32xf32>
    %dot_general3A_157 = arith.constant dense<0.000000e+00> : vector<64x32xf32>
    %dot_general3A_158 = tpu.matmul %concatenate3A_59, %concatenate3A_156, %dot_general3A_157 {dimension_numbers = #tpu.dot_dimension_numbers<[0], [0], [1], [1], [0, 1, 1, 1], [], []>, transpose_lhs_hint = false} : vector<192x64xf32>, vector<192x32xf32>, vector<64x32xf32> -> vector<64x32xf32>
    %slice3A_159 = vector.extract_strided_slice %dot_general3A_66 {offsets = [832, 0], sizes = [64, 32], strides = [1, 1]} : vector<1024x32xf32> to vector<64x32xf32>
    %slice3A_160 = vector.extract_strided_slice %dot_general3A_73 {offsets = [832, 0], sizes = [64, 32], strides = [1, 1]} : vector<1024x32xf32> to vector<64x32xf32>
    %slice3A_161 = vector.extract_strided_slice %dot_general3A_80 {offsets = [832, 0], sizes = [64, 32], strides = [1, 1]} : vector<1024x32xf32> to vector<64x32xf32>
    %concatenate3A_162 = tpu.concatenate %slice3A_159, %slice3A_160, %slice3A_161 in 0 : vector<64x32xf32>, vector<64x32xf32>, vector<64x32xf32> -> vector<192x32xf32>
    %dot_general3A_163 = arith.constant dense<0.000000e+00> : vector<64x32xf32>
    %dot_general3A_164 = tpu.matmul %concatenate3A_59, %concatenate3A_162, %dot_general3A_163 {dimension_numbers = #tpu.dot_dimension_numbers<[0], [0], [1], [1], [0, 1, 1, 1], [], []>, transpose_lhs_hint = false} : vector<192x64xf32>, vector<192x32xf32>, vector<64x32xf32> -> vector<64x32xf32>
    %slice3A_165 = vector.extract_strided_slice %dot_general3A_66 {offsets = [896, 0], sizes = [64, 32], strides = [1, 1]} : vector<1024x32xf32> to vector<64x32xf32>
    %slice3A_166 = vector.extract_strided_slice %dot_general3A_73 {offsets = [896, 0], sizes = [64, 32], strides = [1, 1]} : vector<1024x32xf32> to vector<64x32xf32>
    %slice3A_167 = vector.extract_strided_slice %dot_general3A_80 {offsets = [896, 0], sizes = [64, 32], strides = [1, 1]} : vector<1024x32xf32> to vector<64x32xf32>
    %concatenate3A_168 = tpu.concatenate %slice3A_165, %slice3A_166, %slice3A_167 in 0 : vector<64x32xf32>, vector<64x32xf32>, vector<64x32xf32> -> vector<192x32xf32>
    %dot_general3A_169 = arith.constant dense<0.000000e+00> : vector<64x32xf32>
    %dot_general3A_170 = tpu.matmul %concatenate3A_59, %concatenate3A_168, %dot_general3A_169 {dimension_numbers = #tpu.dot_dimension_numbers<[0], [0], [1], [1], [0, 1, 1, 1], [], []>, transpose_lhs_hint = false} : vector<192x64xf32>, vector<192x32xf32>, vector<64x32xf32> -> vector<64x32xf32>
    %slice3A_171 = vector.extract_strided_slice %dot_general3A_66 {offsets = [960, 0], sizes = [64, 32], strides = [1, 1]} : vector<1024x32xf32> to vector<64x32xf32>
    %slice3A_172 = vector.extract_strided_slice %dot_general3A_73 {offsets = [960, 0], sizes = [64, 32], strides = [1, 1]} : vector<1024x32xf32> to vector<64x32xf32>
    %slice3A_173 = vector.extract_strided_slice %dot_general3A_80 {offsets = [960, 0], sizes = [64, 32], strides = [1, 1]} : vector<1024x32xf32> to vector<64x32xf32>
    %concatenate3A_174 = tpu.concatenate %slice3A_171, %slice3A_172, %slice3A_173 in 0 : vector<64x32xf32>, vector<64x32xf32>, vector<64x32xf32> -> vector<192x32xf32>
    %dot_general3A_175 = arith.constant dense<0.000000e+00> : vector<64x32xf32>
    %dot_general3A_176 = tpu.matmul %concatenate3A_59, %concatenate3A_174, %dot_general3A_175 {dimension_numbers = #tpu.dot_dimension_numbers<[0], [0], [1], [1], [0, 1, 1, 1], [], []>, transpose_lhs_hint = false} : vector<192x64xf32>, vector<192x32xf32>, vector<64x32xf32> -> vector<64x32xf32>
    %concatenate3A_177 = tpu.concatenate %dot_general3A_86, %dot_general3A_92, %dot_general3A_98, %dot_general3A_104, %dot_general3A_110, %dot_general3A_116, %dot_general3A_122, %dot_general3A_128, %dot_general3A_134, %dot_general3A_140, %dot_general3A_146, %dot_general3A_152, %dot_general3A_158, %dot_general3A_164, %dot_general3A_170, %dot_general3A_176 in 0 : vector<64x32xf32>, vector<64x32xf32>, vector<64x32xf32>, vector<64x32xf32>, vector<64x32xf32>, vector<64x32xf32>, vector<64x32xf32>, vector<64x32xf32>, vector<64x32xf32>, vector<64x32xf32>, vector<64x32xf32>, vector<64x32xf32>, vector<64x32xf32>, vector<64x32xf32>, vector<64x32xf32>, vector<64x32xf32> -> vector<1024x32xf32>
    %ge3A = arith.constant 0.000000e+00 : f32
    %ge3A_178 = vector.broadcast %ge3A : f32 to vector<1024x32xf32>
    %ge3A_179 = arith.cmpf oge, %concatenate3A_177, %ge3A_178 : vector<1024x32xf32>
    %mul3A = arith.constant 1.000000e-01 : f32
    %mul3A_180 = vector.broadcast %mul3A : f32 to vector<1024x32xf32>
    %mul3A_181 = arith.mulf %mul3A_180, %concatenate3A_177 : vector<1024x32xf32>
    %select_n3A = arith.select %ge3A_179, %concatenate3A_177, %mul3A_181 : vector<1024x32xi1>, vector<1024x32xf32>
    %get3A_182 = arith.constant 0 : index
    %get3A_183 = arith.constant 0 : index
    %get3A_184 = vector.load %arg3[%get3A_182, %get3A_183] : memref<1024x1024xf32, #tpu.memory_space<vmem>>, vector<1024x1024xf32>
    %dot_general3A_185 = arith.constant dense<0.000000e+00> : vector<32x1024xf32>
    %dot_general3A_186 = tpu.matmul %select_n3A, %get3A_184, %dot_general3A_185 {dimension_numbers = #tpu.dot_dimension_numbers<[0], [1], [1], [0], [0, 1, 1, 0], [], []>, transpose_lhs_hint = false} : vector<1024x32xf32>, vector<1024x1024xf32>, vector<32x1024xf32> -> vector<32x1024xf32>
    %concatenate3A_187 = tpu.concatenate %get3A_3, %dot_general3A_186 in 0 : vector<32x1024xf32>, vector<32x1024xf32> -> vector<64x1024xf32>
    %iota3A_188 = tpu.iota {dimensions = array<i32: 1>} : vector<64x1024xi32>
    %jit3A = arith.constant 32 : i32
    %div3A = vector.broadcast %jit3A : i32 to vector<64x1024xi32>
    %div3A_189 = arith.divsi %iota3A_188, %div3A : vector<64x1024xi32>
    %sign3A = arith.constant 0 : i32
    %sign3A_190 = vector.broadcast %sign3A : i32 to vector<64x1024xi32>
    %sign3A_191 = arith.cmpi sgt, %iota3A_188, %sign3A_190 : vector<64x1024xi32>
    %sign3A_192 = arith.extui %sign3A_191 : vector<64x1024xi1> to vector<64x1024xi32>
    %sign3A_193 = arith.constant 0 : i32
    %sign3A_194 = vector.broadcast %sign3A_193 : i32 to vector<64x1024xi32>
    %sign3A_195 = arith.cmpi slt, %iota3A_188, %sign3A_194 : vector<64x1024xi32>
    %sign3A_196 = arith.extui %sign3A_195 : vector<64x1024xi1> to vector<64x1024xi32>
    %sign3A_197 = arith.subi %sign3A_192, %sign3A_196 : vector<64x1024xi32>
    %sign3A_198 = arith.constant 0 : i32
    %sign3A_199 = arith.cmpi sgt, %jit3A, %sign3A_198 : i32
    %sign3A_200 = arith.extui %sign3A_199 : i1 to i32
    %sign3A_201 = arith.constant 0 : i32
    %sign3A_202 = arith.cmpi slt, %jit3A, %sign3A_201 : i32
    %sign3A_203 = arith.extui %sign3A_202 : i1 to i32
    %sign3A_204 = arith.subi %sign3A_200, %sign3A_203 : i32
    %ne3A = vector.broadcast %sign3A_204 : i32 to vector<64x1024xi32>
    %ne3A_205 = arith.cmpi ne, %sign3A_197, %ne3A : vector<64x1024xi32>
    %rem3A = vector.broadcast %jit3A : i32 to vector<64x1024xi32>
    %rem3A_206 = arith.remsi %iota3A_188, %rem3A : vector<64x1024xi32>
    %ne3A_207 = arith.constant 0 : i32
    %ne3A_208 = vector.broadcast %ne3A_207 : i32 to vector<64x1024xi32>
    %ne3A_209 = arith.cmpi ne, %rem3A_206, %ne3A_208 : vector<64x1024xi32>
    %and3A = arith.andi %ne3A_205, %ne3A_209 : vector<64x1024xi1>
    %sub3A = arith.constant 1 : i32
    %sub3A_210 = vector.broadcast %sub3A : i32 to vector<64x1024xi32>
    %sub3A_211 = arith.subi %div3A_189, %sub3A_210 : vector<64x1024xi32>
    %select_n3A_212 = arith.select %and3A, %sub3A_211, %div3A_189 : vector<64x1024xi1>, vector<64x1024xi32>
    %iota3A_213 = tpu.iota {dimensions = array<i32: 1>} : vector<64x1024xi32>
    %jit3A_214 = arith.constant 32 : i32
    %eq3A_215 = arith.constant 0 : i32
    %eq3A_216 = arith.cmpi eq, %jit3A_214, %eq3A_215 : i32
    %jit3A_217 = arith.constant 1 : i32
    %select_n3A_218 = arith.select %eq3A_216, %jit3A_217, %jit3A_214 : i32
    %rem3A_219 = vector.broadcast %select_n3A_218 : i32 to vector<64x1024xi32>
    %rem3A_220 = arith.remsi %iota3A_213, %rem3A_219 : vector<64x1024xi32>
    %ne3A_221 = arith.constant 0 : i32
    %ne3A_222 = vector.broadcast %ne3A_221 : i32 to vector<64x1024xi32>
    %ne3A_223 = arith.cmpi ne, %rem3A_220, %ne3A_222 : vector<64x1024xi32>
    %lt3A = arith.constant 0 : i32
    %lt3A_224 = vector.broadcast %lt3A : i32 to vector<64x1024xi32>
    %lt3A_225 = arith.cmpi slt, %rem3A_220, %lt3A_224 : vector<64x1024xi32>
    %lt3A_226 = arith.constant 0 : i32
    %lt3A_227 = arith.cmpi slt, %select_n3A_218, %lt3A_226 : i32
    %ne3A_228 = vector.broadcast %lt3A_227 : i1 to vector<64x1024xi1>
    %ne3A_229 = vector.broadcast %ne3A_228 : vector<64x1024xi1> to vector<64x1024xi1>
    %ne3A_230 = arith.xori %lt3A_225, %ne3A_229 : vector<64x1024xi1>
    %and3A_231 = arith.andi %ne3A_230, %ne3A_223 : vector<64x1024xi1>
    %add3A = vector.broadcast %select_n3A_218 : i32 to vector<64x1024xi32>
    %add3A_232 = arith.addi %rem3A_220, %add3A : vector<64x1024xi32>
    %select_n3A_233 = arith.select %and3A_231, %add3A_232, %rem3A_220 : vector<64x1024xi1>, vector<64x1024xi32>
    %broadcast_in_dim3A_234 = arith.constant 0.000000e+00 : f32
    %broadcast_in_dim3A_235 = vector.broadcast %broadcast_in_dim3A_234 : f32 to vector<32x1024xf32>
    %broadcast_in_dim3A_236 = arith.constant 0.000000e+00 : f32
    %broadcast_in_dim3A_237 = vector.broadcast %broadcast_in_dim3A_236 : f32 to vector<32x1024xf32>
    %broadcast_in_dim3A_238 = arith.constant 0.000000e+00 : f32
    %broadcast_in_dim3A_239 = vector.broadcast %broadcast_in_dim3A_238 : f32 to vector<32x1024xf32>
    %ge3A_240 = arith.constant 1 : i32
    %ge3A_241 = vector.broadcast %ge3A_240 : i32 to vector<64x1024xi32>
    %ge3A_242 = arith.cmpi sge, %select_n3A_212, %ge3A_241 : vector<64x1024xi32>
    %ge3A_243 = arith.constant 1 : i32
    %ge3A_244 = vector.broadcast %ge3A_243 : i32 to vector<64x1024xi32>
    %ge3A_245 = arith.cmpi sge, %select_n3A_233, %ge3A_244 : vector<64x1024xi32>
    %and3A_246 = arith.andi %ge3A_242, %ge3A_245 : vector<64x1024xi1>
    %roll3A = arith.constant 33 : i32
    %roll3A_247 = tpu.dynamic_rotate %concatenate3A_187 by %roll3A dim 1 : vector<64x1024xf32>, i32 -> vector<64x1024xf32>
    %jit3A_248 = arith.constant 0.000000e+00 : f32
    %broadcast_in_dim3A_249 = vector.broadcast %jit3A_248 : f32 to vector<64x1024xf32>
    %select_n3A_250 = arith.select %and3A_246, %roll3A_247, %broadcast_in_dim3A_249 : vector<64x1024xi1>, vector<64x1024xf32>
    %get3A_251 = arith.constant 0 : index
    %get3A_252 = arith.constant 0 : index
    %get3A_253 = arith.constant 0 : index
    %get3A_254 = vector.load %arg5[%get3A_251, %get3A_252, %get3A_253] : memref<9x32x64xf32, #tpu.memory_space<vmem>>, vector<1x32x64xf32>
    %get3A_255 = vector.shape_cast %get3A_254 : vector<1x32x64xf32> to vector<32x64xf32>
    %dot_general3A_256 = arith.constant dense<0.000000e+00> : vector<32x1024xf32>
    %dot_general3A_257 = tpu.matmul %get3A_255, %select_n3A_250, %dot_general3A_256 {dimension_numbers = #tpu.dot_dimension_numbers<[1], [0], [0], [1], [0, 0, 1, 1], [], []>, transpose_lhs_hint = false} : vector<32x64xf32>, vector<64x1024xf32>, vector<32x1024xf32> -> vector<32x1024xf32>
    %add3A_258 = arith.addf %broadcast_in_dim3A_235, %dot_general3A_257 : vector<32x1024xf32>
    %ge3A_259 = arith.constant 1 : i32
    %ge3A_260 = vector.broadcast %ge3A_259 : i32 to vector<64x1024xi32>
    %ge3A_261 = arith.cmpi sge, %select_n3A_212, %ge3A_260 : vector<64x1024xi32>
    %roll3A_262 = arith.constant 32 : i32
    %roll3A_263 = tpu.dynamic_rotate %concatenate3A_187 by %roll3A_262 dim 1 : vector<64x1024xf32>, i32 -> vector<64x1024xf32>
    %jit3A_264 = arith.constant 0.000000e+00 : f32
    %broadcast_in_dim3A_265 = vector.broadcast %jit3A_264 : f32 to vector<64x1024xf32>
    %select_n3A_266 = arith.select %ge3A_261, %roll3A_263, %broadcast_in_dim3A_265 : vector<64x1024xi1>, vector<64x1024xf32>
    %get3A_267 = arith.constant 1 : index
    %get3A_268 = arith.constant 0 : index
    %get3A_269 = arith.constant 0 : index
    %get3A_270 = vector.load %arg5[%get3A_267, %get3A_268, %get3A_269] : memref<9x32x64xf32, #tpu.memory_space<vmem>>, vector<1x32x64xf32>
    %get3A_271 = vector.shape_cast %get3A_270 : vector<1x32x64xf32> to vector<32x64xf32>
    %dot_general3A_272 = arith.constant dense<0.000000e+00> : vector<32x1024xf32>
    %dot_general3A_273 = tpu.matmul %get3A_271, %select_n3A_266, %dot_general3A_272 {dimension_numbers = #tpu.dot_dimension_numbers<[1], [0], [0], [1], [0, 0, 1, 1], [], []>, transpose_lhs_hint = false} : vector<32x64xf32>, vector<64x1024xf32>, vector<32x1024xf32> -> vector<32x1024xf32>
    %add3A_274 = arith.addf %broadcast_in_dim3A_237, %dot_general3A_273 : vector<32x1024xf32>
    %ge3A_275 = arith.constant 1 : i32
    %ge3A_276 = vector.broadcast %ge3A_275 : i32 to vector<64x1024xi32>
    %ge3A_277 = arith.cmpi sge, %select_n3A_212, %ge3A_276 : vector<64x1024xi32>
    %lt3A_278 = arith.constant 31 : i32
    %lt3A_279 = vector.broadcast %lt3A_278 : i32 to vector<64x1024xi32>
    %lt3A_280 = arith.cmpi slt, %select_n3A_233, %lt3A_279 : vector<64x1024xi32>
    %and3A_281 = arith.andi %ge3A_277, %lt3A_280 : vector<64x1024xi1>
    %roll3A_282 = arith.constant 31 : i32
    %roll3A_283 = tpu.dynamic_rotate %concatenate3A_187 by %roll3A_282 dim 1 : vector<64x1024xf32>, i32 -> vector<64x1024xf32>
    %jit3A_284 = arith.constant 0.000000e+00 : f32
    %broadcast_in_dim3A_285 = vector.broadcast %jit3A_284 : f32 to vector<64x1024xf32>
    %select_n3A_286 = arith.select %and3A_281, %roll3A_283, %broadcast_in_dim3A_285 : vector<64x1024xi1>, vector<64x1024xf32>
    %get3A_287 = arith.constant 2 : index
    %get3A_288 = arith.constant 0 : index
    %get3A_289 = arith.constant 0 : index
    %get3A_290 = vector.load %arg5[%get3A_287, %get3A_288, %get3A_289] : memref<9x32x64xf32, #tpu.memory_space<vmem>>, vector<1x32x64xf32>
    %get3A_291 = vector.shape_cast %get3A_290 : vector<1x32x64xf32> to vector<32x64xf32>
    %dot_general3A_292 = arith.constant dense<0.000000e+00> : vector<32x1024xf32>
    %dot_general3A_293 = tpu.matmul %get3A_291, %select_n3A_286, %dot_general3A_292 {dimension_numbers = #tpu.dot_dimension_numbers<[1], [0], [0], [1], [0, 0, 1, 1], [], []>, transpose_lhs_hint = false} : vector<32x64xf32>, vector<64x1024xf32>, vector<32x1024xf32> -> vector<32x1024xf32>
    %add3A_294 = arith.addf %broadcast_in_dim3A_239, %dot_general3A_293 : vector<32x1024xf32>
    %ge3A_295 = arith.constant 1 : i32
    %ge3A_296 = vector.broadcast %ge3A_295 : i32 to vector<64x1024xi32>
    %ge3A_297 = arith.cmpi sge, %select_n3A_233, %ge3A_296 : vector<64x1024xi32>
    %roll3A_298 = arith.constant 1 : i32
    %roll3A_299 = tpu.dynamic_rotate %concatenate3A_187 by %roll3A_298 dim 1 : vector<64x1024xf32>, i32 -> vector<64x1024xf32>
    %jit3A_300 = arith.constant 0.000000e+00 : f32
    %broadcast_in_dim3A_301 = vector.broadcast %jit3A_300 : f32 to vector<64x1024xf32>
    %select_n3A_302 = arith.select %ge3A_297, %roll3A_299, %broadcast_in_dim3A_301 : vector<64x1024xi1>, vector<64x1024xf32>
    %get3A_303 = arith.constant 3 : index
    %get3A_304 = arith.constant 0 : index
    %get3A_305 = arith.constant 0 : index
    %get3A_306 = vector.load %arg5[%get3A_303, %get3A_304, %get3A_305] : memref<9x32x64xf32, #tpu.memory_space<vmem>>, vector<1x32x64xf32>
    %get3A_307 = vector.shape_cast %get3A_306 : vector<1x32x64xf32> to vector<32x64xf32>
    %dot_general3A_308 = arith.constant dense<0.000000e+00> : vector<32x1024xf32>
    %dot_general3A_309 = tpu.matmul %get3A_307, %select_n3A_302, %dot_general3A_308 {dimension_numbers = #tpu.dot_dimension_numbers<[1], [0], [0], [1], [0, 0, 1, 1], [], []>, transpose_lhs_hint = false} : vector<32x64xf32>, vector<64x1024xf32>, vector<32x1024xf32> -> vector<32x1024xf32>
    %add3A_310 = arith.addf %add3A_258, %dot_general3A_309 : vector<32x1024xf32>
    %get3A_311 = arith.constant 4 : index
    %get3A_312 = arith.constant 0 : index
    %get3A_313 = arith.constant 0 : index
    %get3A_314 = vector.load %arg5[%get3A_311, %get3A_312, %get3A_313] : memref<9x32x64xf32, #tpu.memory_space<vmem>>, vector<1x32x64xf32>
    %get3A_315 = vector.shape_cast %get3A_314 : vector<1x32x64xf32> to vector<32x64xf32>
    %dot_general3A_316 = arith.constant dense<0.000000e+00> : vector<32x1024xf32>
    %dot_general3A_317 = tpu.matmul %get3A_315, %concatenate3A_187, %dot_general3A_316 {dimension_numbers = #tpu.dot_dimension_numbers<[1], [0], [0], [1], [0, 0, 1, 1], [], []>, transpose_lhs_hint = false} : vector<32x64xf32>, vector<64x1024xf32>, vector<32x1024xf32> -> vector<32x1024xf32>
    %add3A_318 = arith.addf %add3A_274, %dot_general3A_317 : vector<32x1024xf32>
    %lt3A_319 = arith.constant 31 : i32
    %lt3A_320 = vector.broadcast %lt3A_319 : i32 to vector<64x1024xi32>
    %lt3A_321 = arith.cmpi slt, %select_n3A_233, %lt3A_320 : vector<64x1024xi32>
    %roll3A_322 = arith.constant 1023 : i32
    %roll3A_323 = tpu.dynamic_rotate %concatenate3A_187 by %roll3A_322 dim 1 : vector<64x1024xf32>, i32 -> vector<64x1024xf32>
    %jit3A_324 = arith.constant 0.000000e+00 : f32
    %broadcast_in_dim3A_325 = vector.broadcast %jit3A_324 : f32 to vector<64x1024xf32>
    %select_n3A_326 = arith.select %lt3A_321, %roll3A_323, %broadcast_in_dim3A_325 : vector<64x1024xi1>, vector<64x1024xf32>
    %get3A_327 = arith.constant 5 : index
    %get3A_328 = arith.constant 0 : index
    %get3A_329 = arith.constant 0 : index
    %get3A_330 = vector.load %arg5[%get3A_327, %get3A_328, %get3A_329] : memref<9x32x64xf32, #tpu.memory_space<vmem>>, vector<1x32x64xf32>
    %get3A_331 = vector.shape_cast %get3A_330 : vector<1x32x64xf32> to vector<32x64xf32>
    %dot_general3A_332 = arith.constant dense<0.000000e+00> : vector<32x1024xf32>
    %dot_general3A_333 = tpu.matmul %get3A_331, %select_n3A_326, %dot_general3A_332 {dimension_numbers = #tpu.dot_dimension_numbers<[1], [0], [0], [1], [0, 0, 1, 1], [], []>, transpose_lhs_hint = false} : vector<32x64xf32>, vector<64x1024xf32>, vector<32x1024xf32> -> vector<32x1024xf32>
    %add3A_334 = arith.addf %add3A_294, %dot_general3A_333 : vector<32x1024xf32>
    %lt3A_335 = arith.constant 31 : i32
    %lt3A_336 = vector.broadcast %lt3A_335 : i32 to vector<64x1024xi32>
    %lt3A_337 = arith.cmpi slt, %select_n3A_212, %lt3A_336 : vector<64x1024xi32>
    %ge3A_338 = arith.constant 1 : i32
    %ge3A_339 = vector.broadcast %ge3A_338 : i32 to vector<64x1024xi32>
    %ge3A_340 = arith.cmpi sge, %select_n3A_233, %ge3A_339 : vector<64x1024xi32>
    %and3A_341 = arith.andi %lt3A_337, %ge3A_340 : vector<64x1024xi1>
    %roll3A_342 = arith.constant 993 : i32
    %roll3A_343 = tpu.dynamic_rotate %concatenate3A_187 by %roll3A_342 dim 1 : vector<64x1024xf32>, i32 -> vector<64x1024xf32>
    %jit3A_344 = arith.constant 0.000000e+00 : f32
    %broadcast_in_dim3A_345 = vector.broadcast %jit3A_344 : f32 to vector<64x1024xf32>
    %select_n3A_346 = arith.select %and3A_341, %roll3A_343, %broadcast_in_dim3A_345 : vector<64x1024xi1>, vector<64x1024xf32>
    %get3A_347 = arith.constant 6 : index
    %get3A_348 = arith.constant 0 : index
    %get3A_349 = arith.constant 0 : index
    %get3A_350 = vector.load %arg5[%get3A_347, %get3A_348, %get3A_349] : memref<9x32x64xf32, #tpu.memory_space<vmem>>, vector<1x32x64xf32>
    %get3A_351 = vector.shape_cast %get3A_350 : vector<1x32x64xf32> to vector<32x64xf32>
    %dot_general3A_352 = arith.constant dense<0.000000e+00> : vector<32x1024xf32>
    %dot_general3A_353 = tpu.matmul %get3A_351, %select_n3A_346, %dot_general3A_352 {dimension_numbers = #tpu.dot_dimension_numbers<[1], [0], [0], [1], [0, 0, 1, 1], [], []>, transpose_lhs_hint = false} : vector<32x64xf32>, vector<64x1024xf32>, vector<32x1024xf32> -> vector<32x1024xf32>
    %add3A_354 = arith.addf %add3A_310, %dot_general3A_353 : vector<32x1024xf32>
    %lt3A_355 = arith.constant 31 : i32
    %lt3A_356 = vector.broadcast %lt3A_355 : i32 to vector<64x1024xi32>
    %lt3A_357 = arith.cmpi slt, %select_n3A_212, %lt3A_356 : vector<64x1024xi32>
    %roll3A_358 = arith.constant 992 : i32
    %roll3A_359 = tpu.dynamic_rotate %concatenate3A_187 by %roll3A_358 dim 1 : vector<64x1024xf32>, i32 -> vector<64x1024xf32>
    %jit3A_360 = arith.constant 0.000000e+00 : f32
    %broadcast_in_dim3A_361 = vector.broadcast %jit3A_360 : f32 to vector<64x1024xf32>
    %select_n3A_362 = arith.select %lt3A_357, %roll3A_359, %broadcast_in_dim3A_361 : vector<64x1024xi1>, vector<64x1024xf32>
    %get3A_363 = arith.constant 7 : index
    %get3A_364 = arith.constant 0 : index
    %get3A_365 = arith.constant 0 : index
    %get3A_366 = vector.load %arg5[%get3A_363, %get3A_364, %get3A_365] : memref<9x32x64xf32, #tpu.memory_space<vmem>>, vector<1x32x64xf32>
    %get3A_367 = vector.shape_cast %get3A_366 : vector<1x32x64xf32> to vector<32x64xf32>
    %dot_general3A_368 = arith.constant dense<0.000000e+00> : vector<32x1024xf32>
    %dot_general3A_369 = tpu.matmul %get3A_367, %select_n3A_362, %dot_general3A_368 {dimension_numbers = #tpu.dot_dimension_numbers<[1], [0], [0], [1], [0, 0, 1, 1], [], []>, transpose_lhs_hint = false} : vector<32x64xf32>, vector<64x1024xf32>, vector<32x1024xf32> -> vector<32x1024xf32>
    %add3A_370 = arith.addf %add3A_318, %dot_general3A_369 : vector<32x1024xf32>
    %lt3A_371 = arith.constant 31 : i32
    %lt3A_372 = vector.broadcast %lt3A_371 : i32 to vector<64x1024xi32>
    %lt3A_373 = arith.cmpi slt, %select_n3A_212, %lt3A_372 : vector<64x1024xi32>
    %lt3A_374 = arith.constant 31 : i32
    %lt3A_375 = vector.broadcast %lt3A_374 : i32 to vector<64x1024xi32>
    %lt3A_376 = arith.cmpi slt, %select_n3A_233, %lt3A_375 : vector<64x1024xi32>
    %and3A_377 = arith.andi %lt3A_373, %lt3A_376 : vector<64x1024xi1>
    %roll3A_378 = arith.constant 991 : i32
    %roll3A_379 = tpu.dynamic_rotate %concatenate3A_187 by %roll3A_378 dim 1 : vector<64x1024xf32>, i32 -> vector<64x1024xf32>
    %jit3A_380 = arith.constant 0.000000e+00 : f32
    %broadcast_in_dim3A_381 = vector.broadcast %jit3A_380 : f32 to vector<64x1024xf32>
    %select_n3A_382 = arith.select %and3A_377, %roll3A_379, %broadcast_in_dim3A_381 : vector<64x1024xi1>, vector<64x1024xf32>
    %get3A_383 = arith.constant 8 : index
    %get3A_384 = arith.constant 0 : index
    %get3A_385 = arith.constant 0 : index
    %get3A_386 = vector.load %arg5[%get3A_383, %get3A_384, %get3A_385] : memref<9x32x64xf32, #tpu.memory_space<vmem>>, vector<1x32x64xf32>
    %get3A_387 = vector.shape_cast %get3A_386 : vector<1x32x64xf32> to vector<32x64xf32>
    %dot_general3A_388 = arith.constant dense<0.000000e+00> : vector<32x1024xf32>
    %dot_general3A_389 = tpu.matmul %get3A_387, %select_n3A_382, %dot_general3A_388 {dimension_numbers = #tpu.dot_dimension_numbers<[1], [0], [0], [1], [0, 0, 1, 1], [], []>, transpose_lhs_hint = false} : vector<32x64xf32>, vector<64x1024xf32>, vector<32x1024xf32> -> vector<32x1024xf32>
    %add3A_390 = arith.addf %add3A_334, %dot_general3A_389 : vector<32x1024xf32>
    %add3A_391 = arith.addf %add3A_354, %add3A_370 : vector<32x1024xf32>
    %add3A_392 = arith.addf %add3A_391, %add3A_390 : vector<32x1024xf32>
    %ge3A_393 = arith.constant 0.000000e+00 : f32
    %ge3A_394 = vector.broadcast %ge3A_393 : f32 to vector<32x1024xf32>
    %ge3A_395 = arith.cmpf oge, %add3A_392, %ge3A_394 : vector<32x1024xf32>
    %mul3A_396 = arith.constant 1.000000e-01 : f32
    %mul3A_397 = vector.broadcast %mul3A_396 : f32 to vector<32x1024xf32>
    %mul3A_398 = arith.mulf %mul3A_397, %add3A_392 : vector<32x1024xf32>
    %select_n3A_399 = arith.select %ge3A_395, %add3A_392, %mul3A_398 : vector<32x1024xi1>, vector<32x1024xf32>
    %swap3A = arith.constant 0 : index
    %swap3A_400 = arith.constant 0 : index
    %swap3A_401 = arith.constant 0 : index
    %swap3A_402 = vector.load %arg6[%swap3A, %swap3A_400, %swap3A_401] : memref<5x32x1024xf32, #tpu.memory_space<vmem>>, vector<1x32x1024xf32>
    %swap3A_403 = vector.shape_cast %swap3A_402 : vector<1x32x1024xf32> to vector<32x1024xf32>
    %swap3A_404 = vector.shape_cast %select_n3A_399 : vector<32x1024xf32> to vector<1x32x1024xf32>
    tpu.vector_store %arg6[%swap3A, %swap3A_400, %swap3A_401], %swap3A_404 {strides = array<i32>} : memref<5x32x1024xf32, #tpu.memory_space<vmem>>, vector<1x32x1024xf32>,
    %get3A_405 = arith.constant 1 : index
    %get3A_406 = arith.constant 0 : index
    %get3A_407 = arith.constant 0 : index
    %get3A_408 = vector.load %arg1[%get3A_405, %get3A_406, %get3A_407] : memref<5x32x1024xf32, #tpu.memory_space<vmem>>, vector<1x32x1024xf32>
    %get3A_409 = vector.shape_cast %get3A_408 : vector<1x32x1024xf32> to vector<32x1024xf32>
    %get3A_410 = arith.constant 0 : index
    %get3A_411 = arith.constant 0 : index
    %get3A_412 = vector.load %arg3[%get3A_410, %get3A_411] : memref<1024x1024xf32, #tpu.memory_space<vmem>>, vector<1024x1024xf32>
    %dot_general3A_413 = arith.constant dense<0.000000e+00> : vector<32x1024xf32>
    %dot_general3A_414 = tpu.matmul %get3A_409, %get3A_412, %dot_general3A_413 {dimension_numbers = #tpu.dot_dimension_numbers<[1], [0], [0], [1], [0, 0, 1, 1], [], []>, transpose_lhs_hint = false} : vector<32x1024xf32>, vector<1024x1024xf32>, vector<32x1024xf32> -> vector<32x1024xf32>
    %get3A_415 = arith.constant 1 : index
    %get3A_416 = arith.constant 0 : index
    %get3A_417 = arith.constant 0 : index
    %get3A_418 = arith.constant 0 : index
    %get3A_419 = vector.load %arg2[%get3A_415, %get3A_416, %get3A_417, %get3A_418] : memref<5x4x3x16xi32, #tpu.memory_space<vmem>>, vector<1x4x3x16xi32>
    %get3A_420 = vector.shape_cast %get3A_419 : vector<1x4x3x16xi32> to vector<4x3x16xi32>
    %iota3A_421 = tpu.iota {dimensions = array<i32: 0>} : vector<64x64xi32>
    %slice3A_422 = vector.extract_strided_slice %get3A_420 {offsets = [0, 0, 0], sizes = [1, 1, 16], strides = [1, 1, 1]} : vector<4x3x16xi32> to vector<1x1x16xi32>
    %squeeze3A_423 = vector.shape_cast %slice3A_422 : vector<1x1x16xi32> to vector<16xi32>
    %broadcast_in_dim3A_424 = vector.shape_cast %squeeze3A_423 : vector<16xi32> to vector<1x16xi32>
    %slice3A_425 = vector.extract_strided_slice %get3A_420 {offsets = [1, 0, 0], sizes = [1, 1, 16], strides = [1, 1, 1]} : vector<4x3x16xi32> to vector<1x1x16xi32>
    %squeeze3A_426 = vector.shape_cast %slice3A_425 : vector<1x1x16xi32> to vector<16xi32>
    %broadcast_in_dim3A_427 = vector.shape_cast %squeeze3A_426 : vector<16xi32> to vector<1x16xi32>
    %slice3A_428 = vector.extract_strided_slice %get3A_420 {offsets = [2, 0, 0], sizes = [1, 1, 16], strides = [1, 1, 1]} : vector<4x3x16xi32> to vector<1x1x16xi32>
    %squeeze3A_429 = vector.shape_cast %slice3A_428 : vector<1x1x16xi32> to vector<16xi32>
    %broadcast_in_dim3A_430 = vector.shape_cast %squeeze3A_429 : vector<16xi32> to vector<1x16xi32>
    %slice3A_431 = vector.extract_strided_slice %get3A_420 {offsets = [3, 0, 0], sizes = [1, 1, 16], strides = [1, 1, 1]} : vector<4x3x16xi32> to vector<1x1x16xi32>
    %squeeze3A_432 = vector.shape_cast %slice3A_431 : vector<1x1x16xi32> to vector<16xi32>
    %broadcast_in_dim3A_433 = vector.shape_cast %squeeze3A_432 : vector<16xi32> to vector<1x16xi32>
    %concatenate3A_434 = tpu.concatenate %broadcast_in_dim3A_424, %broadcast_in_dim3A_427, %broadcast_in_dim3A_430, %broadcast_in_dim3A_433 in 1 : vector<1x16xi32>, vector<1x16xi32>, vector<1x16xi32>, vector<1x16xi32> -> vector<1x64xi32>
    %eq3A_435 = vector.broadcast %concatenate3A_434 : vector<1x64xi32> to vector<64x64xi32>
    %eq3A_436 = arith.cmpi eq, %iota3A_421, %eq3A_435 : vector<64x64xi32>
    %convert_element_type3A_437 = arith.extui %eq3A_436 : vector<64x64xi1> to vector<64x64xi32>
    %convert_element_type3A_438 = arith.sitofp %convert_element_type3A_437 : vector<64x64xi32> to vector<64x64xf32>
    %slice3A_439 = vector.extract_strided_slice %get3A_420 {offsets = [0, 1, 0], sizes = [1, 1, 16], strides = [1, 1, 1]} : vector<4x3x16xi32> to vector<1x1x16xi32>
    %squeeze3A_440 = vector.shape_cast %slice3A_439 : vector<1x1x16xi32> to vector<16xi32>
    %broadcast_in_dim3A_441 = vector.shape_cast %squeeze3A_440 : vector<16xi32> to vector<1x16xi32>
    %slice3A_442 = vector.extract_strided_slice %get3A_420 {offsets = [1, 1, 0], sizes = [1, 1, 16], strides = [1, 1, 1]} : vector<4x3x16xi32> to vector<1x1x16xi32>
    %squeeze3A_443 = vector.shape_cast %slice3A_442 : vector<1x1x16xi32> to vector<16xi32>
    %broadcast_in_dim3A_444 = vector.shape_cast %squeeze3A_443 : vector<16xi32> to vector<1x16xi32>
    %slice3A_445 = vector.extract_strided_slice %get3A_420 {offsets = [2, 1, 0], sizes = [1, 1, 16], strides = [1, 1, 1]} : vector<4x3x16xi32> to vector<1x1x16xi32>
    %squeeze3A_446 = vector.shape_cast %slice3A_445 : vector<1x1x16xi32> to vector<16xi32>
    %broadcast_in_dim3A_447 = vector.shape_cast %squeeze3A_446 : vector<16xi32> to vector<1x16xi32>
    %slice3A_448 = vector.extract_strided_slice %get3A_420 {offsets = [3, 1, 0], sizes = [1, 1, 16], strides = [1, 1, 1]} : vector<4x3x16xi32> to vector<1x1x16xi32>
    %squeeze3A_449 = vector.shape_cast %slice3A_448 : vector<1x1x16xi32> to vector<16xi32>
    %broadcast_in_dim3A_450 = vector.shape_cast %squeeze3A_449 : vector<16xi32> to vector<1x16xi32>
    %concatenate3A_451 = tpu.concatenate %broadcast_in_dim3A_441, %broadcast_in_dim3A_444, %broadcast_in_dim3A_447, %broadcast_in_dim3A_450 in 1 : vector<1x16xi32>, vector<1x16xi32>, vector<1x16xi32>, vector<1x16xi32> -> vector<1x64xi32>
    %eq3A_452 = vector.broadcast %concatenate3A_451 : vector<1x64xi32> to vector<64x64xi32>
    %eq3A_453 = arith.cmpi eq, %iota3A_421, %eq3A_452 : vector<64x64xi32>
    %convert_element_type3A_454 = arith.extui %eq3A_453 : vector<64x64xi1> to vector<64x64xi32>
    %convert_element_type3A_455 = arith.sitofp %convert_element_type3A_454 : vector<64x64xi32> to vector<64x64xf32>
    %slice3A_456 = vector.extract_strided_slice %get3A_420 {offsets = [0, 2, 0], sizes = [1, 1, 16], strides = [1, 1, 1]} : vector<4x3x16xi32> to vector<1x1x16xi32>
    %squeeze3A_457 = vector.shape_cast %slice3A_456 : vector<1x1x16xi32> to vector<16xi32>
    %broadcast_in_dim3A_458 = vector.shape_cast %squeeze3A_457 : vector<16xi32> to vector<1x16xi32>
    %slice3A_459 = vector.extract_strided_slice %get3A_420 {offsets = [1, 2, 0], sizes = [1, 1, 16], strides = [1, 1, 1]} : vector<4x3x16xi32> to vector<1x1x16xi32>
    %squeeze3A_460 = vector.shape_cast %slice3A_459 : vector<1x1x16xi32> to vector<16xi32>
    %broadcast_in_dim3A_461 = vector.shape_cast %squeeze3A_460 : vector<16xi32> to vector<1x16xi32>
    %slice3A_462 = vector.extract_strided_slice %get3A_420 {offsets = [2, 2, 0], sizes = [1, 1, 16], strides = [1, 1, 1]} : vector<4x3x16xi32> to vector<1x1x16xi32>
    %squeeze3A_463 = vector.shape_cast %slice3A_462 : vector<1x1x16xi32> to vector<16xi32>
    %broadcast_in_dim3A_464 = vector.shape_cast %squeeze3A_463 : vector<16xi32> to vector<1x16xi32>
    %slice3A_465 = vector.extract_strided_slice %get3A_420 {offsets = [3, 2, 0], sizes = [1, 1, 16], strides = [1, 1, 1]} : vector<4x3x16xi32> to vector<1x1x16xi32>
    %squeeze3A_466 = vector.shape_cast %slice3A_465 : vector<1x1x16xi32> to vector<16xi32>
    %broadcast_in_dim3A_467 = vector.shape_cast %squeeze3A_466 : vector<16xi32> to vector<1x16xi32>
    %concatenate3A_468 = tpu.concatenate %broadcast_in_dim3A_458, %broadcast_in_dim3A_461, %broadcast_in_dim3A_464, %broadcast_in_dim3A_467 in 1 : vector<1x16xi32>, vector<1x16xi32>, vector<1x16xi32>, vector<1x16xi32> -> vector<1x64xi32>
    %eq3A_469 = vector.broadcast %concatenate3A_468 : vector<1x64xi32> to vector<64x64xi32>
    %eq3A_470 = arith.cmpi eq, %iota3A_421, %eq3A_469 : vector<64x64xi32>
    %convert_element_type3A_471 = arith.extui %eq3A_470 : vector<64x64xi1> to vector<64x64xi32>
    %convert_element_type3A_472 = arith.sitofp %convert_element_type3A_471 : vector<64x64xi32> to vector<64x64xf32>
    %concatenate3A_473 = tpu.concatenate %convert_element_type3A_438, %convert_element_type3A_455, %convert_element_type3A_472 in 0 : vector<64x64xf32>, vector<64x64xf32>, vector<64x64xf32> -> vector<192x64xf32>
    %get3A_474 = arith.constant 0 : index
    %get3A_475 = arith.constant 0 : index
    %get3A_476 = arith.constant 0 : index
    %get3A_477 = vector.load %arg4[%get3A_474, %get3A_475, %get3A_476] : memref<3x32x32xf32, #tpu.memory_space<vmem>>, vector<1x32x32xf32>
    %get3A_478 = vector.shape_cast %get3A_477 : vector<1x32x32xf32> to vector<32x32xf32>
    %dot_general3A_479 = arith.constant dense<0.000000e+00> : vector<1024x32xf32>
    %dot_general3A_480 = tpu.matmul %dot_general3A_414, %get3A_478, %dot_general3A_479 {dimension_numbers = #tpu.dot_dimension_numbers<[0], [1], [1], [0], [0, 1, 1, 0], [], []>, transpose_lhs_hint = false} : vector<32x1024xf32>, vector<32x32xf32>, vector<1024x32xf32> -> vector<1024x32xf32>
    %get3A_481 = arith.constant 1 : index
    %get3A_482 = arith.constant 0 : index
    %get3A_483 = arith.constant 0 : index
    %get3A_484 = vector.load %arg4[%get3A_481, %get3A_482, %get3A_483] : memref<3x32x32xf32, #tpu.memory_space<vmem>>, vector<1x32x32xf32>
    %get3A_485 = vector.shape_cast %get3A_484 : vector<1x32x32xf32> to vector<32x32xf32>
    %dot_general3A_486 = arith.constant dense<0.000000e+00> : vector<1024x32xf32>
    %dot_general3A_487 = tpu.matmul %dot_general3A_414, %get3A_485, %dot_general3A_486 {dimension_numbers = #tpu.dot_dimension_numbers<[0], [1], [1], [0], [0, 1, 1, 0], [], []>, transpose_lhs_hint = false} : vector<32x1024xf32>, vector<32x32xf32>, vector<1024x32xf32> -> vector<1024x32xf32>
    %get3A_488 = arith.constant 2 : index
    %get3A_489 = arith.constant 0 : index
    %get3A_490 = arith.constant 0 : index
    %get3A_491 = vector.load %arg4[%get3A_488, %get3A_489, %get3A_490] : memref<3x32x32xf32, #tpu.memory_space<vmem>>, vector<1x32x32xf32>
    %get3A_492 = vector.shape_cast %get3A_491 : vector<1x32x32xf32> to vector<32x32xf32>
    %dot_general3A_493 = arith.constant dense<0.000000e+00> : vector<1024x32xf32>
    %dot_general3A_494 = tpu.matmul %dot_general3A_414, %get3A_492, %dot_general3A_493 {dimension_numbers = #tpu.dot_dimension_numbers<[0], [1], [1], [0], [0, 1, 1, 0], [], []>, transpose_lhs_hint = false} : vector<32x1024xf32>, vector<32x32xf32>, vector<1024x32xf32> -> vector<1024x32xf32>
    %slice3A_495 = vector.extract_strided_slice %dot_general3A_480 {offsets = [0, 0], sizes = [64, 32], strides = [1, 1]} : vector<1024x32xf32> to vector<64x32xf32>
    %slice3A_496 = vector.extract_strided_slice %dot_general3A_487 {offsets = [0, 0], sizes = [64, 32], strides = [1, 1]} : vector<1024x32xf32> to vector<64x32xf32>
    %slice3A_497 = vector.extract_strided_slice %dot_general3A_494 {offsets = [0, 0], sizes = [64, 32], strides = [1, 1]} : vector<1024x32xf32> to vector<64x32xf32>
    %concatenate3A_498 = tpu.concatenate %slice3A_495, %slice3A_496, %slice3A_497 in 0 : vector<64x32xf32>, vector<64x32xf32>, vector<64x32xf32> -> vector<192x32xf32>
    %dot_general3A_499 = arith.constant dense<0.000000e+00> : vector<64x32xf32>
    %dot_general3A_500 = tpu.matmul %concatenate3A_473, %concatenate3A_498, %dot_general3A_499 {dimension_numbers = #tpu.dot_dimension_numbers<[0], [0], [1], [1], [0, 1, 1, 1], [], []>, transpose_lhs_hint = false} : vector<192x64xf32>, vector<192x32xf32>, vector<64x32xf32> -> vector<64x32xf32>
    %slice3A_501 = vector.extract_strided_slice %dot_general3A_480 {offsets = [64, 0], sizes = [64, 32], strides = [1, 1]} : vector<1024x32xf32> to vector<64x32xf32>
    %slice3A_502 = vector.extract_strided_slice %dot_general3A_487 {offsets = [64, 0], sizes = [64, 32], strides = [1, 1]} : vector<1024x32xf32> to vector<64x32xf32>
    %slice3A_503 = vector.extract_strided_slice %dot_general3A_494 {offsets = [64, 0], sizes = [64, 32], strides = [1, 1]} : vector<1024x32xf32> to vector<64x32xf32>
    %concatenate3A_504 = tpu.concatenate %slice3A_501, %slice3A_502, %slice3A_503 in 0 : vector<64x32xf32>, vector<64x32xf32>, vector<64x32xf32> -> vector<192x32xf32>
    %dot_general3A_505 = arith.constant dense<0.000000e+00> : vector<64x32xf32>
    %dot_general3A_506 = tpu.matmul %concatenate3A_473, %concatenate3A_504, %dot_general3A_505 {dimension_numbers = #tpu.dot_dimension_numbers<[0], [0], [1], [1], [0, 1, 1, 1], [], []>, transpose_lhs_hint = false} : vector<192x64xf32>, vector<192x32xf32>, vector<64x32xf32> -> vector<64x32xf32>
    %slice3A_507 = vector.extract_strided_slice %dot_general3A_480 {offsets = [128, 0], sizes = [64, 32], strides = [1, 1]} : vector<1024x32xf32> to vector<64x32xf32>
    %slice3A_508 = vector.extract_strided_slice %dot_general3A_487 {offsets = [128, 0], sizes = [64, 32], strides = [1, 1]} : vector<1024x32xf32> to vector<64x32xf32>
    %slice3A_509 = vector.extract_strided_slice %dot_general3A_494 {offsets = [128, 0], sizes = [64, 32], strides = [1, 1]} : vector<1024x32xf32> to vector<64x32xf32>
    %concatenate3A_510 = tpu.concatenate %slice3A_507, %slice3A_508, %slice3A_509 in 0 : vector<64x32xf32>, vector<64x32xf32>, vector<64x32xf32> -> vector<192x32xf32>
    %dot_general3A_511 = arith.constant dense<0.000000e+00> : vector<64x32xf32>
    %dot_general3A_512 = tpu.matmul %concatenate3A_473, %concatenate3A_510, %dot_general3A_511 {dimension_numbers = #tpu.dot_dimension_numbers<[0], [0], [1], [1], [0, 1, 1, 1], [], []>, transpose_lhs_hint = false} : vector<192x64xf32>, vector<192x32xf32>, vector<64x32xf32> -> vector<64x32xf32>
    %slice3A_513 = vector.extract_strided_slice %dot_general3A_480 {offsets = [192, 0], sizes = [64, 32], strides = [1, 1]} : vector<1024x32xf32> to vector<64x32xf32>
    %slice3A_514 = vector.extract_strided_slice %dot_general3A_487 {offsets = [192, 0], sizes = [64, 32], strides = [1, 1]} : vector<1024x32xf32> to vector<64x32xf32>
    %slice3A_515 = vector.extract_strided_slice %dot_general3A_494 {offsets = [192, 0], sizes = [64, 32], strides = [1, 1]} : vector<1024x32xf32> to vector<64x32xf32>
    %concatenate3A_516 = tpu.concatenate %slice3A_513, %slice3A_514, %slice3A_515 in 0 : vector<64x32xf32>, vector<64x32xf32>, vector<64x32xf32> -> vector<192x32xf32>
    %dot_general3A_517 = arith.constant dense<0.000000e+00> : vector<64x32xf32>
    %dot_general3A_518 = tpu.matmul %concatenate3A_473, %concatenate3A_516, %dot_general3A_517 {dimension_numbers = #tpu.dot_dimension_numbers<[0], [0], [1], [1], [0, 1, 1, 1], [], []>, transpose_lhs_hint = false} : vector<192x64xf32>, vector<192x32xf32>, vector<64x32xf32> -> vector<64x32xf32>
    %slice3A_519 = vector.extract_strided_slice %dot_general3A_480 {offsets = [256, 0], sizes = [64, 32], strides = [1, 1]} : vector<1024x32xf32> to vector<64x32xf32>
    %slice3A_520 = vector.extract_strided_slice %dot_general3A_487 {offsets = [256, 0], sizes = [64, 32], strides = [1, 1]} : vector<1024x32xf32> to vector<64x32xf32>
    %slice3A_521 = vector.extract_strided_slice %dot_general3A_494 {offsets = [256, 0], sizes = [64, 32], strides = [1, 1]} : vector<1024x32xf32> to vector<64x32xf32>
    %concatenate3A_522 = tpu.concatenate %slice3A_519, %slice3A_520, %slice3A_521 in 0 : vector<64x32xf32>, vector<64x32xf32>, vector<64x32xf32> -> vector<192x32xf32>
    %dot_general3A_523 = arith.constant dense<0.000000e+00> : vector<64x32xf32>
    %dot_general3A_524 = tpu.matmul %concatenate3A_473, %concatenate3A_522, %dot_general3A_523 {dimension_numbers = #tpu.dot_dimension_numbers<[0], [0], [1], [1], [0, 1, 1, 1], [], []>, transpose_lhs_hint = false} : vector<192x64xf32>, vector<192x32xf32>, vector<64x32xf32> -> vector<64x32xf32>
    %slice3A_525 = vector.extract_strided_slice %dot_general3A_480 {offsets = [320, 0], sizes = [64, 32], strides = [1, 1]} : vector<1024x32xf32> to vector<64x32xf32>
    %slice3A_526 = vector.extract_strided_slice %dot_general3A_487 {offsets = [320, 0], sizes = [64, 32], strides = [1, 1]} : vector<1024x32xf32> to vector<64x32xf32>
    %slice3A_527 = vector.extract_strided_slice %dot_general3A_494 {offsets = [320, 0], sizes = [64, 32], strides = [1, 1]} : vector<1024x32xf32> to vector<64x32xf32>
    %concatenate3A_528 = tpu.concatenate %slice3A_525, %slice3A_526, %slice3A_527 in 0 : vector<64x32xf32>, vector<64x32xf32>, vector<64x32xf32> -> vector<192x32xf32>
    %dot_general3A_529 = arith.constant dense<0.000000e+00> : vector<64x32xf32>
    %dot_general3A_530 = tpu.matmul %concatenate3A_473, %concatenate3A_528, %dot_general3A_529 {dimension_numbers = #tpu.dot_dimension_numbers<[0], [0], [1], [1], [0, 1, 1, 1], [], []>, transpose_lhs_hint = false} : vector<192x64xf32>, vector<192x32xf32>, vector<64x32xf32> -> vector<64x32xf32>
    %slice3A_531 = vector.extract_strided_slice %dot_general3A_480 {offsets = [384, 0], sizes = [64, 32], strides = [1, 1]} : vector<1024x32xf32> to vector<64x32xf32>
    %slice3A_532 = vector.extract_strided_slice %dot_general3A_487 {offsets = [384, 0], sizes = [64, 32], strides = [1, 1]} : vector<1024x32xf32> to vector<64x32xf32>
    %slice3A_533 = vector.extract_strided_slice %dot_general3A_494 {offsets = [384, 0], sizes = [64, 32], strides = [1, 1]} : vector<1024x32xf32> to vector<64x32xf32>
    %concatenate3A_534 = tpu.concatenate %slice3A_531, %slice3A_532, %slice3A_533 in 0 : vector<64x32xf32>, vector<64x32xf32>, vector<64x32xf32> -> vector<192x32xf32>
    %dot_general3A_535 = arith.constant dense<0.000000e+00> : vector<64x32xf32>
    %dot_general3A_536 = tpu.matmul %concatenate3A_473, %concatenate3A_534, %dot_general3A_535 {dimension_numbers = #tpu.dot_dimension_numbers<[0], [0], [1], [1], [0, 1, 1, 1], [], []>, transpose_lhs_hint = false} : vector<192x64xf32>, vector<192x32xf32>, vector<64x32xf32> -> vector<64x32xf32>
    %slice3A_537 = vector.extract_strided_slice %dot_general3A_480 {offsets = [448, 0], sizes = [64, 32], strides = [1, 1]} : vector<1024x32xf32> to vector<64x32xf32>
    %slice3A_538 = vector.extract_strided_slice %dot_general3A_487 {offsets = [448, 0], sizes = [64, 32], strides = [1, 1]} : vector<1024x32xf32> to vector<64x32xf32>
    %slice3A_539 = vector.extract_strided_slice %dot_general3A_494 {offsets = [448, 0], sizes = [64, 32], strides = [1, 1]} : vector<1024x32xf32> to vector<64x32xf32>
    %concatenate3A_540 = tpu.concatenate %slice3A_537, %slice3A_538, %slice3A_539 in 0 : vector<64x32xf32>, vector<64x32xf32>, vector<64x32xf32> -> vector<192x32xf32>
    %dot_general3A_541 = arith.constant dense<0.000000e+00> : vector<64x32xf32>
    %dot_general3A_542 = tpu.matmul %concatenate3A_473, %concatenate3A_540, %dot_general3A_541 {dimension_numbers = #tpu.dot_dimension_numbers<[0], [0], [1], [1], [0, 1, 1, 1], [], []>, transpose_lhs_hint = false} : vector<192x64xf32>, vector<192x32xf32>, vector<64x32xf32> -> vector<64x32xf32>
    %slice3A_543 = vector.extract_strided_slice %dot_general3A_480 {offsets = [512, 0], sizes = [64, 32], strides = [1, 1]} : vector<1024x32xf32> to vector<64x32xf32>
    %slice3A_544 = vector.extract_strided_slice %dot_general3A_487 {offsets = [512, 0], sizes = [64, 32], strides = [1, 1]} : vector<1024x32xf32> to vector<64x32xf32>
    %slice3A_545 = vector.extract_strided_slice %dot_general3A_494 {offsets = [512, 0], sizes = [64, 32], strides = [1, 1]} : vector<1024x32xf32> to vector<64x32xf32>
    %concatenate3A_546 = tpu.concatenate %slice3A_543, %slice3A_544, %slice3A_545 in 0 : vector<64x32xf32>, vector<64x32xf32>, vector<64x32xf32> -> vector<192x32xf32>
    %dot_general3A_547 = arith.constant dense<0.000000e+00> : vector<64x32xf32>
    %dot_general3A_548 = tpu.matmul %concatenate3A_473, %concatenate3A_546, %dot_general3A_547 {dimension_numbers = #tpu.dot_dimension_numbers<[0], [0], [1], [1], [0, 1, 1, 1], [], []>, transpose_lhs_hint = false} : vector<192x64xf32>, vector<192x32xf32>, vector<64x32xf32> -> vector<64x32xf32>
    %slice3A_549 = vector.extract_strided_slice %dot_general3A_480 {offsets = [576, 0], sizes = [64, 32], strides = [1, 1]} : vector<1024x32xf32> to vector<64x32xf32>
    %slice3A_550 = vector.extract_strided_slice %dot_general3A_487 {offsets = [576, 0], sizes = [64, 32], strides = [1, 1]} : vector<1024x32xf32> to vector<64x32xf32>
    %slice3A_551 = vector.extract_strided_slice %dot_general3A_494 {offsets = [576, 0], sizes = [64, 32], strides = [1, 1]} : vector<1024x32xf32> to vector<64x32xf32>
    %concatenate3A_552 = tpu.concatenate %slice3A_549, %slice3A_550, %slice3A_551 in 0 : vector<64x32xf32>, vector<64x32xf32>, vector<64x32xf32> -> vector<192x32xf32>
    %dot_general3A_553 = arith.constant dense<0.000000e+00> : vector<64x32xf32>
    %dot_general3A_554 = tpu.matmul %concatenate3A_473, %concatenate3A_552, %dot_general3A_553 {dimension_numbers = #tpu.dot_dimension_numbers<[0], [0], [1], [1], [0, 1, 1, 1], [], []>, transpose_lhs_hint = false} : vector<192x64xf32>, vector<192x32xf32>, vector<64x32xf32> -> vector<64x32xf32>
    %slice3A_555 = vector.extract_strided_slice %dot_general3A_480 {offsets = [640, 0], sizes = [64, 32], strides = [1, 1]} : vector<1024x32xf32> to vector<64x32xf32>
    %slice3A_556 = vector.extract_strided_slice %dot_general3A_487 {offsets = [640, 0], sizes = [64, 32], strides = [1, 1]} : vector<1024x32xf32> to vector<64x32xf32>
    %slice3A_557 = vector.extract_strided_slice %dot_general3A_494 {offsets = [640, 0], sizes = [64, 32], strides = [1, 1]} : vector<1024x32xf32> to vector<64x32xf32>
    %concatenate3A_558 = tpu.concatenate %slice3A_555, %slice3A_556, %slice3A_557 in 0 : vector<64x32xf32>, vector<64x32xf32>, vector<64x32xf32> -> vector<192x32xf32>
    %dot_general3A_559 = arith.constant dense<0.000000e+00> : vector<64x32xf32>
    %dot_general3A_560 = tpu.matmul %concatenate3A_473, %concatenate3A_558, %dot_general3A_559 {dimension_numbers = #tpu.dot_dimension_numbers<[0], [0], [1], [1], [0, 1, 1, 1], [], []>, transpose_lhs_hint = false} : vector<192x64xf32>, vector<192x32xf32>, vector<64x32xf32> -> vector<64x32xf32>
    %slice3A_561 = vector.extract_strided_slice %dot_general3A_480 {offsets = [704, 0], sizes = [64, 32], strides = [1, 1]} : vector<1024x32xf32> to vector<64x32xf32>
    %slice3A_562 = vector.extract_strided_slice %dot_general3A_487 {offsets = [704, 0], sizes = [64, 32], strides = [1, 1]} : vector<1024x32xf32> to vector<64x32xf32>
    %slice3A_563 = vector.extract_strided_slice %dot_general3A_494 {offsets = [704, 0], sizes = [64, 32], strides = [1, 1]} : vector<1024x32xf32> to vector<64x32xf32>
    %concatenate3A_564 = tpu.concatenate %slice3A_561, %slice3A_562, %slice3A_563 in 0 : vector<64x32xf32>, vector<64x32xf32>, vector<64x32xf32> -> vector<192x32xf32>
    %dot_general3A_565 = arith.constant dense<0.000000e+00> : vector<64x32xf32>
    %dot_general3A_566 = tpu.matmul %concatenate3A_473, %concatenate3A_564, %dot_general3A_565 {dimension_numbers = #tpu.dot_dimension_numbers<[0], [0], [1], [1], [0, 1, 1, 1], [], []>, transpose_lhs_hint = false} : vector<192x64xf32>, vector<192x32xf32>, vector<64x32xf32> -> vector<64x32xf32>
    %slice3A_567 = vector.extract_strided_slice %dot_general3A_480 {offsets = [768, 0], sizes = [64, 32], strides = [1, 1]} : vector<1024x32xf32> to vector<64x32xf32>
    %slice3A_568 = vector.extract_strided_slice %dot_general3A_487 {offsets = [768, 0], sizes = [64, 32], strides = [1, 1]} : vector<1024x32xf32> to vector<64x32xf32>
    %slice3A_569 = vector.extract_strided_slice %dot_general3A_494 {offsets = [768, 0], sizes = [64, 32], strides = [1, 1]} : vector<1024x32xf32> to vector<64x32xf32>
    %concatenate3A_570 = tpu.concatenate %slice3A_567, %slice3A_568, %slice3A_569 in 0 : vector<64x32xf32>, vector<64x32xf32>, vector<64x32xf32> -> vector<192x32xf32>
    %dot_general3A_571 = arith.constant dense<0.000000e+00> : vector<64x32xf32>
    %dot_general3A_572 = tpu.matmul %concatenate3A_473, %concatenate3A_570, %dot_general3A_571 {dimension_numbers = #tpu.dot_dimension_numbers<[0], [0], [1], [1], [0, 1, 1, 1], [], []>, transpose_lhs_hint = false} : vector<192x64xf32>, vector<192x32xf32>, vector<64x32xf32> -> vector<64x32xf32>
    %slice3A_573 = vector.extract_strided_slice %dot_general3A_480 {offsets = [832, 0], sizes = [64, 32], strides = [1, 1]} : vector<1024x32xf32> to vector<64x32xf32>
    %slice3A_574 = vector.extract_strided_slice %dot_general3A_487 {offsets = [832, 0], sizes = [64, 32], strides = [1, 1]} : vector<1024x32xf32> to vector<64x32xf32>
    %slice3A_575 = vector.extract_strided_slice %dot_general3A_494 {offsets = [832, 0], sizes = [64, 32], strides = [1, 1]} : vector<1024x32xf32> to vector<64x32xf32>
    %concatenate3A_576 = tpu.concatenate %slice3A_573, %slice3A_574, %slice3A_575 in 0 : vector<64x32xf32>, vector<64x32xf32>, vector<64x32xf32> -> vector<192x32xf32>
    %dot_general3A_577 = arith.constant dense<0.000000e+00> : vector<64x32xf32>
    %dot_general3A_578 = tpu.matmul %concatenate3A_473, %concatenate3A_576, %dot_general3A_577 {dimension_numbers = #tpu.dot_dimension_numbers<[0], [0], [1], [1], [0, 1, 1, 1], [], []>, transpose_lhs_hint = false} : vector<192x64xf32>, vector<192x32xf32>, vector<64x32xf32> -> vector<64x32xf32>
    %slice3A_579 = vector.extract_strided_slice %dot_general3A_480 {offsets = [896, 0], sizes = [64, 32], strides = [1, 1]} : vector<1024x32xf32> to vector<64x32xf32>
    %slice3A_580 = vector.extract_strided_slice %dot_general3A_487 {offsets = [896, 0], sizes = [64, 32], strides = [1, 1]} : vector<1024x32xf32> to vector<64x32xf32>
    %slice3A_581 = vector.extract_strided_slice %dot_general3A_494 {offsets = [896, 0], sizes = [64, 32], strides = [1, 1]} : vector<1024x32xf32> to vector<64x32xf32>
    %concatenate3A_582 = tpu.concatenate %slice3A_579, %slice3A_580, %slice3A_581 in 0 : vector<64x32xf32>, vector<64x32xf32>, vector<64x32xf32> -> vector<192x32xf32>
    %dot_general3A_583 = arith.constant dense<0.000000e+00> : vector<64x32xf32>
    %dot_general3A_584 = tpu.matmul %concatenate3A_473, %concatenate3A_582, %dot_general3A_583 {dimension_numbers = #tpu.dot_dimension_numbers<[0], [0], [1], [1], [0, 1, 1, 1], [], []>, transpose_lhs_hint = false} : vector<192x64xf32>, vector<192x32xf32>, vector<64x32xf32> -> vector<64x32xf32>
    %slice3A_585 = vector.extract_strided_slice %dot_general3A_480 {offsets = [960, 0], sizes = [64, 32], strides = [1, 1]} : vector<1024x32xf32> to vector<64x32xf32>
    %slice3A_586 = vector.extract_strided_slice %dot_general3A_487 {offsets = [960, 0], sizes = [64, 32], strides = [1, 1]} : vector<1024x32xf32> to vector<64x32xf32>
    %slice3A_587 = vector.extract_strided_slice %dot_general3A_494 {offsets = [960, 0], sizes = [64, 32], strides = [1, 1]} : vector<1024x32xf32> to vector<64x32xf32>
    %concatenate3A_588 = tpu.concatenate %slice3A_585, %slice3A_586, %slice3A_587 in 0 : vector<64x32xf32>, vector<64x32xf32>, vector<64x32xf32> -> vector<192x32xf32>
    %dot_general3A_589 = arith.constant dense<0.000000e+00> : vector<64x32xf32>
    %dot_general3A_590 = tpu.matmul %concatenate3A_473, %concatenate3A_588, %dot_general3A_589 {dimension_numbers = #tpu.dot_dimension_numbers<[0], [0], [1], [1], [0, 1, 1, 1], [], []>, transpose_lhs_hint = false} : vector<192x64xf32>, vector<192x32xf32>, vector<64x32xf32> -> vector<64x32xf32>
    %concatenate3A_591 = tpu.concatenate %dot_general3A_500, %dot_general3A_506, %dot_general3A_512, %dot_general3A_518, %dot_general3A_524, %dot_general3A_530, %dot_general3A_536, %dot_general3A_542, %dot_general3A_548, %dot_general3A_554, %dot_general3A_560, %dot_general3A_566, %dot_general3A_572, %dot_general3A_578, %dot_general3A_584, %dot_general3A_590 in 0 : vector<64x32xf32>, vector<64x32xf32>, vector<64x32xf32>, vector<64x32xf32>, vector<64x32xf32>, vector<64x32xf32>, vector<64x32xf32>, vector<64x32xf32>, vector<64x32xf32>, vector<64x32xf32>, vector<64x32xf32>, vector<64x32xf32>, vector<64x32xf32>, vector<64x32xf32>, vector<64x32xf32>, vector<64x32xf32> -> vector<1024x32xf32>
    %ge3A_592 = arith.constant 0.000000e+00 : f32
    %ge3A_593 = vector.broadcast %ge3A_592 : f32 to vector<1024x32xf32>
    %ge3A_594 = arith.cmpf oge, %concatenate3A_591, %ge3A_593 : vector<1024x32xf32>
    %mul3A_595 = arith.constant 1.000000e-01 : f32
    %mul3A_596 = vector.broadcast %mul3A_595 : f32 to vector<1024x32xf32>
    %mul3A_597 = arith.mulf %mul3A_596, %concatenate3A_591 : vector<1024x32xf32>
    %select_n3A_598 = arith.select %ge3A_594, %concatenate3A_591, %mul3A_597 : vector<1024x32xi1>, vector<1024x32xf32>
    %get3A_599 = arith.constant 0 : index
    %get3A_600 = arith.constant 0 : index
    %get3A_601 = vector.load %arg3[%get3A_599, %get3A_600] : memref<1024x1024xf32, #tpu.memory_space<vmem>>, vector<1024x1024xf32>
    %dot_general3A_602 = arith.constant dense<0.000000e+00> : vector<32x1024xf32>
    %dot_general3A_603 = tpu.matmul %select_n3A_598, %get3A_601, %dot_general3A_602 {dimension_numbers = #tpu.dot_dimension_numbers<[0], [1], [1], [0], [0, 1, 1, 0], [], []>, transpose_lhs_hint = false} : vector<1024x32xf32>, vector<1024x1024xf32>, vector<32x1024xf32> -> vector<32x1024xf32>
    %concatenate3A_604 = tpu.concatenate %get3A_409, %dot_general3A_603 in 0 : vector<32x1024xf32>, vector<32x1024xf32> -> vector<64x1024xf32>
    %iota3A_605 = tpu.iota {dimensions = array<i32: 1>} : vector<64x1024xi32>
    %jit3A_606 = arith.constant 32 : i32
    %div3A_607 = vector.broadcast %jit3A_606 : i32 to vector<64x1024xi32>
    %div3A_608 = arith.divsi %iota3A_605, %div3A_607 : vector<64x1024xi32>
    %sign3A_609 = arith.constant 0 : i32
    %sign3A_610 = vector.broadcast %sign3A_609 : i32 to vector<64x1024xi32>
    %sign3A_611 = arith.cmpi sgt, %iota3A_605, %sign3A_610 : vector<64x1024xi32>
    %sign3A_612 = arith.extui %sign3A_611 : vector<64x1024xi1> to vector<64x1024xi32>
    %sign3A_613 = arith.constant 0 : i32
    %sign3A_614 = vector.broadcast %sign3A_613 : i32 to vector<64x1024xi32>
    %sign3A_615 = arith.cmpi slt, %iota3A_605, %sign3A_614 : vector<64x1024xi32>
    %sign3A_616 = arith.extui %sign3A_615 : vector<64x1024xi1> to vector<64x1024xi32>
    %sign3A_617 = arith.subi %sign3A_612, %sign3A_616 : vector<64x1024xi32>
    %sign3A_618 = arith.constant 0 : i32
    %sign3A_619 = arith.cmpi sgt, %jit3A_606, %sign3A_618 : i32
    %sign3A_620 = arith.extui %sign3A_619 : i1 to i32
    %sign3A_621 = arith.constant 0 : i32
    %sign3A_622 = arith.cmpi slt, %jit3A_606, %sign3A_621 : i32
    %sign3A_623 = arith.extui %sign3A_622 : i1 to i32
    %sign3A_624 = arith.subi %sign3A_620, %sign3A_623 : i32
    %ne3A_625 = vector.broadcast %sign3A_624 : i32 to vector<64x1024xi32>
    %ne3A_626 = arith.cmpi ne, %sign3A_617, %ne3A_625 : vector<64x1024xi32>
    %rem3A_627 = vector.broadcast %jit3A_606 : i32 to vector<64x1024xi32>
    %rem3A_628 = arith.remsi %iota3A_605, %rem3A_627 : vector<64x1024xi32>
    %ne3A_629 = arith.constant 0 : i32
    %ne3A_630 = vector.broadcast %ne3A_629 : i32 to vector<64x1024xi32>
    %ne3A_631 = arith.cmpi ne, %rem3A_628, %ne3A_630 : vector<64x1024xi32>
    %and3A_632 = arith.andi %ne3A_626, %ne3A_631 : vector<64x1024xi1>
    %sub3A_633 = arith.constant 1 : i32
    %sub3A_634 = vector.broadcast %sub3A_633 : i32 to vector<64x1024xi32>
    %sub3A_635 = arith.subi %div3A_608, %sub3A_634 : vector<64x1024xi32>
    %select_n3A_636 = arith.select %and3A_632, %sub3A_635, %div3A_608 : vector<64x1024xi1>, vector<64x1024xi32>
    %iota3A_637 = tpu.iota {dimensions = array<i32: 1>} : vector<64x1024xi32>
    %jit3A_638 = arith.constant 32 : i32
    %eq3A_639 = arith.constant 0 : i32
    %eq3A_640 = arith.cmpi eq, %jit3A_638, %eq3A_639 : i32
    %jit3A_641 = arith.constant 1 : i32
    %select_n3A_642 = arith.select %eq3A_640, %jit3A_641, %jit3A_638 : i32
    %rem3A_643 = vector.broadcast %select_n3A_642 : i32 to vector<64x1024xi32>
    %rem3A_644 = arith.remsi %iota3A_637, %rem3A_643 : vector<64x1024xi32>
    %ne3A_645 = arith.constant 0 : i32
    %ne3A_646 = vector.broadcast %ne3A_645 : i32 to vector<64x1024xi32>
    %ne3A_647 = arith.cmpi ne, %rem3A_644, %ne3A_646 : vector<64x1024xi32>
    %lt3A_648 = arith.constant 0 : i32
    %lt3A_649 = vector.broadcast %lt3A_648 : i32 to vector<64x1024xi32>
    %lt3A_650 = arith.cmpi slt, %rem3A_644, %lt3A_649 : vector<64x1024xi32>
    %lt3A_651 = arith.constant 0 : i32
    %lt3A_652 = arith.cmpi slt, %select_n3A_642, %lt3A_651 : i32
    %ne3A_653 = vector.broadcast %lt3A_652 : i1 to vector<64x1024xi1>
    %ne3A_654 = vector.broadcast %ne3A_653 : vector<64x1024xi1> to vector<64x1024xi1>
    %ne3A_655 = arith.xori %lt3A_650, %ne3A_654 : vector<64x1024xi1>
    %and3A_656 = arith.andi %ne3A_655, %ne3A_647 : vector<64x1024xi1>
    %add3A_657 = vector.broadcast %select_n3A_642 : i32 to vector<64x1024xi32>
    %add3A_658 = arith.addi %rem3A_644, %add3A_657 : vector<64x1024xi32>
    %select_n3A_659 = arith.select %and3A_656, %add3A_658, %rem3A_644 : vector<64x1024xi1>, vector<64x1024xi32>
    %broadcast_in_dim3A_660 = arith.constant 0.000000e+00 : f32
    %broadcast_in_dim3A_661 = vector.broadcast %broadcast_in_dim3A_660 : f32 to vector<32x1024xf32>
    %broadcast_in_dim3A_662 = arith.constant 0.000000e+00 : f32
    %broadcast_in_dim3A_663 = vector.broadcast %broadcast_in_dim3A_662 : f32 to vector<32x1024xf32>
    %broadcast_in_dim3A_664 = arith.constant 0.000000e+00 : f32
    %broadcast_in_dim3A_665 = vector.broadcast %broadcast_in_dim3A_664 : f32 to vector<32x1024xf32>
    %ge3A_666 = arith.constant 1 : i32
    %ge3A_667 = vector.broadcast %ge3A_666 : i32 to vector<64x1024xi32>
    %ge3A_668 = arith.cmpi sge, %select_n3A_636, %ge3A_667 : vector<64x1024xi32>
    %ge3A_669 = arith.constant 1 : i32
    %ge3A_670 = vector.broadcast %ge3A_669 : i32 to vector<64x1024xi32>
    %ge3A_671 = arith.cmpi sge, %select_n3A_659, %ge3A_670 : vector<64x1024xi32>
    %and3A_672 = arith.andi %ge3A_668, %ge3A_671 : vector<64x1024xi1>
    %roll3A_673 = arith.constant 33 : i32
    %roll3A_674 = tpu.dynamic_rotate %concatenate3A_604 by %roll3A_673 dim 1 : vector<64x1024xf32>, i32 -> vector<64x1024xf32>
    %jit3A_675 = arith.constant 0.000000e+00 : f32
    %broadcast_in_dim3A_676 = vector.broadcast %jit3A_675 : f32 to vector<64x1024xf32>
    %select_n3A_677 = arith.select %and3A_672, %roll3A_674, %broadcast_in_dim3A_676 : vector<64x1024xi1>, vector<64x1024xf32>
    %get3A_678 = arith.constant 0 : index
    %get3A_679 = arith.constant 0 : index
    %get3A_680 = arith.constant 0 : index
    %get3A_681 = vector.load %arg5[%get3A_678, %get3A_679, %get3A_680] : memref<9x32x64xf32, #tpu.memory_space<vmem>>, vector<1x32x64xf32>
    %get3A_682 = vector.shape_cast %get3A_681 : vector<1x32x64xf32> to vector<32x64xf32>
    %dot_general3A_683 = arith.constant dense<0.000000e+00> : vector<32x1024xf32>
    %dot_general3A_684 = tpu.matmul %get3A_682, %select_n3A_677, %dot_general3A_683 {dimension_numbers = #tpu.dot_dimension_numbers<[1], [0], [0], [1], [0, 0, 1, 1], [], []>, transpose_lhs_hint = false} : vector<32x64xf32>, vector<64x1024xf32>, vector<32x1024xf32> -> vector<32x1024xf32>
    %add3A_685 = arith.addf %broadcast_in_dim3A_661, %dot_general3A_684 : vector<32x1024xf32>
    %ge3A_686 = arith.constant 1 : i32
    %ge3A_687 = vector.broadcast %ge3A_686 : i32 to vector<64x1024xi32>
    %ge3A_688 = arith.cmpi sge, %select_n3A_636, %ge3A_687 : vector<64x1024xi32>
    %roll3A_689 = arith.constant 32 : i32
    %roll3A_690 = tpu.dynamic_rotate %concatenate3A_604 by %roll3A_689 dim 1 : vector<64x1024xf32>, i32 -> vector<64x1024xf32>
    %jit3A_691 = arith.constant 0.000000e+00 : f32
    %broadcast_in_dim3A_692 = vector.broadcast %jit3A_691 : f32 to vector<64x1024xf32>
    %select_n3A_693 = arith.select %ge3A_688, %roll3A_690, %broadcast_in_dim3A_692 : vector<64x1024xi1>, vector<64x1024xf32>
    %get3A_694 = arith.constant 1 : index
    %get3A_695 = arith.constant 0 : index
    %get3A_696 = arith.constant 0 : index
    %get3A_697 = vector.load %arg5[%get3A_694, %get3A_695, %get3A_696] : memref<9x32x64xf32, #tpu.memory_space<vmem>>, vector<1x32x64xf32>
    %get3A_698 = vector.shape_cast %get3A_697 : vector<1x32x64xf32> to vector<32x64xf32>
    %dot_general3A_699 = arith.constant dense<0.000000e+00> : vector<32x1024xf32>
    %dot_general3A_700 = tpu.matmul %get3A_698, %select_n3A_693, %dot_general3A_699 {dimension_numbers = #tpu.dot_dimension_numbers<[1], [0], [0], [1], [0, 0, 1, 1], [], []>, transpose_lhs_hint = false} : vector<32x64xf32>, vector<64x1024xf32>, vector<32x1024xf32> -> vector<32x1024xf32>
    %add3A_701 = arith.addf %broadcast_in_dim3A_663, %dot_general3A_700 : vector<32x1024xf32>
    %ge3A_702 = arith.constant 1 : i32
    %ge3A_703 = vector.broadcast %ge3A_702 : i32 to vector<64x1024xi32>
    %ge3A_704 = arith.cmpi sge, %select_n3A_636, %ge3A_703 : vector<64x1024xi32>
    %lt3A_705 = arith.constant 31 : i32
    %lt3A_706 = vector.broadcast %lt3A_705 : i32 to vector<64x1024xi32>
    %lt3A_707 = arith.cmpi slt, %select_n3A_659, %lt3A_706 : vector<64x1024xi32>
    %and3A_708 = arith.andi %ge3A_704, %lt3A_707 : vector<64x1024xi1>
    %roll3A_709 = arith.constant 31 : i32
    %roll3A_710 = tpu.dynamic_rotate %concatenate3A_604 by %roll3A_709 dim 1 : vector<64x1024xf32>, i32 -> vector<64x1024xf32>
    %jit3A_711 = arith.constant 0.000000e+00 : f32
    %broadcast_in_dim3A_712 = vector.broadcast %jit3A_711 : f32 to vector<64x1024xf32>
    %select_n3A_713 = arith.select %and3A_708, %roll3A_710, %broadcast_in_dim3A_712 : vector<64x1024xi1>, vector<64x1024xf32>
    %get3A_714 = arith.constant 2 : index
    %get3A_715 = arith.constant 0 : index
    %get3A_716 = arith.constant 0 : index
    %get3A_717 = vector.load %arg5[%get3A_714, %get3A_715, %get3A_716] : memref<9x32x64xf32, #tpu.memory_space<vmem>>, vector<1x32x64xf32>
    %get3A_718 = vector.shape_cast %get3A_717 : vector<1x32x64xf32> to vector<32x64xf32>
    %dot_general3A_719 = arith.constant dense<0.000000e+00> : vector<32x1024xf32>
    %dot_general3A_720 = tpu.matmul %get3A_718, %select_n3A_713, %dot_general3A_719 {dimension_numbers = #tpu.dot_dimension_numbers<[1], [0], [0], [1], [0, 0, 1, 1], [], []>, transpose_lhs_hint = false} : vector<32x64xf32>, vector<64x1024xf32>, vector<32x1024xf32> -> vector<32x1024xf32>
    %add3A_721 = arith.addf %broadcast_in_dim3A_665, %dot_general3A_720 : vector<32x1024xf32>
    %ge3A_722 = arith.constant 1 : i32
    %ge3A_723 = vector.broadcast %ge3A_722 : i32 to vector<64x1024xi32>
    %ge3A_724 = arith.cmpi sge, %select_n3A_659, %ge3A_723 : vector<64x1024xi32>
    %roll3A_725 = arith.constant 1 : i32
    %roll3A_726 = tpu.dynamic_rotate %concatenate3A_604 by %roll3A_725 dim 1 : vector<64x1024xf32>, i32 -> vector<64x1024xf32>
    %jit3A_727 = arith.constant 0.000000e+00 : f32
    %broadcast_in_dim3A_728 = vector.broadcast %jit3A_727 : f32 to vector<64x1024xf32>
    %select_n3A_729 = arith.select %ge3A_724, %roll3A_726, %broadcast_in_dim3A_728 : vector<64x1024xi1>, vector<64x1024xf32>
    %get3A_730 = arith.constant 3 : index
    %get3A_731 = arith.constant 0 : index
    %get3A_732 = arith.constant 0 : index
    %get3A_733 = vector.load %arg5[%get3A_730, %get3A_731, %get3A_732] : memref<9x32x64xf32, #tpu.memory_space<vmem>>, vector<1x32x64xf32>
    %get3A_734 = vector.shape_cast %get3A_733 : vector<1x32x64xf32> to vector<32x64xf32>
    %dot_general3A_735 = arith.constant dense<0.000000e+00> : vector<32x1024xf32>
    %dot_general3A_736 = tpu.matmul %get3A_734, %select_n3A_729, %dot_general3A_735 {dimension_numbers = #tpu.dot_dimension_numbers<[1], [0], [0], [1], [0, 0, 1, 1], [], []>, transpose_lhs_hint = false} : vector<32x64xf32>, vector<64x1024xf32>, vector<32x1024xf32> -> vector<32x1024xf32>
    %add3A_737 = arith.addf %add3A_685, %dot_general3A_736 : vector<32x1024xf32>
    %get3A_738 = arith.constant 4 : index
    %get3A_739 = arith.constant 0 : index
    %get3A_740 = arith.constant 0 : index
    %get3A_741 = vector.load %arg5[%get3A_738, %get3A_739, %get3A_740] : memref<9x32x64xf32, #tpu.memory_space<vmem>>, vector<1x32x64xf32>
    %get3A_742 = vector.shape_cast %get3A_741 : vector<1x32x64xf32> to vector<32x64xf32>
    %dot_general3A_743 = arith.constant dense<0.000000e+00> : vector<32x1024xf32>
    %dot_general3A_744 = tpu.matmul %get3A_742, %concatenate3A_604, %dot_general3A_743 {dimension_numbers = #tpu.dot_dimension_numbers<[1], [0], [0], [1], [0, 0, 1, 1], [], []>, transpose_lhs_hint = false} : vector<32x64xf32>, vector<64x1024xf32>, vector<32x1024xf32> -> vector<32x1024xf32>
    %add3A_745 = arith.addf %add3A_701, %dot_general3A_744 : vector<32x1024xf32>
    %lt3A_746 = arith.constant 31 : i32
    %lt3A_747 = vector.broadcast %lt3A_746 : i32 to vector<64x1024xi32>
    %lt3A_748 = arith.cmpi slt, %select_n3A_659, %lt3A_747 : vector<64x1024xi32>
    %roll3A_749 = arith.constant 1023 : i32
    %roll3A_750 = tpu.dynamic_rotate %concatenate3A_604 by %roll3A_749 dim 1 : vector<64x1024xf32>, i32 -> vector<64x1024xf32>
    %jit3A_751 = arith.constant 0.000000e+00 : f32
    %broadcast_in_dim3A_752 = vector.broadcast %jit3A_751 : f32 to vector<64x1024xf32>
    %select_n3A_753 = arith.select %lt3A_748, %roll3A_750, %broadcast_in_dim3A_752 : vector<64x1024xi1>, vector<64x1024xf32>
    %get3A_754 = arith.constant 5 : index
    %get3A_755 = arith.constant 0 : index
    %get3A_756 = arith.constant 0 : index
    %get3A_757 = vector.load %arg5[%get3A_754, %get3A_755, %get3A_756] : memref<9x32x64xf32, #tpu.memory_space<vmem>>, vector<1x32x64xf32>
    %get3A_758 = vector.shape_cast %get3A_757 : vector<1x32x64xf32> to vector<32x64xf32>
    %dot_general3A_759 = arith.constant dense<0.000000e+00> : vector<32x1024xf32>
    %dot_general3A_760 = tpu.matmul %get3A_758, %select_n3A_753, %dot_general3A_759 {dimension_numbers = #tpu.dot_dimension_numbers<[1], [0], [0], [1], [0, 0, 1, 1], [], []>, transpose_lhs_hint = false} : vector<32x64xf32>, vector<64x1024xf32>, vector<32x1024xf32> -> vector<32x1024xf32>
    %add3A_761 = arith.addf %add3A_721, %dot_general3A_760 : vector<32x1024xf32>
    %lt3A_762 = arith.constant 31 : i32
    %lt3A_763 = vector.broadcast %lt3A_762 : i32 to vector<64x1024xi32>
    %lt3A_764 = arith.cmpi slt, %select_n3A_636, %lt3A_763 : vector<64x1024xi32>
    %ge3A_765 = arith.constant 1 : i32
    %ge3A_766 = vector.broadcast %ge3A_765 : i32 to vector<64x1024xi32>
    %ge3A_767 = arith.cmpi sge, %select_n3A_659, %ge3A_766 : vector<64x1024xi32>
    %and3A_768 = arith.andi %lt3A_764, %ge3A_767 : vector<64x1024xi1>
    %roll3A_769 = arith.constant 993 : i32
    %roll3A_770 = tpu.dynamic_rotate %concatenate3A_604 by %roll3A_769 dim 1 : vector<64x1024xf32>, i32 -> vector<64x1024xf32>
    %jit3A_771 = arith.constant 0.000000e+00 : f32
    %broadcast_in_dim3A_772 = vector.broadcast %jit3A_771 : f32 to vector<64x1024xf32>
    %select_n3A_773 = arith.select %and3A_768, %roll3A_770, %broadcast_in_dim3A_772 : vector<64x1024xi1>, vector<64x1024xf32>
    %get3A_774 = arith.constant 6 : index
    %get3A_775 = arith.constant 0 : index
    %get3A_776 = arith.constant 0 : index
    %get3A_777 = vector.load %arg5[%get3A_774, %get3A_775, %get3A_776] : memref<9x32x64xf32, #tpu.memory_space<vmem>>, vector<1x32x64xf32>
    %get3A_778 = vector.shape_cast %get3A_777 : vector<1x32x64xf32> to vector<32x64xf32>
    %dot_general3A_779 = arith.constant dense<0.000000e+00> : vector<32x1024xf32>
    %dot_general3A_780 = tpu.matmul %get3A_778, %select_n3A_773, %dot_general3A_779 {dimension_numbers = #tpu.dot_dimension_numbers<[1], [0], [0], [1], [0, 0, 1, 1], [], []>, transpose_lhs_hint = false} : vector<32x64xf32>, vector<64x1024xf32>, vector<32x1024xf32> -> vector<32x1024xf32>
    %add3A_781 = arith.addf %add3A_737, %dot_general3A_780 : vector<32x1024xf32>
    %lt3A_782 = arith.constant 31 : i32
    %lt3A_783 = vector.broadcast %lt3A_782 : i32 to vector<64x1024xi32>
    %lt3A_784 = arith.cmpi slt, %select_n3A_636, %lt3A_783 : vector<64x1024xi32>
    %roll3A_785 = arith.constant 992 : i32
    %roll3A_786 = tpu.dynamic_rotate %concatenate3A_604 by %roll3A_785 dim 1 : vector<64x1024xf32>, i32 -> vector<64x1024xf32>
    %jit3A_787 = arith.constant 0.000000e+00 : f32
    %broadcast_in_dim3A_788 = vector.broadcast %jit3A_787 : f32 to vector<64x1024xf32>
    %select_n3A_789 = arith.select %lt3A_784, %roll3A_786, %broadcast_in_dim3A_788 : vector<64x1024xi1>, vector<64x1024xf32>
    %get3A_790 = arith.constant 7 : index
    %get3A_791 = arith.constant 0 : index
    %get3A_792 = arith.constant 0 : index
    %get3A_793 = vector.load %arg5[%get3A_790, %get3A_791, %get3A_792] : memref<9x32x64xf32, #tpu.memory_space<vmem>>, vector<1x32x64xf32>
    %get3A_794 = vector.shape_cast %get3A_793 : vector<1x32x64xf32> to vector<32x64xf32>
    %dot_general3A_795 = arith.constant dense<0.000000e+00> : vector<32x1024xf32>
    %dot_general3A_796 = tpu.matmul %get3A_794, %select_n3A_789, %dot_general3A_795 {dimension_numbers = #tpu.dot_dimension_numbers<[1], [0], [0], [1], [0, 0, 1, 1], [], []>, transpose_lhs_hint = false} : vector<32x64xf32>, vector<64x1024xf32>, vector<32x1024xf32> -> vector<32x1024xf32>
    %add3A_797 = arith.addf %add3A_745, %dot_general3A_796 : vector<32x1024xf32>
    %lt3A_798 = arith.constant 31 : i32
    %lt3A_799 = vector.broadcast %lt3A_798 : i32 to vector<64x1024xi32>
    %lt3A_800 = arith.cmpi slt, %select_n3A_636, %lt3A_799 : vector<64x1024xi32>
    %lt3A_801 = arith.constant 31 : i32
    %lt3A_802 = vector.broadcast %lt3A_801 : i32 to vector<64x1024xi32>
    %lt3A_803 = arith.cmpi slt, %select_n3A_659, %lt3A_802 : vector<64x1024xi32>
    %and3A_804 = arith.andi %lt3A_800, %lt3A_803 : vector<64x1024xi1>
    %roll3A_805 = arith.constant 991 : i32
    %roll3A_806 = tpu.dynamic_rotate %concatenate3A_604 by %roll3A_805 dim 1 : vector<64x1024xf32>, i32 -> vector<64x1024xf32>
    %jit3A_807 = arith.constant 0.000000e+00 : f32
    %broadcast_in_dim3A_808 = vector.broadcast %jit3A_807 : f32 to vector<64x1024xf32>
    %select_n3A_809 = arith.select %and3A_804, %roll3A_806, %broadcast_in_dim3A_808 : vector<64x1024xi1>, vector<64x1024xf32>
    %get3A_810 = arith.constant 8 : index
    %get3A_811 = arith.constant 0 : index
    %get3A_812 = arith.constant 0 : index
    %get3A_813 = vector.load %arg5[%get3A_810, %get3A_811, %get3A_812] : memref<9x32x64xf32, #tpu.memory_space<vmem>>, vector<1x32x64xf32>
    %get3A_814 = vector.shape_cast %get3A_813 : vector<1x32x64xf32> to vector<32x64xf32>
    %dot_general3A_815 = arith.constant dense<0.000000e+00> : vector<32x1024xf32>
    %dot_general3A_816 = tpu.matmul %get3A_814, %select_n3A_809, %dot_general3A_815 {dimension_numbers = #tpu.dot_dimension_numbers<[1], [0], [0], [1], [0, 0, 1, 1], [], []>, transpose_lhs_hint = false} : vector<32x64xf32>, vector<64x1024xf32>, vector<32x1024xf32> -> vector<32x1024xf32>
    %add3A_817 = arith.addf %add3A_761, %dot_general3A_816 : vector<32x1024xf32>
    %add3A_818 = arith.addf %add3A_781, %add3A_797 : vector<32x1024xf32>
    %add3A_819 = arith.addf %add3A_818, %add3A_817 : vector<32x1024xf32>
    %ge3A_820 = arith.constant 0.000000e+00 : f32
    %ge3A_821 = vector.broadcast %ge3A_820 : f32 to vector<32x1024xf32>
    %ge3A_822 = arith.cmpf oge, %add3A_819, %ge3A_821 : vector<32x1024xf32>
    %mul3A_823 = arith.constant 1.000000e-01 : f32
    %mul3A_824 = vector.broadcast %mul3A_823 : f32 to vector<32x1024xf32>
    %mul3A_825 = arith.mulf %mul3A_824, %add3A_819 : vector<32x1024xf32>
    %select_n3A_826 = arith.select %ge3A_822, %add3A_819, %mul3A_825 : vector<32x1024xi1>, vector<32x1024xf32>
    %swap3A_827 = arith.constant 1 : index
    %swap3A_828 = arith.constant 0 : index
    %swap3A_829 = arith.constant 0 : index
    %swap3A_830 = vector.load %arg6[%swap3A_827, %swap3A_828, %swap3A_829] : memref<5x32x1024xf32, #tpu.memory_space<vmem>>, vector<1x32x1024xf32>
    %swap3A_831 = vector.shape_cast %swap3A_830 : vector<1x32x1024xf32> to vector<32x1024xf32>
    %swap3A_832 = vector.shape_cast %select_n3A_826 : vector<32x1024xf32> to vector<1x32x1024xf32>
    tpu.vector_store %arg6[%swap3A_827, %swap3A_828, %swap3A_829], %swap3A_832 {strides = array<i32>} : memref<5x32x1024xf32, #tpu.memory_space<vmem>>, vector<1x32x1024xf32>,
    %get3A_833 = arith.constant 2 : index
    %get3A_834 = arith.constant 0 : index
    %get3A_835 = arith.constant 0 : index
    %get3A_836 = vector.load %arg1[%get3A_833, %get3A_834, %get3A_835] : memref<5x32x1024xf32, #tpu.memory_space<vmem>>, vector<1x32x1024xf32>
    %get3A_837 = vector.shape_cast %get3A_836 : vector<1x32x1024xf32> to vector<32x1024xf32>
    %get3A_838 = arith.constant 0 : index
    %get3A_839 = arith.constant 0 : index
    %get3A_840 = vector.load %arg3[%get3A_838, %get3A_839] : memref<1024x1024xf32, #tpu.memory_space<vmem>>, vector<1024x1024xf32>
    %dot_general3A_841 = arith.constant dense<0.000000e+00> : vector<32x1024xf32>
    %dot_general3A_842 = tpu.matmul %get3A_837, %get3A_840, %dot_general3A_841 {dimension_numbers = #tpu.dot_dimension_numbers<[1], [0], [0], [1], [0, 0, 1, 1], [], []>, transpose_lhs_hint = false} : vector<32x1024xf32>, vector<1024x1024xf32>, vector<32x1024xf32> -> vector<32x1024xf32>
    %get3A_843 = arith.constant 2 : index
    %get3A_844 = arith.constant 0 : index
    %get3A_845 = arith.constant 0 : index
    %get3A_846 = arith.constant 0 : index
    %get3A_847 = vector.load %arg2[%get3A_843, %get3A_844, %get3A_845, %get3A_846] : memref<5x4x3x16xi32, #tpu.memory_space<vmem>>, vector<1x4x3x16xi32>
    %get3A_848 = vector.shape_cast %get3A_847 : vector<1x4x3x16xi32> to vector<4x3x16xi32>
    %iota3A_849 = tpu.iota {dimensions = array<i32: 0>} : vector<64x64xi32>
    %slice3A_850 = vector.extract_strided_slice %get3A_848 {offsets = [0, 0, 0], sizes = [1, 1, 16], strides = [1, 1, 1]} : vector<4x3x16xi32> to vector<1x1x16xi32>
    %squeeze3A_851 = vector.shape_cast %slice3A_850 : vector<1x1x16xi32> to vector<16xi32>
    %broadcast_in_dim3A_852 = vector.shape_cast %squeeze3A_851 : vector<16xi32> to vector<1x16xi32>
    %slice3A_853 = vector.extract_strided_slice %get3A_848 {offsets = [1, 0, 0], sizes = [1, 1, 16], strides = [1, 1, 1]} : vector<4x3x16xi32> to vector<1x1x16xi32>
    %squeeze3A_854 = vector.shape_cast %slice3A_853 : vector<1x1x16xi32> to vector<16xi32>
    %broadcast_in_dim3A_855 = vector.shape_cast %squeeze3A_854 : vector<16xi32> to vector<1x16xi32>
    %slice3A_856 = vector.extract_strided_slice %get3A_848 {offsets = [2, 0, 0], sizes = [1, 1, 16], strides = [1, 1, 1]} : vector<4x3x16xi32> to vector<1x1x16xi32>
    %squeeze3A_857 = vector.shape_cast %slice3A_856 : vector<1x1x16xi32> to vector<16xi32>
    %broadcast_in_dim3A_858 = vector.shape_cast %squeeze3A_857 : vector<16xi32> to vector<1x16xi32>
    %slice3A_859 = vector.extract_strided_slice %get3A_848 {offsets = [3, 0, 0], sizes = [1, 1, 16], strides = [1, 1, 1]} : vector<4x3x16xi32> to vector<1x1x16xi32>
    %squeeze3A_860 = vector.shape_cast %slice3A_859 : vector<1x1x16xi32> to vector<16xi32>
    %broadcast_in_dim3A_861 = vector.shape_cast %squeeze3A_860 : vector<16xi32> to vector<1x16xi32>
    %concatenate3A_862 = tpu.concatenate %broadcast_in_dim3A_852, %broadcast_in_dim3A_855, %broadcast_in_dim3A_858, %broadcast_in_dim3A_861 in 1 : vector<1x16xi32>, vector<1x16xi32>, vector<1x16xi32>, vector<1x16xi32> -> vector<1x64xi32>
    %eq3A_863 = vector.broadcast %concatenate3A_862 : vector<1x64xi32> to vector<64x64xi32>
    %eq3A_864 = arith.cmpi eq, %iota3A_849, %eq3A_863 : vector<64x64xi32>
    %convert_element_type3A_865 = arith.extui %eq3A_864 : vector<64x64xi1> to vector<64x64xi32>
    %convert_element_type3A_866 = arith.sitofp %convert_element_type3A_865 : vector<64x64xi32> to vector<64x64xf32>
    %slice3A_867 = vector.extract_strided_slice %get3A_848 {offsets = [0, 1, 0], sizes = [1, 1, 16], strides = [1, 1, 1]} : vector<4x3x16xi32> to vector<1x1x16xi32>
    %squeeze3A_868 = vector.shape_cast %slice3A_867 : vector<1x1x16xi32> to vector<16xi32>
    %broadcast_in_dim3A_869 = vector.shape_cast %squeeze3A_868 : vector<16xi32> to vector<1x16xi32>
    %slice3A_870 = vector.extract_strided_slice %get3A_848 {offsets = [1, 1, 0], sizes = [1, 1, 16], strides = [1, 1, 1]} : vector<4x3x16xi32> to vector<1x1x16xi32>
    %squeeze3A_871 = vector.shape_cast %slice3A_870 : vector<1x1x16xi32> to vector<16xi32>
    %broadcast_in_dim3A_872 = vector.shape_cast %squeeze3A_871 : vector<16xi32> to vector<1x16xi32>
    %slice3A_873 = vector.extract_strided_slice %get3A_848 {offsets = [2, 1, 0], sizes = [1, 1, 16], strides = [1, 1, 1]} : vector<4x3x16xi32> to vector<1x1x16xi32>
    %squeeze3A_874 = vector.shape_cast %slice3A_873 : vector<1x1x16xi32> to vector<16xi32>
    %broadcast_in_dim3A_875 = vector.shape_cast %squeeze3A_874 : vector<16xi32> to vector<1x16xi32>
    %slice3A_876 = vector.extract_strided_slice %get3A_848 {offsets = [3, 1, 0], sizes = [1, 1, 16], strides = [1, 1, 1]} : vector<4x3x16xi32> to vector<1x1x16xi32>
    %squeeze3A_877 = vector.shape_cast %slice3A_876 : vector<1x1x16xi32> to vector<16xi32>
    %broadcast_in_dim3A_878 = vector.shape_cast %squeeze3A_877 : vector<16xi32> to vector<1x16xi32>
    %concatenate3A_879 = tpu.concatenate %broadcast_in_dim3A_869, %broadcast_in_dim3A_872, %broadcast_in_dim3A_875, %broadcast_in_dim3A_878 in 1 : vector<1x16xi32>, vector<1x16xi32>, vector<1x16xi32>, vector<1x16xi32> -> vector<1x64xi32>
    %eq3A_880 = vector.broadcast %concatenate3A_879 : vector<1x64xi32> to vector<64x64xi32>
    %eq3A_881 = arith.cmpi eq, %iota3A_849, %eq3A_880 : vector<64x64xi32>
    %convert_element_type3A_882 = arith.extui %eq3A_881 : vector<64x64xi1> to vector<64x64xi32>
    %convert_element_type3A_883 = arith.sitofp %convert_element_type3A_882 : vector<64x64xi32> to vector<64x64xf32>
    %slice3A_884 = vector.extract_strided_slice %get3A_848 {offsets = [0, 2, 0], sizes = [1, 1, 16], strides = [1, 1, 1]} : vector<4x3x16xi32> to vector<1x1x16xi32>
    %squeeze3A_885 = vector.shape_cast %slice3A_884 : vector<1x1x16xi32> to vector<16xi32>
    %broadcast_in_dim3A_886 = vector.shape_cast %squeeze3A_885 : vector<16xi32> to vector<1x16xi32>
    %slice3A_887 = vector.extract_strided_slice %get3A_848 {offsets = [1, 2, 0], sizes = [1, 1, 16], strides = [1, 1, 1]} : vector<4x3x16xi32> to vector<1x1x16xi32>
    %squeeze3A_888 = vector.shape_cast %slice3A_887 : vector<1x1x16xi32> to vector<16xi32>
    %broadcast_in_dim3A_889 = vector.shape_cast %squeeze3A_888 : vector<16xi32> to vector<1x16xi32>
    %slice3A_890 = vector.extract_strided_slice %get3A_848 {offsets = [2, 2, 0], sizes = [1, 1, 16], strides = [1, 1, 1]} : vector<4x3x16xi32> to vector<1x1x16xi32>
    %squeeze3A_891 = vector.shape_cast %slice3A_890 : vector<1x1x16xi32> to vector<16xi32>
    %broadcast_in_dim3A_892 = vector.shape_cast %squeeze3A_891 : vector<16xi32> to vector<1x16xi32>
    %slice3A_893 = vector.extract_strided_slice %get3A_848 {offsets = [3, 2, 0], sizes = [1, 1, 16], strides = [1, 1, 1]} : vector<4x3x16xi32> to vector<1x1x16xi32>
    %squeeze3A_894 = vector.shape_cast %slice3A_893 : vector<1x1x16xi32> to vector<16xi32>
    %broadcast_in_dim3A_895 = vector.shape_cast %squeeze3A_894 : vector<16xi32> to vector<1x16xi32>
    %concatenate3A_896 = tpu.concatenate %broadcast_in_dim3A_886, %broadcast_in_dim3A_889, %broadcast_in_dim3A_892, %broadcast_in_dim3A_895 in 1 : vector<1x16xi32>, vector<1x16xi32>, vector<1x16xi32>, vector<1x16xi32> -> vector<1x64xi32>
    %eq3A_897 = vector.broadcast %concatenate3A_896 : vector<1x64xi32> to vector<64x64xi32>
    %eq3A_898 = arith.cmpi eq, %iota3A_849, %eq3A_897 : vector<64x64xi32>
    %convert_element_type3A_899 = arith.extui %eq3A_898 : vector<64x64xi1> to vector<64x64xi32>
    %convert_element_type3A_900 = arith.sitofp %convert_element_type3A_899 : vector<64x64xi32> to vector<64x64xf32>
    %concatenate3A_901 = tpu.concatenate %convert_element_type3A_866, %convert_element_type3A_883, %convert_element_type3A_900 in 0 : vector<64x64xf32>, vector<64x64xf32>, vector<64x64xf32> -> vector<192x64xf32>
    %get3A_902 = arith.constant 0 : index
    %get3A_903 = arith.constant 0 : index
    %get3A_904 = arith.constant 0 : index
    %get3A_905 = vector.load %arg4[%get3A_902, %get3A_903, %get3A_904] : memref<3x32x32xf32, #tpu.memory_space<vmem>>, vector<1x32x32xf32>
    %get3A_906 = vector.shape_cast %get3A_905 : vector<1x32x32xf32> to vector<32x32xf32>
    %dot_general3A_907 = arith.constant dense<0.000000e+00> : vector<1024x32xf32>
    %dot_general3A_908 = tpu.matmul %dot_general3A_842, %get3A_906, %dot_general3A_907 {dimension_numbers = #tpu.dot_dimension_numbers<[0], [1], [1], [0], [0, 1, 1, 0], [], []>, transpose_lhs_hint = false} : vector<32x1024xf32>, vector<32x32xf32>, vector<1024x32xf32> -> vector<1024x32xf32>
    %get3A_909 = arith.constant 1 : index
    %get3A_910 = arith.constant 0 : index
    %get3A_911 = arith.constant 0 : index
    %get3A_912 = vector.load %arg4[%get3A_909, %get3A_910, %get3A_911] : memref<3x32x32xf32, #tpu.memory_space<vmem>>, vector<1x32x32xf32>
    %get3A_913 = vector.shape_cast %get3A_912 : vector<1x32x32xf32> to vector<32x32xf32>
    %dot_general3A_914 = arith.constant dense<0.000000e+00> : vector<1024x32xf32>
    %dot_general3A_915 = tpu.matmul %dot_general3A_842, %get3A_913, %dot_general3A_914 {dimension_numbers = #tpu.dot_dimension_numbers<[0], [1], [1], [0], [0, 1, 1, 0], [], []>, transpose_lhs_hint = false} : vector<32x1024xf32>, vector<32x32xf32>, vector<1024x32xf32> -> vector<1024x32xf32>
    %get3A_916 = arith.constant 2 : index
    %get3A_917 = arith.constant 0 : index
    %get3A_918 = arith.constant 0 : index
    %get3A_919 = vector.load %arg4[%get3A_916, %get3A_917, %get3A_918] : memref<3x32x32xf32, #tpu.memory_space<vmem>>, vector<1x32x32xf32>
    %get3A_920 = vector.shape_cast %get3A_919 : vector<1x32x32xf32> to vector<32x32xf32>
    %dot_general3A_921 = arith.constant dense<0.000000e+00> : vector<1024x32xf32>
    %dot_general3A_922 = tpu.matmul %dot_general3A_842, %get3A_920, %dot_general3A_921 {dimension_numbers = #tpu.dot_dimension_numbers<[0], [1], [1], [0], [0, 1, 1, 0], [], []>, transpose_lhs_hint = false} : vector<32x1024xf32>, vector<32x32xf32>, vector<1024x32xf32> -> vector<1024x32xf32>
    %slice3A_923 = vector.extract_strided_slice %dot_general3A_908 {offsets = [0, 0], sizes = [64, 32], strides = [1, 1]} : vector<1024x32xf32> to vector<64x32xf32>
    %slice3A_924 = vector.extract_strided_slice %dot_general3A_915 {offsets = [0, 0], sizes = [64, 32], strides = [1, 1]} : vector<1024x32xf32> to vector<64x32xf32>
    %slice3A_925 = vector.extract_strided_slice %dot_general3A_922 {offsets = [0, 0], sizes = [64, 32], strides = [1, 1]} : vector<1024x32xf32> to vector<64x32xf32>
    %concatenate3A_926 = tpu.concatenate %slice3A_923, %slice3A_924, %slice3A_925 in 0 : vector<64x32xf32>, vector<64x32xf32>, vector<64x32xf32> -> vector<192x32xf32>
    %dot_general3A_927 = arith.constant dense<0.000000e+00> : vector<64x32xf32>
    %dot_general3A_928 = tpu.matmul %concatenate3A_901, %concatenate3A_926, %dot_general3A_927 {dimension_numbers = #tpu.dot_dimension_numbers<[0], [0], [1], [1], [0, 1, 1, 1], [], []>, transpose_lhs_hint = false} : vector<192x64xf32>, vector<192x32xf32>, vector<64x32xf32> -> vector<64x32xf32>
    %slice3A_929 = vector.extract_strided_slice %dot_general3A_908 {offsets = [64, 0], sizes = [64, 32], strides = [1, 1]} : vector<1024x32xf32> to vector<64x32xf32>
    %slice3A_930 = vector.extract_strided_slice %dot_general3A_915 {offsets = [64, 0], sizes = [64, 32], strides = [1, 1]} : vector<1024x32xf32> to vector<64x32xf32>
    %slice3A_931 = vector.extract_strided_slice %dot_general3A_922 {offsets = [64, 0], sizes = [64, 32], strides = [1, 1]} : vector<1024x32xf32> to vector<64x32xf32>
    %concatenate3A_932 = tpu.concatenate %slice3A_929, %slice3A_930, %slice3A_931 in 0 : vector<64x32xf32>, vector<64x32xf32>, vector<64x32xf32> -> vector<192x32xf32>
    %dot_general3A_933 = arith.constant dense<0.000000e+00> : vector<64x32xf32>
    %dot_general3A_934 = tpu.matmul %concatenate3A_901, %concatenate3A_932, %dot_general3A_933 {dimension_numbers = #tpu.dot_dimension_numbers<[0], [0], [1], [1], [0, 1, 1, 1], [], []>, transpose_lhs_hint = false} : vector<192x64xf32>, vector<192x32xf32>, vector<64x32xf32> -> vector<64x32xf32>
    %slice3A_935 = vector.extract_strided_slice %dot_general3A_908 {offsets = [128, 0], sizes = [64, 32], strides = [1, 1]} : vector<1024x32xf32> to vector<64x32xf32>
    %slice3A_936 = vector.extract_strided_slice %dot_general3A_915 {offsets = [128, 0], sizes = [64, 32], strides = [1, 1]} : vector<1024x32xf32> to vector<64x32xf32>
    %slice3A_937 = vector.extract_strided_slice %dot_general3A_922 {offsets = [128, 0], sizes = [64, 32], strides = [1, 1]} : vector<1024x32xf32> to vector<64x32xf32>
    %concatenate3A_938 = tpu.concatenate %slice3A_935, %slice3A_936, %slice3A_937 in 0 : vector<64x32xf32>, vector<64x32xf32>, vector<64x32xf32> -> vector<192x32xf32>
    %dot_general3A_939 = arith.constant dense<0.000000e+00> : vector<64x32xf32>
    %dot_general3A_940 = tpu.matmul %concatenate3A_901, %concatenate3A_938, %dot_general3A_939 {dimension_numbers = #tpu.dot_dimension_numbers<[0], [0], [1], [1], [0, 1, 1, 1], [], []>, transpose_lhs_hint = false} : vector<192x64xf32>, vector<192x32xf32>, vector<64x32xf32> -> vector<64x32xf32>
    %slice3A_941 = vector.extract_strided_slice %dot_general3A_908 {offsets = [192, 0], sizes = [64, 32], strides = [1, 1]} : vector<1024x32xf32> to vector<64x32xf32>
    %slice3A_942 = vector.extract_strided_slice %dot_general3A_915 {offsets = [192, 0], sizes = [64, 32], strides = [1, 1]} : vector<1024x32xf32> to vector<64x32xf32>
    %slice3A_943 = vector.extract_strided_slice %dot_general3A_922 {offsets = [192, 0], sizes = [64, 32], strides = [1, 1]} : vector<1024x32xf32> to vector<64x32xf32>
    %concatenate3A_944 = tpu.concatenate %slice3A_941, %slice3A_942, %slice3A_943 in 0 : vector<64x32xf32>, vector<64x32xf32>, vector<64x32xf32> -> vector<192x32xf32>
    %dot_general3A_945 = arith.constant dense<0.000000e+00> : vector<64x32xf32>
    %dot_general3A_946 = tpu.matmul %concatenate3A_901, %concatenate3A_944, %dot_general3A_945 {dimension_numbers = #tpu.dot_dimension_numbers<[0], [0], [1], [1], [0, 1, 1, 1], [], []>, transpose_lhs_hint = false} : vector<192x64xf32>, vector<192x32xf32>, vector<64x32xf32> -> vector<64x32xf32>
    %slice3A_947 = vector.extract_strided_slice %dot_general3A_908 {offsets = [256, 0], sizes = [64, 32], strides = [1, 1]} : vector<1024x32xf32> to vector<64x32xf32>
    %slice3A_948 = vector.extract_strided_slice %dot_general3A_915 {offsets = [256, 0], sizes = [64, 32], strides = [1, 1]} : vector<1024x32xf32> to vector<64x32xf32>
    %slice3A_949 = vector.extract_strided_slice %dot_general3A_922 {offsets = [256, 0], sizes = [64, 32], strides = [1, 1]} : vector<1024x32xf32> to vector<64x32xf32>
    %concatenate3A_950 = tpu.concatenate %slice3A_947, %slice3A_948, %slice3A_949 in 0 : vector<64x32xf32>, vector<64x32xf32>, vector<64x32xf32> -> vector<192x32xf32>
    %dot_general3A_951 = arith.constant dense<0.000000e+00> : vector<64x32xf32>
    %dot_general3A_952 = tpu.matmul %concatenate3A_901, %concatenate3A_950, %dot_general3A_951 {dimension_numbers = #tpu.dot_dimension_numbers<[0], [0], [1], [1], [0, 1, 1, 1], [], []>, transpose_lhs_hint = false} : vector<192x64xf32>, vector<192x32xf32>, vector<64x32xf32> -> vector<64x32xf32>
    %slice3A_953 = vector.extract_strided_slice %dot_general3A_908 {offsets = [320, 0], sizes = [64, 32], strides = [1, 1]} : vector<1024x32xf32> to vector<64x32xf32>
    %slice3A_954 = vector.extract_strided_slice %dot_general3A_915 {offsets = [320, 0], sizes = [64, 32], strides = [1, 1]} : vector<1024x32xf32> to vector<64x32xf32>
    %slice3A_955 = vector.extract_strided_slice %dot_general3A_922 {offsets = [320, 0], sizes = [64, 32], strides = [1, 1]} : vector<1024x32xf32> to vector<64x32xf32>
    %concatenate3A_956 = tpu.concatenate %slice3A_953, %slice3A_954, %slice3A_955 in 0 : vector<64x32xf32>, vector<64x32xf32>, vector<64x32xf32> -> vector<192x32xf32>
    %dot_general3A_957 = arith.constant dense<0.000000e+00> : vector<64x32xf32>
    %dot_general3A_958 = tpu.matmul %concatenate3A_901, %concatenate3A_956, %dot_general3A_957 {dimension_numbers = #tpu.dot_dimension_numbers<[0], [0], [1], [1], [0, 1, 1, 1], [], []>, transpose_lhs_hint = false} : vector<192x64xf32>, vector<192x32xf32>, vector<64x32xf32> -> vector<64x32xf32>
    %slice3A_959 = vector.extract_strided_slice %dot_general3A_908 {offsets = [384, 0], sizes = [64, 32], strides = [1, 1]} : vector<1024x32xf32> to vector<64x32xf32>
    %slice3A_960 = vector.extract_strided_slice %dot_general3A_915 {offsets = [384, 0], sizes = [64, 32], strides = [1, 1]} : vector<1024x32xf32> to vector<64x32xf32>
    %slice3A_961 = vector.extract_strided_slice %dot_general3A_922 {offsets = [384, 0], sizes = [64, 32], strides = [1, 1]} : vector<1024x32xf32> to vector<64x32xf32>
    %concatenate3A_962 = tpu.concatenate %slice3A_959, %slice3A_960, %slice3A_961 in 0 : vector<64x32xf32>, vector<64x32xf32>, vector<64x32xf32> -> vector<192x32xf32>
    %dot_general3A_963 = arith.constant dense<0.000000e+00> : vector<64x32xf32>
    %dot_general3A_964 = tpu.matmul %concatenate3A_901, %concatenate3A_962, %dot_general3A_963 {dimension_numbers = #tpu.dot_dimension_numbers<[0], [0], [1], [1], [0, 1, 1, 1], [], []>, transpose_lhs_hint = false} : vector<192x64xf32>, vector<192x32xf32>, vector<64x32xf32> -> vector<64x32xf32>
    %slice3A_965 = vector.extract_strided_slice %dot_general3A_908 {offsets = [448, 0], sizes = [64, 32], strides = [1, 1]} : vector<1024x32xf32> to vector<64x32xf32>
    %slice3A_966 = vector.extract_strided_slice %dot_general3A_915 {offsets = [448, 0], sizes = [64, 32], strides = [1, 1]} : vector<1024x32xf32> to vector<64x32xf32>
    %slice3A_967 = vector.extract_strided_slice %dot_general3A_922 {offsets = [448, 0], sizes = [64, 32], strides = [1, 1]} : vector<1024x32xf32> to vector<64x32xf32>
    %concatenate3A_968 = tpu.concatenate %slice3A_965, %slice3A_966, %slice3A_967 in 0 : vector<64x32xf32>, vector<64x32xf32>, vector<64x32xf32> -> vector<192x32xf32>
    %dot_general3A_969 = arith.constant dense<0.000000e+00> : vector<64x32xf32>
    %dot_general3A_970 = tpu.matmul %concatenate3A_901, %concatenate3A_968, %dot_general3A_969 {dimension_numbers = #tpu.dot_dimension_numbers<[0], [0], [1], [1], [0, 1, 1, 1], [], []>, transpose_lhs_hint = false} : vector<192x64xf32>, vector<192x32xf32>, vector<64x32xf32> -> vector<64x32xf32>
    %slice3A_971 = vector.extract_strided_slice %dot_general3A_908 {offsets = [512, 0], sizes = [64, 32], strides = [1, 1]} : vector<1024x32xf32> to vector<64x32xf32>
    %slice3A_972 = vector.extract_strided_slice %dot_general3A_915 {offsets = [512, 0], sizes = [64, 32], strides = [1, 1]} : vector<1024x32xf32> to vector<64x32xf32>
    %slice3A_973 = vector.extract_strided_slice %dot_general3A_922 {offsets = [512, 0], sizes = [64, 32], strides = [1, 1]} : vector<1024x32xf32> to vector<64x32xf32>
    %concatenate3A_974 = tpu.concatenate %slice3A_971, %slice3A_972, %slice3A_973 in 0 : vector<64x32xf32>, vector<64x32xf32>, vector<64x32xf32> -> vector<192x32xf32>
    %dot_general3A_975 = arith.constant dense<0.000000e+00> : vector<64x32xf32>
    %dot_general3A_976 = tpu.matmul %concatenate3A_901, %concatenate3A_974, %dot_general3A_975 {dimension_numbers = #tpu.dot_dimension_numbers<[0], [0], [1], [1], [0, 1, 1, 1], [], []>, transpose_lhs_hint = false} : vector<192x64xf32>, vector<192x32xf32>, vector<64x32xf32> -> vector<64x32xf32>
    %slice3A_977 = vector.extract_strided_slice %dot_general3A_908 {offsets = [576, 0], sizes = [64, 32], strides = [1, 1]} : vector<1024x32xf32> to vector<64x32xf32>
    %slice3A_978 = vector.extract_strided_slice %dot_general3A_915 {offsets = [576, 0], sizes = [64, 32], strides = [1, 1]} : vector<1024x32xf32> to vector<64x32xf32>
    %slice3A_979 = vector.extract_strided_slice %dot_general3A_922 {offsets = [576, 0], sizes = [64, 32], strides = [1, 1]} : vector<1024x32xf32> to vector<64x32xf32>
    %concatenate3A_980 = tpu.concatenate %slice3A_977, %slice3A_978, %slice3A_979 in 0 : vector<64x32xf32>, vector<64x32xf32>, vector<64x32xf32> -> vector<192x32xf32>
    %dot_general3A_981 = arith.constant dense<0.000000e+00> : vector<64x32xf32>
    %dot_general3A_982 = tpu.matmul %concatenate3A_901, %concatenate3A_980, %dot_general3A_981 {dimension_numbers = #tpu.dot_dimension_numbers<[0], [0], [1], [1], [0, 1, 1, 1], [], []>, transpose_lhs_hint = false} : vector<192x64xf32>, vector<192x32xf32>, vector<64x32xf32> -> vector<64x32xf32>
    %slice3A_983 = vector.extract_strided_slice %dot_general3A_908 {offsets = [640, 0], sizes = [64, 32], strides = [1, 1]} : vector<1024x32xf32> to vector<64x32xf32>
    %slice3A_984 = vector.extract_strided_slice %dot_general3A_915 {offsets = [640, 0], sizes = [64, 32], strides = [1, 1]} : vector<1024x32xf32> to vector<64x32xf32>
    %slice3A_985 = vector.extract_strided_slice %dot_general3A_922 {offsets = [640, 0], sizes = [64, 32], strides = [1, 1]} : vector<1024x32xf32> to vector<64x32xf32>
    %concatenate3A_986 = tpu.concatenate %slice3A_983, %slice3A_984, %slice3A_985 in 0 : vector<64x32xf32>, vector<64x32xf32>, vector<64x32xf32> -> vector<192x32xf32>
    %dot_general3A_987 = arith.constant dense<0.000000e+00> : vector<64x32xf32>
    %dot_general3A_988 = tpu.matmul %concatenate3A_901, %concatenate3A_986, %dot_general3A_987 {dimension_numbers = #tpu.dot_dimension_numbers<[0], [0], [1], [1], [0, 1, 1, 1], [], []>, transpose_lhs_hint = false} : vector<192x64xf32>, vector<192x32xf32>, vector<64x32xf32> -> vector<64x32xf32>
    %slice3A_989 = vector.extract_strided_slice %dot_general3A_908 {offsets = [704, 0], sizes = [64, 32], strides = [1, 1]} : vector<1024x32xf32> to vector<64x32xf32>
    %slice3A_990 = vector.extract_strided_slice %dot_general3A_915 {offsets = [704, 0], sizes = [64, 32], strides = [1, 1]} : vector<1024x32xf32> to vector<64x32xf32>
    %slice3A_991 = vector.extract_strided_slice %dot_general3A_922 {offsets = [704, 0], sizes = [64, 32], strides = [1, 1]} : vector<1024x32xf32> to vector<64x32xf32>
    %concatenate3A_992 = tpu.concatenate %slice3A_989, %slice3A_990, %slice3A_991 in 0 : vector<64x32xf32>, vector<64x32xf32>, vector<64x32xf32> -> vector<192x32xf32>
    %dot_general3A_993 = arith.constant dense<0.000000e+00> : vector<64x32xf32>
    %dot_general3A_994 = tpu.matmul %concatenate3A_901, %concatenate3A_992, %dot_general3A_993 {dimension_numbers = #tpu.dot_dimension_numbers<[0], [0], [1], [1], [0, 1, 1, 1], [], []>, transpose_lhs_hint = false} : vector<192x64xf32>, vector<192x32xf32>, vector<64x32xf32> -> vector<64x32xf32>
    %slice3A_995 = vector.extract_strided_slice %dot_general3A_908 {offsets = [768, 0], sizes = [64, 32], strides = [1, 1]} : vector<1024x32xf32> to vector<64x32xf32>
    %slice3A_996 = vector.extract_strided_slice %dot_general3A_915 {offsets = [768, 0], sizes = [64, 32], strides = [1, 1]} : vector<1024x32xf32> to vector<64x32xf32>
    %slice3A_997 = vector.extract_strided_slice %dot_general3A_922 {offsets = [768, 0], sizes = [64, 32], strides = [1, 1]} : vector<1024x32xf32> to vector<64x32xf32>
    %concatenate3A_998 = tpu.concatenate %slice3A_995, %slice3A_996, %slice3A_997 in 0 : vector<64x32xf32>, vector<64x32xf32>, vector<64x32xf32> -> vector<192x32xf32>
    %dot_general3A_999 = arith.constant dense<0.000000e+00> : vector<64x32xf32>
    %dot_general3A_1000 = tpu.matmul %concatenate3A_901, %concatenate3A_998, %dot_general3A_999 {dimension_numbers = #tpu.dot_dimension_numbers<[0], [0], [1], [1], [0, 1, 1, 1], [], []>, transpose_lhs_hint = false} : vector<192x64xf32>, vector<192x32xf32>, vector<64x32xf32> -> vector<64x32xf32>
    %slice3A_1001 = vector.extract_strided_slice %dot_general3A_908 {offsets = [832, 0], sizes = [64, 32], strides = [1, 1]} : vector<1024x32xf32> to vector<64x32xf32>
    %slice3A_1002 = vector.extract_strided_slice %dot_general3A_915 {offsets = [832, 0], sizes = [64, 32], strides = [1, 1]} : vector<1024x32xf32> to vector<64x32xf32>
    %slice3A_1003 = vector.extract_strided_slice %dot_general3A_922 {offsets = [832, 0], sizes = [64, 32], strides = [1, 1]} : vector<1024x32xf32> to vector<64x32xf32>
    %concatenate3A_1004 = tpu.concatenate %slice3A_1001, %slice3A_1002, %slice3A_1003 in 0 : vector<64x32xf32>, vector<64x32xf32>, vector<64x32xf32> -> vector<192x32xf32>
    %dot_general3A_1005 = arith.constant dense<0.000000e+00> : vector<64x32xf32>
    %dot_general3A_1006 = tpu.matmul %concatenate3A_901, %concatenate3A_1004, %dot_general3A_1005 {dimension_numbers = #tpu.dot_dimension_numbers<[0], [0], [1], [1], [0, 1, 1, 1], [], []>, transpose_lhs_hint = false} : vector<192x64xf32>, vector<192x32xf32>, vector<64x32xf32> -> vector<64x32xf32>
    %slice3A_1007 = vector.extract_strided_slice %dot_general3A_908 {offsets = [896, 0], sizes = [64, 32], strides = [1, 1]} : vector<1024x32xf32> to vector<64x32xf32>
    %slice3A_1008 = vector.extract_strided_slice %dot_general3A_915 {offsets = [896, 0], sizes = [64, 32], strides = [1, 1]} : vector<1024x32xf32> to vector<64x32xf32>
    %slice3A_1009 = vector.extract_strided_slice %dot_general3A_922 {offsets = [896, 0], sizes = [64, 32], strides = [1, 1]} : vector<1024x32xf32> to vector<64x32xf32>
    %concatenate3A_1010 = tpu.concatenate %slice3A_1007, %slice3A_1008, %slice3A_1009 in 0 : vector<64x32xf32>, vector<64x32xf32>, vector<64x32xf32> -> vector<192x32xf32>
    %dot_general3A_1011 = arith.constant dense<0.000000e+00> : vector<64x32xf32>
    %dot_general3A_1012 = tpu.matmul %concatenate3A_901, %concatenate3A_1010, %dot_general3A_1011 {dimension_numbers = #tpu.dot_dimension_numbers<[0], [0], [1], [1], [0, 1, 1, 1], [], []>, transpose_lhs_hint = false} : vector<192x64xf32>, vector<192x32xf32>, vector<64x32xf32> -> vector<64x32xf32>
    %slice3A_1013 = vector.extract_strided_slice %dot_general3A_908 {offsets = [960, 0], sizes = [64, 32], strides = [1, 1]} : vector<1024x32xf32> to vector<64x32xf32>
    %slice3A_1014 = vector.extract_strided_slice %dot_general3A_915 {offsets = [960, 0], sizes = [64, 32], strides = [1, 1]} : vector<1024x32xf32> to vector<64x32xf32>
    %slice3A_1015 = vector.extract_strided_slice %dot_general3A_922 {offsets = [960, 0], sizes = [64, 32], strides = [1, 1]} : vector<1024x32xf32> to vector<64x32xf32>
    %concatenate3A_1016 = tpu.concatenate %slice3A_1013, %slice3A_1014, %slice3A_1015 in 0 : vector<64x32xf32>, vector<64x32xf32>, vector<64x32xf32> -> vector<192x32xf32>
    %dot_general3A_1017 = arith.constant dense<0.000000e+00> : vector<64x32xf32>
    %dot_general3A_1018 = tpu.matmul %concatenate3A_901, %concatenate3A_1016, %dot_general3A_1017 {dimension_numbers = #tpu.dot_dimension_numbers<[0], [0], [1], [1], [0, 1, 1, 1], [], []>, transpose_lhs_hint = false} : vector<192x64xf32>, vector<192x32xf32>, vector<64x32xf32> -> vector<64x32xf32>
    %concatenate3A_1019 = tpu.concatenate %dot_general3A_928, %dot_general3A_934, %dot_general3A_940, %dot_general3A_946, %dot_general3A_952, %dot_general3A_958, %dot_general3A_964, %dot_general3A_970, %dot_general3A_976, %dot_general3A_982, %dot_general3A_988, %dot_general3A_994, %dot_general3A_1000, %dot_general3A_1006, %dot_general3A_1012, %dot_general3A_1018 in 0 : vector<64x32xf32>, vector<64x32xf32>, vector<64x32xf32>, vector<64x32xf32>, vector<64x32xf32>, vector<64x32xf32>, vector<64x32xf32>, vector<64x32xf32>, vector<64x32xf32>, vector<64x32xf32>, vector<64x32xf32>, vector<64x32xf32>, vector<64x32xf32>, vector<64x32xf32>, vector<64x32xf32>, vector<64x32xf32> -> vector<1024x32xf32>
    %ge3A_1020 = arith.constant 0.000000e+00 : f32
    %ge3A_1021 = vector.broadcast %ge3A_1020 : f32 to vector<1024x32xf32>
    %ge3A_1022 = arith.cmpf oge, %concatenate3A_1019, %ge3A_1021 : vector<1024x32xf32>
    %mul3A_1023 = arith.constant 1.000000e-01 : f32
    %mul3A_1024 = vector.broadcast %mul3A_1023 : f32 to vector<1024x32xf32>
    %mul3A_1025 = arith.mulf %mul3A_1024, %concatenate3A_1019 : vector<1024x32xf32>
    %select_n3A_1026 = arith.select %ge3A_1022, %concatenate3A_1019, %mul3A_1025 : vector<1024x32xi1>, vector<1024x32xf32>
    %get3A_1027 = arith.constant 0 : index
    %get3A_1028 = arith.constant 0 : index
    %get3A_1029 = vector.load %arg3[%get3A_1027, %get3A_1028] : memref<1024x1024xf32, #tpu.memory_space<vmem>>, vector<1024x1024xf32>
    %dot_general3A_1030 = arith.constant dense<0.000000e+00> : vector<32x1024xf32>
    %dot_general3A_1031 = tpu.matmul %select_n3A_1026, %get3A_1029, %dot_general3A_1030 {dimension_numbers = #tpu.dot_dimension_numbers<[0], [1], [1], [0], [0, 1, 1, 0], [], []>, transpose_lhs_hint = false} : vector<1024x32xf32>, vector<1024x1024xf32>, vector<32x1024xf32> -> vector<32x1024xf32>
    %concatenate3A_1032 = tpu.concatenate %get3A_837, %dot_general3A_1031 in 0 : vector<32x1024xf32>, vector<32x1024xf32> -> vector<64x1024xf32>
    %iota3A_1033 = tpu.iota {dimensions = array<i32: 1>} : vector<64x1024xi32>
    %jit3A_1034 = arith.constant 32 : i32
    %div3A_1035 = vector.broadcast %jit3A_1034 : i32 to vector<64x1024xi32>
    %div3A_1036 = arith.divsi %iota3A_1033, %div3A_1035 : vector<64x1024xi32>
    %sign3A_1037 = arith.constant 0 : i32
    %sign3A_1038 = vector.broadcast %sign3A_1037 : i32 to vector<64x1024xi32>
    %sign3A_1039 = arith.cmpi sgt, %iota3A_1033, %sign3A_1038 : vector<64x1024xi32>
    %sign3A_1040 = arith.extui %sign3A_1039 : vector<64x1024xi1> to vector<64x1024xi32>
    %sign3A_1041 = arith.constant 0 : i32
    %sign3A_1042 = vector.broadcast %sign3A_1041 : i32 to vector<64x1024xi32>
    %sign3A_1043 = arith.cmpi slt, %iota3A_1033, %sign3A_1042 : vector<64x1024xi32>
    %sign3A_1044 = arith.extui %sign3A_1043 : vector<64x1024xi1> to vector<64x1024xi32>
    %sign3A_1045 = arith.subi %sign3A_1040, %sign3A_1044 : vector<64x1024xi32>
    %sign3A_1046 = arith.constant 0 : i32
    %sign3A_1047 = arith.cmpi sgt, %jit3A_1034, %sign3A_1046 : i32
    %sign3A_1048 = arith.extui %sign3A_1047 : i1 to i32
    %sign3A_1049 = arith.constant 0 : i32
    %sign3A_1050 = arith.cmpi slt, %jit3A_1034, %sign3A_1049 : i32
    %sign3A_1051 = arith.extui %sign3A_1050 : i1 to i32
    %sign3A_1052 = arith.subi %sign3A_1048, %sign3A_1051 : i32
    %ne3A_1053 = vector.broadcast %sign3A_1052 : i32 to vector<64x1024xi32>
    %ne3A_1054 = arith.cmpi ne, %sign3A_1045, %ne3A_1053 : vector<64x1024xi32>
    %rem3A_1055 = vector.broadcast %jit3A_1034 : i32 to vector<64x1024xi32>
    %rem3A_1056 = arith.remsi %iota3A_1033, %rem3A_1055 : vector<64x1024xi32>
    %ne3A_1057 = arith.constant 0 : i32
    %ne3A_1058 = vector.broadcast %ne3A_1057 : i32 to vector<64x1024xi32>
    %ne3A_1059 = arith.cmpi ne, %rem3A_1056, %ne3A_1058 : vector<64x1024xi32>
    %and3A_1060 = arith.andi %ne3A_1054, %ne3A_1059 : vector<64x1024xi1>
    %sub3A_1061 = arith.constant 1 : i32
    %sub3A_1062 = vector.broadcast %sub3A_1061 : i32 to vector<64x1024xi32>
    %sub3A_1063 = arith.subi %div3A_1036, %sub3A_1062 : vector<64x1024xi32>
    %select_n3A_1064 = arith.select %and3A_1060, %sub3A_1063, %div3A_1036 : vector<64x1024xi1>, vector<64x1024xi32>
    %iota3A_1065 = tpu.iota {dimensions = array<i32: 1>} : vector<64x1024xi32>
    %jit3A_1066 = arith.constant 32 : i32
    %eq3A_1067 = arith.constant 0 : i32
    %eq3A_1068 = arith.cmpi eq, %jit3A_1066, %eq3A_1067 : i32
    %jit3A_1069 = arith.constant 1 : i32
    %select_n3A_1070 = arith.select %eq3A_1068, %jit3A_1069, %jit3A_1066 : i32
    %rem3A_1071 = vector.broadcast %select_n3A_1070 : i32 to vector<64x1024xi32>
    %rem3A_1072 = arith.remsi %iota3A_1065, %rem3A_1071 : vector<64x1024xi32>
    %ne3A_1073 = arith.constant 0 : i32
    %ne3A_1074 = vector.broadcast %ne3A_1073 : i32 to vector<64x1024xi32>
    %ne3A_1075 = arith.cmpi ne, %rem3A_1072, %ne3A_1074 : vector<64x1024xi32>
    %lt3A_1076 = arith.constant 0 : i32
    %lt3A_1077 = vector.broadcast %lt3A_1076 : i32 to vector<64x1024xi32>
    %lt3A_1078 = arith.cmpi slt, %rem3A_1072, %lt3A_1077 : vector<64x1024xi32>
    %lt3A_1079 = arith.constant 0 : i32
    %lt3A_1080 = arith.cmpi slt, %select_n3A_1070, %lt3A_1079 : i32
    %ne3A_1081 = vector.broadcast %lt3A_1080 : i1 to vector<64x1024xi1>
    %ne3A_1082 = vector.broadcast %ne3A_1081 : vector<64x1024xi1> to vector<64x1024xi1>
    %ne3A_1083 = arith.xori %lt3A_1078, %ne3A_1082 : vector<64x1024xi1>
    %and3A_1084 = arith.andi %ne3A_1083, %ne3A_1075 : vector<64x1024xi1>
    %add3A_1085 = vector.broadcast %select_n3A_1070 : i32 to vector<64x1024xi32>
    %add3A_1086 = arith.addi %rem3A_1072, %add3A_1085 : vector<64x1024xi32>
    %select_n3A_1087 = arith.select %and3A_1084, %add3A_1086, %rem3A_1072 : vector<64x1024xi1>, vector<64x1024xi32>
    %broadcast_in_dim3A_1088 = arith.constant 0.000000e+00 : f32
    %broadcast_in_dim3A_1089 = vector.broadcast %broadcast_in_dim3A_1088 : f32 to vector<32x1024xf32>
    %broadcast_in_dim3A_1090 = arith.constant 0.000000e+00 : f32
    %broadcast_in_dim3A_1091 = vector.broadcast %broadcast_in_dim3A_1090 : f32 to vector<32x1024xf32>
    %broadcast_in_dim3A_1092 = arith.constant 0.000000e+00 : f32
    %broadcast_in_dim3A_1093 = vector.broadcast %broadcast_in_dim3A_1092 : f32 to vector<32x1024xf32>
    %ge3A_1094 = arith.constant 1 : i32
    %ge3A_1095 = vector.broadcast %ge3A_1094 : i32 to vector<64x1024xi32>
    %ge3A_1096 = arith.cmpi sge, %select_n3A_1064, %ge3A_1095 : vector<64x1024xi32>
    %ge3A_1097 = arith.constant 1 : i32
    %ge3A_1098 = vector.broadcast %ge3A_1097 : i32 to vector<64x1024xi32>
    %ge3A_1099 = arith.cmpi sge, %select_n3A_1087, %ge3A_1098 : vector<64x1024xi32>
    %and3A_1100 = arith.andi %ge3A_1096, %ge3A_1099 : vector<64x1024xi1>
    %roll3A_1101 = arith.constant 33 : i32
    %roll3A_1102 = tpu.dynamic_rotate %concatenate3A_1032 by %roll3A_1101 dim 1 : vector<64x1024xf32>, i32 -> vector<64x1024xf32>
    %jit3A_1103 = arith.constant 0.000000e+00 : f32
    %broadcast_in_dim3A_1104 = vector.broadcast %jit3A_1103 : f32 to vector<64x1024xf32>
    %select_n3A_1105 = arith.select %and3A_1100, %roll3A_1102, %broadcast_in_dim3A_1104 : vector<64x1024xi1>, vector<64x1024xf32>
    %get3A_1106 = arith.constant 0 : index
    %get3A_1107 = arith.constant 0 : index
    %get3A_1108 = arith.constant 0 : index
    %get3A_1109 = vector.load %arg5[%get3A_1106, %get3A_1107, %get3A_1108] : memref<9x32x64xf32, #tpu.memory_space<vmem>>, vector<1x32x64xf32>
    %get3A_1110 = vector.shape_cast %get3A_1109 : vector<1x32x64xf32> to vector<32x64xf32>
    %dot_general3A_1111 = arith.constant dense<0.000000e+00> : vector<32x1024xf32>
    %dot_general3A_1112 = tpu.matmul %get3A_1110, %select_n3A_1105, %dot_general3A_1111 {dimension_numbers = #tpu.dot_dimension_numbers<[1], [0], [0], [1], [0, 0, 1, 1], [], []>, transpose_lhs_hint = false} : vector<32x64xf32>, vector<64x1024xf32>, vector<32x1024xf32> -> vector<32x1024xf32>
    %add3A_1113 = arith.addf %broadcast_in_dim3A_1089, %dot_general3A_1112 : vector<32x1024xf32>
    %ge3A_1114 = arith.constant 1 : i32
    %ge3A_1115 = vector.broadcast %ge3A_1114 : i32 to vector<64x1024xi32>
    %ge3A_1116 = arith.cmpi sge, %select_n3A_1064, %ge3A_1115 : vector<64x1024xi32>
    %roll3A_1117 = arith.constant 32 : i32
    %roll3A_1118 = tpu.dynamic_rotate %concatenate3A_1032 by %roll3A_1117 dim 1 : vector<64x1024xf32>, i32 -> vector<64x1024xf32>
    %jit3A_1119 = arith.constant 0.000000e+00 : f32
    %broadcast_in_dim3A_1120 = vector.broadcast %jit3A_1119 : f32 to vector<64x1024xf32>
    %select_n3A_1121 = arith.select %ge3A_1116, %roll3A_1118, %broadcast_in_dim3A_1120 : vector<64x1024xi1>, vector<64x1024xf32>
    %get3A_1122 = arith.constant 1 : index
    %get3A_1123 = arith.constant 0 : index
    %get3A_1124 = arith.constant 0 : index
    %get3A_1125 = vector.load %arg5[%get3A_1122, %get3A_1123, %get3A_1124] : memref<9x32x64xf32, #tpu.memory_space<vmem>>, vector<1x32x64xf32>
    %get3A_1126 = vector.shape_cast %get3A_1125 : vector<1x32x64xf32> to vector<32x64xf32>
    %dot_general3A_1127 = arith.constant dense<0.000000e+00> : vector<32x1024xf32>
    %dot_general3A_1128 = tpu.matmul %get3A_1126, %select_n3A_1121, %dot_general3A_1127 {dimension_numbers = #tpu.dot_dimension_numbers<[1], [0], [0], [1], [0, 0, 1, 1], [], []>, transpose_lhs_hint = false} : vector<32x64xf32>, vector<64x1024xf32>, vector<32x1024xf32> -> vector<32x1024xf32>
    %add3A_1129 = arith.addf %broadcast_in_dim3A_1091, %dot_general3A_1128 : vector<32x1024xf32>
    %ge3A_1130 = arith.constant 1 : i32
    %ge3A_1131 = vector.broadcast %ge3A_1130 : i32 to vector<64x1024xi32>
    %ge3A_1132 = arith.cmpi sge, %select_n3A_1064, %ge3A_1131 : vector<64x1024xi32>
    %lt3A_1133 = arith.constant 31 : i32
    %lt3A_1134 = vector.broadcast %lt3A_1133 : i32 to vector<64x1024xi32>
    %lt3A_1135 = arith.cmpi slt, %select_n3A_1087, %lt3A_1134 : vector<64x1024xi32>
    %and3A_1136 = arith.andi %ge3A_1132, %lt3A_1135 : vector<64x1024xi1>
    %roll3A_1137 = arith.constant 31 : i32
    %roll3A_1138 = tpu.dynamic_rotate %concatenate3A_1032 by %roll3A_1137 dim 1 : vector<64x1024xf32>, i32 -> vector<64x1024xf32>
    %jit3A_1139 = arith.constant 0.000000e+00 : f32
    %broadcast_in_dim3A_1140 = vector.broadcast %jit3A_1139 : f32 to vector<64x1024xf32>
    %select_n3A_1141 = arith.select %and3A_1136, %roll3A_1138, %broadcast_in_dim3A_1140 : vector<64x1024xi1>, vector<64x1024xf32>
    %get3A_1142 = arith.constant 2 : index
    %get3A_1143 = arith.constant 0 : index
    %get3A_1144 = arith.constant 0 : index
    %get3A_1145 = vector.load %arg5[%get3A_1142, %get3A_1143, %get3A_1144] : memref<9x32x64xf32, #tpu.memory_space<vmem>>, vector<1x32x64xf32>
    %get3A_1146 = vector.shape_cast %get3A_1145 : vector<1x32x64xf32> to vector<32x64xf32>
    %dot_general3A_1147 = arith.constant dense<0.000000e+00> : vector<32x1024xf32>
    %dot_general3A_1148 = tpu.matmul %get3A_1146, %select_n3A_1141, %dot_general3A_1147 {dimension_numbers = #tpu.dot_dimension_numbers<[1], [0], [0], [1], [0, 0, 1, 1], [], []>, transpose_lhs_hint = false} : vector<32x64xf32>, vector<64x1024xf32>, vector<32x1024xf32> -> vector<32x1024xf32>
    %add3A_1149 = arith.addf %broadcast_in_dim3A_1093, %dot_general3A_1148 : vector<32x1024xf32>
    %ge3A_1150 = arith.constant 1 : i32
    %ge3A_1151 = vector.broadcast %ge3A_1150 : i32 to vector<64x1024xi32>
    %ge3A_1152 = arith.cmpi sge, %select_n3A_1087, %ge3A_1151 : vector<64x1024xi32>
    %roll3A_1153 = arith.constant 1 : i32
    %roll3A_1154 = tpu.dynamic_rotate %concatenate3A_1032 by %roll3A_1153 dim 1 : vector<64x1024xf32>, i32 -> vector<64x1024xf32>
    %jit3A_1155 = arith.constant 0.000000e+00 : f32
    %broadcast_in_dim3A_1156 = vector.broadcast %jit3A_1155 : f32 to vector<64x1024xf32>
    %select_n3A_1157 = arith.select %ge3A_1152, %roll3A_1154, %broadcast_in_dim3A_1156 : vector<64x1024xi1>, vector<64x1024xf32>
    %get3A_1158 = arith.constant 3 : index
    %get3A_1159 = arith.constant 0 : index
    %get3A_1160 = arith.constant 0 : index
    %get3A_1161 = vector.load %arg5[%get3A_1158, %get3A_1159, %get3A_1160] : memref<9x32x64xf32, #tpu.memory_space<vmem>>, vector<1x32x64xf32>
    %get3A_1162 = vector.shape_cast %get3A_1161 : vector<1x32x64xf32> to vector<32x64xf32>
    %dot_general3A_1163 = arith.constant dense<0.000000e+00> : vector<32x1024xf32>
    %dot_general3A_1164 = tpu.matmul %get3A_1162, %select_n3A_1157, %dot_general3A_1163 {dimension_numbers = #tpu.dot_dimension_numbers<[1], [0], [0], [1], [0, 0, 1, 1], [], []>, transpose_lhs_hint = false} : vector<32x64xf32>, vector<64x1024xf32>, vector<32x1024xf32> -> vector<32x1024xf32>
    %add3A_1165 = arith.addf %add3A_1113, %dot_general3A_1164 : vector<32x1024xf32>
    %get3A_1166 = arith.constant 4 : index
    %get3A_1167 = arith.constant 0 : index
    %get3A_1168 = arith.constant 0 : index
    %get3A_1169 = vector.load %arg5[%get3A_1166, %get3A_1167, %get3A_1168] : memref<9x32x64xf32, #tpu.memory_space<vmem>>, vector<1x32x64xf32>
    %get3A_1170 = vector.shape_cast %get3A_1169 : vector<1x32x64xf32> to vector<32x64xf32>
    %dot_general3A_1171 = arith.constant dense<0.000000e+00> : vector<32x1024xf32>
    %dot_general3A_1172 = tpu.matmul %get3A_1170, %concatenate3A_1032, %dot_general3A_1171 {dimension_numbers = #tpu.dot_dimension_numbers<[1], [0], [0], [1], [0, 0, 1, 1], [], []>, transpose_lhs_hint = false} : vector<32x64xf32>, vector<64x1024xf32>, vector<32x1024xf32> -> vector<32x1024xf32>
    %add3A_1173 = arith.addf %add3A_1129, %dot_general3A_1172 : vector<32x1024xf32>
    %lt3A_1174 = arith.constant 31 : i32
    %lt3A_1175 = vector.broadcast %lt3A_1174 : i32 to vector<64x1024xi32>
    %lt3A_1176 = arith.cmpi slt, %select_n3A_1087, %lt3A_1175 : vector<64x1024xi32>
    %roll3A_1177 = arith.constant 1023 : i32
    %roll3A_1178 = tpu.dynamic_rotate %concatenate3A_1032 by %roll3A_1177 dim 1 : vector<64x1024xf32>, i32 -> vector<64x1024xf32>
    %jit3A_1179 = arith.constant 0.000000e+00 : f32
    %broadcast_in_dim3A_1180 = vector.broadcast %jit3A_1179 : f32 to vector<64x1024xf32>
    %select_n3A_1181 = arith.select %lt3A_1176, %roll3A_1178, %broadcast_in_dim3A_1180 : vector<64x1024xi1>, vector<64x1024xf32>
    %get3A_1182 = arith.constant 5 : index
    %get3A_1183 = arith.constant 0 : index
    %get3A_1184 = arith.constant 0 : index
    %get3A_1185 = vector.load %arg5[%get3A_1182, %get3A_1183, %get3A_1184] : memref<9x32x64xf32, #tpu.memory_space<vmem>>, vector<1x32x64xf32>
    %get3A_1186 = vector.shape_cast %get3A_1185 : vector<1x32x64xf32> to vector<32x64xf32>
    %dot_general3A_1187 = arith.constant dense<0.000000e+00> : vector<32x1024xf32>
    %dot_general3A_1188 = tpu.matmul %get3A_1186, %select_n3A_1181, %dot_general3A_1187 {dimension_numbers = #tpu.dot_dimension_numbers<[1], [0], [0], [1], [0, 0, 1, 1], [], []>, transpose_lhs_hint = false} : vector<32x64xf32>, vector<64x1024xf32>, vector<32x1024xf32> -> vector<32x1024xf32>
    %add3A_1189 = arith.addf %add3A_1149, %dot_general3A_1188 : vector<32x1024xf32>
    %lt3A_1190 = arith.constant 31 : i32
    %lt3A_1191 = vector.broadcast %lt3A_1190 : i32 to vector<64x1024xi32>
    %lt3A_1192 = arith.cmpi slt, %select_n3A_1064, %lt3A_1191 : vector<64x1024xi32>
    %ge3A_1193 = arith.constant 1 : i32
    %ge3A_1194 = vector.broadcast %ge3A_1193 : i32 to vector<64x1024xi32>
    %ge3A_1195 = arith.cmpi sge, %select_n3A_1087, %ge3A_1194 : vector<64x1024xi32>
    %and3A_1196 = arith.andi %lt3A_1192, %ge3A_1195 : vector<64x1024xi1>
    %roll3A_1197 = arith.constant 993 : i32
    %roll3A_1198 = tpu.dynamic_rotate %concatenate3A_1032 by %roll3A_1197 dim 1 : vector<64x1024xf32>, i32 -> vector<64x1024xf32>
    %jit3A_1199 = arith.constant 0.000000e+00 : f32
    %broadcast_in_dim3A_1200 = vector.broadcast %jit3A_1199 : f32 to vector<64x1024xf32>
    %select_n3A_1201 = arith.select %and3A_1196, %roll3A_1198, %broadcast_in_dim3A_1200 : vector<64x1024xi1>, vector<64x1024xf32>
    %get3A_1202 = arith.constant 6 : index
    %get3A_1203 = arith.constant 0 : index
    %get3A_1204 = arith.constant 0 : index
    %get3A_1205 = vector.load %arg5[%get3A_1202, %get3A_1203, %get3A_1204] : memref<9x32x64xf32, #tpu.memory_space<vmem>>, vector<1x32x64xf32>
    %get3A_1206 = vector.shape_cast %get3A_1205 : vector<1x32x64xf32> to vector<32x64xf32>
    %dot_general3A_1207 = arith.constant dense<0.000000e+00> : vector<32x1024xf32>
    %dot_general3A_1208 = tpu.matmul %get3A_1206, %select_n3A_1201, %dot_general3A_1207 {dimension_numbers = #tpu.dot_dimension_numbers<[1], [0], [0], [1], [0, 0, 1, 1], [], []>, transpose_lhs_hint = false} : vector<32x64xf32>, vector<64x1024xf32>, vector<32x1024xf32> -> vector<32x1024xf32>
    %add3A_1209 = arith.addf %add3A_1165, %dot_general3A_1208 : vector<32x1024xf32>
    %lt3A_1210 = arith.constant 31 : i32
    %lt3A_1211 = vector.broadcast %lt3A_1210 : i32 to vector<64x1024xi32>
    %lt3A_1212 = arith.cmpi slt, %select_n3A_1064, %lt3A_1211 : vector<64x1024xi32>
    %roll3A_1213 = arith.constant 992 : i32
    %roll3A_1214 = tpu.dynamic_rotate %concatenate3A_1032 by %roll3A_1213 dim 1 : vector<64x1024xf32>, i32 -> vector<64x1024xf32>
    %jit3A_1215 = arith.constant 0.000000e+00 : f32
    %broadcast_in_dim3A_1216 = vector.broadcast %jit3A_1215 : f32 to vector<64x1024xf32>
    %select_n3A_1217 = arith.select %lt3A_1212, %roll3A_1214, %broadcast_in_dim3A_1216 : vector<64x1024xi1>, vector<64x1024xf32>
    %get3A_1218 = arith.constant 7 : index
    %get3A_1219 = arith.constant 0 : index
    %get3A_1220 = arith.constant 0 : index
    %get3A_1221 = vector.load %arg5[%get3A_1218, %get3A_1219, %get3A_1220] : memref<9x32x64xf32, #tpu.memory_space<vmem>>, vector<1x32x64xf32>
    %get3A_1222 = vector.shape_cast %get3A_1221 : vector<1x32x64xf32> to vector<32x64xf32>
    %dot_general3A_1223 = arith.constant dense<0.000000e+00> : vector<32x1024xf32>
    %dot_general3A_1224 = tpu.matmul %get3A_1222, %select_n3A_1217, %dot_general3A_1223 {dimension_numbers = #tpu.dot_dimension_numbers<[1], [0], [0], [1], [0, 0, 1, 1], [], []>, transpose_lhs_hint = false} : vector<32x64xf32>, vector<64x1024xf32>, vector<32x1024xf32> -> vector<32x1024xf32>
    %add3A_1225 = arith.addf %add3A_1173, %dot_general3A_1224 : vector<32x1024xf32>
    %lt3A_1226 = arith.constant 31 : i32
    %lt3A_1227 = vector.broadcast %lt3A_1226 : i32 to vector<64x1024xi32>
    %lt3A_1228 = arith.cmpi slt, %select_n3A_1064, %lt3A_1227 : vector<64x1024xi32>
    %lt3A_1229 = arith.constant 31 : i32
    %lt3A_1230 = vector.broadcast %lt3A_1229 : i32 to vector<64x1024xi32>
    %lt3A_1231 = arith.cmpi slt, %select_n3A_1087, %lt3A_1230 : vector<64x1024xi32>
    %and3A_1232 = arith.andi %lt3A_1228, %lt3A_1231 : vector<64x1024xi1>
    %roll3A_1233 = arith.constant 991 : i32
    %roll3A_1234 = tpu.dynamic_rotate %concatenate3A_1032 by %roll3A_1233 dim 1 : vector<64x1024xf32>, i32 -> vector<64x1024xf32>
    %jit3A_1235 = arith.constant 0.000000e+00 : f32
    %broadcast_in_dim3A_1236 = vector.broadcast %jit3A_1235 : f32 to vector<64x1024xf32>
    %select_n3A_1237 = arith.select %and3A_1232, %roll3A_1234, %broadcast_in_dim3A_1236 : vector<64x1024xi1>, vector<64x1024xf32>
    %get3A_1238 = arith.constant 8 : index
    %get3A_1239 = arith.constant 0 : index
    %get3A_1240 = arith.constant 0 : index
    %get3A_1241 = vector.load %arg5[%get3A_1238, %get3A_1239, %get3A_1240] : memref<9x32x64xf32, #tpu.memory_space<vmem>>, vector<1x32x64xf32>
    %get3A_1242 = vector.shape_cast %get3A_1241 : vector<1x32x64xf32> to vector<32x64xf32>
    %dot_general3A_1243 = arith.constant dense<0.000000e+00> : vector<32x1024xf32>
    %dot_general3A_1244 = tpu.matmul %get3A_1242, %select_n3A_1237, %dot_general3A_1243 {dimension_numbers = #tpu.dot_dimension_numbers<[1], [0], [0], [1], [0, 0, 1, 1], [], []>, transpose_lhs_hint = false} : vector<32x64xf32>, vector<64x1024xf32>, vector<32x1024xf32> -> vector<32x1024xf32>
    %add3A_1245 = arith.addf %add3A_1189, %dot_general3A_1244 : vector<32x1024xf32>
    %add3A_1246 = arith.addf %add3A_1209, %add3A_1225 : vector<32x1024xf32>
    %add3A_1247 = arith.addf %add3A_1246, %add3A_1245 : vector<32x1024xf32>
    %ge3A_1248 = arith.constant 0.000000e+00 : f32
    %ge3A_1249 = vector.broadcast %ge3A_1248 : f32 to vector<32x1024xf32>
    %ge3A_1250 = arith.cmpf oge, %add3A_1247, %ge3A_1249 : vector<32x1024xf32>
    %mul3A_1251 = arith.constant 1.000000e-01 : f32
    %mul3A_1252 = vector.broadcast %mul3A_1251 : f32 to vector<32x1024xf32>
    %mul3A_1253 = arith.mulf %mul3A_1252, %add3A_1247 : vector<32x1024xf32>
    %select_n3A_1254 = arith.select %ge3A_1250, %add3A_1247, %mul3A_1253 : vector<32x1024xi1>, vector<32x1024xf32>
    %swap3A_1255 = arith.constant 2 : index
    %swap3A_1256 = arith.constant 0 : index
    %swap3A_1257 = arith.constant 0 : index
    %swap3A_1258 = vector.load %arg6[%swap3A_1255, %swap3A_1256, %swap3A_1257] : memref<5x32x1024xf32, #tpu.memory_space<vmem>>, vector<1x32x1024xf32>
    %swap3A_1259 = vector.shape_cast %swap3A_1258 : vector<1x32x1024xf32> to vector<32x1024xf32>
    %swap3A_1260 = vector.shape_cast %select_n3A_1254 : vector<32x1024xf32> to vector<1x32x1024xf32>
    tpu.vector_store %arg6[%swap3A_1255, %swap3A_1256, %swap3A_1257], %swap3A_1260 {strides = array<i32>} : memref<5x32x1024xf32, #tpu.memory_space<vmem>>, vector<1x32x1024xf32>,
    %get3A_1261 = arith.constant 3 : index
    %get3A_1262 = arith.constant 0 : index
    %get3A_1263 = arith.constant 0 : index
    %get3A_1264 = vector.load %arg1[%get3A_1261, %get3A_1262, %get3A_1263] : memref<5x32x1024xf32, #tpu.memory_space<vmem>>, vector<1x32x1024xf32>
    %get3A_1265 = vector.shape_cast %get3A_1264 : vector<1x32x1024xf32> to vector<32x1024xf32>
    %get3A_1266 = arith.constant 0 : index
    %get3A_1267 = arith.constant 0 : index
    %get3A_1268 = vector.load %arg3[%get3A_1266, %get3A_1267] : memref<1024x1024xf32, #tpu.memory_space<vmem>>, vector<1024x1024xf32>
    %dot_general3A_1269 = arith.constant dense<0.000000e+00> : vector<32x1024xf32>
    %dot_general3A_1270 = tpu.matmul %get3A_1265, %get3A_1268, %dot_general3A_1269 {dimension_numbers = #tpu.dot_dimension_numbers<[1], [0], [0], [1], [0, 0, 1, 1], [], []>, transpose_lhs_hint = false} : vector<32x1024xf32>, vector<1024x1024xf32>, vector<32x1024xf32> -> vector<32x1024xf32>
    %get3A_1271 = arith.constant 3 : index
    %get3A_1272 = arith.constant 0 : index
    %get3A_1273 = arith.constant 0 : index
    %get3A_1274 = arith.constant 0 : index
    %get3A_1275 = vector.load %arg2[%get3A_1271, %get3A_1272, %get3A_1273, %get3A_1274] : memref<5x4x3x16xi32, #tpu.memory_space<vmem>>, vector<1x4x3x16xi32>
    %get3A_1276 = vector.shape_cast %get3A_1275 : vector<1x4x3x16xi32> to vector<4x3x16xi32>
    %iota3A_1277 = tpu.iota {dimensions = array<i32: 0>} : vector<64x64xi32>
    %slice3A_1278 = vector.extract_strided_slice %get3A_1276 {offsets = [0, 0, 0], sizes = [1, 1, 16], strides = [1, 1, 1]} : vector<4x3x16xi32> to vector<1x1x16xi32>
    %squeeze3A_1279 = vector.shape_cast %slice3A_1278 : vector<1x1x16xi32> to vector<16xi32>
    %broadcast_in_dim3A_1280 = vector.shape_cast %squeeze3A_1279 : vector<16xi32> to vector<1x16xi32>
    %slice3A_1281 = vector.extract_strided_slice %get3A_1276 {offsets = [1, 0, 0], sizes = [1, 1, 16], strides = [1, 1, 1]} : vector<4x3x16xi32> to vector<1x1x16xi32>
    %squeeze3A_1282 = vector.shape_cast %slice3A_1281 : vector<1x1x16xi32> to vector<16xi32>
    %broadcast_in_dim3A_1283 = vector.shape_cast %squeeze3A_1282 : vector<16xi32> to vector<1x16xi32>
    %slice3A_1284 = vector.extract_strided_slice %get3A_1276 {offsets = [2, 0, 0], sizes = [1, 1, 16], strides = [1, 1, 1]} : vector<4x3x16xi32> to vector<1x1x16xi32>
    %squeeze3A_1285 = vector.shape_cast %slice3A_1284 : vector<1x1x16xi32> to vector<16xi32>
    %broadcast_in_dim3A_1286 = vector.shape_cast %squeeze3A_1285 : vector<16xi32> to vector<1x16xi32>
    %slice3A_1287 = vector.extract_strided_slice %get3A_1276 {offsets = [3, 0, 0], sizes = [1, 1, 16], strides = [1, 1, 1]} : vector<4x3x16xi32> to vector<1x1x16xi32>
    %squeeze3A_1288 = vector.shape_cast %slice3A_1287 : vector<1x1x16xi32> to vector<16xi32>
    %broadcast_in_dim3A_1289 = vector.shape_cast %squeeze3A_1288 : vector<16xi32> to vector<1x16xi32>
    %concatenate3A_1290 = tpu.concatenate %broadcast_in_dim3A_1280, %broadcast_in_dim3A_1283, %broadcast_in_dim3A_1286, %broadcast_in_dim3A_1289 in 1 : vector<1x16xi32>, vector<1x16xi32>, vector<1x16xi32>, vector<1x16xi32> -> vector<1x64xi32>
    %eq3A_1291 = vector.broadcast %concatenate3A_1290 : vector<1x64xi32> to vector<64x64xi32>
    %eq3A_1292 = arith.cmpi eq, %iota3A_1277, %eq3A_1291 : vector<64x64xi32>
    %convert_element_type3A_1293 = arith.extui %eq3A_1292 : vector<64x64xi1> to vector<64x64xi32>
    %convert_element_type3A_1294 = arith.sitofp %convert_element_type3A_1293 : vector<64x64xi32> to vector<64x64xf32>
    %slice3A_1295 = vector.extract_strided_slice %get3A_1276 {offsets = [0, 1, 0], sizes = [1, 1, 16], strides = [1, 1, 1]} : vector<4x3x16xi32> to vector<1x1x16xi32>
    %squeeze3A_1296 = vector.shape_cast %slice3A_1295 : vector<1x1x16xi32> to vector<16xi32>
    %broadcast_in_dim3A_1297 = vector.shape_cast %squeeze3A_1296 : vector<16xi32> to vector<1x16xi32>
    %slice3A_1298 = vector.extract_strided_slice %get3A_1276 {offsets = [1, 1, 0], sizes = [1, 1, 16], strides = [1, 1, 1]} : vector<4x3x16xi32> to vector<1x1x16xi32>
    %squeeze3A_1299 = vector.shape_cast %slice3A_1298 : vector<1x1x16xi32> to vector<16xi32>
    %broadcast_in_dim3A_1300 = vector.shape_cast %squeeze3A_1299 : vector<16xi32> to vector<1x16xi32>
    %slice3A_1301 = vector.extract_strided_slice %get3A_1276 {offsets = [2, 1, 0], sizes = [1, 1, 16], strides = [1, 1, 1]} : vector<4x3x16xi32> to vector<1x1x16xi32>
    %squeeze3A_1302 = vector.shape_cast %slice3A_1301 : vector<1x1x16xi32> to vector<16xi32>
    %broadcast_in_dim3A_1303 = vector.shape_cast %squeeze3A_1302 : vector<16xi32> to vector<1x16xi32>
    %slice3A_1304 = vector.extract_strided_slice %get3A_1276 {offsets = [3, 1, 0], sizes = [1, 1, 16], strides = [1, 1, 1]} : vector<4x3x16xi32> to vector<1x1x16xi32>
    %squeeze3A_1305 = vector.shape_cast %slice3A_1304 : vector<1x1x16xi32> to vector<16xi32>
    %broadcast_in_dim3A_1306 = vector.shape_cast %squeeze3A_1305 : vector<16xi32> to vector<1x16xi32>
    %concatenate3A_1307 = tpu.concatenate %broadcast_in_dim3A_1297, %broadcast_in_dim3A_1300, %broadcast_in_dim3A_1303, %broadcast_in_dim3A_1306 in 1 : vector<1x16xi32>, vector<1x16xi32>, vector<1x16xi32>, vector<1x16xi32> -> vector<1x64xi32>
    %eq3A_1308 = vector.broadcast %concatenate3A_1307 : vector<1x64xi32> to vector<64x64xi32>
    %eq3A_1309 = arith.cmpi eq, %iota3A_1277, %eq3A_1308 : vector<64x64xi32>
    %convert_element_type3A_1310 = arith.extui %eq3A_1309 : vector<64x64xi1> to vector<64x64xi32>
    %convert_element_type3A_1311 = arith.sitofp %convert_element_type3A_1310 : vector<64x64xi32> to vector<64x64xf32>
    %slice3A_1312 = vector.extract_strided_slice %get3A_1276 {offsets = [0, 2, 0], sizes = [1, 1, 16], strides = [1, 1, 1]} : vector<4x3x16xi32> to vector<1x1x16xi32>
    %squeeze3A_1313 = vector.shape_cast %slice3A_1312 : vector<1x1x16xi32> to vector<16xi32>
    %broadcast_in_dim3A_1314 = vector.shape_cast %squeeze3A_1313 : vector<16xi32> to vector<1x16xi32>
    %slice3A_1315 = vector.extract_strided_slice %get3A_1276 {offsets = [1, 2, 0], sizes = [1, 1, 16], strides = [1, 1, 1]} : vector<4x3x16xi32> to vector<1x1x16xi32>
    %squeeze3A_1316 = vector.shape_cast %slice3A_1315 : vector<1x1x16xi32> to vector<16xi32>
    %broadcast_in_dim3A_1317 = vector.shape_cast %squeeze3A_1316 : vector<16xi32> to vector<1x16xi32>
    %slice3A_1318 = vector.extract_strided_slice %get3A_1276 {offsets = [2, 2, 0], sizes = [1, 1, 16], strides = [1, 1, 1]} : vector<4x3x16xi32> to vector<1x1x16xi32>
    %squeeze3A_1319 = vector.shape_cast %slice3A_1318 : vector<1x1x16xi32> to vector<16xi32>
    %broadcast_in_dim3A_1320 = vector.shape_cast %squeeze3A_1319 : vector<16xi32> to vector<1x16xi32>
    %slice3A_1321 = vector.extract_strided_slice %get3A_1276 {offsets = [3, 2, 0], sizes = [1, 1, 16], strides = [1, 1, 1]} : vector<4x3x16xi32> to vector<1x1x16xi32>
    %squeeze3A_1322 = vector.shape_cast %slice3A_1321 : vector<1x1x16xi32> to vector<16xi32>
    %broadcast_in_dim3A_1323 = vector.shape_cast %squeeze3A_1322 : vector<16xi32> to vector<1x16xi32>
    %concatenate3A_1324 = tpu.concatenate %broadcast_in_dim3A_1314, %broadcast_in_dim3A_1317, %broadcast_in_dim3A_1320, %broadcast_in_dim3A_1323 in 1 : vector<1x16xi32>, vector<1x16xi32>, vector<1x16xi32>, vector<1x16xi32> -> vector<1x64xi32>
    %eq3A_1325 = vector.broadcast %concatenate3A_1324 : vector<1x64xi32> to vector<64x64xi32>
    %eq3A_1326 = arith.cmpi eq, %iota3A_1277, %eq3A_1325 : vector<64x64xi32>
    %convert_element_type3A_1327 = arith.extui %eq3A_1326 : vector<64x64xi1> to vector<64x64xi32>
    %convert_element_type3A_1328 = arith.sitofp %convert_element_type3A_1327 : vector<64x64xi32> to vector<64x64xf32>
    %concatenate3A_1329 = tpu.concatenate %convert_element_type3A_1294, %convert_element_type3A_1311, %convert_element_type3A_1328 in 0 : vector<64x64xf32>, vector<64x64xf32>, vector<64x64xf32> -> vector<192x64xf32>
    %get3A_1330 = arith.constant 0 : index
    %get3A_1331 = arith.constant 0 : index
    %get3A_1332 = arith.constant 0 : index
    %get3A_1333 = vector.load %arg4[%get3A_1330, %get3A_1331, %get3A_1332] : memref<3x32x32xf32, #tpu.memory_space<vmem>>, vector<1x32x32xf32>
    %get3A_1334 = vector.shape_cast %get3A_1333 : vector<1x32x32xf32> to vector<32x32xf32>
    %dot_general3A_1335 = arith.constant dense<0.000000e+00> : vector<1024x32xf32>
    %dot_general3A_1336 = tpu.matmul %dot_general3A_1270, %get3A_1334, %dot_general3A_1335 {dimension_numbers = #tpu.dot_dimension_numbers<[0], [1], [1], [0], [0, 1, 1, 0], [], []>, transpose_lhs_hint = false} : vector<32x1024xf32>, vector<32x32xf32>, vector<1024x32xf32> -> vector<1024x32xf32>
    %get3A_1337 = arith.constant 1 : index
    %get3A_1338 = arith.constant 0 : index
    %get3A_1339 = arith.constant 0 : index
    %get3A_1340 = vector.load %arg4[%get3A_1337, %get3A_1338, %get3A_1339] : memref<3x32x32xf32, #tpu.memory_space<vmem>>, vector<1x32x32xf32>
    %get3A_1341 = vector.shape_cast %get3A_1340 : vector<1x32x32xf32> to vector<32x32xf32>
    %dot_general3A_1342 = arith.constant dense<0.000000e+00> : vector<1024x32xf32>
    %dot_general3A_1343 = tpu.matmul %dot_general3A_1270, %get3A_1341, %dot_general3A_1342 {dimension_numbers = #tpu.dot_dimension_numbers<[0], [1], [1], [0], [0, 1, 1, 0], [], []>, transpose_lhs_hint = false} : vector<32x1024xf32>, vector<32x32xf32>, vector<1024x32xf32> -> vector<1024x32xf32>
    %get3A_1344 = arith.constant 2 : index
    %get3A_1345 = arith.constant 0 : index
    %get3A_1346 = arith.constant 0 : index
    %get3A_1347 = vector.load %arg4[%get3A_1344, %get3A_1345, %get3A_1346] : memref<3x32x32xf32, #tpu.memory_space<vmem>>, vector<1x32x32xf32>
    %get3A_1348 = vector.shape_cast %get3A_1347 : vector<1x32x32xf32> to vector<32x32xf32>
    %dot_general3A_1349 = arith.constant dense<0.000000e+00> : vector<1024x32xf32>
    %dot_general3A_1350 = tpu.matmul %dot_general3A_1270, %get3A_1348, %dot_general3A_1349 {dimension_numbers = #tpu.dot_dimension_numbers<[0], [1], [1], [0], [0, 1, 1, 0], [], []>, transpose_lhs_hint = false} : vector<32x1024xf32>, vector<32x32xf32>, vector<1024x32xf32> -> vector<1024x32xf32>
    %slice3A_1351 = vector.extract_strided_slice %dot_general3A_1336 {offsets = [0, 0], sizes = [64, 32], strides = [1, 1]} : vector<1024x32xf32> to vector<64x32xf32>
    %slice3A_1352 = vector.extract_strided_slice %dot_general3A_1343 {offsets = [0, 0], sizes = [64, 32], strides = [1, 1]} : vector<1024x32xf32> to vector<64x32xf32>
    %slice3A_1353 = vector.extract_strided_slice %dot_general3A_1350 {offsets = [0, 0], sizes = [64, 32], strides = [1, 1]} : vector<1024x32xf32> to vector<64x32xf32>
    %concatenate3A_1354 = tpu.concatenate %slice3A_1351, %slice3A_1352, %slice3A_1353 in 0 : vector<64x32xf32>, vector<64x32xf32>, vector<64x32xf32> -> vector<192x32xf32>
    %dot_general3A_1355 = arith.constant dense<0.000000e+00> : vector<64x32xf32>
    %dot_general3A_1356 = tpu.matmul %concatenate3A_1329, %concatenate3A_1354, %dot_general3A_1355 {dimension_numbers = #tpu.dot_dimension_numbers<[0], [0], [1], [1], [0, 1, 1, 1], [], []>, transpose_lhs_hint = false} : vector<192x64xf32>, vector<192x32xf32>, vector<64x32xf32> -> vector<64x32xf32>
    %slice3A_1357 = vector.extract_strided_slice %dot_general3A_1336 {offsets = [64, 0], sizes = [64, 32], strides = [1, 1]} : vector<1024x32xf32> to vector<64x32xf32>
    %slice3A_1358 = vector.extract_strided_slice %dot_general3A_1343 {offsets = [64, 0], sizes = [64, 32], strides = [1, 1]} : vector<1024x32xf32> to vector<64x32xf32>
    %slice3A_1359 = vector.extract_strided_slice %dot_general3A_1350 {offsets = [64, 0], sizes = [64, 32], strides = [1, 1]} : vector<1024x32xf32> to vector<64x32xf32>
    %concatenate3A_1360 = tpu.concatenate %slice3A_1357, %slice3A_1358, %slice3A_1359 in 0 : vector<64x32xf32>, vector<64x32xf32>, vector<64x32xf32> -> vector<192x32xf32>
    %dot_general3A_1361 = arith.constant dense<0.000000e+00> : vector<64x32xf32>
    %dot_general3A_1362 = tpu.matmul %concatenate3A_1329, %concatenate3A_1360, %dot_general3A_1361 {dimension_numbers = #tpu.dot_dimension_numbers<[0], [0], [1], [1], [0, 1, 1, 1], [], []>, transpose_lhs_hint = false} : vector<192x64xf32>, vector<192x32xf32>, vector<64x32xf32> -> vector<64x32xf32>
    %slice3A_1363 = vector.extract_strided_slice %dot_general3A_1336 {offsets = [128, 0], sizes = [64, 32], strides = [1, 1]} : vector<1024x32xf32> to vector<64x32xf32>
    %slice3A_1364 = vector.extract_strided_slice %dot_general3A_1343 {offsets = [128, 0], sizes = [64, 32], strides = [1, 1]} : vector<1024x32xf32> to vector<64x32xf32>
    %slice3A_1365 = vector.extract_strided_slice %dot_general3A_1350 {offsets = [128, 0], sizes = [64, 32], strides = [1, 1]} : vector<1024x32xf32> to vector<64x32xf32>
    %concatenate3A_1366 = tpu.concatenate %slice3A_1363, %slice3A_1364, %slice3A_1365 in 0 : vector<64x32xf32>, vector<64x32xf32>, vector<64x32xf32> -> vector<192x32xf32>
    %dot_general3A_1367 = arith.constant dense<0.000000e+00> : vector<64x32xf32>
    %dot_general3A_1368 = tpu.matmul %concatenate3A_1329, %concatenate3A_1366, %dot_general3A_1367 {dimension_numbers = #tpu.dot_dimension_numbers<[0], [0], [1], [1], [0, 1, 1, 1], [], []>, transpose_lhs_hint = false} : vector<192x64xf32>, vector<192x32xf32>, vector<64x32xf32> -> vector<64x32xf32>
    %slice3A_1369 = vector.extract_strided_slice %dot_general3A_1336 {offsets = [192, 0], sizes = [64, 32], strides = [1, 1]} : vector<1024x32xf32> to vector<64x32xf32>
    %slice3A_1370 = vector.extract_strided_slice %dot_general3A_1343 {offsets = [192, 0], sizes = [64, 32], strides = [1, 1]} : vector<1024x32xf32> to vector<64x32xf32>
    %slice3A_1371 = vector.extract_strided_slice %dot_general3A_1350 {offsets = [192, 0], sizes = [64, 32], strides = [1, 1]} : vector<1024x32xf32> to vector<64x32xf32>
    %concatenate3A_1372 = tpu.concatenate %slice3A_1369, %slice3A_1370, %slice3A_1371 in 0 : vector<64x32xf32>, vector<64x32xf32>, vector<64x32xf32> -> vector<192x32xf32>
    %dot_general3A_1373 = arith.constant dense<0.000000e+00> : vector<64x32xf32>
    %dot_general3A_1374 = tpu.matmul %concatenate3A_1329, %concatenate3A_1372, %dot_general3A_1373 {dimension_numbers = #tpu.dot_dimension_numbers<[0], [0], [1], [1], [0, 1, 1, 1], [], []>, transpose_lhs_hint = false} : vector<192x64xf32>, vector<192x32xf32>, vector<64x32xf32> -> vector<64x32xf32>
    %slice3A_1375 = vector.extract_strided_slice %dot_general3A_1336 {offsets = [256, 0], sizes = [64, 32], strides = [1, 1]} : vector<1024x32xf32> to vector<64x32xf32>
    %slice3A_1376 = vector.extract_strided_slice %dot_general3A_1343 {offsets = [256, 0], sizes = [64, 32], strides = [1, 1]} : vector<1024x32xf32> to vector<64x32xf32>
    %slice3A_1377 = vector.extract_strided_slice %dot_general3A_1350 {offsets = [256, 0], sizes = [64, 32], strides = [1, 1]} : vector<1024x32xf32> to vector<64x32xf32>
    %concatenate3A_1378 = tpu.concatenate %slice3A_1375, %slice3A_1376, %slice3A_1377 in 0 : vector<64x32xf32>, vector<64x32xf32>, vector<64x32xf32> -> vector<192x32xf32>
    %dot_general3A_1379 = arith.constant dense<0.000000e+00> : vector<64x32xf32>
    %dot_general3A_1380 = tpu.matmul %concatenate3A_1329, %concatenate3A_1378, %dot_general3A_1379 {dimension_numbers = #tpu.dot_dimension_numbers<[0], [0], [1], [1], [0, 1, 1, 1], [], []>, transpose_lhs_hint = false} : vector<192x64xf32>, vector<192x32xf32>, vector<64x32xf32> -> vector<64x32xf32>
    %slice3A_1381 = vector.extract_strided_slice %dot_general3A_1336 {offsets = [320, 0], sizes = [64, 32], strides = [1, 1]} : vector<1024x32xf32> to vector<64x32xf32>
    %slice3A_1382 = vector.extract_strided_slice %dot_general3A_1343 {offsets = [320, 0], sizes = [64, 32], strides = [1, 1]} : vector<1024x32xf32> to vector<64x32xf32>
    %slice3A_1383 = vector.extract_strided_slice %dot_general3A_1350 {offsets = [320, 0], sizes = [64, 32], strides = [1, 1]} : vector<1024x32xf32> to vector<64x32xf32>
    %concatenate3A_1384 = tpu.concatenate %slice3A_1381, %slice3A_1382, %slice3A_1383 in 0 : vector<64x32xf32>, vector<64x32xf32>, vector<64x32xf32> -> vector<192x32xf32>
    %dot_general3A_1385 = arith.constant dense<0.000000e+00> : vector<64x32xf32>
    %dot_general3A_1386 = tpu.matmul %concatenate3A_1329, %concatenate3A_1384, %dot_general3A_1385 {dimension_numbers = #tpu.dot_dimension_numbers<[0], [0], [1], [1], [0, 1, 1, 1], [], []>, transpose_lhs_hint = false} : vector<192x64xf32>, vector<192x32xf32>, vector<64x32xf32> -> vector<64x32xf32>
    %slice3A_1387 = vector.extract_strided_slice %dot_general3A_1336 {offsets = [384, 0], sizes = [64, 32], strides = [1, 1]} : vector<1024x32xf32> to vector<64x32xf32>
    %slice3A_1388 = vector.extract_strided_slice %dot_general3A_1343 {offsets = [384, 0], sizes = [64, 32], strides = [1, 1]} : vector<1024x32xf32> to vector<64x32xf32>
    %slice3A_1389 = vector.extract_strided_slice %dot_general3A_1350 {offsets = [384, 0], sizes = [64, 32], strides = [1, 1]} : vector<1024x32xf32> to vector<64x32xf32>
    %concatenate3A_1390 = tpu.concatenate %slice3A_1387, %slice3A_1388, %slice3A_1389 in 0 : vector<64x32xf32>, vector<64x32xf32>, vector<64x32xf32> -> vector<192x32xf32>
    %dot_general3A_1391 = arith.constant dense<0.000000e+00> : vector<64x32xf32>
    %dot_general3A_1392 = tpu.matmul %concatenate3A_1329, %concatenate3A_1390, %dot_general3A_1391 {dimension_numbers = #tpu.dot_dimension_numbers<[0], [0], [1], [1], [0, 1, 1, 1], [], []>, transpose_lhs_hint = false} : vector<192x64xf32>, vector<192x32xf32>, vector<64x32xf32> -> vector<64x32xf32>
    %slice3A_1393 = vector.extract_strided_slice %dot_general3A_1336 {offsets = [448, 0], sizes = [64, 32], strides = [1, 1]} : vector<1024x32xf32> to vector<64x32xf32>
    %slice3A_1394 = vector.extract_strided_slice %dot_general3A_1343 {offsets = [448, 0], sizes = [64, 32], strides = [1, 1]} : vector<1024x32xf32> to vector<64x32xf32>
    %slice3A_1395 = vector.extract_strided_slice %dot_general3A_1350 {offsets = [448, 0], sizes = [64, 32], strides = [1, 1]} : vector<1024x32xf32> to vector<64x32xf32>
    %concatenate3A_1396 = tpu.concatenate %slice3A_1393, %slice3A_1394, %slice3A_1395 in 0 : vector<64x32xf32>, vector<64x32xf32>, vector<64x32xf32> -> vector<192x32xf32>
    %dot_general3A_1397 = arith.constant dense<0.000000e+00> : vector<64x32xf32>
    %dot_general3A_1398 = tpu.matmul %concatenate3A_1329, %concatenate3A_1396, %dot_general3A_1397 {dimension_numbers = #tpu.dot_dimension_numbers<[0], [0], [1], [1], [0, 1, 1, 1], [], []>, transpose_lhs_hint = false} : vector<192x64xf32>, vector<192x32xf32>, vector<64x32xf32> -> vector<64x32xf32>
    %slice3A_1399 = vector.extract_strided_slice %dot_general3A_1336 {offsets = [512, 0], sizes = [64, 32], strides = [1, 1]} : vector<1024x32xf32> to vector<64x32xf32>
    %slice3A_1400 = vector.extract_strided_slice %dot_general3A_1343 {offsets = [512, 0], sizes = [64, 32], strides = [1, 1]} : vector<1024x32xf32> to vector<64x32xf32>
    %slice3A_1401 = vector.extract_strided_slice %dot_general3A_1350 {offsets = [512, 0], sizes = [64, 32], strides = [1, 1]} : vector<1024x32xf32> to vector<64x32xf32>
    %concatenate3A_1402 = tpu.concatenate %slice3A_1399, %slice3A_1400, %slice3A_1401 in 0 : vector<64x32xf32>, vector<64x32xf32>, vector<64x32xf32> -> vector<192x32xf32>
    %dot_general3A_1403 = arith.constant dense<0.000000e+00> : vector<64x32xf32>
    %dot_general3A_1404 = tpu.matmul %concatenate3A_1329, %concatenate3A_1402, %dot_general3A_1403 {dimension_numbers = #tpu.dot_dimension_numbers<[0], [0], [1], [1], [0, 1, 1, 1], [], []>, transpose_lhs_hint = false} : vector<192x64xf32>, vector<192x32xf32>, vector<64x32xf32> -> vector<64x32xf32>
    %slice3A_1405 = vector.extract_strided_slice %dot_general3A_1336 {offsets = [576, 0], sizes = [64, 32], strides = [1, 1]} : vector<1024x32xf32> to vector<64x32xf32>
    %slice3A_1406 = vector.extract_strided_slice %dot_general3A_1343 {offsets = [576, 0], sizes = [64, 32], strides = [1, 1]} : vector<1024x32xf32> to vector<64x32xf32>
    %slice3A_1407 = vector.extract_strided_slice %dot_general3A_1350 {offsets = [576, 0], sizes = [64, 32], strides = [1, 1]} : vector<1024x32xf32> to vector<64x32xf32>
    %concatenate3A_1408 = tpu.concatenate %slice3A_1405, %slice3A_1406, %slice3A_1407 in 0 : vector<64x32xf32>, vector<64x32xf32>, vector<64x32xf32> -> vector<192x32xf32>
    %dot_general3A_1409 = arith.constant dense<0.000000e+00> : vector<64x32xf32>
    %dot_general3A_1410 = tpu.matmul %concatenate3A_1329, %concatenate3A_1408, %dot_general3A_1409 {dimension_numbers = #tpu.dot_dimension_numbers<[0], [0], [1], [1], [0, 1, 1, 1], [], []>, transpose_lhs_hint = false} : vector<192x64xf32>, vector<192x32xf32>, vector<64x32xf32> -> vector<64x32xf32>
    %slice3A_1411 = vector.extract_strided_slice %dot_general3A_1336 {offsets = [640, 0], sizes = [64, 32], strides = [1, 1]} : vector<1024x32xf32> to vector<64x32xf32>
    %slice3A_1412 = vector.extract_strided_slice %dot_general3A_1343 {offsets = [640, 0], sizes = [64, 32], strides = [1, 1]} : vector<1024x32xf32> to vector<64x32xf32>
    %slice3A_1413 = vector.extract_strided_slice %dot_general3A_1350 {offsets = [640, 0], sizes = [64, 32], strides = [1, 1]} : vector<1024x32xf32> to vector<64x32xf32>
    %concatenate3A_1414 = tpu.concatenate %slice3A_1411, %slice3A_1412, %slice3A_1413 in 0 : vector<64x32xf32>, vector<64x32xf32>, vector<64x32xf32> -> vector<192x32xf32>
    %dot_general3A_1415 = arith.constant dense<0.000000e+00> : vector<64x32xf32>
    %dot_general3A_1416 = tpu.matmul %concatenate3A_1329, %concatenate3A_1414, %dot_general3A_1415 {dimension_numbers = #tpu.dot_dimension_numbers<[0], [0], [1], [1], [0, 1, 1, 1], [], []>, transpose_lhs_hint = false} : vector<192x64xf32>, vector<192x32xf32>, vector<64x32xf32> -> vector<64x32xf32>
    %slice3A_1417 = vector.extract_strided_slice %dot_general3A_1336 {offsets = [704, 0], sizes = [64, 32], strides = [1, 1]} : vector<1024x32xf32> to vector<64x32xf32>
    %slice3A_1418 = vector.extract_strided_slice %dot_general3A_1343 {offsets = [704, 0], sizes = [64, 32], strides = [1, 1]} : vector<1024x32xf32> to vector<64x32xf32>
    %slice3A_1419 = vector.extract_strided_slice %dot_general3A_1350 {offsets = [704, 0], sizes = [64, 32], strides = [1, 1]} : vector<1024x32xf32> to vector<64x32xf32>
    %concatenate3A_1420 = tpu.concatenate %slice3A_1417, %slice3A_1418, %slice3A_1419 in 0 : vector<64x32xf32>, vector<64x32xf32>, vector<64x32xf32> -> vector<192x32xf32>
    %dot_general3A_1421 = arith.constant dense<0.000000e+00> : vector<64x32xf32>
    %dot_general3A_1422 = tpu.matmul %concatenate3A_1329, %concatenate3A_1420, %dot_general3A_1421 {dimension_numbers = #tpu.dot_dimension_numbers<[0], [0], [1], [1], [0, 1, 1, 1], [], []>, transpose_lhs_hint = false} : vector<192x64xf32>, vector<192x32xf32>, vector<64x32xf32> -> vector<64x32xf32>
    %slice3A_1423 = vector.extract_strided_slice %dot_general3A_1336 {offsets = [768, 0], sizes = [64, 32], strides = [1, 1]} : vector<1024x32xf32> to vector<64x32xf32>
    %slice3A_1424 = vector.extract_strided_slice %dot_general3A_1343 {offsets = [768, 0], sizes = [64, 32], strides = [1, 1]} : vector<1024x32xf32> to vector<64x32xf32>
    %slice3A_1425 = vector.extract_strided_slice %dot_general3A_1350 {offsets = [768, 0], sizes = [64, 32], strides = [1, 1]} : vector<1024x32xf32> to vector<64x32xf32>
    %concatenate3A_1426 = tpu.concatenate %slice3A_1423, %slice3A_1424, %slice3A_1425 in 0 : vector<64x32xf32>, vector<64x32xf32>, vector<64x32xf32> -> vector<192x32xf32>
    %dot_general3A_1427 = arith.constant dense<0.000000e+00> : vector<64x32xf32>
    %dot_general3A_1428 = tpu.matmul %concatenate3A_1329, %concatenate3A_1426, %dot_general3A_1427 {dimension_numbers = #tpu.dot_dimension_numbers<[0], [0], [1], [1], [0, 1, 1, 1], [], []>, transpose_lhs_hint = false} : vector<192x64xf32>, vector<192x32xf32>, vector<64x32xf32> -> vector<64x32xf32>
    %slice3A_1429 = vector.extract_strided_slice %dot_general3A_1336 {offsets = [832, 0], sizes = [64, 32], strides = [1, 1]} : vector<1024x32xf32> to vector<64x32xf32>
    %slice3A_1430 = vector.extract_strided_slice %dot_general3A_1343 {offsets = [832, 0], sizes = [64, 32], strides = [1, 1]} : vector<1024x32xf32> to vector<64x32xf32>
    %slice3A_1431 = vector.extract_strided_slice %dot_general3A_1350 {offsets = [832, 0], sizes = [64, 32], strides = [1, 1]} : vector<1024x32xf32> to vector<64x32xf32>
    %concatenate3A_1432 = tpu.concatenate %slice3A_1429, %slice3A_1430, %slice3A_1431 in 0 : vector<64x32xf32>, vector<64x32xf32>, vector<64x32xf32> -> vector<192x32xf32>
    %dot_general3A_1433 = arith.constant dense<0.000000e+00> : vector<64x32xf32>
    %dot_general3A_1434 = tpu.matmul %concatenate3A_1329, %concatenate3A_1432, %dot_general3A_1433 {dimension_numbers = #tpu.dot_dimension_numbers<[0], [0], [1], [1], [0, 1, 1, 1], [], []>, transpose_lhs_hint = false} : vector<192x64xf32>, vector<192x32xf32>, vector<64x32xf32> -> vector<64x32xf32>
    %slice3A_1435 = vector.extract_strided_slice %dot_general3A_1336 {offsets = [896, 0], sizes = [64, 32], strides = [1, 1]} : vector<1024x32xf32> to vector<64x32xf32>
    %slice3A_1436 = vector.extract_strided_slice %dot_general3A_1343 {offsets = [896, 0], sizes = [64, 32], strides = [1, 1]} : vector<1024x32xf32> to vector<64x32xf32>
    %slice3A_1437 = vector.extract_strided_slice %dot_general3A_1350 {offsets = [896, 0], sizes = [64, 32], strides = [1, 1]} : vector<1024x32xf32> to vector<64x32xf32>
    %concatenate3A_1438 = tpu.concatenate %slice3A_1435, %slice3A_1436, %slice3A_1437 in 0 : vector<64x32xf32>, vector<64x32xf32>, vector<64x32xf32> -> vector<192x32xf32>
    %dot_general3A_1439 = arith.constant dense<0.000000e+00> : vector<64x32xf32>
    %dot_general3A_1440 = tpu.matmul %concatenate3A_1329, %concatenate3A_1438, %dot_general3A_1439 {dimension_numbers = #tpu.dot_dimension_numbers<[0], [0], [1], [1], [0, 1, 1, 1], [], []>, transpose_lhs_hint = false} : vector<192x64xf32>, vector<192x32xf32>, vector<64x32xf32> -> vector<64x32xf32>
    %slice3A_1441 = vector.extract_strided_slice %dot_general3A_1336 {offsets = [960, 0], sizes = [64, 32], strides = [1, 1]} : vector<1024x32xf32> to vector<64x32xf32>
    %slice3A_1442 = vector.extract_strided_slice %dot_general3A_1343 {offsets = [960, 0], sizes = [64, 32], strides = [1, 1]} : vector<1024x32xf32> to vector<64x32xf32>
    %slice3A_1443 = vector.extract_strided_slice %dot_general3A_1350 {offsets = [960, 0], sizes = [64, 32], strides = [1, 1]} : vector<1024x32xf32> to vector<64x32xf32>
    %concatenate3A_1444 = tpu.concatenate %slice3A_1441, %slice3A_1442, %slice3A_1443 in 0 : vector<64x32xf32>, vector<64x32xf32>, vector<64x32xf32> -> vector<192x32xf32>
    %dot_general3A_1445 = arith.constant dense<0.000000e+00> : vector<64x32xf32>
    %dot_general3A_1446 = tpu.matmul %concatenate3A_1329, %concatenate3A_1444, %dot_general3A_1445 {dimension_numbers = #tpu.dot_dimension_numbers<[0], [0], [1], [1], [0, 1, 1, 1], [], []>, transpose_lhs_hint = false} : vector<192x64xf32>, vector<192x32xf32>, vector<64x32xf32> -> vector<64x32xf32>
    %concatenate3A_1447 = tpu.concatenate %dot_general3A_1356, %dot_general3A_1362, %dot_general3A_1368, %dot_general3A_1374, %dot_general3A_1380, %dot_general3A_1386, %dot_general3A_1392, %dot_general3A_1398, %dot_general3A_1404, %dot_general3A_1410, %dot_general3A_1416, %dot_general3A_1422, %dot_general3A_1428, %dot_general3A_1434, %dot_general3A_1440, %dot_general3A_1446 in 0 : vector<64x32xf32>, vector<64x32xf32>, vector<64x32xf32>, vector<64x32xf32>, vector<64x32xf32>, vector<64x32xf32>, vector<64x32xf32>, vector<64x32xf32>, vector<64x32xf32>, vector<64x32xf32>, vector<64x32xf32>, vector<64x32xf32>, vector<64x32xf32>, vector<64x32xf32>, vector<64x32xf32>, vector<64x32xf32> -> vector<1024x32xf32>
    %ge3A_1448 = arith.constant 0.000000e+00 : f32
    %ge3A_1449 = vector.broadcast %ge3A_1448 : f32 to vector<1024x32xf32>
    %ge3A_1450 = arith.cmpf oge, %concatenate3A_1447, %ge3A_1449 : vector<1024x32xf32>
    %mul3A_1451 = arith.constant 1.000000e-01 : f32
    %mul3A_1452 = vector.broadcast %mul3A_1451 : f32 to vector<1024x32xf32>
    %mul3A_1453 = arith.mulf %mul3A_1452, %concatenate3A_1447 : vector<1024x32xf32>
    %select_n3A_1454 = arith.select %ge3A_1450, %concatenate3A_1447, %mul3A_1453 : vector<1024x32xi1>, vector<1024x32xf32>
    %get3A_1455 = arith.constant 0 : index
    %get3A_1456 = arith.constant 0 : index
    %get3A_1457 = vector.load %arg3[%get3A_1455, %get3A_1456] : memref<1024x1024xf32, #tpu.memory_space<vmem>>, vector<1024x1024xf32>
    %dot_general3A_1458 = arith.constant dense<0.000000e+00> : vector<32x1024xf32>
    %dot_general3A_1459 = tpu.matmul %select_n3A_1454, %get3A_1457, %dot_general3A_1458 {dimension_numbers = #tpu.dot_dimension_numbers<[0], [1], [1], [0], [0, 1, 1, 0], [], []>, transpose_lhs_hint = false} : vector<1024x32xf32>, vector<1024x1024xf32>, vector<32x1024xf32> -> vector<32x1024xf32>
    %concatenate3A_1460 = tpu.concatenate %get3A_1265, %dot_general3A_1459 in 0 : vector<32x1024xf32>, vector<32x1024xf32> -> vector<64x1024xf32>
    %iota3A_1461 = tpu.iota {dimensions = array<i32: 1>} : vector<64x1024xi32>
    %jit3A_1462 = arith.constant 32 : i32
    %div3A_1463 = vector.broadcast %jit3A_1462 : i32 to vector<64x1024xi32>
    %div3A_1464 = arith.divsi %iota3A_1461, %div3A_1463 : vector<64x1024xi32>
    %sign3A_1465 = arith.constant 0 : i32
    %sign3A_1466 = vector.broadcast %sign3A_1465 : i32 to vector<64x1024xi32>
    %sign3A_1467 = arith.cmpi sgt, %iota3A_1461, %sign3A_1466 : vector<64x1024xi32>
    %sign3A_1468 = arith.extui %sign3A_1467 : vector<64x1024xi1> to vector<64x1024xi32>
    %sign3A_1469 = arith.constant 0 : i32
    %sign3A_1470 = vector.broadcast %sign3A_1469 : i32 to vector<64x1024xi32>
    %sign3A_1471 = arith.cmpi slt, %iota3A_1461, %sign3A_1470 : vector<64x1024xi32>
    %sign3A_1472 = arith.extui %sign3A_1471 : vector<64x1024xi1> to vector<64x1024xi32>
    %sign3A_1473 = arith.subi %sign3A_1468, %sign3A_1472 : vector<64x1024xi32>
    %sign3A_1474 = arith.constant 0 : i32
    %sign3A_1475 = arith.cmpi sgt, %jit3A_1462, %sign3A_1474 : i32
    %sign3A_1476 = arith.extui %sign3A_1475 : i1 to i32
    %sign3A_1477 = arith.constant 0 : i32
    %sign3A_1478 = arith.cmpi slt, %jit3A_1462, %sign3A_1477 : i32
    %sign3A_1479 = arith.extui %sign3A_1478 : i1 to i32
    %sign3A_1480 = arith.subi %sign3A_1476, %sign3A_1479 : i32
    %ne3A_1481 = vector.broadcast %sign3A_1480 : i32 to vector<64x1024xi32>
    %ne3A_1482 = arith.cmpi ne, %sign3A_1473, %ne3A_1481 : vector<64x1024xi32>
    %rem3A_1483 = vector.broadcast %jit3A_1462 : i32 to vector<64x1024xi32>
    %rem3A_1484 = arith.remsi %iota3A_1461, %rem3A_1483 : vector<64x1024xi32>
    %ne3A_1485 = arith.constant 0 : i32
    %ne3A_1486 = vector.broadcast %ne3A_1485 : i32 to vector<64x1024xi32>
    %ne3A_1487 = arith.cmpi ne, %rem3A_1484, %ne3A_1486 : vector<64x1024xi32>
    %and3A_1488 = arith.andi %ne3A_1482, %ne3A_1487 : vector<64x1024xi1>
    %sub3A_1489 = arith.constant 1 : i32
    %sub3A_1490 = vector.broadcast %sub3A_1489 : i32 to vector<64x1024xi32>
    %sub3A_1491 = arith.subi %div3A_1464, %sub3A_1490 : vector<64x1024xi32>
    %select_n3A_1492 = arith.select %and3A_1488, %sub3A_1491, %div3A_1464 : vector<64x1024xi1>, vector<64x1024xi32>
    %iota3A_1493 = tpu.iota {dimensions = array<i32: 1>} : vector<64x1024xi32>
    %jit3A_1494 = arith.constant 32 : i32
    %eq3A_1495 = arith.constant 0 : i32
    %eq3A_1496 = arith.cmpi eq, %jit3A_1494, %eq3A_1495 : i32
    %jit3A_1497 = arith.constant 1 : i32
    %select_n3A_1498 = arith.select %eq3A_1496, %jit3A_1497, %jit3A_1494 : i32
    %rem3A_1499 = vector.broadcast %select_n3A_1498 : i32 to vector<64x1024xi32>
    %rem3A_1500 = arith.remsi %iota3A_1493, %rem3A_1499 : vector<64x1024xi32>
    %ne3A_1501 = arith.constant 0 : i32
    %ne3A_1502 = vector.broadcast %ne3A_1501 : i32 to vector<64x1024xi32>
    %ne3A_1503 = arith.cmpi ne, %rem3A_1500, %ne3A_1502 : vector<64x1024xi32>
    %lt3A_1504 = arith.constant 0 : i32
    %lt3A_1505 = vector.broadcast %lt3A_1504 : i32 to vector<64x1024xi32>
    %lt3A_1506 = arith.cmpi slt, %rem3A_1500, %lt3A_1505 : vector<64x1024xi32>
    %lt3A_1507 = arith.constant 0 : i32
    %lt3A_1508 = arith.cmpi slt, %select_n3A_1498, %lt3A_1507 : i32
    %ne3A_1509 = vector.broadcast %lt3A_1508 : i1 to vector<64x1024xi1>
    %ne3A_1510 = vector.broadcast %ne3A_1509 : vector<64x1024xi1> to vector<64x1024xi1>
    %ne3A_1511 = arith.xori %lt3A_1506, %ne3A_1510 : vector<64x1024xi1>
    %and3A_1512 = arith.andi %ne3A_1511, %ne3A_1503 : vector<64x1024xi1>
    %add3A_1513 = vector.broadcast %select_n3A_1498 : i32 to vector<64x1024xi32>
    %add3A_1514 = arith.addi %rem3A_1500, %add3A_1513 : vector<64x1024xi32>
    %select_n3A_1515 = arith.select %and3A_1512, %add3A_1514, %rem3A_1500 : vector<64x1024xi1>, vector<64x1024xi32>
    %broadcast_in_dim3A_1516 = arith.constant 0.000000e+00 : f32
    %broadcast_in_dim3A_1517 = vector.broadcast %broadcast_in_dim3A_1516 : f32 to vector<32x1024xf32>
    %broadcast_in_dim3A_1518 = arith.constant 0.000000e+00 : f32
    %broadcast_in_dim3A_1519 = vector.broadcast %broadcast_in_dim3A_1518 : f32 to vector<32x1024xf32>
    %broadcast_in_dim3A_1520 = arith.constant 0.000000e+00 : f32
    %broadcast_in_dim3A_1521 = vector.broadcast %broadcast_in_dim3A_1520 : f32 to vector<32x1024xf32>
    %ge3A_1522 = arith.constant 1 : i32
    %ge3A_1523 = vector.broadcast %ge3A_1522 : i32 to vector<64x1024xi32>
    %ge3A_1524 = arith.cmpi sge, %select_n3A_1492, %ge3A_1523 : vector<64x1024xi32>
    %ge3A_1525 = arith.constant 1 : i32
    %ge3A_1526 = vector.broadcast %ge3A_1525 : i32 to vector<64x1024xi32>
    %ge3A_1527 = arith.cmpi sge, %select_n3A_1515, %ge3A_1526 : vector<64x1024xi32>
    %and3A_1528 = arith.andi %ge3A_1524, %ge3A_1527 : vector<64x1024xi1>
    %roll3A_1529 = arith.constant 33 : i32
    %roll3A_1530 = tpu.dynamic_rotate %concatenate3A_1460 by %roll3A_1529 dim 1 : vector<64x1024xf32>, i32 -> vector<64x1024xf32>
    %jit3A_1531 = arith.constant 0.000000e+00 : f32
    %broadcast_in_dim3A_1532 = vector.broadcast %jit3A_1531 : f32 to vector<64x1024xf32>
    %select_n3A_1533 = arith.select %and3A_1528, %roll3A_1530, %broadcast_in_dim3A_1532 : vector<64x1024xi1>, vector<64x1024xf32>
    %get3A_1534 = arith.constant 0 : index
    %get3A_1535 = arith.constant 0 : index
    %get3A_1536 = arith.constant 0 : index
    %get3A_1537 = vector.load %arg5[%get3A_1534, %get3A_1535, %get3A_1536] : memref<9x32x64xf32, #tpu.memory_space<vmem>>, vector<1x32x64xf32>
    %get3A_1538 = vector.shape_cast %get3A_1537 : vector<1x32x64xf32> to vector<32x64xf32>
    %dot_general3A_1539 = arith.constant dense<0.000000e+00> : vector<32x1024xf32>
    %dot_general3A_1540 = tpu.matmul %get3A_1538, %select_n3A_1533, %dot_general3A_1539 {dimension_numbers = #tpu.dot_dimension_numbers<[1], [0], [0], [1], [0, 0, 1, 1], [], []>, transpose_lhs_hint = false} : vector<32x64xf32>, vector<64x1024xf32>, vector<32x1024xf32> -> vector<32x1024xf32>
    %add3A_1541 = arith.addf %broadcast_in_dim3A_1517, %dot_general3A_1540 : vector<32x1024xf32>
    %ge3A_1542 = arith.constant 1 : i32
    %ge3A_1543 = vector.broadcast %ge3A_1542 : i32 to vector<64x1024xi32>
    %ge3A_1544 = arith.cmpi sge, %select_n3A_1492, %ge3A_1543 : vector<64x1024xi32>
    %roll3A_1545 = arith.constant 32 : i32
    %roll3A_1546 = tpu.dynamic_rotate %concatenate3A_1460 by %roll3A_1545 dim 1 : vector<64x1024xf32>, i32 -> vector<64x1024xf32>
    %jit3A_1547 = arith.constant 0.000000e+00 : f32
    %broadcast_in_dim3A_1548 = vector.broadcast %jit3A_1547 : f32 to vector<64x1024xf32>
    %select_n3A_1549 = arith.select %ge3A_1544, %roll3A_1546, %broadcast_in_dim3A_1548 : vector<64x1024xi1>, vector<64x1024xf32>
    %get3A_1550 = arith.constant 1 : index
    %get3A_1551 = arith.constant 0 : index
    %get3A_1552 = arith.constant 0 : index
    %get3A_1553 = vector.load %arg5[%get3A_1550, %get3A_1551, %get3A_1552] : memref<9x32x64xf32, #tpu.memory_space<vmem>>, vector<1x32x64xf32>
    %get3A_1554 = vector.shape_cast %get3A_1553 : vector<1x32x64xf32> to vector<32x64xf32>
    %dot_general3A_1555 = arith.constant dense<0.000000e+00> : vector<32x1024xf32>
    %dot_general3A_1556 = tpu.matmul %get3A_1554, %select_n3A_1549, %dot_general3A_1555 {dimension_numbers = #tpu.dot_dimension_numbers<[1], [0], [0], [1], [0, 0, 1, 1], [], []>, transpose_lhs_hint = false} : vector<32x64xf32>, vector<64x1024xf32>, vector<32x1024xf32> -> vector<32x1024xf32>
    %add3A_1557 = arith.addf %broadcast_in_dim3A_1519, %dot_general3A_1556 : vector<32x1024xf32>
    %ge3A_1558 = arith.constant 1 : i32
    %ge3A_1559 = vector.broadcast %ge3A_1558 : i32 to vector<64x1024xi32>
    %ge3A_1560 = arith.cmpi sge, %select_n3A_1492, %ge3A_1559 : vector<64x1024xi32>
    %lt3A_1561 = arith.constant 31 : i32
    %lt3A_1562 = vector.broadcast %lt3A_1561 : i32 to vector<64x1024xi32>
    %lt3A_1563 = arith.cmpi slt, %select_n3A_1515, %lt3A_1562 : vector<64x1024xi32>
    %and3A_1564 = arith.andi %ge3A_1560, %lt3A_1563 : vector<64x1024xi1>
    %roll3A_1565 = arith.constant 31 : i32
    %roll3A_1566 = tpu.dynamic_rotate %concatenate3A_1460 by %roll3A_1565 dim 1 : vector<64x1024xf32>, i32 -> vector<64x1024xf32>
    %jit3A_1567 = arith.constant 0.000000e+00 : f32
    %broadcast_in_dim3A_1568 = vector.broadcast %jit3A_1567 : f32 to vector<64x1024xf32>
    %select_n3A_1569 = arith.select %and3A_1564, %roll3A_1566, %broadcast_in_dim3A_1568 : vector<64x1024xi1>, vector<64x1024xf32>
    %get3A_1570 = arith.constant 2 : index
    %get3A_1571 = arith.constant 0 : index
    %get3A_1572 = arith.constant 0 : index
    %get3A_1573 = vector.load %arg5[%get3A_1570, %get3A_1571, %get3A_1572] : memref<9x32x64xf32, #tpu.memory_space<vmem>>, vector<1x32x64xf32>
    %get3A_1574 = vector.shape_cast %get3A_1573 : vector<1x32x64xf32> to vector<32x64xf32>
    %dot_general3A_1575 = arith.constant dense<0.000000e+00> : vector<32x1024xf32>
    %dot_general3A_1576 = tpu.matmul %get3A_1574, %select_n3A_1569, %dot_general3A_1575 {dimension_numbers = #tpu.dot_dimension_numbers<[1], [0], [0], [1], [0, 0, 1, 1], [], []>, transpose_lhs_hint = false} : vector<32x64xf32>, vector<64x1024xf32>, vector<32x1024xf32> -> vector<32x1024xf32>
    %add3A_1577 = arith.addf %broadcast_in_dim3A_1521, %dot_general3A_1576 : vector<32x1024xf32>
    %ge3A_1578 = arith.constant 1 : i32
    %ge3A_1579 = vector.broadcast %ge3A_1578 : i32 to vector<64x1024xi32>
    %ge3A_1580 = arith.cmpi sge, %select_n3A_1515, %ge3A_1579 : vector<64x1024xi32>
    %roll3A_1581 = arith.constant 1 : i32
    %roll3A_1582 = tpu.dynamic_rotate %concatenate3A_1460 by %roll3A_1581 dim 1 : vector<64x1024xf32>, i32 -> vector<64x1024xf32>
    %jit3A_1583 = arith.constant 0.000000e+00 : f32
    %broadcast_in_dim3A_1584 = vector.broadcast %jit3A_1583 : f32 to vector<64x1024xf32>
    %select_n3A_1585 = arith.select %ge3A_1580, %roll3A_1582, %broadcast_in_dim3A_1584 : vector<64x1024xi1>, vector<64x1024xf32>
    %get3A_1586 = arith.constant 3 : index
    %get3A_1587 = arith.constant 0 : index
    %get3A_1588 = arith.constant 0 : index
    %get3A_1589 = vector.load %arg5[%get3A_1586, %get3A_1587, %get3A_1588] : memref<9x32x64xf32, #tpu.memory_space<vmem>>, vector<1x32x64xf32>
    %get3A_1590 = vector.shape_cast %get3A_1589 : vector<1x32x64xf32> to vector<32x64xf32>
    %dot_general3A_1591 = arith.constant dense<0.000000e+00> : vector<32x1024xf32>
    %dot_general3A_1592 = tpu.matmul %get3A_1590, %select_n3A_1585, %dot_general3A_1591 {dimension_numbers = #tpu.dot_dimension_numbers<[1], [0], [0], [1], [0, 0, 1, 1], [], []>, transpose_lhs_hint = false} : vector<32x64xf32>, vector<64x1024xf32>, vector<32x1024xf32> -> vector<32x1024xf32>
    %add3A_1593 = arith.addf %add3A_1541, %dot_general3A_1592 : vector<32x1024xf32>
    %get3A_1594 = arith.constant 4 : index
    %get3A_1595 = arith.constant 0 : index
    %get3A_1596 = arith.constant 0 : index
    %get3A_1597 = vector.load %arg5[%get3A_1594, %get3A_1595, %get3A_1596] : memref<9x32x64xf32, #tpu.memory_space<vmem>>, vector<1x32x64xf32>
    %get3A_1598 = vector.shape_cast %get3A_1597 : vector<1x32x64xf32> to vector<32x64xf32>
    %dot_general3A_1599 = arith.constant dense<0.000000e+00> : vector<32x1024xf32>
    %dot_general3A_1600 = tpu.matmul %get3A_1598, %concatenate3A_1460, %dot_general3A_1599 {dimension_numbers = #tpu.dot_dimension_numbers<[1], [0], [0], [1], [0, 0, 1, 1], [], []>, transpose_lhs_hint = false} : vector<32x64xf32>, vector<64x1024xf32>, vector<32x1024xf32> -> vector<32x1024xf32>
    %add3A_1601 = arith.addf %add3A_1557, %dot_general3A_1600 : vector<32x1024xf32>
    %lt3A_1602 = arith.constant 31 : i32
    %lt3A_1603 = vector.broadcast %lt3A_1602 : i32 to vector<64x1024xi32>
    %lt3A_1604 = arith.cmpi slt, %select_n3A_1515, %lt3A_1603 : vector<64x1024xi32>
    %roll3A_1605 = arith.constant 1023 : i32
    %roll3A_1606 = tpu.dynamic_rotate %concatenate3A_1460 by %roll3A_1605 dim 1 : vector<64x1024xf32>, i32 -> vector<64x1024xf32>
    %jit3A_1607 = arith.constant 0.000000e+00 : f32
    %broadcast_in_dim3A_1608 = vector.broadcast %jit3A_1607 : f32 to vector<64x1024xf32>
    %select_n3A_1609 = arith.select %lt3A_1604, %roll3A_1606, %broadcast_in_dim3A_1608 : vector<64x1024xi1>, vector<64x1024xf32>
    %get3A_1610 = arith.constant 5 : index
    %get3A_1611 = arith.constant 0 : index
    %get3A_1612 = arith.constant 0 : index
    %get3A_1613 = vector.load %arg5[%get3A_1610, %get3A_1611, %get3A_1612] : memref<9x32x64xf32, #tpu.memory_space<vmem>>, vector<1x32x64xf32>
    %get3A_1614 = vector.shape_cast %get3A_1613 : vector<1x32x64xf32> to vector<32x64xf32>
    %dot_general3A_1615 = arith.constant dense<0.000000e+00> : vector<32x1024xf32>
    %dot_general3A_1616 = tpu.matmul %get3A_1614, %select_n3A_1609, %dot_general3A_1615 {dimension_numbers = #tpu.dot_dimension_numbers<[1], [0], [0], [1], [0, 0, 1, 1], [], []>, transpose_lhs_hint = false} : vector<32x64xf32>, vector<64x1024xf32>, vector<32x1024xf32> -> vector<32x1024xf32>
    %add3A_1617 = arith.addf %add3A_1577, %dot_general3A_1616 : vector<32x1024xf32>
    %lt3A_1618 = arith.constant 31 : i32
    %lt3A_1619 = vector.broadcast %lt3A_1618 : i32 to vector<64x1024xi32>
    %lt3A_1620 = arith.cmpi slt, %select_n3A_1492, %lt3A_1619 : vector<64x1024xi32>
    %ge3A_1621 = arith.constant 1 : i32
    %ge3A_1622 = vector.broadcast %ge3A_1621 : i32 to vector<64x1024xi32>
    %ge3A_1623 = arith.cmpi sge, %select_n3A_1515, %ge3A_1622 : vector<64x1024xi32>
    %and3A_1624 = arith.andi %lt3A_1620, %ge3A_1623 : vector<64x1024xi1>
    %roll3A_1625 = arith.constant 993 : i32
    %roll3A_1626 = tpu.dynamic_rotate %concatenate3A_1460 by %roll3A_1625 dim 1 : vector<64x1024xf32>, i32 -> vector<64x1024xf32>
    %jit3A_1627 = arith.constant 0.000000e+00 : f32
    %broadcast_in_dim3A_1628 = vector.broadcast %jit3A_1627 : f32 to vector<64x1024xf32>
    %select_n3A_1629 = arith.select %and3A_1624, %roll3A_1626, %broadcast_in_dim3A_1628 : vector<64x1024xi1>, vector<64x1024xf32>
    %get3A_1630 = arith.constant 6 : index
    %get3A_1631 = arith.constant 0 : index
    %get3A_1632 = arith.constant 0 : index
    %get3A_1633 = vector.load %arg5[%get3A_1630, %get3A_1631, %get3A_1632] : memref<9x32x64xf32, #tpu.memory_space<vmem>>, vector<1x32x64xf32>
    %get3A_1634 = vector.shape_cast %get3A_1633 : vector<1x32x64xf32> to vector<32x64xf32>
    %dot_general3A_1635 = arith.constant dense<0.000000e+00> : vector<32x1024xf32>
    %dot_general3A_1636 = tpu.matmul %get3A_1634, %select_n3A_1629, %dot_general3A_1635 {dimension_numbers = #tpu.dot_dimension_numbers<[1], [0], [0], [1], [0, 0, 1, 1], [], []>, transpose_lhs_hint = false} : vector<32x64xf32>, vector<64x1024xf32>, vector<32x1024xf32> -> vector<32x1024xf32>
    %add3A_1637 = arith.addf %add3A_1593, %dot_general3A_1636 : vector<32x1024xf32>
    %lt3A_1638 = arith.constant 31 : i32
    %lt3A_1639 = vector.broadcast %lt3A_1638 : i32 to vector<64x1024xi32>
    %lt3A_1640 = arith.cmpi slt, %select_n3A_1492, %lt3A_1639 : vector<64x1024xi32>
    %roll3A_1641 = arith.constant 992 : i32
    %roll3A_1642 = tpu.dynamic_rotate %concatenate3A_1460 by %roll3A_1641 dim 1 : vector<64x1024xf32>, i32 -> vector<64x1024xf32>
    %jit3A_1643 = arith.constant 0.000000e+00 : f32
    %broadcast_in_dim3A_1644 = vector.broadcast %jit3A_1643 : f32 to vector<64x1024xf32>
    %select_n3A_1645 = arith.select %lt3A_1640, %roll3A_1642, %broadcast_in_dim3A_1644 : vector<64x1024xi1>, vector<64x1024xf32>
    %get3A_1646 = arith.constant 7 : index
    %get3A_1647 = arith.constant 0 : index
    %get3A_1648 = arith.constant 0 : index
    %get3A_1649 = vector.load %arg5[%get3A_1646, %get3A_1647, %get3A_1648] : memref<9x32x64xf32, #tpu.memory_space<vmem>>, vector<1x32x64xf32>
    %get3A_1650 = vector.shape_cast %get3A_1649 : vector<1x32x64xf32> to vector<32x64xf32>
    %dot_general3A_1651 = arith.constant dense<0.000000e+00> : vector<32x1024xf32>
    %dot_general3A_1652 = tpu.matmul %get3A_1650, %select_n3A_1645, %dot_general3A_1651 {dimension_numbers = #tpu.dot_dimension_numbers<[1], [0], [0], [1], [0, 0, 1, 1], [], []>, transpose_lhs_hint = false} : vector<32x64xf32>, vector<64x1024xf32>, vector<32x1024xf32> -> vector<32x1024xf32>
    %add3A_1653 = arith.addf %add3A_1601, %dot_general3A_1652 : vector<32x1024xf32>
    %lt3A_1654 = arith.constant 31 : i32
    %lt3A_1655 = vector.broadcast %lt3A_1654 : i32 to vector<64x1024xi32>
    %lt3A_1656 = arith.cmpi slt, %select_n3A_1492, %lt3A_1655 : vector<64x1024xi32>
    %lt3A_1657 = arith.constant 31 : i32
    %lt3A_1658 = vector.broadcast %lt3A_1657 : i32 to vector<64x1024xi32>
    %lt3A_1659 = arith.cmpi slt, %select_n3A_1515, %lt3A_1658 : vector<64x1024xi32>
    %and3A_1660 = arith.andi %lt3A_1656, %lt3A_1659 : vector<64x1024xi1>
    %roll3A_1661 = arith.constant 991 : i32
    %roll3A_1662 = tpu.dynamic_rotate %concatenate3A_1460 by %roll3A_1661 dim 1 : vector<64x1024xf32>, i32 -> vector<64x1024xf32>
    %jit3A_1663 = arith.constant 0.000000e+00 : f32
    %broadcast_in_dim3A_1664 = vector.broadcast %jit3A_1663 : f32 to vector<64x1024xf32>
    %select_n3A_1665 = arith.select %and3A_1660, %roll3A_1662, %broadcast_in_dim3A_1664 : vector<64x1024xi1>, vector<64x1024xf32>
    %get3A_1666 = arith.constant 8 : index
    %get3A_1667 = arith.constant 0 : index
    %get3A_1668 = arith.constant 0 : index
    %get3A_1669 = vector.load %arg5[%get3A_1666, %get3A_1667, %get3A_1668] : memref<9x32x64xf32, #tpu.memory_space<vmem>>, vector<1x32x64xf32>
    %get3A_1670 = vector.shape_cast %get3A_1669 : vector<1x32x64xf32> to vector<32x64xf32>
    %dot_general3A_1671 = arith.constant dense<0.000000e+00> : vector<32x1024xf32>
    %dot_general3A_1672 = tpu.matmul %get3A_1670, %select_n3A_1665, %dot_general3A_1671 {dimension_numbers = #tpu.dot_dimension_numbers<[1], [0], [0], [1], [0, 0, 1, 1], [], []>, transpose_lhs_hint = false} : vector<32x64xf32>, vector<64x1024xf32>, vector<32x1024xf32> -> vector<32x1024xf32>
    %add3A_1673 = arith.addf %add3A_1617, %dot_general3A_1672 : vector<32x1024xf32>
    %add3A_1674 = arith.addf %add3A_1637, %add3A_1653 : vector<32x1024xf32>
    %add3A_1675 = arith.addf %add3A_1674, %add3A_1673 : vector<32x1024xf32>
    %ge3A_1676 = arith.constant 0.000000e+00 : f32
    %ge3A_1677 = vector.broadcast %ge3A_1676 : f32 to vector<32x1024xf32>
    %ge3A_1678 = arith.cmpf oge, %add3A_1675, %ge3A_1677 : vector<32x1024xf32>
    %mul3A_1679 = arith.constant 1.000000e-01 : f32
    %mul3A_1680 = vector.broadcast %mul3A_1679 : f32 to vector<32x1024xf32>
    %mul3A_1681 = arith.mulf %mul3A_1680, %add3A_1675 : vector<32x1024xf32>
    %select_n3A_1682 = arith.select %ge3A_1678, %add3A_1675, %mul3A_1681 : vector<32x1024xi1>, vector<32x1024xf32>
    %swap3A_1683 = arith.constant 3 : index
    %swap3A_1684 = arith.constant 0 : index
    %swap3A_1685 = arith.constant 0 : index
    %swap3A_1686 = vector.load %arg6[%swap3A_1683, %swap3A_1684, %swap3A_1685] : memref<5x32x1024xf32, #tpu.memory_space<vmem>>, vector<1x32x1024xf32>
    %swap3A_1687 = vector.shape_cast %swap3A_1686 : vector<1x32x1024xf32> to vector<32x1024xf32>
    %swap3A_1688 = vector.shape_cast %select_n3A_1682 : vector<32x1024xf32> to vector<1x32x1024xf32>
    tpu.vector_store %arg6[%swap3A_1683, %swap3A_1684, %swap3A_1685], %swap3A_1688 {strides = array<i32>} : memref<5x32x1024xf32, #tpu.memory_space<vmem>>, vector<1x32x1024xf32>,
    %get3A_1689 = arith.constant 4 : index
    %get3A_1690 = arith.constant 0 : index
    %get3A_1691 = arith.constant 0 : index
    %get3A_1692 = vector.load %arg1[%get3A_1689, %get3A_1690, %get3A_1691] : memref<5x32x1024xf32, #tpu.memory_space<vmem>>, vector<1x32x1024xf32>
    %get3A_1693 = vector.shape_cast %get3A_1692 : vector<1x32x1024xf32> to vector<32x1024xf32>
    %get3A_1694 = arith.constant 0 : index
    %get3A_1695 = arith.constant 0 : index
    %get3A_1696 = vector.load %arg3[%get3A_1694, %get3A_1695] : memref<1024x1024xf32, #tpu.memory_space<vmem>>, vector<1024x1024xf32>
    %dot_general3A_1697 = arith.constant dense<0.000000e+00> : vector<32x1024xf32>
    %dot_general3A_1698 = tpu.matmul %get3A_1693, %get3A_1696, %dot_general3A_1697 {dimension_numbers = #tpu.dot_dimension_numbers<[1], [0], [0], [1], [0, 0, 1, 1], [], []>, transpose_lhs_hint = false} : vector<32x1024xf32>, vector<1024x1024xf32>, vector<32x1024xf32> -> vector<32x1024xf32>
    %get3A_1699 = arith.constant 4 : index
    %get3A_1700 = arith.constant 0 : index
    %get3A_1701 = arith.constant 0 : index
    %get3A_1702 = arith.constant 0 : index
    %get3A_1703 = vector.load %arg2[%get3A_1699, %get3A_1700, %get3A_1701, %get3A_1702] : memref<5x4x3x16xi32, #tpu.memory_space<vmem>>, vector<1x4x3x16xi32>
    %get3A_1704 = vector.shape_cast %get3A_1703 : vector<1x4x3x16xi32> to vector<4x3x16xi32>
    %iota3A_1705 = tpu.iota {dimensions = array<i32: 0>} : vector<64x64xi32>
    %slice3A_1706 = vector.extract_strided_slice %get3A_1704 {offsets = [0, 0, 0], sizes = [1, 1, 16], strides = [1, 1, 1]} : vector<4x3x16xi32> to vector<1x1x16xi32>
    %squeeze3A_1707 = vector.shape_cast %slice3A_1706 : vector<1x1x16xi32> to vector<16xi32>
    %broadcast_in_dim3A_1708 = vector.shape_cast %squeeze3A_1707 : vector<16xi32> to vector<1x16xi32>
    %slice3A_1709 = vector.extract_strided_slice %get3A_1704 {offsets = [1, 0, 0], sizes = [1, 1, 16], strides = [1, 1, 1]} : vector<4x3x16xi32> to vector<1x1x16xi32>
    %squeeze3A_1710 = vector.shape_cast %slice3A_1709 : vector<1x1x16xi32> to vector<16xi32>
    %broadcast_in_dim3A_1711 = vector.shape_cast %squeeze3A_1710 : vector<16xi32> to vector<1x16xi32>
    %slice3A_1712 = vector.extract_strided_slice %get3A_1704 {offsets = [2, 0, 0], sizes = [1, 1, 16], strides = [1, 1, 1]} : vector<4x3x16xi32> to vector<1x1x16xi32>
    %squeeze3A_1713 = vector.shape_cast %slice3A_1712 : vector<1x1x16xi32> to vector<16xi32>
    %broadcast_in_dim3A_1714 = vector.shape_cast %squeeze3A_1713 : vector<16xi32> to vector<1x16xi32>
    %slice3A_1715 = vector.extract_strided_slice %get3A_1704 {offsets = [3, 0, 0], sizes = [1, 1, 16], strides = [1, 1, 1]} : vector<4x3x16xi32> to vector<1x1x16xi32>
    %squeeze3A_1716 = vector.shape_cast %slice3A_1715 : vector<1x1x16xi32> to vector<16xi32>
    %broadcast_in_dim3A_1717 = vector.shape_cast %squeeze3A_1716 : vector<16xi32> to vector<1x16xi32>
    %concatenate3A_1718 = tpu.concatenate %broadcast_in_dim3A_1708, %broadcast_in_dim3A_1711, %broadcast_in_dim3A_1714, %broadcast_in_dim3A_1717 in 1 : vector<1x16xi32>, vector<1x16xi32>, vector<1x16xi32>, vector<1x16xi32> -> vector<1x64xi32>
    %eq3A_1719 = vector.broadcast %concatenate3A_1718 : vector<1x64xi32> to vector<64x64xi32>
    %eq3A_1720 = arith.cmpi eq, %iota3A_1705, %eq3A_1719 : vector<64x64xi32>
    %convert_element_type3A_1721 = arith.extui %eq3A_1720 : vector<64x64xi1> to vector<64x64xi32>
    %convert_element_type3A_1722 = arith.sitofp %convert_element_type3A_1721 : vector<64x64xi32> to vector<64x64xf32>
    %slice3A_1723 = vector.extract_strided_slice %get3A_1704 {offsets = [0, 1, 0], sizes = [1, 1, 16], strides = [1, 1, 1]} : vector<4x3x16xi32> to vector<1x1x16xi32>
    %squeeze3A_1724 = vector.shape_cast %slice3A_1723 : vector<1x1x16xi32> to vector<16xi32>
    %broadcast_in_dim3A_1725 = vector.shape_cast %squeeze3A_1724 : vector<16xi32> to vector<1x16xi32>
    %slice3A_1726 = vector.extract_strided_slice %get3A_1704 {offsets = [1, 1, 0], sizes = [1, 1, 16], strides = [1, 1, 1]} : vector<4x3x16xi32> to vector<1x1x16xi32>
    %squeeze3A_1727 = vector.shape_cast %slice3A_1726 : vector<1x1x16xi32> to vector<16xi32>
    %broadcast_in_dim3A_1728 = vector.shape_cast %squeeze3A_1727 : vector<16xi32> to vector<1x16xi32>
    %slice3A_1729 = vector.extract_strided_slice %get3A_1704 {offsets = [2, 1, 0], sizes = [1, 1, 16], strides = [1, 1, 1]} : vector<4x3x16xi32> to vector<1x1x16xi32>
    %squeeze3A_1730 = vector.shape_cast %slice3A_1729 : vector<1x1x16xi32> to vector<16xi32>
    %broadcast_in_dim3A_1731 = vector.shape_cast %squeeze3A_1730 : vector<16xi32> to vector<1x16xi32>
    %slice3A_1732 = vector.extract_strided_slice %get3A_1704 {offsets = [3, 1, 0], sizes = [1, 1, 16], strides = [1, 1, 1]} : vector<4x3x16xi32> to vector<1x1x16xi32>
    %squeeze3A_1733 = vector.shape_cast %slice3A_1732 : vector<1x1x16xi32> to vector<16xi32>
    %broadcast_in_dim3A_1734 = vector.shape_cast %squeeze3A_1733 : vector<16xi32> to vector<1x16xi32>
    %concatenate3A_1735 = tpu.concatenate %broadcast_in_dim3A_1725, %broadcast_in_dim3A_1728, %broadcast_in_dim3A_1731, %broadcast_in_dim3A_1734 in 1 : vector<1x16xi32>, vector<1x16xi32>, vector<1x16xi32>, vector<1x16xi32> -> vector<1x64xi32>
    %eq3A_1736 = vector.broadcast %concatenate3A_1735 : vector<1x64xi32> to vector<64x64xi32>
    %eq3A_1737 = arith.cmpi eq, %iota3A_1705, %eq3A_1736 : vector<64x64xi32>
    %convert_element_type3A_1738 = arith.extui %eq3A_1737 : vector<64x64xi1> to vector<64x64xi32>
    %convert_element_type3A_1739 = arith.sitofp %convert_element_type3A_1738 : vector<64x64xi32> to vector<64x64xf32>
    %slice3A_1740 = vector.extract_strided_slice %get3A_1704 {offsets = [0, 2, 0], sizes = [1, 1, 16], strides = [1, 1, 1]} : vector<4x3x16xi32> to vector<1x1x16xi32>
    %squeeze3A_1741 = vector.shape_cast %slice3A_1740 : vector<1x1x16xi32> to vector<16xi32>
    %broadcast_in_dim3A_1742 = vector.shape_cast %squeeze3A_1741 : vector<16xi32> to vector<1x16xi32>
    %slice3A_1743 = vector.extract_strided_slice %get3A_1704 {offsets = [1, 2, 0], sizes = [1, 1, 16], strides = [1, 1, 1]} : vector<4x3x16xi32> to vector<1x1x16xi32>
    %squeeze3A_1744 = vector.shape_cast %slice3A_1743 : vector<1x1x16xi32> to vector<16xi32>
    %broadcast_in_dim3A_1745 = vector.shape_cast %squeeze3A_1744 : vector<16xi32> to vector<1x16xi32>
    %slice3A_1746 = vector.extract_strided_slice %get3A_1704 {offsets = [2, 2, 0], sizes = [1, 1, 16], strides = [1, 1, 1]} : vector<4x3x16xi32> to vector<1x1x16xi32>
    %squeeze3A_1747 = vector.shape_cast %slice3A_1746 : vector<1x1x16xi32> to vector<16xi32>
    %broadcast_in_dim3A_1748 = vector.shape_cast %squeeze3A_1747 : vector<16xi32> to vector<1x16xi32>
    %slice3A_1749 = vector.extract_strided_slice %get3A_1704 {offsets = [3, 2, 0], sizes = [1, 1, 16], strides = [1, 1, 1]} : vector<4x3x16xi32> to vector<1x1x16xi32>
    %squeeze3A_1750 = vector.shape_cast %slice3A_1749 : vector<1x1x16xi32> to vector<16xi32>
    %broadcast_in_dim3A_1751 = vector.shape_cast %squeeze3A_1750 : vector<16xi32> to vector<1x16xi32>
    %concatenate3A_1752 = tpu.concatenate %broadcast_in_dim3A_1742, %broadcast_in_dim3A_1745, %broadcast_in_dim3A_1748, %broadcast_in_dim3A_1751 in 1 : vector<1x16xi32>, vector<1x16xi32>, vector<1x16xi32>, vector<1x16xi32> -> vector<1x64xi32>
    %eq3A_1753 = vector.broadcast %concatenate3A_1752 : vector<1x64xi32> to vector<64x64xi32>
    %eq3A_1754 = arith.cmpi eq, %iota3A_1705, %eq3A_1753 : vector<64x64xi32>
    %convert_element_type3A_1755 = arith.extui %eq3A_1754 : vector<64x64xi1> to vector<64x64xi32>
    %convert_element_type3A_1756 = arith.sitofp %convert_element_type3A_1755 : vector<64x64xi32> to vector<64x64xf32>
    %concatenate3A_1757 = tpu.concatenate %convert_element_type3A_1722, %convert_element_type3A_1739, %convert_element_type3A_1756 in 0 : vector<64x64xf32>, vector<64x64xf32>, vector<64x64xf32> -> vector<192x64xf32>
    %get3A_1758 = arith.constant 0 : index
    %get3A_1759 = arith.constant 0 : index
    %get3A_1760 = arith.constant 0 : index
    %get3A_1761 = vector.load %arg4[%get3A_1758, %get3A_1759, %get3A_1760] : memref<3x32x32xf32, #tpu.memory_space<vmem>>, vector<1x32x32xf32>
    %get3A_1762 = vector.shape_cast %get3A_1761 : vector<1x32x32xf32> to vector<32x32xf32>
    %dot_general3A_1763 = arith.constant dense<0.000000e+00> : vector<1024x32xf32>
    %dot_general3A_1764 = tpu.matmul %dot_general3A_1698, %get3A_1762, %dot_general3A_1763 {dimension_numbers = #tpu.dot_dimension_numbers<[0], [1], [1], [0], [0, 1, 1, 0], [], []>, transpose_lhs_hint = false} : vector<32x1024xf32>, vector<32x32xf32>, vector<1024x32xf32> -> vector<1024x32xf32>
    %get3A_1765 = arith.constant 1 : index
    %get3A_1766 = arith.constant 0 : index
    %get3A_1767 = arith.constant 0 : index
    %get3A_1768 = vector.load %arg4[%get3A_1765, %get3A_1766, %get3A_1767] : memref<3x32x32xf32, #tpu.memory_space<vmem>>, vector<1x32x32xf32>
    %get3A_1769 = vector.shape_cast %get3A_1768 : vector<1x32x32xf32> to vector<32x32xf32>
    %dot_general3A_1770 = arith.constant dense<0.000000e+00> : vector<1024x32xf32>
    %dot_general3A_1771 = tpu.matmul %dot_general3A_1698, %get3A_1769, %dot_general3A_1770 {dimension_numbers = #tpu.dot_dimension_numbers<[0], [1], [1], [0], [0, 1, 1, 0], [], []>, transpose_lhs_hint = false} : vector<32x1024xf32>, vector<32x32xf32>, vector<1024x32xf32> -> vector<1024x32xf32>
    %get3A_1772 = arith.constant 2 : index
    %get3A_1773 = arith.constant 0 : index
    %get3A_1774 = arith.constant 0 : index
    %get3A_1775 = vector.load %arg4[%get3A_1772, %get3A_1773, %get3A_1774] : memref<3x32x32xf32, #tpu.memory_space<vmem>>, vector<1x32x32xf32>
    %get3A_1776 = vector.shape_cast %get3A_1775 : vector<1x32x32xf32> to vector<32x32xf32>
    %dot_general3A_1777 = arith.constant dense<0.000000e+00> : vector<1024x32xf32>
    %dot_general3A_1778 = tpu.matmul %dot_general3A_1698, %get3A_1776, %dot_general3A_1777 {dimension_numbers = #tpu.dot_dimension_numbers<[0], [1], [1], [0], [0, 1, 1, 0], [], []>, transpose_lhs_hint = false} : vector<32x1024xf32>, vector<32x32xf32>, vector<1024x32xf32> -> vector<1024x32xf32>
    %slice3A_1779 = vector.extract_strided_slice %dot_general3A_1764 {offsets = [0, 0], sizes = [64, 32], strides = [1, 1]} : vector<1024x32xf32> to vector<64x32xf32>
    %slice3A_1780 = vector.extract_strided_slice %dot_general3A_1771 {offsets = [0, 0], sizes = [64, 32], strides = [1, 1]} : vector<1024x32xf32> to vector<64x32xf32>
    %slice3A_1781 = vector.extract_strided_slice %dot_general3A_1778 {offsets = [0, 0], sizes = [64, 32], strides = [1, 1]} : vector<1024x32xf32> to vector<64x32xf32>
    %concatenate3A_1782 = tpu.concatenate %slice3A_1779, %slice3A_1780, %slice3A_1781 in 0 : vector<64x32xf32>, vector<64x32xf32>, vector<64x32xf32> -> vector<192x32xf32>
    %dot_general3A_1783 = arith.constant dense<0.000000e+00> : vector<64x32xf32>
    %dot_general3A_1784 = tpu.matmul %concatenate3A_1757, %concatenate3A_1782, %dot_general3A_1783 {dimension_numbers = #tpu.dot_dimension_numbers<[0], [0], [1], [1], [0, 1, 1, 1], [], []>, transpose_lhs_hint = false} : vector<192x64xf32>, vector<192x32xf32>, vector<64x32xf32> -> vector<64x32xf32>
    %slice3A_1785 = vector.extract_strided_slice %dot_general3A_1764 {offsets = [64, 0], sizes = [64, 32], strides = [1, 1]} : vector<1024x32xf32> to vector<64x32xf32>
    %slice3A_1786 = vector.extract_strided_slice %dot_general3A_1771 {offsets = [64, 0], sizes = [64, 32], strides = [1, 1]} : vector<1024x32xf32> to vector<64x32xf32>
    %slice3A_1787 = vector.extract_strided_slice %dot_general3A_1778 {offsets = [64, 0], sizes = [64, 32], strides = [1, 1]} : vector<1024x32xf32> to vector<64x32xf32>
    %concatenate3A_1788 = tpu.concatenate %slice3A_1785, %slice3A_1786, %slice3A_1787 in 0 : vector<64x32xf32>, vector<64x32xf32>, vector<64x32xf32> -> vector<192x32xf32>
    %dot_general3A_1789 = arith.constant dense<0.000000e+00> : vector<64x32xf32>
    %dot_general3A_1790 = tpu.matmul %concatenate3A_1757, %concatenate3A_1788, %dot_general3A_1789 {dimension_numbers = #tpu.dot_dimension_numbers<[0], [0], [1], [1], [0, 1, 1, 1], [], []>, transpose_lhs_hint = false} : vector<192x64xf32>, vector<192x32xf32>, vector<64x32xf32> -> vector<64x32xf32>
    %slice3A_1791 = vector.extract_strided_slice %dot_general3A_1764 {offsets = [128, 0], sizes = [64, 32], strides = [1, 1]} : vector<1024x32xf32> to vector<64x32xf32>
    %slice3A_1792 = vector.extract_strided_slice %dot_general3A_1771 {offsets = [128, 0], sizes = [64, 32], strides = [1, 1]} : vector<1024x32xf32> to vector<64x32xf32>
    %slice3A_1793 = vector.extract_strided_slice %dot_general3A_1778 {offsets = [128, 0], sizes = [64, 32], strides = [1, 1]} : vector<1024x32xf32> to vector<64x32xf32>
    %concatenate3A_1794 = tpu.concatenate %slice3A_1791, %slice3A_1792, %slice3A_1793 in 0 : vector<64x32xf32>, vector<64x32xf32>, vector<64x32xf32> -> vector<192x32xf32>
    %dot_general3A_1795 = arith.constant dense<0.000000e+00> : vector<64x32xf32>
    %dot_general3A_1796 = tpu.matmul %concatenate3A_1757, %concatenate3A_1794, %dot_general3A_1795 {dimension_numbers = #tpu.dot_dimension_numbers<[0], [0], [1], [1], [0, 1, 1, 1], [], []>, transpose_lhs_hint = false} : vector<192x64xf32>, vector<192x32xf32>, vector<64x32xf32> -> vector<64x32xf32>
    %slice3A_1797 = vector.extract_strided_slice %dot_general3A_1764 {offsets = [192, 0], sizes = [64, 32], strides = [1, 1]} : vector<1024x32xf32> to vector<64x32xf32>
    %slice3A_1798 = vector.extract_strided_slice %dot_general3A_1771 {offsets = [192, 0], sizes = [64, 32], strides = [1, 1]} : vector<1024x32xf32> to vector<64x32xf32>
    %slice3A_1799 = vector.extract_strided_slice %dot_general3A_1778 {offsets = [192, 0], sizes = [64, 32], strides = [1, 1]} : vector<1024x32xf32> to vector<64x32xf32>
    %concatenate3A_1800 = tpu.concatenate %slice3A_1797, %slice3A_1798, %slice3A_1799 in 0 : vector<64x32xf32>, vector<64x32xf32>, vector<64x32xf32> -> vector<192x32xf32>
    %dot_general3A_1801 = arith.constant dense<0.000000e+00> : vector<64x32xf32>
    %dot_general3A_1802 = tpu.matmul %concatenate3A_1757, %concatenate3A_1800, %dot_general3A_1801 {dimension_numbers = #tpu.dot_dimension_numbers<[0], [0], [1], [1], [0, 1, 1, 1], [], []>, transpose_lhs_hint = false} : vector<192x64xf32>, vector<192x32xf32>, vector<64x32xf32> -> vector<64x32xf32>
    %slice3A_1803 = vector.extract_strided_slice %dot_general3A_1764 {offsets = [256, 0], sizes = [64, 32], strides = [1, 1]} : vector<1024x32xf32> to vector<64x32xf32>
    %slice3A_1804 = vector.extract_strided_slice %dot_general3A_1771 {offsets = [256, 0], sizes = [64, 32], strides = [1, 1]} : vector<1024x32xf32> to vector<64x32xf32>
    %slice3A_1805 = vector.extract_strided_slice %dot_general3A_1778 {offsets = [256, 0], sizes = [64, 32], strides = [1, 1]} : vector<1024x32xf32> to vector<64x32xf32>
    %concatenate3A_1806 = tpu.concatenate %slice3A_1803, %slice3A_1804, %slice3A_1805 in 0 : vector<64x32xf32>, vector<64x32xf32>, vector<64x32xf32> -> vector<192x32xf32>
    %dot_general3A_1807 = arith.constant dense<0.000000e+00> : vector<64x32xf32>
    %dot_general3A_1808 = tpu.matmul %concatenate3A_1757, %concatenate3A_1806, %dot_general3A_1807 {dimension_numbers = #tpu.dot_dimension_numbers<[0], [0], [1], [1], [0, 1, 1, 1], [], []>, transpose_lhs_hint = false} : vector<192x64xf32>, vector<192x32xf32>, vector<64x32xf32> -> vector<64x32xf32>
    %slice3A_1809 = vector.extract_strided_slice %dot_general3A_1764 {offsets = [320, 0], sizes = [64, 32], strides = [1, 1]} : vector<1024x32xf32> to vector<64x32xf32>
    %slice3A_1810 = vector.extract_strided_slice %dot_general3A_1771 {offsets = [320, 0], sizes = [64, 32], strides = [1, 1]} : vector<1024x32xf32> to vector<64x32xf32>
    %slice3A_1811 = vector.extract_strided_slice %dot_general3A_1778 {offsets = [320, 0], sizes = [64, 32], strides = [1, 1]} : vector<1024x32xf32> to vector<64x32xf32>
    %concatenate3A_1812 = tpu.concatenate %slice3A_1809, %slice3A_1810, %slice3A_1811 in 0 : vector<64x32xf32>, vector<64x32xf32>, vector<64x32xf32> -> vector<192x32xf32>
    %dot_general3A_1813 = arith.constant dense<0.000000e+00> : vector<64x32xf32>
    %dot_general3A_1814 = tpu.matmul %concatenate3A_1757, %concatenate3A_1812, %dot_general3A_1813 {dimension_numbers = #tpu.dot_dimension_numbers<[0], [0], [1], [1], [0, 1, 1, 1], [], []>, transpose_lhs_hint = false} : vector<192x64xf32>, vector<192x32xf32>, vector<64x32xf32> -> vector<64x32xf32>
    %slice3A_1815 = vector.extract_strided_slice %dot_general3A_1764 {offsets = [384, 0], sizes = [64, 32], strides = [1, 1]} : vector<1024x32xf32> to vector<64x32xf32>
    %slice3A_1816 = vector.extract_strided_slice %dot_general3A_1771 {offsets = [384, 0], sizes = [64, 32], strides = [1, 1]} : vector<1024x32xf32> to vector<64x32xf32>
    %slice3A_1817 = vector.extract_strided_slice %dot_general3A_1778 {offsets = [384, 0], sizes = [64, 32], strides = [1, 1]} : vector<1024x32xf32> to vector<64x32xf32>
    %concatenate3A_1818 = tpu.concatenate %slice3A_1815, %slice3A_1816, %slice3A_1817 in 0 : vector<64x32xf32>, vector<64x32xf32>, vector<64x32xf32> -> vector<192x32xf32>
    %dot_general3A_1819 = arith.constant dense<0.000000e+00> : vector<64x32xf32>
    %dot_general3A_1820 = tpu.matmul %concatenate3A_1757, %concatenate3A_1818, %dot_general3A_1819 {dimension_numbers = #tpu.dot_dimension_numbers<[0], [0], [1], [1], [0, 1, 1, 1], [], []>, transpose_lhs_hint = false} : vector<192x64xf32>, vector<192x32xf32>, vector<64x32xf32> -> vector<64x32xf32>
    %slice3A_1821 = vector.extract_strided_slice %dot_general3A_1764 {offsets = [448, 0], sizes = [64, 32], strides = [1, 1]} : vector<1024x32xf32> to vector<64x32xf32>
    %slice3A_1822 = vector.extract_strided_slice %dot_general3A_1771 {offsets = [448, 0], sizes = [64, 32], strides = [1, 1]} : vector<1024x32xf32> to vector<64x32xf32>
    %slice3A_1823 = vector.extract_strided_slice %dot_general3A_1778 {offsets = [448, 0], sizes = [64, 32], strides = [1, 1]} : vector<1024x32xf32> to vector<64x32xf32>
    %concatenate3A_1824 = tpu.concatenate %slice3A_1821, %slice3A_1822, %slice3A_1823 in 0 : vector<64x32xf32>, vector<64x32xf32>, vector<64x32xf32> -> vector<192x32xf32>
    %dot_general3A_1825 = arith.constant dense<0.000000e+00> : vector<64x32xf32>
    %dot_general3A_1826 = tpu.matmul %concatenate3A_1757, %concatenate3A_1824, %dot_general3A_1825 {dimension_numbers = #tpu.dot_dimension_numbers<[0], [0], [1], [1], [0, 1, 1, 1], [], []>, transpose_lhs_hint = false} : vector<192x64xf32>, vector<192x32xf32>, vector<64x32xf32> -> vector<64x32xf32>
    %slice3A_1827 = vector.extract_strided_slice %dot_general3A_1764 {offsets = [512, 0], sizes = [64, 32], strides = [1, 1]} : vector<1024x32xf32> to vector<64x32xf32>
    %slice3A_1828 = vector.extract_strided_slice %dot_general3A_1771 {offsets = [512, 0], sizes = [64, 32], strides = [1, 1]} : vector<1024x32xf32> to vector<64x32xf32>
    %slice3A_1829 = vector.extract_strided_slice %dot_general3A_1778 {offsets = [512, 0], sizes = [64, 32], strides = [1, 1]} : vector<1024x32xf32> to vector<64x32xf32>
    %concatenate3A_1830 = tpu.concatenate %slice3A_1827, %slice3A_1828, %slice3A_1829 in 0 : vector<64x32xf32>, vector<64x32xf32>, vector<64x32xf32> -> vector<192x32xf32>
    %dot_general3A_1831 = arith.constant dense<0.000000e+00> : vector<64x32xf32>
    %dot_general3A_1832 = tpu.matmul %concatenate3A_1757, %concatenate3A_1830, %dot_general3A_1831 {dimension_numbers = #tpu.dot_dimension_numbers<[0], [0], [1], [1], [0, 1, 1, 1], [], []>, transpose_lhs_hint = false} : vector<192x64xf32>, vector<192x32xf32>, vector<64x32xf32> -> vector<64x32xf32>
    %slice3A_1833 = vector.extract_strided_slice %dot_general3A_1764 {offsets = [576, 0], sizes = [64, 32], strides = [1, 1]} : vector<1024x32xf32> to vector<64x32xf32>
    %slice3A_1834 = vector.extract_strided_slice %dot_general3A_1771 {offsets = [576, 0], sizes = [64, 32], strides = [1, 1]} : vector<1024x32xf32> to vector<64x32xf32>
    %slice3A_1835 = vector.extract_strided_slice %dot_general3A_1778 {offsets = [576, 0], sizes = [64, 32], strides = [1, 1]} : vector<1024x32xf32> to vector<64x32xf32>
    %concatenate3A_1836 = tpu.concatenate %slice3A_1833, %slice3A_1834, %slice3A_1835 in 0 : vector<64x32xf32>, vector<64x32xf32>, vector<64x32xf32> -> vector<192x32xf32>
    %dot_general3A_1837 = arith.constant dense<0.000000e+00> : vector<64x32xf32>
    %dot_general3A_1838 = tpu.matmul %concatenate3A_1757, %concatenate3A_1836, %dot_general3A_1837 {dimension_numbers = #tpu.dot_dimension_numbers<[0], [0], [1], [1], [0, 1, 1, 1], [], []>, transpose_lhs_hint = false} : vector<192x64xf32>, vector<192x32xf32>, vector<64x32xf32> -> vector<64x32xf32>
    %slice3A_1839 = vector.extract_strided_slice %dot_general3A_1764 {offsets = [640, 0], sizes = [64, 32], strides = [1, 1]} : vector<1024x32xf32> to vector<64x32xf32>
    %slice3A_1840 = vector.extract_strided_slice %dot_general3A_1771 {offsets = [640, 0], sizes = [64, 32], strides = [1, 1]} : vector<1024x32xf32> to vector<64x32xf32>
    %slice3A_1841 = vector.extract_strided_slice %dot_general3A_1778 {offsets = [640, 0], sizes = [64, 32], strides = [1, 1]} : vector<1024x32xf32> to vector<64x32xf32>
    %concatenate3A_1842 = tpu.concatenate %slice3A_1839, %slice3A_1840, %slice3A_1841 in 0 : vector<64x32xf32>, vector<64x32xf32>, vector<64x32xf32> -> vector<192x32xf32>
    %dot_general3A_1843 = arith.constant dense<0.000000e+00> : vector<64x32xf32>
    %dot_general3A_1844 = tpu.matmul %concatenate3A_1757, %concatenate3A_1842, %dot_general3A_1843 {dimension_numbers = #tpu.dot_dimension_numbers<[0], [0], [1], [1], [0, 1, 1, 1], [], []>, transpose_lhs_hint = false} : vector<192x64xf32>, vector<192x32xf32>, vector<64x32xf32> -> vector<64x32xf32>
    %slice3A_1845 = vector.extract_strided_slice %dot_general3A_1764 {offsets = [704, 0], sizes = [64, 32], strides = [1, 1]} : vector<1024x32xf32> to vector<64x32xf32>
    %slice3A_1846 = vector.extract_strided_slice %dot_general3A_1771 {offsets = [704, 0], sizes = [64, 32], strides = [1, 1]} : vector<1024x32xf32> to vector<64x32xf32>
    %slice3A_1847 = vector.extract_strided_slice %dot_general3A_1778 {offsets = [704, 0], sizes = [64, 32], strides = [1, 1]} : vector<1024x32xf32> to vector<64x32xf32>
    %concatenate3A_1848 = tpu.concatenate %slice3A_1845, %slice3A_1846, %slice3A_1847 in 0 : vector<64x32xf32>, vector<64x32xf32>, vector<64x32xf32> -> vector<192x32xf32>
    %dot_general3A_1849 = arith.constant dense<0.000000e+00> : vector<64x32xf32>
    %dot_general3A_1850 = tpu.matmul %concatenate3A_1757, %concatenate3A_1848, %dot_general3A_1849 {dimension_numbers = #tpu.dot_dimension_numbers<[0], [0], [1], [1], [0, 1, 1, 1], [], []>, transpose_lhs_hint = false} : vector<192x64xf32>, vector<192x32xf32>, vector<64x32xf32> -> vector<64x32xf32>
    %slice3A_1851 = vector.extract_strided_slice %dot_general3A_1764 {offsets = [768, 0], sizes = [64, 32], strides = [1, 1]} : vector<1024x32xf32> to vector<64x32xf32>
    %slice3A_1852 = vector.extract_strided_slice %dot_general3A_1771 {offsets = [768, 0], sizes = [64, 32], strides = [1, 1]} : vector<1024x32xf32> to vector<64x32xf32>
    %slice3A_1853 = vector.extract_strided_slice %dot_general3A_1778 {offsets = [768, 0], sizes = [64, 32], strides = [1, 1]} : vector<1024x32xf32> to vector<64x32xf32>
    %concatenate3A_1854 = tpu.concatenate %slice3A_1851, %slice3A_1852, %slice3A_1853 in 0 : vector<64x32xf32>, vector<64x32xf32>, vector<64x32xf32> -> vector<192x32xf32>
    %dot_general3A_1855 = arith.constant dense<0.000000e+00> : vector<64x32xf32>
    %dot_general3A_1856 = tpu.matmul %concatenate3A_1757, %concatenate3A_1854, %dot_general3A_1855 {dimension_numbers = #tpu.dot_dimension_numbers<[0], [0], [1], [1], [0, 1, 1, 1], [], []>, transpose_lhs_hint = false} : vector<192x64xf32>, vector<192x32xf32>, vector<64x32xf32> -> vector<64x32xf32>
    %slice3A_1857 = vector.extract_strided_slice %dot_general3A_1764 {offsets = [832, 0], sizes = [64, 32], strides = [1, 1]} : vector<1024x32xf32> to vector<64x32xf32>
    %slice3A_1858 = vector.extract_strided_slice %dot_general3A_1771 {offsets = [832, 0], sizes = [64, 32], strides = [1, 1]} : vector<1024x32xf32> to vector<64x32xf32>
    %slice3A_1859 = vector.extract_strided_slice %dot_general3A_1778 {offsets = [832, 0], sizes = [64, 32], strides = [1, 1]} : vector<1024x32xf32> to vector<64x32xf32>
    %concatenate3A_1860 = tpu.concatenate %slice3A_1857, %slice3A_1858, %slice3A_1859 in 0 : vector<64x32xf32>, vector<64x32xf32>, vector<64x32xf32> -> vector<192x32xf32>
    %dot_general3A_1861 = arith.constant dense<0.000000e+00> : vector<64x32xf32>
    %dot_general3A_1862 = tpu.matmul %concatenate3A_1757, %concatenate3A_1860, %dot_general3A_1861 {dimension_numbers = #tpu.dot_dimension_numbers<[0], [0], [1], [1], [0, 1, 1, 1], [], []>, transpose_lhs_hint = false} : vector<192x64xf32>, vector<192x32xf32>, vector<64x32xf32> -> vector<64x32xf32>
    %slice3A_1863 = vector.extract_strided_slice %dot_general3A_1764 {offsets = [896, 0], sizes = [64, 32], strides = [1, 1]} : vector<1024x32xf32> to vector<64x32xf32>
    %slice3A_1864 = vector.extract_strided_slice %dot_general3A_1771 {offsets = [896, 0], sizes = [64, 32], strides = [1, 1]} : vector<1024x32xf32> to vector<64x32xf32>
    %slice3A_1865 = vector.extract_strided_slice %dot_general3A_1778 {offsets = [896, 0], sizes = [64, 32], strides = [1, 1]} : vector<1024x32xf32> to vector<64x32xf32>
    %concatenate3A_1866 = tpu.concatenate %slice3A_1863, %slice3A_1864, %slice3A_1865 in 0 : vector<64x32xf32>, vector<64x32xf32>, vector<64x32xf32> -> vector<192x32xf32>
    %dot_general3A_1867 = arith.constant dense<0.000000e+00> : vector<64x32xf32>
    %dot_general3A_1868 = tpu.matmul %concatenate3A_1757, %concatenate3A_1866, %dot_general3A_1867 {dimension_numbers = #tpu.dot_dimension_numbers<[0], [0], [1], [1], [0, 1, 1, 1], [], []>, transpose_lhs_hint = false} : vector<192x64xf32>, vector<192x32xf32>, vector<64x32xf32> -> vector<64x32xf32>
    %slice3A_1869 = vector.extract_strided_slice %dot_general3A_1764 {offsets = [960, 0], sizes = [64, 32], strides = [1, 1]} : vector<1024x32xf32> to vector<64x32xf32>
    %slice3A_1870 = vector.extract_strided_slice %dot_general3A_1771 {offsets = [960, 0], sizes = [64, 32], strides = [1, 1]} : vector<1024x32xf32> to vector<64x32xf32>
    %slice3A_1871 = vector.extract_strided_slice %dot_general3A_1778 {offsets = [960, 0], sizes = [64, 32], strides = [1, 1]} : vector<1024x32xf32> to vector<64x32xf32>
    %concatenate3A_1872 = tpu.concatenate %slice3A_1869, %slice3A_1870, %slice3A_1871 in 0 : vector<64x32xf32>, vector<64x32xf32>, vector<64x32xf32> -> vector<192x32xf32>
    %dot_general3A_1873 = arith.constant dense<0.000000e+00> : vector<64x32xf32>
    %dot_general3A_1874 = tpu.matmul %concatenate3A_1757, %concatenate3A_1872, %dot_general3A_1873 {dimension_numbers = #tpu.dot_dimension_numbers<[0], [0], [1], [1], [0, 1, 1, 1], [], []>, transpose_lhs_hint = false} : vector<192x64xf32>, vector<192x32xf32>, vector<64x32xf32> -> vector<64x32xf32>
    %concatenate3A_1875 = tpu.concatenate %dot_general3A_1784, %dot_general3A_1790, %dot_general3A_1796, %dot_general3A_1802, %dot_general3A_1808, %dot_general3A_1814, %dot_general3A_1820, %dot_general3A_1826, %dot_general3A_1832, %dot_general3A_1838, %dot_general3A_1844, %dot_general3A_1850, %dot_general3A_1856, %dot_general3A_1862, %dot_general3A_1868, %dot_general3A_1874 in 0 : vector<64x32xf32>, vector<64x32xf32>, vector<64x32xf32>, vector<64x32xf32>, vector<64x32xf32>, vector<64x32xf32>, vector<64x32xf32>, vector<64x32xf32>, vector<64x32xf32>, vector<64x32xf32>, vector<64x32xf32>, vector<64x32xf32>, vector<64x32xf32>, vector<64x32xf32>, vector<64x32xf32>, vector<64x32xf32> -> vector<1024x32xf32>
    %ge3A_1876 = arith.constant 0.000000e+00 : f32
    %ge3A_1877 = vector.broadcast %ge3A_1876 : f32 to vector<1024x32xf32>
    %ge3A_1878 = arith.cmpf oge, %concatenate3A_1875, %ge3A_1877 : vector<1024x32xf32>
    %mul3A_1879 = arith.constant 1.000000e-01 : f32
    %mul3A_1880 = vector.broadcast %mul3A_1879 : f32 to vector<1024x32xf32>
    %mul3A_1881 = arith.mulf %mul3A_1880, %concatenate3A_1875 : vector<1024x32xf32>
    %select_n3A_1882 = arith.select %ge3A_1878, %concatenate3A_1875, %mul3A_1881 : vector<1024x32xi1>, vector<1024x32xf32>
    %get3A_1883 = arith.constant 0 : index
    %get3A_1884 = arith.constant 0 : index
    %get3A_1885 = vector.load %arg3[%get3A_1883, %get3A_1884] : memref<1024x1024xf32, #tpu.memory_space<vmem>>, vector<1024x1024xf32>
    %dot_general3A_1886 = arith.constant dense<0.000000e+00> : vector<32x1024xf32>
    %dot_general3A_1887 = tpu.matmul %select_n3A_1882, %get3A_1885, %dot_general3A_1886 {dimension_numbers = #tpu.dot_dimension_numbers<[0], [1], [1], [0], [0, 1, 1, 0], [], []>, transpose_lhs_hint = false} : vector<1024x32xf32>, vector<1024x1024xf32>, vector<32x1024xf32> -> vector<32x1024xf32>
    %concatenate3A_1888 = tpu.concatenate %get3A_1693, %dot_general3A_1887 in 0 : vector<32x1024xf32>, vector<32x1024xf32> -> vector<64x1024xf32>
    %iota3A_1889 = tpu.iota {dimensions = array<i32: 1>} : vector<64x1024xi32>
    %jit3A_1890 = arith.constant 32 : i32
    %div3A_1891 = vector.broadcast %jit3A_1890 : i32 to vector<64x1024xi32>
    %div3A_1892 = arith.divsi %iota3A_1889, %div3A_1891 : vector<64x1024xi32>
    %sign3A_1893 = arith.constant 0 : i32
    %sign3A_1894 = vector.broadcast %sign3A_1893 : i32 to vector<64x1024xi32>
    %sign3A_1895 = arith.cmpi sgt, %iota3A_1889, %sign3A_1894 : vector<64x1024xi32>
    %sign3A_1896 = arith.extui %sign3A_1895 : vector<64x1024xi1> to vector<64x1024xi32>
    %sign3A_1897 = arith.constant 0 : i32
    %sign3A_1898 = vector.broadcast %sign3A_1897 : i32 to vector<64x1024xi32>
    %sign3A_1899 = arith.cmpi slt, %iota3A_1889, %sign3A_1898 : vector<64x1024xi32>
    %sign3A_1900 = arith.extui %sign3A_1899 : vector<64x1024xi1> to vector<64x1024xi32>
    %sign3A_1901 = arith.subi %sign3A_1896, %sign3A_1900 : vector<64x1024xi32>
    %sign3A_1902 = arith.constant 0 : i32
    %sign3A_1903 = arith.cmpi sgt, %jit3A_1890, %sign3A_1902 : i32
    %sign3A_1904 = arith.extui %sign3A_1903 : i1 to i32
    %sign3A_1905 = arith.constant 0 : i32
    %sign3A_1906 = arith.cmpi slt, %jit3A_1890, %sign3A_1905 : i32
    %sign3A_1907 = arith.extui %sign3A_1906 : i1 to i32
    %sign3A_1908 = arith.subi %sign3A_1904, %sign3A_1907 : i32
    %ne3A_1909 = vector.broadcast %sign3A_1908 : i32 to vector<64x1024xi32>
    %ne3A_1910 = arith.cmpi ne, %sign3A_1901, %ne3A_1909 : vector<64x1024xi32>
    %rem3A_1911 = vector.broadcast %jit3A_1890 : i32 to vector<64x1024xi32>
    %rem3A_1912 = arith.remsi %iota3A_1889, %rem3A_1911 : vector<64x1024xi32>
    %ne3A_1913 = arith.constant 0 : i32
    %ne3A_1914 = vector.broadcast %ne3A_1913 : i32 to vector<64x1024xi32>
    %ne3A_1915 = arith.cmpi ne, %rem3A_1912, %ne3A_1914 : vector<64x1024xi32>
    %and3A_1916 = arith.andi %ne3A_1910, %ne3A_1915 : vector<64x1024xi1>
    %sub3A_1917 = arith.constant 1 : i32
    %sub3A_1918 = vector.broadcast %sub3A_1917 : i32 to vector<64x1024xi32>
    %sub3A_1919 = arith.subi %div3A_1892, %sub3A_1918 : vector<64x1024xi32>
    %select_n3A_1920 = arith.select %and3A_1916, %sub3A_1919, %div3A_1892 : vector<64x1024xi1>, vector<64x1024xi32>
    %iota3A_1921 = tpu.iota {dimensions = array<i32: 1>} : vector<64x1024xi32>
    %jit3A_1922 = arith.constant 32 : i32
    %eq3A_1923 = arith.constant 0 : i32
    %eq3A_1924 = arith.cmpi eq, %jit3A_1922, %eq3A_1923 : i32
    %jit3A_1925 = arith.constant 1 : i32
    %select_n3A_1926 = arith.select %eq3A_1924, %jit3A_1925, %jit3A_1922 : i32
    %rem3A_1927 = vector.broadcast %select_n3A_1926 : i32 to vector<64x1024xi32>
    %rem3A_1928 = arith.remsi %iota3A_1921, %rem3A_1927 : vector<64x1024xi32>
    %ne3A_1929 = arith.constant 0 : i32
    %ne3A_1930 = vector.broadcast %ne3A_1929 : i32 to vector<64x1024xi32>
    %ne3A_1931 = arith.cmpi ne, %rem3A_1928, %ne3A_1930 : vector<64x1024xi32>
    %lt3A_1932 = arith.constant 0 : i32
    %lt3A_1933 = vector.broadcast %lt3A_1932 : i32 to vector<64x1024xi32>
    %lt3A_1934 = arith.cmpi slt, %rem3A_1928, %lt3A_1933 : vector<64x1024xi32>
    %lt3A_1935 = arith.constant 0 : i32
    %lt3A_1936 = arith.cmpi slt, %select_n3A_1926, %lt3A_1935 : i32
    %ne3A_1937 = vector.broadcast %lt3A_1936 : i1 to vector<64x1024xi1>
    %ne3A_1938 = vector.broadcast %ne3A_1937 : vector<64x1024xi1> to vector<64x1024xi1>
    %ne3A_1939 = arith.xori %lt3A_1934, %ne3A_1938 : vector<64x1024xi1>
    %and3A_1940 = arith.andi %ne3A_1939, %ne3A_1931 : vector<64x1024xi1>
    %add3A_1941 = vector.broadcast %select_n3A_1926 : i32 to vector<64x1024xi32>
    %add3A_1942 = arith.addi %rem3A_1928, %add3A_1941 : vector<64x1024xi32>
    %select_n3A_1943 = arith.select %and3A_1940, %add3A_1942, %rem3A_1928 : vector<64x1024xi1>, vector<64x1024xi32>
    %broadcast_in_dim3A_1944 = arith.constant 0.000000e+00 : f32
    %broadcast_in_dim3A_1945 = vector.broadcast %broadcast_in_dim3A_1944 : f32 to vector<32x1024xf32>
    %broadcast_in_dim3A_1946 = arith.constant 0.000000e+00 : f32
    %broadcast_in_dim3A_1947 = vector.broadcast %broadcast_in_dim3A_1946 : f32 to vector<32x1024xf32>
    %broadcast_in_dim3A_1948 = arith.constant 0.000000e+00 : f32
    %broadcast_in_dim3A_1949 = vector.broadcast %broadcast_in_dim3A_1948 : f32 to vector<32x1024xf32>
    %ge3A_1950 = arith.constant 1 : i32
    %ge3A_1951 = vector.broadcast %ge3A_1950 : i32 to vector<64x1024xi32>
    %ge3A_1952 = arith.cmpi sge, %select_n3A_1920, %ge3A_1951 : vector<64x1024xi32>
    %ge3A_1953 = arith.constant 1 : i32
    %ge3A_1954 = vector.broadcast %ge3A_1953 : i32 to vector<64x1024xi32>
    %ge3A_1955 = arith.cmpi sge, %select_n3A_1943, %ge3A_1954 : vector<64x1024xi32>
    %and3A_1956 = arith.andi %ge3A_1952, %ge3A_1955 : vector<64x1024xi1>
    %roll3A_1957 = arith.constant 33 : i32
    %roll3A_1958 = tpu.dynamic_rotate %concatenate3A_1888 by %roll3A_1957 dim 1 : vector<64x1024xf32>, i32 -> vector<64x1024xf32>
    %jit3A_1959 = arith.constant 0.000000e+00 : f32
    %broadcast_in_dim3A_1960 = vector.broadcast %jit3A_1959 : f32 to vector<64x1024xf32>
    %select_n3A_1961 = arith.select %and3A_1956, %roll3A_1958, %broadcast_in_dim3A_1960 : vector<64x1024xi1>, vector<64x1024xf32>
    %get3A_1962 = arith.constant 0 : index
    %get3A_1963 = arith.constant 0 : index
    %get3A_1964 = arith.constant 0 : index
    %get3A_1965 = vector.load %arg5[%get3A_1962, %get3A_1963, %get3A_1964] : memref<9x32x64xf32, #tpu.memory_space<vmem>>, vector<1x32x64xf32>
    %get3A_1966 = vector.shape_cast %get3A_1965 : vector<1x32x64xf32> to vector<32x64xf32>
    %dot_general3A_1967 = arith.constant dense<0.000000e+00> : vector<32x1024xf32>
    %dot_general3A_1968 = tpu.matmul %get3A_1966, %select_n3A_1961, %dot_general3A_1967 {dimension_numbers = #tpu.dot_dimension_numbers<[1], [0], [0], [1], [0, 0, 1, 1], [], []>, transpose_lhs_hint = false} : vector<32x64xf32>, vector<64x1024xf32>, vector<32x1024xf32> -> vector<32x1024xf32>
    %add3A_1969 = arith.addf %broadcast_in_dim3A_1945, %dot_general3A_1968 : vector<32x1024xf32>
    %ge3A_1970 = arith.constant 1 : i32
    %ge3A_1971 = vector.broadcast %ge3A_1970 : i32 to vector<64x1024xi32>
    %ge3A_1972 = arith.cmpi sge, %select_n3A_1920, %ge3A_1971 : vector<64x1024xi32>
    %roll3A_1973 = arith.constant 32 : i32
    %roll3A_1974 = tpu.dynamic_rotate %concatenate3A_1888 by %roll3A_1973 dim 1 : vector<64x1024xf32>, i32 -> vector<64x1024xf32>
    %jit3A_1975 = arith.constant 0.000000e+00 : f32
    %broadcast_in_dim3A_1976 = vector.broadcast %jit3A_1975 : f32 to vector<64x1024xf32>
    %select_n3A_1977 = arith.select %ge3A_1972, %roll3A_1974, %broadcast_in_dim3A_1976 : vector<64x1024xi1>, vector<64x1024xf32>
    %get3A_1978 = arith.constant 1 : index
    %get3A_1979 = arith.constant 0 : index
    %get3A_1980 = arith.constant 0 : index
    %get3A_1981 = vector.load %arg5[%get3A_1978, %get3A_1979, %get3A_1980] : memref<9x32x64xf32, #tpu.memory_space<vmem>>, vector<1x32x64xf32>
    %get3A_1982 = vector.shape_cast %get3A_1981 : vector<1x32x64xf32> to vector<32x64xf32>
    %dot_general3A_1983 = arith.constant dense<0.000000e+00> : vector<32x1024xf32>
    %dot_general3A_1984 = tpu.matmul %get3A_1982, %select_n3A_1977, %dot_general3A_1983 {dimension_numbers = #tpu.dot_dimension_numbers<[1], [0], [0], [1], [0, 0, 1, 1], [], []>, transpose_lhs_hint = false} : vector<32x64xf32>, vector<64x1024xf32>, vector<32x1024xf32> -> vector<32x1024xf32>
    %add3A_1985 = arith.addf %broadcast_in_dim3A_1947, %dot_general3A_1984 : vector<32x1024xf32>
    %ge3A_1986 = arith.constant 1 : i32
    %ge3A_1987 = vector.broadcast %ge3A_1986 : i32 to vector<64x1024xi32>
    %ge3A_1988 = arith.cmpi sge, %select_n3A_1920, %ge3A_1987 : vector<64x1024xi32>
    %lt3A_1989 = arith.constant 31 : i32
    %lt3A_1990 = vector.broadcast %lt3A_1989 : i32 to vector<64x1024xi32>
    %lt3A_1991 = arith.cmpi slt, %select_n3A_1943, %lt3A_1990 : vector<64x1024xi32>
    %and3A_1992 = arith.andi %ge3A_1988, %lt3A_1991 : vector<64x1024xi1>
    %roll3A_1993 = arith.constant 31 : i32
    %roll3A_1994 = tpu.dynamic_rotate %concatenate3A_1888 by %roll3A_1993 dim 1 : vector<64x1024xf32>, i32 -> vector<64x1024xf32>
    %jit3A_1995 = arith.constant 0.000000e+00 : f32
    %broadcast_in_dim3A_1996 = vector.broadcast %jit3A_1995 : f32 to vector<64x1024xf32>
    %select_n3A_1997 = arith.select %and3A_1992, %roll3A_1994, %broadcast_in_dim3A_1996 : vector<64x1024xi1>, vector<64x1024xf32>
    %get3A_1998 = arith.constant 2 : index
    %get3A_1999 = arith.constant 0 : index
    %get3A_2000 = arith.constant 0 : index
    %get3A_2001 = vector.load %arg5[%get3A_1998, %get3A_1999, %get3A_2000] : memref<9x32x64xf32, #tpu.memory_space<vmem>>, vector<1x32x64xf32>
    %get3A_2002 = vector.shape_cast %get3A_2001 : vector<1x32x64xf32> to vector<32x64xf32>
    %dot_general3A_2003 = arith.constant dense<0.000000e+00> : vector<32x1024xf32>
    %dot_general3A_2004 = tpu.matmul %get3A_2002, %select_n3A_1997, %dot_general3A_2003 {dimension_numbers = #tpu.dot_dimension_numbers<[1], [0], [0], [1], [0, 0, 1, 1], [], []>, transpose_lhs_hint = false} : vector<32x64xf32>, vector<64x1024xf32>, vector<32x1024xf32> -> vector<32x1024xf32>
    %add3A_2005 = arith.addf %broadcast_in_dim3A_1949, %dot_general3A_2004 : vector<32x1024xf32>
    %ge3A_2006 = arith.constant 1 : i32
    %ge3A_2007 = vector.broadcast %ge3A_2006 : i32 to vector<64x1024xi32>
    %ge3A_2008 = arith.cmpi sge, %select_n3A_1943, %ge3A_2007 : vector<64x1024xi32>
    %roll3A_2009 = arith.constant 1 : i32
    %roll3A_2010 = tpu.dynamic_rotate %concatenate3A_1888 by %roll3A_2009 dim 1 : vector<64x1024xf32>, i32 -> vector<64x1024xf32>
    %jit3A_2011 = arith.constant 0.000000e+00 : f32
    %broadcast_in_dim3A_2012 = vector.broadcast %jit3A_2011 : f32 to vector<64x1024xf32>
    %select_n3A_2013 = arith.select %ge3A_2008, %roll3A_2010, %broadcast_in_dim3A_2012 : vector<64x1024xi1>, vector<64x1024xf32>
    %get3A_2014 = arith.constant 3 : index
    %get3A_2015 = arith.constant 0 : index
    %get3A_2016 = arith.constant 0 : index
    %get3A_2017 = vector.load %arg5[%get3A_2014, %get3A_2015, %get3A_2016] : memref<9x32x64xf32, #tpu.memory_space<vmem>>, vector<1x32x64xf32>
    %get3A_2018 = vector.shape_cast %get3A_2017 : vector<1x32x64xf32> to vector<32x64xf32>
    %dot_general3A_2019 = arith.constant dense<0.000000e+00> : vector<32x1024xf32>
    %dot_general3A_2020 = tpu.matmul %get3A_2018, %select_n3A_2013, %dot_general3A_2019 {dimension_numbers = #tpu.dot_dimension_numbers<[1], [0], [0], [1], [0, 0, 1, 1], [], []>, transpose_lhs_hint = false} : vector<32x64xf32>, vector<64x1024xf32>, vector<32x1024xf32> -> vector<32x1024xf32>
    %add3A_2021 = arith.addf %add3A_1969, %dot_general3A_2020 : vector<32x1024xf32>
    %get3A_2022 = arith.constant 4 : index
    %get3A_2023 = arith.constant 0 : index
    %get3A_2024 = arith.constant 0 : index
    %get3A_2025 = vector.load %arg5[%get3A_2022, %get3A_2023, %get3A_2024] : memref<9x32x64xf32, #tpu.memory_space<vmem>>, vector<1x32x64xf32>
    %get3A_2026 = vector.shape_cast %get3A_2025 : vector<1x32x64xf32> to vector<32x64xf32>
    %dot_general3A_2027 = arith.constant dense<0.000000e+00> : vector<32x1024xf32>
    %dot_general3A_2028 = tpu.matmul %get3A_2026, %concatenate3A_1888, %dot_general3A_2027 {dimension_numbers = #tpu.dot_dimension_numbers<[1], [0], [0], [1], [0, 0, 1, 1], [], []>, transpose_lhs_hint = false} : vector<32x64xf32>, vector<64x1024xf32>, vector<32x1024xf32> -> vector<32x1024xf32>
    %add3A_2029 = arith.addf %add3A_1985, %dot_general3A_2028 : vector<32x1024xf32>
    %lt3A_2030 = arith.constant 31 : i32
    %lt3A_2031 = vector.broadcast %lt3A_2030 : i32 to vector<64x1024xi32>
    %lt3A_2032 = arith.cmpi slt, %select_n3A_1943, %lt3A_2031 : vector<64x1024xi32>
    %roll3A_2033 = arith.constant 1023 : i32
    %roll3A_2034 = tpu.dynamic_rotate %concatenate3A_1888 by %roll3A_2033 dim 1 : vector<64x1024xf32>, i32 -> vector<64x1024xf32>
    %jit3A_2035 = arith.constant 0.000000e+00 : f32
    %broadcast_in_dim3A_2036 = vector.broadcast %jit3A_2035 : f32 to vector<64x1024xf32>
    %select_n3A_2037 = arith.select %lt3A_2032, %roll3A_2034, %broadcast_in_dim3A_2036 : vector<64x1024xi1>, vector<64x1024xf32>
    %get3A_2038 = arith.constant 5 : index
    %get3A_2039 = arith.constant 0 : index
    %get3A_2040 = arith.constant 0 : index
    %get3A_2041 = vector.load %arg5[%get3A_2038, %get3A_2039, %get3A_2040] : memref<9x32x64xf32, #tpu.memory_space<vmem>>, vector<1x32x64xf32>
    %get3A_2042 = vector.shape_cast %get3A_2041 : vector<1x32x64xf32> to vector<32x64xf32>
    %dot_general3A_2043 = arith.constant dense<0.000000e+00> : vector<32x1024xf32>
    %dot_general3A_2044 = tpu.matmul %get3A_2042, %select_n3A_2037, %dot_general3A_2043 {dimension_numbers = #tpu.dot_dimension_numbers<[1], [0], [0], [1], [0, 0, 1, 1], [], []>, transpose_lhs_hint = false} : vector<32x64xf32>, vector<64x1024xf32>, vector<32x1024xf32> -> vector<32x1024xf32>
    %add3A_2045 = arith.addf %add3A_2005, %dot_general3A_2044 : vector<32x1024xf32>
    %lt3A_2046 = arith.constant 31 : i32
    %lt3A_2047 = vector.broadcast %lt3A_2046 : i32 to vector<64x1024xi32>
    %lt3A_2048 = arith.cmpi slt, %select_n3A_1920, %lt3A_2047 : vector<64x1024xi32>
    %ge3A_2049 = arith.constant 1 : i32
    %ge3A_2050 = vector.broadcast %ge3A_2049 : i32 to vector<64x1024xi32>
    %ge3A_2051 = arith.cmpi sge, %select_n3A_1943, %ge3A_2050 : vector<64x1024xi32>
    %and3A_2052 = arith.andi %lt3A_2048, %ge3A_2051 : vector<64x1024xi1>
    %roll3A_2053 = arith.constant 993 : i32
    %roll3A_2054 = tpu.dynamic_rotate %concatenate3A_1888 by %roll3A_2053 dim 1 : vector<64x1024xf32>, i32 -> vector<64x1024xf32>
    %jit3A_2055 = arith.constant 0.000000e+00 : f32
    %broadcast_in_dim3A_2056 = vector.broadcast %jit3A_2055 : f32 to vector<64x1024xf32>
    %select_n3A_2057 = arith.select %and3A_2052, %roll3A_2054, %broadcast_in_dim3A_2056 : vector<64x1024xi1>, vector<64x1024xf32>
    %get3A_2058 = arith.constant 6 : index
    %get3A_2059 = arith.constant 0 : index
    %get3A_2060 = arith.constant 0 : index
    %get3A_2061 = vector.load %arg5[%get3A_2058, %get3A_2059, %get3A_2060] : memref<9x32x64xf32, #tpu.memory_space<vmem>>, vector<1x32x64xf32>
    %get3A_2062 = vector.shape_cast %get3A_2061 : vector<1x32x64xf32> to vector<32x64xf32>
    %dot_general3A_2063 = arith.constant dense<0.000000e+00> : vector<32x1024xf32>
    %dot_general3A_2064 = tpu.matmul %get3A_2062, %select_n3A_2057, %dot_general3A_2063 {dimension_numbers = #tpu.dot_dimension_numbers<[1], [0], [0], [1], [0, 0, 1, 1], [], []>, transpose_lhs_hint = false} : vector<32x64xf32>, vector<64x1024xf32>, vector<32x1024xf32> -> vector<32x1024xf32>
    %add3A_2065 = arith.addf %add3A_2021, %dot_general3A_2064 : vector<32x1024xf32>
    %lt3A_2066 = arith.constant 31 : i32
    %lt3A_2067 = vector.broadcast %lt3A_2066 : i32 to vector<64x1024xi32>
    %lt3A_2068 = arith.cmpi slt, %select_n3A_1920, %lt3A_2067 : vector<64x1024xi32>
    %roll3A_2069 = arith.constant 992 : i32
    %roll3A_2070 = tpu.dynamic_rotate %concatenate3A_1888 by %roll3A_2069 dim 1 : vector<64x1024xf32>, i32 -> vector<64x1024xf32>
    %jit3A_2071 = arith.constant 0.000000e+00 : f32
    %broadcast_in_dim3A_2072 = vector.broadcast %jit3A_2071 : f32 to vector<64x1024xf32>
    %select_n3A_2073 = arith.select %lt3A_2068, %roll3A_2070, %broadcast_in_dim3A_2072 : vector<64x1024xi1>, vector<64x1024xf32>
    %get3A_2074 = arith.constant 7 : index
    %get3A_2075 = arith.constant 0 : index
    %get3A_2076 = arith.constant 0 : index
    %get3A_2077 = vector.load %arg5[%get3A_2074, %get3A_2075, %get3A_2076] : memref<9x32x64xf32, #tpu.memory_space<vmem>>, vector<1x32x64xf32>
    %get3A_2078 = vector.shape_cast %get3A_2077 : vector<1x32x64xf32> to vector<32x64xf32>
    %dot_general3A_2079 = arith.constant dense<0.000000e+00> : vector<32x1024xf32>
    %dot_general3A_2080 = tpu.matmul %get3A_2078, %select_n3A_2073, %dot_general3A_2079 {dimension_numbers = #tpu.dot_dimension_numbers<[1], [0], [0], [1], [0, 0, 1, 1], [], []>, transpose_lhs_hint = false} : vector<32x64xf32>, vector<64x1024xf32>, vector<32x1024xf32> -> vector<32x1024xf32>
    %add3A_2081 = arith.addf %add3A_2029, %dot_general3A_2080 : vector<32x1024xf32>
    %lt3A_2082 = arith.constant 31 : i32
    %lt3A_2083 = vector.broadcast %lt3A_2082 : i32 to vector<64x1024xi32>
    %lt3A_2084 = arith.cmpi slt, %select_n3A_1920, %lt3A_2083 : vector<64x1024xi32>
    %lt3A_2085 = arith.constant 31 : i32
    %lt3A_2086 = vector.broadcast %lt3A_2085 : i32 to vector<64x1024xi32>
    %lt3A_2087 = arith.cmpi slt, %select_n3A_1943, %lt3A_2086 : vector<64x1024xi32>
    %and3A_2088 = arith.andi %lt3A_2084, %lt3A_2087 : vector<64x1024xi1>
    %roll3A_2089 = arith.constant 991 : i32
    %roll3A_2090 = tpu.dynamic_rotate %concatenate3A_1888 by %roll3A_2089 dim 1 : vector<64x1024xf32>, i32 -> vector<64x1024xf32>
    %jit3A_2091 = arith.constant 0.000000e+00 : f32
    %broadcast_in_dim3A_2092 = vector.broadcast %jit3A_2091 : f32 to vector<64x1024xf32>
    %select_n3A_2093 = arith.select %and3A_2088, %roll3A_2090, %broadcast_in_dim3A_2092 : vector<64x1024xi1>, vector<64x1024xf32>
    %get3A_2094 = arith.constant 8 : index
    %get3A_2095 = arith.constant 0 : index
    %get3A_2096 = arith.constant 0 : index
    %get3A_2097 = vector.load %arg5[%get3A_2094, %get3A_2095, %get3A_2096] : memref<9x32x64xf32, #tpu.memory_space<vmem>>, vector<1x32x64xf32>
    %get3A_2098 = vector.shape_cast %get3A_2097 : vector<1x32x64xf32> to vector<32x64xf32>
    %dot_general3A_2099 = arith.constant dense<0.000000e+00> : vector<32x1024xf32>
    %dot_general3A_2100 = tpu.matmul %get3A_2098, %select_n3A_2093, %dot_general3A_2099 {dimension_numbers = #tpu.dot_dimension_numbers<[1], [0], [0], [1], [0, 0, 1, 1], [], []>, transpose_lhs_hint = false} : vector<32x64xf32>, vector<64x1024xf32>, vector<32x1024xf32> -> vector<32x1024xf32>
    %add3A_2101 = arith.addf %add3A_2045, %dot_general3A_2100 : vector<32x1024xf32>
    %add3A_2102 = arith.addf %add3A_2065, %add3A_2081 : vector<32x1024xf32>
    %add3A_2103 = arith.addf %add3A_2102, %add3A_2101 : vector<32x1024xf32>
    %ge3A_2104 = arith.constant 0.000000e+00 : f32
    %ge3A_2105 = vector.broadcast %ge3A_2104 : f32 to vector<32x1024xf32>
    %ge3A_2106 = arith.cmpf oge, %add3A_2103, %ge3A_2105 : vector<32x1024xf32>
    %mul3A_2107 = arith.constant 1.000000e-01 : f32
    %mul3A_2108 = vector.broadcast %mul3A_2107 : f32 to vector<32x1024xf32>
    %mul3A_2109 = arith.mulf %mul3A_2108, %add3A_2103 : vector<32x1024xf32>
    %select_n3A_2110 = arith.select %ge3A_2106, %add3A_2103, %mul3A_2109 : vector<32x1024xi1>, vector<32x1024xf32>
    %swap3A_2111 = arith.constant 4 : index
    %swap3A_2112 = arith.constant 0 : index
    %swap3A_2113 = arith.constant 0 : index
    %swap3A_2114 = vector.load %arg6[%swap3A_2111, %swap3A_2112, %swap3A_2113] : memref<5x32x1024xf32, #tpu.memory_space<vmem>>, vector<1x32x1024xf32>
    %swap3A_2115 = vector.shape_cast %swap3A_2114 : vector<1x32x1024xf32> to vector<32x1024xf32>
    %swap3A_2116 = vector.shape_cast %select_n3A_2110 : vector<32x1024xf32> to vector<1x32x1024xf32>
    tpu.vector_store %arg6[%swap3A_2111, %swap3A_2112, %swap3A_2113], %swap3A_2116 {strides = array<i32>} : memref<5x32x1024xf32, #tpu.memory_space<vmem>>, vector<1x32x1024xf32>,
    return
  }
  func.func @transform_0(%arg0: i32) -> (i32, i32, i32) {
    %c0_i32 = arith.constant 0 : i32
    %c0_i32_0 = arith.constant 0 : i32
    %c0_i32_1 = arith.constant 0 : i32
    return %arg0, %c0_i32, %c0_i32_0 : i32, i32, i32
  }
  func.func @transform_1(%arg0: i32) -> (i32, i32, i32, i32) {
    %c0_i32 = arith.constant 0 : i32
    %c0_i32_0 = arith.constant 0 : i32
    %c0_i32_1 = arith.constant 0 : i32
    %c0_i32_2 = arith.constant 0 : i32
    return %arg0, %c0_i32, %c0_i32_0, %c0_i32_1 : i32, i32, i32, i32
  }
  func.func @transform_2(%arg0: i32) -> (i32, i32) {
    %c0_i32 = arith.constant 0 : i32
    %c0_i32_0 = arith.constant 0 : i32
    %c0_i32_1 = arith.constant 0 : i32
    return %c0_i32, %c0_i32_0 : i32, i32
  }
  func.func @transform_3(%arg0: i32) -> (i32, i32, i32) {
    %c0_i32 = arith.constant 0 : i32
    %c0_i32_0 = arith.constant 0 : i32
    %c0_i32_1 = arith.constant 0 : i32
    %c0_i32_2 = arith.constant 0 : i32
    return %c0_i32, %c0_i32_0, %c0_i32_1 : i32, i32, i32
  }
  func.func @transform_4(%arg0: i32) -> (i32, i32, i32) {
    %c0_i32 = arith.constant 0 : i32
    %c0_i32_0 = arith.constant 0 : i32
    %c0_i32_1 = arith.constant 0 : i32
    %c0_i32_2 = arith.constant 0 : i32
    return %c0_i32, %c0_i32_0, %c0_i32_1 : i32, i32, i32
  }
  func.func @transform_5(%arg0: i32) -> (i32, i32, i32) {
    %c0_i32 = arith.constant 0 : i32
    %c0_i32_0 = arith.constant 0 : i32
    %c0_i32_1 = arith.constant 0 : i32
    return %arg0, %c0_i32, %c0_i32_0 : i32, i32, i32
  }
}

</mosaic_0001>

<sc_bundles>
// kernel: kernel.5.cloned.1.call-start
scs
__scs_entry_jumppad:
0x0: {  	(pc) =	sbr.rel $0x88, $3  }
0x1: {  	(tag) =	ssettag $0x0;
	lr =	simm.s32 $0x1  }
0x2: {  	[smem:$0x3F9E] =	sst lr;
	_ =	strace $0xD0000000  }
0x3: {  	_ = 	snop  }
0x4: {  	_ = 	snop  }
0x5: {  	_ = 	snop  }
0x6: {  	_ = 	snop  }
0x7: {  	_ = 	snop  }
__scs_overlays_trampoline_lowered:
0x8: {  	[smem:$0x3FAD] =	sst s0  }
0x9: {  	[smem:$0x3FAE] =	sst s1  }
0xa: {  	[smem:$0x3FAF] =	sst s2  }
0xb: {  	[smem:$0x3FB0] =	sst s3  }
0xc: {  	[smem:$0x3FB1] =	sst s4  }
0xd: {  	[smem:$0x3FB2] =	sst s5  }
0xe: {  	[smem:$0x3FB3] =	sst s6  }
0xf: {  	[smem:$0x3FB4] =	sst s7  }
0x10: {  	[smem:$0x3FB5] =	sst s8  }
0x11: {  	[smem:$0x3FB6] =	sst s9;
	s0 =	simm.s32 @!p0 $0x0  }
0x12: {  	s1 =	sld [smem:$0x3F9C];
	s0 =	simm.s32 @p0 $0x1  }
0x13: {  	[smem:$0x3FB7] =	sst s0;
	s0 =	simm.s32 @!p1 $0x0  }
0x14: {  	s2 =	sld [smem:$0x3F9B];
	s0 =	simm.s32 @p1 $0x1  }
0x15: {  	[smem:$0x3FB8] =	sst s0;
	s0 =	simm.s32 @!p2 $0x0  }
0x16: {  	s3 =	sld [smem:$0x3FDB];
	s0 =	simm.s32 @p2 $0x1  }
0x17: {  	s4 =	simm.s32 $0x1BF5;
	[smem:$0x3FBA] =	sst s0  }
0x18: {  	s0 =	sld [smem:$0x3F9D];
	_ =	swait.ge [sflag:s4], $0x0  }
0x19: {  	s7 =	sld [smem:$0x3F9E]  }
0x1a: {  	s8 =	sadd.s32 $0xFFFFE003, lr  }
0x1b: {  	s9 =	sadd.s32 $0xFFFFFEF7, lr;
	s5 =	simm.s32 $0xFFFFFFFF;
	p2 =	slt.u32 s8, $0xFFFFF086  }
0x1c: {  	p1 =	slt.u32 s9, $0xF7A;
	s5 =	simm.s32 @!p2 $0x0  }
0x1d: {  	s5 =	simm.s32 @p1 $0x1;
	p0 =	seq.s32 s7, s2  }
0x1e: {  	s7 =	smul.u32 @!p0 $0xF7A, s2;
	p2 =	seq.s32 @!p0 s5, $0x0  }
0x1f: {  	s9 =	smul.u32 $0xF7A, s1;
	s8 =	simm.s32 @!p0 $0x1BF5;
	p2 =	por !p2, p0  }
0x20: {  	[sflag:s8] =	ssyncset.s32 @!p0 $0xFFFFF086;
	s6 =	sadd.s32 @!p0 s3, s7;
	s7 =	simm.s32 @!p0 $0x108  }
0x21: {  	s3 =	sadd.s32 s3, s9;
	s6 =	sadd.s32 @!p0 $0x88, s6;
	s7 =	simm.s32 @p2 $0x1082  }
0x22: {  	[simem:s7], [sflag:s8] =	dma.local @!p0 [hbm:s6], $0xF7A  }
0x23: {  	s9 =	sor.u32 $0xD0000000, s2;
	s6 =	simm.s32 $0x108;
	_ =	swait.ge @!p0 [sflag:s8], $0x0  }
0x24: {  	s3 =	sadd.s32 $0x88, s3;
	s6 =	simm.s32 @!p1 $0x1082;
	[sflag:s4] =	ssyncset.s32 $0xFFFFF086  }
0x25: {  	[simem:s6], [sflag:s4] =	dma.local [hbm:s3], $0xF7A  }
0x26: {  	[smem:$0x3F9E] =	sst s1;
	(tag) =	ssettag s2;
	_ =	strace s9  }
0x27: {  	s1 =	sld [smem:$0x3FAE]  }
0x28: {  	s2 =	sld [smem:$0x3FAF]  }
0x29: {  	s4 =	sld [smem:$0x3FB1]  }
0x2a: {  	p0 =	seq.s32 s5, $0x0;
	s5 =	sld [smem:$0x3FB2]  }
0x2b: {  	s6 =	sld [smem:$0x3FB3]  }
0x2c: {  	s7 =	sld [smem:$0x3FB4]  }
0x2d: {  	s3 =	simm.s32 $0x108;
	s8 =	sld [smem:$0x3FB5]  }
0x2e: {  	s3 =	simm.s32 @!p0 $0x1082;
	s9 =	sld [smem:$0x3FB6]  }
0x2f: {  	lr =	sadd.s32 s0, s3;
	s0 =	sld [smem:$0x3FAD]  }
0x30: {  	s3 =	sld [smem:$0x3FB0]  }
0x31: {  	[smem:$0x3FB9] =	sst s10  }
0x32: {  	s10 =	sld [smem:$0x3FB7];
	_ =	sdelay $0x3  }
0x33: {  	p0 =	seq.s32 s10, $0x1;
	s10 =	sld [smem:$0x3FB9];
	_ =	sdelay $0x3  }
0x34: {  	[smem:$0x3FB9] =	sst s10  }
0x35: {  	s10 =	sld [smem:$0x3FB8];
	_ =	sdelay $0x3  }
0x36: {  	p1 =	seq.s32 s10, $0x1;
	s10 =	sld [smem:$0x3FB9];
	_ =	sdelay $0x3  }
0x37: {  	[smem:$0x3FB9] =	sst s10  }
0x38: {  	s10 =	sld [smem:$0x3FBA]  }
0x39: {  	_ = 	snop;
	(pc) =	sbr.ind lr, $3  }
0x3a: {  	_ = 	snop  }
0x3b: {  	_ = 	snop  }
0x3c: {  	p2 =	seq.s32 s10, $0x1;
	s10 =	sld [smem:$0x3FB9]  }
0x3d: {  	_ =	shalt  }
0x3e: {  	_ =	shalt  }
0x3f: {  	_ =	shalt  }
0x40: {  	_ =	shalt  }
0x41: {  	_ =	shalt  }
0x42: {  	_ =	shalt  }
0x43: {  	_ =	shalt  }
0x44: {  	_ =	shalt  }
0x45: {  	_ =	shalt  }
0x46: {  	_ =	shalt  }
0x47: {  	_ =	shalt  }
0x48: {  	_ =	shalt  }
0x49: {  	_ =	shalt  }
0x4a: {  	_ =	shalt  }
0x4b: {  	_ =	shalt  }
0x4c: {  	_ =	shalt  }
0x4d: {  	_ =	shalt  }
0x4e: {  	_ =	shalt  }
0x4f: {  	_ =	shalt  }
0x50: {  	_ =	shalt  }
0x51: {  	_ =	shalt  }
0x52: {  	_ =	shalt  }
0x53: {  	_ =	shalt  }
0x54: {  	_ =	shalt  }
0x55: {  	_ =	shalt  }
0x56: {  	_ =	shalt  }
0x57: {  	_ =	shalt  }
0x58: {  	_ =	shalt  }
0x59: {  	_ =	shalt  }
0x5a: {  	_ =	shalt  }
0x5b: {  	_ =	shalt  }
0x5c: {  	_ =	shalt  }
0x5d: {  	_ =	shalt  }
0x5e: {  	_ =	shalt  }
0x5f: {  	_ =	shalt  }
0x60: {  	_ =	shalt  }
0x61: {  	_ =	shalt  }
0x62: {  	_ =	shalt  }
0x63: {  	_ =	shalt  }
0x64: {  	_ =	shalt  }
0x65: {  	_ =	shalt  }
0x66: {  	_ =	shalt  }
0x67: {  	_ =	shalt  }
0x68: {  	_ =	shalt  }
0x69: {  	_ =	shalt  }
0x6a: {  	_ =	shalt  }
0x6b: {  	_ =	shalt  }
0x6c: {  	_ =	shalt  }
0x6d: {  	_ =	shalt  }
0x6e: {  	_ =	shalt  }
0x6f: {  	_ =	shalt  }
0x70: {  	_ =	shalt  }
0x71: {  	_ =	shalt  }
0x72: {  	_ =	shalt  }
0x73: {  	_ =	shalt  }
0x74: {  	_ =	shalt  }
0x75: {  	_ =	shalt  }
0x76: {  	_ =	shalt  }
0x77: {  	_ =	shalt  }
0x78: {  	_ =	shalt  }
0x79: {  	_ =	shalt  }
0x7a: {  	_ =	shalt  }
0x7b: {  	_ =	shalt  }
0x7c: {  	_ =	shalt  }
0x7d: {  	_ =	shalt  }
0x7e: {  	_ =	shalt  }
0x7f: {  	_ =	shalt  }
0x80: {  	_ =	shalt  }
0x81: {  	_ =	shalt  }
0x82: {  	_ =	shalt  }
0x83: {  	_ =	shalt  }
0x84: {  	_ =	shalt  }
0x85: {  	_ =	shalt  }
0x86: {  	_ =	shalt  }
0x87: {  	_ =	shalt  }
.Lfunc_end0:
.L_simem_size_0:
called_computation_lowered:
.L_overlay_start_0:
0x88: {  	s2 =	sld [smem:$0x3FD9]  }
0x89: {  	s3 =	sld [smem:$0x3FFE];
	_ =	sdelay $0x1  }
0x8a: {  	s1 =	srdreg.scid  }
0x8b: {  	s0 =	sand.u32 $0x1, s1  }
0x8c: {  	s17 =	sshll.u32 s0, $0xA;
	s2 =	sadd.s32 s3, s2  }
0x8d: {  	s2 =	sadd.s32 s2, s17  }
0x8e: {  	[smem:$0x3FC5] =	sst s2  }
0x8f: {  	_ = 	snop  }
0x90: {  	s2 =	sld [smem:$0x3FD0];
	(tm) =	ssettm $0x1  }
0x91: {  	s18 =	sld [smem:$0x3FFB];
	_ =	sdelay $0x3  }
0x92: {  	_ =	strace s18  }
0x93: {  	s3 =	sld [smem:$0x3FFC];
	_ =	sdelay $0x3  }
0x94: {  	_ =	strace s3  }
0x95: {  	s3 =	sld [smem:$0x3FFD];
	_ =	sdelay $0x3  }
0x96: {  	_ =	strace s3  }
0x97: {  	_ =	strace $0x8FFFFFFF  }
0x98: {  	s19 =	sld [smem:$0x3FDB];
	_ =	sdelay $0x1  }
0x99: {  	s4 =	simm.s32 $_scs_section_size  }
0x9a: {  	s5 =	simm.s32 $_size__tile_overlayer_lowered;
	s6 =	simm.s32 $_tile_overlayer_lowered  }
0x9b: {  	s22 =	simm.s32 $0x1BFF;
	s21 =	sshll.u32 s6, $0x1;
	s3 =	sadd.s32 s4, s19  }
0x9c: {  	s7 =	simm.s32 $0x0;
	s20 =	sshll.u32 s5, $0x1;
	s5 =	sadd.s32 s21, s3  }
0x9d: {  	[timem:s7], [sflag:s22] =	dma.local [hbm:s5], s20  }
0x9e: {  	_ =	swait.ge [sflag:s22], s20  }
0x9f: {  	s4 =	ssub.s32 $0x0, s20;
	[sflag:s22] =	ssyncset.done $0x0  }
0xa0: {  	[sflag:s22] =	ssyncadd.s32 s4;
	_ =	sdelay $0x1  }
0xa1: {  	s23 =	simm.s32 $0x1B8B  }
0xa2: {  	_ =	swait.ge [sflag:s23], $0x1  }
0xa3: {  	[sflag:s23] =	ssyncset.done $0x0  }
0xa4: {  	s25 =	simm.s32 $0x1B8E;
	s24 =	sld [smem:$0x3FFE];
	[sflag:s23] =	ssyncadd.s32 $0xFFFFFFFF  }
0xa5: {  	s26 =	simm.s32 $execute0_lowered;
	[smem:$0x3FD2] =	sst s25  }
0xa6: {  	s5 =	sshll.u32 s26, $0x1;
	_ =	strace $0x80000046;
	[dreg:$0x1] =	wrdreg $0xFFFFFFFF  }
0xa7: {  	s28 =	simm.s32 $_size_execute0_lowered;
	s3 =	sadd.s32 s3, s5;
	[dreg:$0x0] =	wrdreg $0x0  }
0xa8: {  	s5 =	sshll.u32 s28, $0x1;
	[dreg:$0x2] =	wrdreg s3  }
0xa9: {  	[dreg:$0x3] =	wrdreg s5  }
0xaa: {  	[dreg:$0x4] =	wrdreg $0xC0  }
0xab: {  	_ =	task [dreg:s7], $0x5FFFF  }
0xac: {  	[dreg:$0x1] =	wrdreg $0xFFFFFFFF  }
0xad: {  	[dreg:$0x0] =	wrdreg $0x60  }
0xae: {  	[dreg:$0x2] =	wrdreg s2  }
0xaf: {  	[dreg:$0x3] =	wrdreg s24  }
0xb0: {  	[dreg:$0x4] =	wrdreg $0x9  }
0xb1: {  	_ =	task.clear_ibuf [dreg:s7], $0x5FFFF;
	_ =	strace $0x90000046  }
0xb2: {  	s29 =	simm.s32 $0x9;
	_ =	strace $0x80000048  }
0xb3: {  	_ =	swait.ge [sflag:s29], $0x1  }
0xb4: {  	[sflag:s29] =	ssyncadd.s32 $0xFFFFFFFF  }
0xb5: {  	_ =	strace $0x90000048  }
0xb6: {  	_ =	sfence  }
0xb7: {  	s30 =	sld [smem:$0x0];
	_ =	sdelay $0x2  }
0xb8: {  	s31 =	sshll.u32 s1, $0xD;
	s1 =	sshrl.u32 s1, $0x2  }
0xb9: {  	s3 =	sand.u32 $0x4000, s31;
	s1 =	sadd.s32 s1, s30  }
0xba: {  	s0 =	sor.u32 s3, s0;
	s1 =	sshll.u32 s1, $0x11  }
0xbb: {  	s0 =	sor.u32 s1, s0  }
0xbc: {  	s0 =	sadd.s32 $0x8F2B, s0  }
0xbd: {  	[sflag:s0] =	ssyncadd.remote.s32 $0x1  }
0xbe: {  	_ =	sfence.sel $0xFFFF  }
0xbf: {  	[dreg:$0x0] =	wrdreg $0xFFFFFFFF;
	(pc) =	sbr.abs _section_cstart, $3  }
0xc0: {  	[dreg:$0x1] =	wrdreg $0xFFFFFFFF  }
0xc1: {  	_ =	task.clear_ibuf [dreg:s7], $0x2FFFF;
	_ =	strace $0x9FFFFFFF  }
0xc2: {  	(tm) =	ssettm $0x7FFFFFFF  }
0xc3: {  	_ =	shalt  }
tec
execute0_lowered:
.L_overlay_start_1:
0x0: {  	(tag) =	ssettag $0x1  }
0x1: {  	s8 =	rddreg [dreg:$0x0]  }
0x2: {  	s3 =	rddreg [dreg:$0x1];
	s1 =	stileid.u32  }
0x3: {  	s0 =	rddreg [dreg:$0x2];
	s2 =	srdreg.scid;
	s4 =	sshll.u32 s1, $0x1  }
0x4: {  	s5 =	sand.u32 $0x1, s2;
	s6 =	sshrl.u32 s1, $0x1;
	s2 =	simm.s32 $0x0  }
0x5: {  	s11 =	sadd.s32 $0xA00, s3;
	p0 =	sgt.u32 s1, $0x1;
	s4 =	sand.u32 $0x2, s4  }
0x6: {  	s20 =	smul.u32 $0x9000, s6;
	[smem:$0x7FF] =	sst s2;
	s24 =	sor.u32 $0x8, s6  }
0x7: {  	s22 =	sshll.u32 s6, $0xB;
	s6 =	sor.u32 $0x10, s6;
	s13 =	smul.u32 $0x9000, s24  }
0x8: {  	s9 =	sor.u32 s5, s4;
	s5 =	ssub.s32 $0x2, s5;
	s14 =	smul.u32 $0x9000, s6  }
0x9: {  	_ =	strace $0x80000047;
	s26 =	sshll.u32 s6, $0xB;
	s7 =	smul.u32 $0x2400, s9  }
0xa: {  	s10 =	sshrl.u32 s5, $0x1;
	s23 =	sshll.u32 s9, $0x9;
	s28 =	smul.u32 $0x480, s9  }
0xb: {  	s30 =	sshll.u32 s9, $0x6;
	s12 =	ssub.s32 s5, s10;
	s4 =	sor.u32 s22, s23  }
0xc: {  	s5 =	sshll.u32 s24, $0xB;
	s10 =	sor.u32 s26, s23;
	s31 =	sadd.s32 s30, s11  }
0xd: {  	s21 =	sadd.s32 s20, s7;
	s4 =	sshrl.u32 s4, $0x3;
	s13 =	sadd.s32 s13, s7  }
0xe: {  	s15 =	sor.u32 s5, s23;
	s7 =	sadd.s32 s14, s7;
	s10 =	sshrl.u32 s10, $0x3  }
0xf: {  	s29 =	sadd.s32 s28, s8;
	s14 =	simm.s32 $0x0;
	s3 =	sshrl.u32 s21, $0x3  }
.Ltmp0:
0x10: {  	s4 =	sadd.s32 s11, s4;
	s13 =	sshrl.u32 s13, $0x3;
	(pc) =	sbr.rel .LBB2_1-.Ltmp0, $4  }
0x11: {  	s25 =	sshrl.u32 s15, $0x3;
	s7 =	sshrl.u32 s7, $0x3;
	s9 =	sadd.s32 $0x1B000, s29  }
0x12: {  	s3 =	sadd.s32 s8, s3;
	s5 =	sadd.s32 s8, s13;
	s6 =	sadd.s32 s11, s25  }
0x13: {  	s7 =	sadd.s32 s8, s7;
	s8 =	sadd.s32 s11, s10;
	s10 =	sadd.s32 $0x1800, s31  }
0x14: {  	s11 =	smax.u32 s12, $0x1;
	s12 =	simm.s32 $0x1;
	s13 =	simm.s32 $0x2400  }
.LBB2_10:
0x15: {  	v2 =	vsel vm0, v11, v2  }
0x16: {  	v3 =	vnsel vm2, s16, v3;
	v5 =	vsel vm2, v6, v5;
	v51 =	vsel vm2, v9, v6  }
0x17: {  	v4 =	vsel vm0, v10, v4;
	v52 =	vld [tilespmem:$0x2000];
	v3 =	vsel vm1, v3, v7;
	v6 =	vsel vm1, v51, v8  }
0x18: {  	vm9 =	vlt.f32 v1, v5;
	vm10 =	vlt.f32 v1, v2;
	vm1 =	vlt.f32 v1, v6  }
0x19: {  	v54 =	vsel vm9, s15, v0;
	v55 =	vnsel vm9, s15, v0;
	v56 =	vsel vm9, v5, v1  }
0x1a: {  	v57 =	vsel vm9, v1, v5;
	v8 =	vsel vm1, v6, v1;
	v53 =	vnsel vm1, s15, v3  }
0x1b: {  	v58 =	vsel vm1, v56, v6;
	v0 =	vsel vm1, v55, v3;
	v2 =	vsel vm10, v8, v2  }
0x1c: {  	v4 =	vsel vm10, v53, v4;
	vm0 =	vlt.f32 v52, v57;
	vm11 =	vlt.f32 v52, v58  }
0x1d: {  	vm12 =	vlt.f32 v52, v2;
	v59 =	vsel vm11, v58, v52;
	v1 =	vsel vm0, v57, v52  }
0x1e: {  	v60 =	vnsel vm11, $0x40, v0;
	v61 =	vnsel vm0, $0x40, v54;
	v1 =	vsel vm11, v1, v58  }
0x1f: {  	v62 =	vsel vm0, $0x40, v54;
	v2 =	vsel vm12, v59, v2;
	vm13 =	vlt.f32 v52, v1  }
0x20: {  	v0 =	vsel vm11, v61, v0;
	vm14 =	vlt.f32 v52, v2;
	v1 =	vsel vm13, v1, v52  }
0x21: {  	v3 =	vsel vm12, v60, v4;
	v63 =	vnsel vm13, $0x40, v0;
	v1 =	vsel vm14, v1, v2  }
0x22: {  	[tilespmem:$0x2400] =	vst v62;
	v0 =	vsel vm13, $0x40, v0;
	v2 =	vsel vm14, v63, v3;
	vm15 =	vlt.f32 v52, v1  }
0x23: {  	[tilespmem:$0x2480] =	vst v0;
	v1 =	vsel vm15, $0x40, v2  }
0x24: {  	[tilespmem:$0x2500] =	vst v1  }
0x25: {  	[hbm4b:s10+s2] =	stream.linear.scatter [tilespmem:s13], [sflag:$0x1], $0x180, $0x38;
	[tilespmem:$0x2600] =	vst v63  }
0x26: {  	_ =	swait.ge [sflag:s12], $0x180  }
0x27: {  	[sflag:s12] =	ssyncset.done $0x0  }
0x28: {  	[sflag:s12] =	ssyncadd.s32 $0xFFFFFE80  }
.LBB2_11:
0x29: {  	s14 =	sadd.s32 $0x1, s14  }
0x2a: {  	p1 =	sne.s32 s14, s11  }
.Ltmp1:
0x2b: {  	_ = 	snop;
	(pc) =	sbr.rel @!p1 .LBB2_12-.Ltmp1, $1  }
0x2c: {  	_ =	sdelay $0x3  }
.LBB2_1:
0x2d: {  	[tilespmem:s2], [sflag:$0x1] =	stream.linear.gather [hbm4b:s3+s2], $0x2400, $0x38;
	[tilespmem:$0x2600] =	vst v63  }
0x2e: {  	_ =	swait.ge [sflag:s12], $0x2400  }
0x2f: {  	[sflag:s12] =	ssyncset.done $0x0  }
0x30: {  	[sflag:s12] =	ssyncadd.s32 $0xFFFFDC00  }
0x31: {  	v6 =	vld [tilespmem:s2+$0x0];
	_ =	sdelay $0x2  }
0x32: {  	v2 =	vimm.f32 $3.399999950e+38  }
0x33: {  	v3 =	vimm.s32 $0x0;
	v5 =	vimm.f32 $3.399999950e+38;
	v4 =	vimm.s32 $0x0  }
0x34: {  	v9 =	vimm.f32 $3.399999950e+38;
	v7 =	vimm.s32 $0x0;
	vm0 =	vlt.f32 v6, v2  }
0x35: {  	s16 =	simm.s32 $0x80;
	v8 =	vimm.f32 $3.399999950e+38;
	v11 =	vsel vm0, v2, v6;
	v10 =	vnsel vm0, s2, v3  }
0x36: {  	s15 =	simm.s32 $0x1;
	s17 =	simm.s32 $0x2;
	s18 =	simm.s32 $0x0;
	v1 =	vld [tilespmem:s16+$0x0];
	v0 =	vsel vm0, s2, v3;
	vm2 =	vmmov vm0;
	vm1 =	vmmov vm0  }
.LBB2_2:
0x37: {  	p1 =	sne.s32 s17, $0x3F  }
0x38: {  	v2 =	vsel vm0, v11, v2;
	v11 =	vnsel vm2, s18, v3;
	v5 =	vsel vm2, v6, v5;
	v3 =	vmovc v0;
	s18 =	smov.u32 s15;
	s15 =	smov.u32 s17;
	s17 =	sadd.s32 $0x1, s17  }
.Ltmp2:
0x39: {  	v4 =	vsel vm0, v10, v4;
	v6 =	vsel vm2, v9, v6;
	v7 =	vsel vm1, v11, v7;
	v9 =	vmovc v5;
	(pc) =	sbr.rel @p1 .LBB2_2-.Ltmp2, $3  }
0x3a: {  	v8 =	vsel vm1, v6, v8;
	_ =	sdelay $0x1  }
0x3b: {  	s16 =	sadd.s32 $0x80, s16;
	vm2 =	vlt.f32 v1, v5;
	vm1 =	vlt.f32 v1, v8;
	vm0 =	vlt.f32 v1, v2;
	v6 =	vmovc v1  }
0x3c: {  	v1 =	vld [tilespmem:s16+$0x0];
	v11 =	vsel vm1, v8, v6;
	v10 =	vnsel vm1, s18, v7;
	v0 =	vsel vm2, s18, v0  }
0x3d: {  	_ = 	snop  }
0x3e: {  	v2 =	vsel vm0, v11, v2  }
0x3f: {  	v3 =	vnsel vm2, s18, v3;
	v5 =	vsel vm2, v6, v5;
	v6 =	vsel vm2, v9, v6  }
0x40: {  	v4 =	vsel vm0, v10, v4;
	v3 =	vsel vm1, v3, v7;
	v6 =	vsel vm1, v6, v8;
	v7 =	vld [tilespmem:$0x2000]  }
0x41: {  	vm0 =	vlt.f32 v1, v5;
	vm1 =	vlt.f32 v1, v6;
	vm2 =	vlt.f32 v1, v2  }
0x42: {  	v8 =	vsel vm1, v6, v1;
	v9 =	vnsel vm1, s15, v3;
	v10 =	vsel vm0, s15, v0  }
0x43: {  	v0 =	vnsel vm0, s15, v0;
	v2 =	vsel vm2, v8, v2;
	v8 =	vsel vm0, v5, v1  }
0x44: {  	v1 =	vsel vm0, v1, v5;
	v4 =	vsel vm2, v9, v4;
	v5 =	vsel vm1, v8, v6  }
0x45: {  	v0 =	vsel vm1, v0, v3;
	vm0 =	vlt.f32 v7, v1;
	vm1 =	vlt.f32 v7, v5  }
0x46: {  	vm2 =	vlt.f32 v7, v2;
	v1 =	vsel vm0, v1, v7;
	v3 =	vsel vm1, v5, v7  }
0x47: {  	v1 =	vsel vm1, v1, v5;
	v2 =	vsel vm2, v3, v2;
	v3 =	vnsel vm1, $0x40, v0  }
0x48: {  	v3 =	vsel vm2, v3, v4;
	v4 =	vnsel vm0, $0x40, v10;
	vm2 =	vlt.f32 v7, v1  }
0x49: {  	v0 =	vsel vm1, v4, v0;
	vm1 =	vlt.f32 v7, v2;
	v1 =	vsel vm2, v1, v7  }
0x4a: {  	v4 =	vsel vm0, $0x40, v10;
	v1 =	vsel vm1, v1, v2;
	v2 =	vnsel vm2, $0x40, v0  }
0x4b: {  	v0 =	vsel vm2, $0x40, v0;
	[tilespmem:$0x2400] =	vst v4;
	v2 =	vsel vm1, v2, v3;
	vm0 =	vlt.f32 v7, v1  }
0x4c: {  	[tilespmem:$0x2480] =	vst v0;
	v1 =	vsel vm0, $0x40, v2  }
0x4d: {  	s15 =	simm.s32 $0x0;
	[tilespmem:$0x2500] =	vst v1  }
0x4e: {  	[hbm4b:s4+s15] =	stream.linear.scatter [tilespmem:s13], [sflag:$0x1], $0x180, $0x38;
	[tilespmem:$0x2600] =	vst v63  }
0x4f: {  	_ =	swait.ge [sflag:s12], $0x180  }
0x50: {  	[sflag:s12] =	ssyncset.done $0x0  }
0x51: {  	[sflag:s12] =	ssyncadd.s32 $0xFFFFFE80  }
0x52: {  	[tilespmem:s15], [sflag:$0x1] =	stream.linear.gather [hbm4b:s5+s15], $0x2400, $0x38;
	[tilespmem:$0x2600] =	vst v63  }
0x53: {  	_ =	swait.ge [sflag:s12], $0x2400  }
0x54: {  	[sflag:s12] =	ssyncset.done $0x0  }
0x55: {  	[sflag:s12] =	ssyncadd.s32 $0xFFFFDC00  }
0x56: {  	v6 =	vld [tilespmem:s15+$0x0];
	_ =	sdelay $0x2  }
0x57: {  	v9 =	vimm.f32 $3.399999950e+38  }
0x58: {  	v8 =	vimm.f32 $3.399999950e+38;
	v5 =	vimm.f32 $3.399999950e+38;
	v2 =	vimm.f32 $3.399999950e+38  }
0x59: {  	v4 =	vimm.s32 $0x0;
	v3 =	vimm.s32 $0x0;
	vm0 =	vlt.f32 v6, v2  }
0x5a: {  	s17 =	simm.s32 $0x80;
	v7 =	vimm.s32 $0x0;
	v11 =	vsel vm0, v2, v6;
	v10 =	vnsel vm0, s15, v3  }
0x5b: {  	s16 =	simm.s32 $0x1;
	s18 =	simm.s32 $0x2;
	v1 =	vld [tilespmem:s17+$0x0];
	v0 =	vsel vm0, s15, v3;
	vm2 =	vmmov vm0;
	vm1 =	vmmov vm0  }
.LBB2_4:
0x5c: {  	p1 =	sne.s32 s18, $0x3F  }
0x5d: {  	v2 =	vsel vm0, v11, v2;
	v11 =	vnsel vm2, s15, v3;
	v5 =	vsel vm2, v6, v5;
	v3 =	vmovc v0;
	s15 =	smov.u32 s16;
	s16 =	smov.u32 s18;
	s18 =	sadd.s32 $0x1, s18  }
.Ltmp3:
0x5e: {  	v4 =	vsel vm0, v10, v4;
	v6 =	vsel vm2, v9, v6;
	v7 =	vsel vm1, v11, v7;
	v9 =	vmovc v5;
	(pc) =	sbr.rel @p1 .LBB2_4-.Ltmp3, $3  }
0x5f: {  	v8 =	vsel vm1, v6, v8;
	_ =	sdelay $0x1  }
0x60: {  	s17 =	sadd.s32 $0x80, s17;
	vm2 =	vlt.f32 v1, v5;
	vm1 =	vlt.f32 v1, v8;
	vm0 =	vlt.f32 v1, v2;
	v6 =	vmovc v1  }
0x61: {  	v1 =	vld [tilespmem:s17+$0x0];
	v11 =	vsel vm1, v8, v6;
	v10 =	vnsel vm1, s15, v7;
	v0 =	vsel vm2, s15, v0  }
0x62: {  	_ = 	snop  }
0x63: {  	v2 =	vsel vm0, v11, v2  }
0x64: {  	v3 =	vnsel vm2, s15, v3;
	v5 =	vsel vm2, v6, v5;
	v6 =	vsel vm2, v9, v6  }
0x65: {  	v4 =	vsel vm0, v10, v4;
	v3 =	vsel vm1, v3, v7;
	v6 =	vsel vm1, v6, v8;
	v7 =	vld [tilespmem:$0x2000]  }
0x66: {  	vm0 =	vlt.f32 v1, v5;
	vm1 =	vlt.f32 v1, v6;
	vm2 =	vlt.f32 v1, v2  }
0x67: {  	v8 =	vsel vm1, v6, v1;
	v9 =	vnsel vm1, s16, v3;
	v10 =	vsel vm0, s16, v0  }
0x68: {  	v0 =	vnsel vm0, s16, v0;
	v2 =	vsel vm2, v8, v2;
	v8 =	vsel vm0, v5, v1  }
0x69: {  	v1 =	vsel vm0, v1, v5;
	v4 =	vsel vm2, v9, v4;
	v5 =	vsel vm1, v8, v6  }
0x6a: {  	v0 =	vsel vm1, v0, v3;
	vm0 =	vlt.f32 v7, v1;
	vm1 =	vlt.f32 v7, v5  }
0x6b: {  	vm2 =	vlt.f32 v7, v2;
	v1 =	vsel vm0, v1, v7;
	v3 =	vsel vm1, v5, v7  }
0x6c: {  	v1 =	vsel vm1, v1, v5;
	v2 =	vsel vm2, v3, v2;
	v3 =	vnsel vm1, $0x40, v0  }
0x6d: {  	v3 =	vsel vm2, v3, v4;
	v4 =	vnsel vm0, $0x40, v10;
	vm2 =	vlt.f32 v7, v1  }
0x6e: {  	v0 =	vsel vm1, v4, v0;
	vm1 =	vlt.f32 v7, v2;
	v1 =	vsel vm2, v1, v7  }
0x6f: {  	v4 =	vsel vm0, $0x40, v10;
	v1 =	vsel vm1, v1, v2;
	v2 =	vnsel vm2, $0x40, v0  }
0x70: {  	v0 =	vsel vm2, $0x40, v0;
	[tilespmem:$0x2400] =	vst v4;
	v2 =	vsel vm1, v2, v3;
	vm0 =	vlt.f32 v7, v1  }
0x71: {  	[tilespmem:$0x2480] =	vst v0;
	v1 =	vsel vm0, $0x40, v2  }
0x72: {  	s15 =	simm.s32 $0x0;
	[tilespmem:$0x2500] =	vst v1  }
0x73: {  	[hbm4b:s6+s15] =	stream.linear.scatter [tilespmem:s13], [sflag:$0x1], $0x180, $0x38;
	[tilespmem:$0x2600] =	vst v63  }
0x74: {  	_ =	swait.ge [sflag:s12], $0x180  }
0x75: {  	[sflag:s12] =	ssyncset.done $0x0  }
0x76: {  	[sflag:s12] =	ssyncadd.s32 $0xFFFFFE80  }
0x77: {  	[tilespmem:s15], [sflag:$0x1] =	stream.linear.gather [hbm4b:s7+s15], $0x2400, $0x38;
	[tilespmem:$0x2600] =	vst v63  }
0x78: {  	_ =	swait.ge [sflag:s12], $0x2400  }
0x79: {  	[sflag:s12] =	ssyncset.done $0x0  }
0x7a: {  	[sflag:s12] =	ssyncadd.s32 $0xFFFFDC00  }
0x7b: {  	v6 =	vld [tilespmem:s15+$0x0];
	_ =	sdelay $0x2  }
0x7c: {  	v9 =	vimm.f32 $3.399999950e+38  }
0x7d: {  	v8 =	vimm.f32 $3.399999950e+38;
	v5 =	vimm.f32 $3.399999950e+38;
	v2 =	vimm.f32 $3.399999950e+38  }
0x7e: {  	v4 =	vimm.s32 $0x0;
	v3 =	vimm.s32 $0x0;
	vm0 =	vlt.f32 v6, v2  }
0x7f: {  	s17 =	simm.s32 $0x80;
	v7 =	vimm.s32 $0x0;
	v11 =	vsel vm0, v2, v6;
	v10 =	vnsel vm0, s15, v3  }
0x80: {  	s18 =	simm.s32 $0x2;
	s16 =	simm.s32 $0x1;
	v1 =	vld [tilespmem:s17+$0x0];
	v0 =	vsel vm0, s15, v3;
	vm2 =	vmmov vm0;
	vm1 =	vmmov vm0  }
.LBB2_6:
0x81: {  	p1 =	sne.s32 s18, $0x3F  }
0x82: {  	v2 =	vsel vm0, v11, v2;
	v11 =	vnsel vm2, s15, v3;
	v5 =	vsel vm2, v6, v5;
	v3 =	vmovc v0;
	s15 =	smov.u32 s16;
	s16 =	smov.u32 s18;
	s18 =	sadd.s32 $0x1, s18  }
.Ltmp4:
0x83: {  	v4 =	vsel vm0, v10, v4;
	v6 =	vsel vm2, v9, v6;
	v7 =	vsel vm1, v11, v7;
	v9 =	vmovc v5;
	(pc) =	sbr.rel @p1 .LBB2_6-.Ltmp4, $3  }
0x84: {  	v8 =	vsel vm1, v6, v8;
	_ =	sdelay $0x1  }
0x85: {  	s17 =	sadd.s32 $0x80, s17;
	vm2 =	vlt.f32 v1, v5;
	vm1 =	vlt.f32 v1, v8;
	vm0 =	vlt.f32 v1, v2;
	v6 =	vmovc v1  }
0x86: {  	v1 =	vld [tilespmem:s17+$0x0];
	v11 =	vsel vm1, v8, v6;
	v10 =	vnsel vm1, s15, v7;
	v0 =	vsel vm2, s15, v0  }
0x87: {  	_ = 	snop  }
0x88: {  	v2 =	vsel vm0, v11, v2  }
0x89: {  	v3 =	vnsel vm2, s15, v3;
	v5 =	vsel vm2, v6, v5;
	v51 =	vsel vm2, v9, v6  }
0x8a: {  	v4 =	vsel vm0, v10, v4;
	v52 =	vld [tilespmem:$0x2000];
	v3 =	vsel vm1, v3, v7;
	v6 =	vsel vm1, v51, v8  }
0x8b: {  	vm9 =	vlt.f32 v1, v5;
	vm1 =	vlt.f32 v1, v6;
	vm10 =	vlt.f32 v1, v2  }
0x8c: {  	v8 =	vsel vm1, v6, v1;
	v53 =	vnsel vm1, s16, v3;
	v54 =	vsel vm9, s16, v0  }
0x8d: {  	v55 =	vnsel vm9, s16, v0;
	v56 =	vsel vm9, v5, v1;
	v57 =	vsel vm9, v1, v5  }
0x8e: {  	v2 =	vsel vm10, v8, v2;
	v4 =	vsel vm10, v53, v4;
	v58 =	vsel vm1, v56, v6  }
0x8f: {  	v0 =	vsel vm1, v55, v3;
	vm0 =	vlt.f32 v52, v57;
	vm11 =	vlt.f32 v52, v58  }
0x90: {  	vm12 =	vlt.f32 v52, v2;
	v1 =	vsel vm0, v57, v52;
	v61 =	vnsel vm0, $0x40, v54  }
0x91: {  	v62 =	vsel vm0, $0x40, v54;
	v59 =	vsel vm11, v58, v52;
	v1 =	vsel vm11, v1, v58  }
0x92: {  	v60 =	vnsel vm11, $0x40, v0;
	v2 =	vsel vm12, v59, v2;
	vm13 =	vlt.f32 v52, v1  }
0x93: {  	v0 =	vsel vm11, v61, v0;
	vm14 =	vlt.f32 v52, v2;
	v1 =	vsel vm13, v1, v52  }
0x94: {  	v3 =	vsel vm12, v60, v4;
	v63 =	vnsel vm13, $0x40, v0;
	v1 =	vsel vm14, v1, v2  }
0x95: {  	[tilespmem:$0x2400] =	vst v62;
	v0 =	vsel vm13, $0x40, v0;
	v2 =	vsel vm14, v63, v3;
	vm15 =	vlt.f32 v52, v1  }
0x96: {  	[tilespmem:$0x2480] =	vst v0;
	v1 =	vsel vm15, $0x40, v2  }
.Ltmp5:
0x97: {  	[tilespmem:$0x2500] =	vst v1;
	(pc) =	sbr.rel @p0 .LBB2_11-.Ltmp5, $4  }
0x98: {  	[hbm4b:s8+s2] =	stream.linear.scatter [tilespmem:s13], [sflag:$0x1], $0x180, $0x38;
	[tilespmem:$0x2600] =	vst v63  }
0x99: {  	_ =	swait.ge [sflag:s12], $0x180  }
0x9a: {  	[sflag:s12] =	ssyncset.done $0x0  }
0x9b: {  	[sflag:s12] =	ssyncadd.s32 $0xFFFFFE80  }
0x9c: {  	s16 =	simm.s32 $0x0  }
0x9d: {  	[tilespmem:s16], [sflag:$0x1] =	stream.linear.gather [hbm4b:s9+s16], $0x2400, $0x38;
	[tilespmem:$0x2600] =	vst v63  }
0x9e: {  	_ =	swait.ge [sflag:s12], $0x2400  }
0x9f: {  	[sflag:s12] =	ssyncset.done $0x0  }
0xa0: {  	[sflag:s12] =	ssyncadd.s32 $0xFFFFDC00  }
0xa1: {  	v6 =	vld [tilespmem:s16+$0x0];
	_ =	sdelay $0x2  }
0xa2: {  	v2 =	vimm.f32 $3.399999950e+38  }
0xa3: {  	v3 =	vimm.s32 $0x0;
	v5 =	vimm.f32 $3.399999950e+38;
	v4 =	vimm.s32 $0x0  }
0xa4: {  	v9 =	vimm.f32 $3.399999950e+38;
	v7 =	vimm.s32 $0x0;
	vm0 =	vlt.f32 v6, v2  }
0xa5: {  	s17 =	simm.s32 $0x80;
	v8 =	vimm.f32 $3.399999950e+38;
	v11 =	vsel vm0, v2, v6;
	v10 =	vnsel vm0, s16, v3  }
0xa6: {  	s15 =	simm.s32 $0x1;
	s18 =	simm.s32 $0x2;
	v1 =	vld [tilespmem:s17+$0x0];
	v0 =	vsel vm0, s16, v3;
	vm2 =	vmmov vm0;
	vm1 =	vmmov vm0  }
.LBB2_9:
0xa7: {  	p1 =	sne.s32 s18, $0x3F  }
0xa8: {  	v2 =	vsel vm0, v11, v2;
	v11 =	vnsel vm2, s16, v3;
	v5 =	vsel vm2, v6, v5;
	v3 =	vmovc v0;
	s16 =	smov.u32 s15;
	s15 =	smov.u32 s18;
	s18 =	sadd.s32 $0x1, s18  }
.Ltmp6:
0xa9: {  	v4 =	vsel vm0, v10, v4;
	v6 =	vsel vm2, v9, v6;
	v7 =	vsel vm1, v11, v7;
	v9 =	vmovc v5;
	(pc) =	sbr.rel @p1 .LBB2_9-.Ltmp6, $3  }
0xaa: {  	v8 =	vsel vm1, v6, v8;
	_ =	sdelay $0x1  }
0xab: {  	s17 =	sadd.s32 $0x80, s17;
	vm2 =	vlt.f32 v1, v5;
	vm0 =	vlt.f32 v1, v2;
	vm1 =	vlt.f32 v1, v8;
	v6 =	vmovc v1  }
0xac: {  	v0 =	vsel vm2, s16, v0;
	v10 =	vnsel vm1, s16, v7;
	v11 =	vsel vm1, v8, v6;
	v1 =	vld [tilespmem:s17+$0x0]  }
.Ltmp7:
0xad: {  	_ = 	snop;
	(pc) =	sbr.rel .LBB2_10-.Ltmp7, $1  }
0xae: {  	_ =	sdelay $0x3  }
.LBB2_12:
0xaf: {  	_ =	sfence.sel $0x180000  }
0xb0: {  	[bflag:$0x0] =	sbarrier.arrive $0xFFFF  }
0xb1: {  	p0 =	sne.s32 s1, $0x0;
	_ =	strace $0x90000047  }
0xb2: {  	s0 =	sadd.s32 @!p0 $0x100000, s0;
	[bflag:$0x2] =	sbarrier.arrive $0xFFFF  }
0xb3: {  	[sflag:s0] =	ssyncadd.tile.s32 @!p0 $0x1;
	_ =	shalt  }
.Lfunc_end2:
_tile_overlayer_lowered:
.L_overlay_start_2:
0xb4: {  	(tag) =	ssettag $0x2  }
0xb5: {  	s0 =	rddreg [dreg:$0x0];
	s2 =	stileid.u32  }
0xb6: {  	s1 =	rddreg [dreg:$0x1];
	p0 =	sne.s32 s2, $0x0  }
0xb7: {  	s3 =	rddreg [dreg:$0x2];
	[bflag:$0x3] =	sbarrier.arrive $0xFFFF;
	s2 =	simm.s32 @!p0 $0x1C01  }
0xb8: {  	[timem:s3], [sflag:s2] =	dma.local @!p0 [hbm:s0], s1  }
0xb9: {  	s0 =	simm.s32 @!p0 $0x1  }
0xba: {  	_ =	swait.ge @!p0 [sflag:s0], s1  }
0xbb: {  	s1 =	ssub.s32 @!p0 $0x0, s1;
	[sflag:s0] =	ssyncset.done @!p0 $0x0  }
0xbc: {  	[sflag:s0] =	ssyncadd.s32 @!p0 s1  }
0xbd: {  	[bflag:$0x3] =	sbarrier.arrive $0xFFFF  }
0xbe: {  	_ =	shalt  }

</sc_bundles>
